<compile_context>
chip_gen: v7x
topology: tpu7x:2x2x1
jax: 0.10.2.dev20260603
libtpu: 0.0.44.dev20260713+nightly
codegen_flags: <defaults>
</compile_context>

<pallas_src>
import functools

import jax
import jax.numpy as jnp
from jax import lax
from jax.experimental import pallas as pl
from jax.experimental.pallas import tpu as pltpu
from jax.experimental.pallas import tpu_sc as plsc

_NB = 8
_NC = 2
_NS = 16
_NW = _NC * _NS


def _sc_mesh():
    return plsc.VectorSubcoreMesh(core_axis_name="c", subcore_axis_name="s",
                                  num_cores=_NC, num_subcores=_NS)


def _sc_gather_pair(Tsrc, Tdst, src, dst):
    n, D = Tsrc.shape
    E = src.shape[0]
    dt = Tsrc.dtype
    per_w = E // _NW
    itemsize = 2 if dt == jnp.bfloat16 else 4
    C = 80 if D * itemsize <= 512 else 40
    U = 5
    steps = per_w // (C * U)
    assert per_w == steps * C * U, (E, per_w)

    @functools.partial(
        pl.kernel,
        mesh=_sc_mesh(),
        out_type=(jax.ShapeDtypeStruct((E, D), dt),
                  jax.ShapeDtypeStruct((E, D), dt)),
        scratch_types=(
            [pltpu.VMEM((C * U,), jnp.int32) for _ in range(2)]
            + [pltpu.VMEM((C, D), dt) for _ in range(2 * U)]
            + [pltpu.SemaphoreType.DMA for _ in range(4)]),
    )
    def k(ts_hbm, td_hbm, src_hbm, dst_hbm, ga_hbm, gb_hbm,
          idxa, idxb, *rest):
        bufs = rest[:2 * U]
        s_ia, s_ib, s_g, s_w = rest[2 * U:]
        cid = lax.axis_index("c")
        sid = lax.axis_index("s")
        base = (sid * _NC + cid) * per_w

        def step(i, carry):
            off = base + i * C * U
            ca = pltpu.async_copy(src_hbm.at[pl.ds(off, C * U)], idxa, s_ia)
            cb = pltpu.async_copy(dst_hbm.at[pl.ds(off, C * U)], idxb, s_ib)
            ca.wait()
            cb.wait()
            gs = []
            for u in range(U):
                gs.append(pltpu.async_copy(
                    ts_hbm.at[idxa.at[pl.ds(u * C, C)]], bufs[2 * u], s_g))
                gs.append(pltpu.async_copy(
                    td_hbm.at[idxb.at[pl.ds(u * C, C)]], bufs[2 * u + 1], s_g))
            ws = []
            for u in range(U):
                gs[2 * u].wait()
                ws.append(pltpu.async_copy(
                    bufs[2 * u], ga_hbm.at[pl.ds(off + u * C, C), :], s_w))
                gs[2 * u + 1].wait()
                ws.append(pltpu.async_copy(
                    bufs[2 * u + 1], gb_hbm.at[pl.ds(off + u * C, C), :], s_w))
            for w in ws:
                w.wait()
            return carry

        lax.fori_loop(0, steps, step, 0)

    return k(Tsrc, Tdst, src, dst)


def _sc_scatter_add(vals, idx, n, vals2=None, lanes=None):
    E, D = vals.shape
    if lanes is not None:
        D = lanes
    D2 = 0 if vals2 is None else vals2.shape[1]
    per_w = E // _NW
    C = 40
    U = 5
    steps = per_w // (C * U)
    assert per_w == steps * C * U, (E, per_w)
    rows_t = (n // _NS) & ~7
    rows_last = n - rows_t * (_NS - 1)
    zrows = jnp.zeros((rows_last, D), jnp.float32)

    out_type = [jax.ShapeDtypeStruct((_NC * n, D), jnp.float32)]
    scratch = ([pltpu.VMEM((C,), jnp.int32) for _ in range(U)]
               + [pltpu.VMEM((C, D), jnp.float32) for _ in range(U)]
               + [pltpu.VMEM_SHARED((n, D), jnp.float32)]
               + [pltpu.SemaphoreType.DMA for _ in range(3)])
    ins = [vals, idx, zrows]
    if vals2 is not None:
        out_type.append(jax.ShapeDtypeStruct((_NC * n, D2), jnp.float32))
        scratch += ([pltpu.VMEM((C, D2), jnp.float32) for _ in range(U)]
                    + [pltpu.VMEM_SHARED((n, D2), jnp.float32)])
        ins += [vals2, jnp.zeros((rows_last, D2), jnp.float32)]
    nin = len(ins)
    nout = len(out_type)

    @functools.partial(pl.kernel, mesh=_sc_mesh(), out_type=tuple(out_type),
                       scratch_types=tuple(scratch))
    def k(*refs):
        if vals2 is None:
            vals_hbm, idx_hbm, z_hbm, out_hbm = refs[:4]
        else:
            (vals_hbm, idx_hbm, z_hbm, v2_hbm, z2_hbm,
             out_hbm, out2_hbm) = refs[:7]
        rest = refs[nin + nout:]
        idxs = rest[:U]
        bufs = rest[U:2 * U]
        acc = rest[2 * U]
        s_i, s_v, s_a = rest[2 * U + 1:2 * U + 4]
        if vals2 is not None:
            bufs2 = rest[2 * U + 4:3 * U + 4]
            acc2 = rest[3 * U + 4]
        cid = lax.axis_index("c")
        sid = lax.axis_index("s")
        base = (sid * _NC + cid) * per_w

        def zero_wb(spm, hbm, writeback):
            if writeback:
                lo = pl.ds(sid * rows_t, rows_t)
                lo_o = pl.ds(cid * n + sid * rows_t, rows_t)
                hi = pl.ds((_NS - 1) * rows_t, rows_last)
                hi_o = pl.ds(cid * n + (_NS - 1) * rows_t, rows_last)

                @pl.when(sid < _NS - 1)
                def _():
                    pltpu.sync_copy(spm.at[lo, :], hbm.at[lo_o, :])

                @pl.when(sid == _NS - 1)
                def _():
                    pltpu.sync_copy(spm.at[hi, :], hbm.at[hi_o, :])
            else:

                @pl.when(sid < _NS - 1)
                def _():
                    pltpu.sync_copy(hbm.at[pl.ds(0, rows_t), :],
                                    spm.at[pl.ds(sid * rows_t, rows_t), :])

                @pl.when(sid == _NS - 1)
                def _():
                    pltpu.sync_copy(
                        hbm,
                        spm.at[pl.ds((_NS - 1) * rows_t, rows_last), :])

        zero_wb(acc, z_hbm, False)
        if vals2 is not None:
            zero_wb(acc2, z2_hbm, False)
        plsc.subcore_barrier()

        def step(i, carry):
            off = base + i * C * U
            cs = []
            for u in range(U):
                cs.append(pltpu.async_copy(
                    idx_hbm.at[pl.ds(off + u * C, C)], idxs[u], s_i))
                cs.append(pltpu.async_copy(
                    vals_hbm.at[pl.ds(off + u * C, C), pl.ds(0, D)], bufs[u], s_v))
                if vals2 is not None:
                    cs.append(pltpu.async_copy(
                        v2_hbm.at[pl.ds(off + u * C, C), :], bufs2[u], s_v))
            adds = []
            k = 3 if vals2 is not None else 2
            for u in range(U):
                for j in range(k):
                    cs[k * u + j].wait()
                adds.append(pltpu.async_copy(
                    bufs[u], acc.at[idxs[u]], s_a, add=True))
                if vals2 is not None:
                    adds.append(pltpu.async_copy(
                        bufs2[u], acc2.at[idxs[u]], s_a, add=True))
            for a in adds:
                a.wait()
            return carry

        lax.fori_loop(0, steps, step, 0)
        plsc.subcore_barrier()
        zero_wb(acc, out_hbm, True)
        if vals2 is not None:
            zero_wb(acc2, out2_hbm, True)

    if vals2 is None:
        (out,) = k(*ins)
        return out[:n] + out[n:]
    out, out2 = k(*ins)
    return out[:n] + out[n:], out2[:n] + out2[n:]


def _pick_be(E):
    for be in (4000, 3200, 2560, 2000, 1600, 1280, 1000, 800, 640, 512, 400, 320, 256, 160, 128, 64, 32, 16, 8):
        if E % be == 0:
            return be
    return E


def _edge_body(ga_ref, gb_ref, wrad_ref, wrbf_ref, wdv_ref,
               b1_ref, we2_ref, b2_ref, watt_ref, batt_ref, *rest):
    ga = ga_ref[...]
    gb = gb_ref[...]
    fa = lax.bitcast_convert_type(ga << 16, jnp.float32)
    fb = lax.bitcast_convert_type(gb << 16, jnp.float32)
    qa = lax.bitcast_convert_type(ga[:, 0:12] & jnp.int32(-65536), jnp.float32)
    qb = lax.bitcast_convert_type(gb[:, 0:12] & jnp.int32(-65536), jnp.float32)
    xs = qa[:, 0:3] + qa[:, 6:9]
    xd = qb[:, 0:3] + qb[:, 6:9]
    cas = qa[:, 3:6] + qa[:, 9:12]
    cad = qb[:, 3:6] + qb[:, 9:12]
    cdiff = xs - xd
    dvec = cad - cas
    radial = jnp.sum(cdiff * cdiff, axis=-1, keepdims=True)
    d = jnp.sqrt(jnp.sum(dvec * dvec, axis=-1, keepdims=True) + 1e-8)
    dvn = dvec / (d + 1e-8)
    centers = (lax.broadcasted_iota(jnp.int32, (1, 16), 1).astype(jnp.float32)
               * (20.0 / 15.0))
    rbf = jnp.exp(-(((d - centers) / 1.25) ** 2))
    mpre = (fa + fb
            + radial * wrad_ref[...]
            + jnp.dot(rbf, wrbf_ref[...], preferred_element_type=jnp.float32)
            + jnp.dot(dvn, wdv_ref[...], preferred_element_type=jnp.float32)
            + b1_ref[...])
    m1 = jax.nn.silu(mpre)
    m = jax.nn.silu(
        jnp.dot(m1, we2_ref[...], preferred_element_type=jnp.float32) + b2_ref[...])
    attl = (jnp.dot(m, watt_ref[...].reshape(-1, 1),
                    preferred_element_type=jnp.float32) + batt_ref[:, :1])
    m = m * jax.nn.sigmoid(attl)
    if len(rest) == 6:
        wc1_ref, bc1_ref, wc2_ref, bc2_ref, m_ref, c8_ref = rest
        t = jax.nn.silu(
            jnp.dot(m, wc1_ref[...], preferred_element_type=jnp.float32) + bc1_ref[...])
        cw = jnp.tanh(jnp.dot(t, wc2_ref[...].reshape(-1, 1),
                              preferred_element_type=jnp.float32) + bc2_ref[:, :1])
        cdncw = (cdiff / (jnp.sqrt(radial) + 1.0)) * cw
        m_ref[...] = m
        c8_ref[...] = jnp.concatenate(
            [cdncw, jnp.zeros_like(cdncw),
             jnp.ones((cdncw.shape[0], 1), jnp.float32),
             jnp.zeros((cdncw.shape[0], 121), jnp.float32)], axis=-1)
    else:
        (m_ref,) = rest
        m_ref[...] = m


def _edge_mlp(GA, GB, W20, b1, We2, b2, watt, batt, coords=None):
    E, W = GA.shape
    H = 128
    BE = _pick_be(E)
    grid = (E // BE,)
    row = lambda v: jnp.reshape(v, (1, -1))
    full = lambda a: pl.BlockSpec(a.shape, lambda i: (0,) * a.ndim)
    ins = [
        pl.BlockSpec((BE, W), lambda i: (i, 0)),
        pl.BlockSpec((BE, W), lambda i: (i, 0)),
    ]
    args = [GA, GB, row(W20[0]), W20[1:17], W20[17:20],
            row(b1), We2, row(b2), row(watt),
            jnp.broadcast_to(jnp.reshape(batt, (1, 1)), (1, H))]
    ins += [full(a) for a in args[2:]]
    if coords is not None:
        Wc1, bc1, wc2, bc2 = coords
        extra = [Wc1, row(bc1), row(wc2),
                 jnp.broadcast_to(jnp.reshape(bc2, (1, 1)), (1, H))]
        args += extra
        ins += [full(a) for a in extra]
        out_shape = (jax.ShapeDtypeStruct((E, H), jnp.float32),
                     jax.ShapeDtypeStruct((E, H), jnp.float32))
        out_specs = (pl.BlockSpec((BE, H), lambda i: (i, 0)),
                     pl.BlockSpec((BE, H), lambda i: (i, 0)))
    else:
        out_shape = jax.ShapeDtypeStruct((E, H), jnp.float32)
        out_specs = pl.BlockSpec((BE, H), lambda i: (i, 0))
    return pl.pallas_call(
        _edge_body,
        grid=grid,
        in_specs=ins,
        out_specs=out_specs,
        out_shape=out_shape,
    )(*args)


def kernel(X, structure_feat, seq_feat, edge_index, batch_id, params):
    p = params
    egnn = p['egnn']
    n = X.shape[0]
    src = edge_index[0]
    dst = edge_index[1]
    ca = X[:, 1, :]

    pairs = [(0, 1), (0, 2), (0, 3), (1, 2), (1, 3), (2, 3)]
    dists = jnp.stack(
        [jnp.sqrt(jnp.sum((X[:, i] - X[:, j]) ** 2, -1) + 1e-8) for i, j in pairs],
        axis=-1)
    vecs = []
    for i in (0, 2, 3):
        v = X[:, i] - ca
        vecs.append(v / (jnp.sqrt(jnp.sum(v ** 2, -1, keepdims=True)) + 1e-8))
    h_V = jnp.concatenate([dists] + vecs, axis=-1)

    sfeat = jnp.concatenate([structure_feat, h_V], axis=-1)
    h = sfeat @ egnn['emb_in'][0] + egnn['emb_in'][1]
    x = ca

    for li, lp in enumerate(egnn['layers']):
        We1w, We1b = lp['We1']
        Wsrc, Wdst = We1w[:128], We1w[128:256]
        W20 = We1w[256:]
        bf = jnp.bfloat16
        u16b = lambda v: lax.bitcast_convert_type(v.astype(bf), jnp.uint16)
        x_hi = x.astype(bf)
        x_lo = x - x_hi.astype(jnp.float32)
        ca_hi = ca.astype(bf)
        ca_lo = ca - ca_hi.astype(jnp.float32)
        Q = jnp.concatenate([x, ca, x_lo, ca_lo,
                             jnp.zeros((n, 116), jnp.float32)], axis=-1)
        qw = u16b(Q).astype(jnp.uint32) << 16
        pack = lambda P: lax.bitcast_convert_type(
            qw | u16b(P).astype(jnp.uint32), jnp.int32)
        Tsrc = pack(h @ Wsrc)
        Tdst = pack(h @ Wdst)
        GA, GB = _sc_gather_pair(Tsrc, Tdst, src, dst)
        if li == 0:
            m, c8 = _edge_mlp(
                GA, GB, W20, We1b, lp['We2'][0], lp['We2'][1],
                lp['Watt'][0][:, 0], lp['Watt'][1],
                coords=(lp['Wc1'][0], lp['Wc1'][1], lp['Wc2'][0][:, 0], lp['Wc2'][1]))
            agg = _sc_scatter_add(m, src, n)
            c8agg = _sc_scatter_add(c8, src, n)
            cnt = jnp.clip(c8agg[:, 6:7], 1.0)
            x = x + c8agg[:, :3] / cnt
        else:
            m = _edge_mlp(GA, GB, W20, We1b, lp['We2'][0], lp['We2'][1],
                          lp['Watt'][0][:, 0], lp['Watt'][1])
            agg = _sc_scatter_add(m, src, n)
        Wn1w, Wn1b = lp['Wn1']
        h_new = jax.nn.silu(h @ Wn1w[:128] + agg @ Wn1w[128:] + Wn1b)
        h = h + h_new @ lp['Wn2'][0] + lp['Wn2'][1]

    node_d1 = h @ egnn['emb_out'][0] + egnn['emb_out'][1]
    seq_d1 = seq_feat @ p['seq'][0] + p['seq'][1]
    emb = jnp.concatenate([node_d1, seq_d1], axis=-1)

    s = jnp.tanh(emb @ p['attn_fc1'][0] + p['attn_fc1'][1])
    s = s @ p['attn_fc2'][0] + p['attn_fc2'][1]
    onehot = (batch_id[:, None] == jnp.arange(_NB)[None, :]).astype(jnp.float32)
    smax = jnp.max(jnp.where(onehot[:, :, None] > 0, s[:, None, :], -jnp.inf),
                   axis=0)
    smax = jnp.where(jnp.isfinite(smax), smax, 0.0)
    es = jnp.exp(s - onehot @ smax)
    denom = onehot.T @ es
    att = es / (onehot @ denom)
    w = jnp.sum(att, axis=-1)
    pooled = onehot.T @ (emb * w[:, None])
    emb2 = jax.nn.elu(pooled @ p['proj'][0] + p['proj'][1])
    return emb2 @ p['out'][0] + p['out'][1]

# --- scband reference (transcript-rebuilt; emitter-appended) ---
"""Pipeline reference for scband-graph-ec-55748675502588 (READ-ONLY COPY).

The authoritative reference and input builder live on the scoring server;
editing this copy changes nothing except your own understanding.
"""

import jax, jax.numpy as jnp
import numpy as np

N = 10000
E = 320000
HID = 128
STRUCT = 113
SEQ_IN = 1036
NB = 8
LAYERS = 2
EDGE_IN = 19
OUT_DIM = 5069


def _lin(k, fin, fout):
    lim = float(np.sqrt(6.0 / (fin + fout)))
    w = jax.random.uniform(k, (fin, fout), minval=-lim, maxval=lim, dtype=jnp.float32)
    b = jnp.zeros((fout,), dtype=jnp.float32)
    return (w, b)


def setup_inputs(seed: int = 0):
    key = jax.random.key(seed)
    ks = jax.random.split(key, 40)
    X = jax.random.normal(ks[0], (N, 4, 3), dtype=jnp.float32) * 3.0
    structure_feat = jax.random.normal(ks[1], (N, STRUCT), dtype=jnp.float32)
    seq_feat = jax.random.normal(ks[2], (N, SEQ_IN), dtype=jnp.float32)
    edge_index = jax.random.randint(ks[3], (2, E), 0, N, dtype=jnp.int32)
    batch_id = jnp.sort(jax.random.randint(ks[4], (N,), 0, NB, dtype=jnp.int32))
    i = 5
    layers = []
    for _ in range(LAYERS):
        lp = {}
        lp['We1'] = _lin(ks[i], HID * 2 + 1 + EDGE_IN, HID); i += 1
        lp['We2'] = _lin(ks[i], HID, HID); i += 1
        lp['Watt'] = _lin(ks[i], HID, 1); i += 1
        lp['Wc1'] = _lin(ks[i], HID, HID); i += 1
        lp['Wc2'] = _lin(ks[i], HID, 1); i += 1
        lp['Wn1'] = _lin(ks[i], HID * 2, HID); i += 1
        lp['Wn2'] = _lin(ks[i], HID, HID); i += 1
        layers.append(lp)
    egnn_p = {
        'emb_in': _lin(ks[i], STRUCT + 15, HID),
        'emb_out': _lin(ks[i + 1], HID, HID),
        'edge_out': _lin(ks[i + 2], HID, HID),
        'layers': layers,
    }
    i += 3
    params = {
        'egnn': egnn_p,
        'seq': _lin(ks[i], SEQ_IN, HID),
        'attn_fc1': _lin(ks[i + 1], HID * 2, 16),
        'attn_fc2': _lin(ks[i + 2], 16, 4),
        'proj': _lin(ks[i + 3], HID * 2, HID),
        'out': _lin(ks[i + 4], HID, OUT_DIM),
    }
    return {'X': X, 'structure_feat': structure_feat, 'seq_feat': seq_feat,
            'edge_index': edge_index, 'batch_id': batch_id, 'params': params}


def _rbf(d, dmin=0.0, dmax=20.0, bins=16):
    centers = jnp.linspace(dmin, dmax, bins)
    width = (dmax - dmin) / bins
    return jnp.exp(-(((d[..., None] - centers) / width) ** 2))


def _get_geo_feat(X, edge_index):
    ca = X[:, 1, :]
    pairs = [(0, 1), (0, 2), (0, 3), (1, 2), (1, 3), (2, 3)]
    dists = jnp.stack([jnp.sqrt(jnp.sum((X[:, i] - X[:, j]) ** 2, -1) + 1e-8) for i, j in pairs], axis=-1)
    vecs = []
    for i in (0, 2, 3):
        v = X[:, i] - ca
        vecs.append(v / (jnp.sqrt(jnp.sum(v ** 2, -1, keepdims=True)) + 1e-8))
    h_V = jnp.concatenate([dists] + vecs, axis=-1)
    src = edge_index[0]; dst = edge_index[1]
    dvec = ca[dst] - ca[src]
    d = jnp.sqrt(jnp.sum(dvec ** 2, -1) + 1e-8)
    h_E = jnp.concatenate([_rbf(d), dvec / (d[:, None] + 1e-8)], axis=-1)
    return h_V, h_E


def _egnn(h, x, edge_index, edge_attr, p):
    n = h.shape[0]
    src = edge_index[0]; dst = edge_index[1]
    h = h @ p['emb_in'][0] + p['emb_in'][1]
    m = None
    ones = jnp.ones((edge_attr.shape[0], 1), dtype=h.dtype)
    cnt = jnp.clip(jax.ops.segment_sum(ones, src, n), 1.0)
    for lp in p['layers']:
        coord_diff = x[src] - x[dst]
        radial = jnp.sum(coord_diff ** 2, -1, keepdims=True)
        coord_diff_n = coord_diff / (jnp.sqrt(radial) + 1.0)
        inp = jnp.concatenate([h[src], h[dst], radial, edge_attr], axis=-1)
        m = jax.nn.silu(inp @ lp['We1'][0] + lp['We1'][1])
        m = jax.nn.silu(m @ lp['We2'][0] + lp['We2'][1])
        att = jax.nn.sigmoid(m @ lp['Watt'][0] + lp['Watt'][1])
        m = m * att
        cw = jnp.tanh(jax.nn.silu(m @ lp['Wc1'][0] + lp['Wc1'][1]) @ lp['Wc2'][0] + lp['Wc2'][1])
        x = x + jax.ops.segment_sum(coord_diff_n * cw, src, n) / cnt
        agg = jax.ops.segment_sum(m, src, n)
        h_new = jax.nn.silu(jnp.concatenate([h, agg], -1) @ lp['Wn1'][0] + lp['Wn1'][1]) @ lp['Wn2'][0] + lp['Wn2'][1]
        h = h + h_new
    h_out = h @ p['emb_out'][0] + p['emb_out'][1]
    e_out = m @ p['edge_out'][0] + p['edge_out'][1]
    return h_out, x, e_out


def _forward(X, structure_feat, seq_feat, edge_index, batch_id, params, nseg):
    h_V_geo, h_E = _get_geo_feat(X, edge_index)
    sfeat = jnp.concatenate([structure_feat, h_V_geo], axis=-1)
    node_d1, _, _edge_d1 = _egnn(sfeat, X[:, 1, :], edge_index, h_E, params['egnn'])
    seq_d1 = seq_feat @ params['seq'][0] + params['seq'][1]
    emb = jnp.concatenate([node_d1, seq_d1], axis=-1)
    # Attention module: fc2(tanh(fc1(emb))) with per-batch softmax over nodes,
    # then att @ h summed over heads == weighted segment-sum with w = sum_heads(att)
    s = jnp.tanh(emb @ params['attn_fc1'][0] + params['attn_fc1'][1])
    s = s @ params['attn_fc2'][0] + params['attn_fc2'][1]
    smax = jax.ops.segment_max(s, batch_id, nseg)
    es = jnp.exp(s - smax[batch_id])
    denom = jax.ops.segment_sum(es, batch_id, nseg)
    att = es / denom[batch_id]
    w = jnp.sum(att, axis=-1)
    pooled = jax.ops.segment_sum(emb * w[:, None], batch_id, nseg)
    emb2 = jax.nn.elu(pooled @ params['proj'][0] + params['proj'][1])
    return emb2 @ params['out'][0] + params['out'][1]


def reference(X, structure_feat, seq_feat, edge_index, batch_id, params):
    nseg = NB
    return _forward(X, structure_feat, seq_feat, edge_index, batch_id, params, nseg)

if __name__ == "__main__":
    import jax
    _d = setup_inputs()
    print(jax.jit(kernel)(*tuple(_d.values())))

</pallas_src>

<mosaic_0001>
#map = affine_map<(d0, d1) -> (0, 0)>
#map1 = affine_map<(d0, d1) -> (0)>
module attributes {stable_mosaic.version = 14 : i64} {
  func.func @k(%arg0: i32, %arg1: i32, %arg2: memref<10000x128xi32, #tpu.memory_space<hbm>>, %arg3: memref<10000x128xi32, #tpu.memory_space<hbm>>, %arg4: memref<320000xi32, #tpu.memory_space<hbm>>, %arg5: memref<320000xi32, #tpu.memory_space<hbm>>, %arg6: memref<320000x128xi32, #tpu.memory_space<hbm>>, %arg7: memref<320000x128xi32, #tpu.memory_space<hbm>>, %arg8: memref<400xi32, #tpu.memory_space<vmem>>, %arg9: memref<400xi32, #tpu.memory_space<vmem>>, %arg10: memref<80x128xi32, #tpu.memory_space<vmem>>, %arg11: memref<80x128xi32, #tpu.memory_space<vmem>>, %arg12: memref<80x128xi32, #tpu.memory_space<vmem>>, %arg13: memref<80x128xi32, #tpu.memory_space<vmem>>, %arg14: memref<80x128xi32, #tpu.memory_space<vmem>>, %arg15: memref<80x128xi32, #tpu.memory_space<vmem>>, %arg16: memref<80x128xi32, #tpu.memory_space<vmem>>, %arg17: memref<80x128xi32, #tpu.memory_space<vmem>>, %arg18: memref<80x128xi32, #tpu.memory_space<vmem>>, %arg19: memref<80x128xi32, #tpu.memory_space<vmem>>, %arg20: memref<!tpu.dma_semaphore, #tpu.memory_space<semaphore_mem>>, %arg21: memref<!tpu.dma_semaphore, #tpu.memory_space<semaphore_mem>>, %arg22: memref<!tpu.dma_semaphore, #tpu.memory_space<semaphore_mem>>, %arg23: memref<!tpu.dma_semaphore, #tpu.memory_space<semaphore_mem>>) attributes {dimension_semantics = [#tpu.dimension_semantics<core_parallel>, #tpu.dimension_semantics<subcore_parallel>], iteration_bounds = array<i64: 2, 16>, scalar_prefetch = 0 : i64, scratch_operands = 16 : i64, tpu.core_type = #tpu.core_type<sc_vector_subcore>, window_params = [{transform_indices = #map}, {transform_indices = #map}, {transform_indices = #map1}, {transform_indices = #map1}, {transform_indices = #map}, {transform_indices = #map}]} {
    %mul3A = arith.constant 2 : i32
    %mul3A_0 = arith.muli %arg1, %mul3A : i32
    %add3A = arith.addi %mul3A_0, %arg0 : i32
    %mul3A_1 = arith.constant 10000 : i32
    %mul3A_2 = arith.muli %add3A, %mul3A_1 : i32
    %scan3A = arith.constant 0 : i32
    %scan3A_3 = arith.constant 0 : i32
    %scan3A_4 = arith.constant 25 : i32
    %scan3A_5 = arith.addi %scan3A_3, %scan3A_4 : i32
    %scan3A_6 = arith.constant 1 : i32
    scf.for %scan3A_8 = %scan3A_3 to %scan3A_5 step %scan3A_6  : i32 {
      %mul3A_9 = arith.constant 80 : i32
      %mul3A_10 = arith.muli %scan3A_8, %mul3A_9 : i32
      %mul3A_11 = arith.constant 5 : i32
      %mul3A_12 = arith.muli %mul3A_10, %mul3A_11 : i32
      %add3A_13 = arith.addi %mul3A_2, %mul3A_12 : i32
      %dma_start3A = tpu.memref_slice %arg4[%add3A_13] : memref<320000xi32, #tpu.memory_space<hbm>> -> memref<400xi32, #tpu.memory_space<hbm>>
      %dma_start3A_14 = tpu.memref_slice %arg4[%add3A_13] : memref<320000xi32, #tpu.memory_space<hbm>> -> memref<400xi32, #tpu.memory_space<hbm>>
      tpu.enqueue_dma source(%dma_start3A_14 : memref<400xi32, #tpu.memory_space<hbm>>) target(%arg8 : memref<400xi32, #tpu.memory_space<vmem>>) target_semaphore(%arg20 : memref<!tpu.dma_semaphore, #tpu.memory_space<semaphore_mem>>)
      %dma_start3A_15 = tpu.memref_slice %arg5[%add3A_13] : memref<320000xi32, #tpu.memory_space<hbm>> -> memref<400xi32, #tpu.memory_space<hbm>>
      %dma_start3A_16 = tpu.memref_slice %arg5[%add3A_13] : memref<320000xi32, #tpu.memory_space<hbm>> -> memref<400xi32, #tpu.memory_space<hbm>>
      tpu.enqueue_dma source(%dma_start3A_16 : memref<400xi32, #tpu.memory_space<hbm>>) target(%arg9 : memref<400xi32, #tpu.memory_space<vmem>>) target_semaphore(%arg21 : memref<!tpu.dma_semaphore, #tpu.memory_space<semaphore_mem>>)
      %dma_wait3A = tpu.memref_slice %arg4[%add3A_13] : memref<320000xi32, #tpu.memory_space<hbm>> -> memref<400xi32, #tpu.memory_space<hbm>>
      %dma_wait3A_17 = tpu.memref_slice %arg4[%add3A_13] : memref<320000xi32, #tpu.memory_space<hbm>> -> memref<400xi32, #tpu.memory_space<hbm>>
      tpu.wait_dma2 semaphore(%arg20 : memref<!tpu.dma_semaphore, #tpu.memory_space<semaphore_mem>>) src(%dma_wait3A_17 : memref<400xi32, #tpu.memory_space<hbm>>) dst(%arg8 : memref<400xi32, #tpu.memory_space<vmem>>)
      %dma_wait3A_18 = tpu.memref_slice %arg5[%add3A_13] : memref<320000xi32, #tpu.memory_space<hbm>> -> memref<400xi32, #tpu.memory_space<hbm>>
      %dma_wait3A_19 = tpu.memref_slice %arg5[%add3A_13] : memref<320000xi32, #tpu.memory_space<hbm>> -> memref<400xi32, #tpu.memory_space<hbm>>
      tpu.wait_dma2 semaphore(%arg21 : memref<!tpu.dma_semaphore, #tpu.memory_space<semaphore_mem>>) src(%dma_wait3A_19 : memref<400xi32, #tpu.memory_space<hbm>>) dst(%arg9 : memref<400xi32, #tpu.memory_space<vmem>>)
      %dma_start3A_20 = arith.constant 0 : i32
      %dma_start3A_21 = tpu.memref_slice %arg8[%dma_start3A_20] : memref<400xi32, #tpu.memory_space<vmem>> -> memref<80xi32, #tpu.memory_space<vmem>>
      %dma_start3A_22 = arith.constant 0 : i32
      %dma_start3A_23 = arith.constant 0 : i32
      %dma_start3A_24 = tpu.memref_slice %arg2[%dma_start3A_22, %dma_start3A_23] : memref<10000x128xi32, #tpu.memory_space<hbm>> -> memref<10000x128xi32, #tpu.memory_space<hbm>>
      tpu.enqueue_indirect_dma source(%dma_start3A_24 : memref<10000x128xi32, #tpu.memory_space<hbm>>) target(%arg10 : memref<80x128xi32, #tpu.memory_space<vmem>>) offsets(%dma_start3A_21 : memref<80xi32, #tpu.memory_space<vmem>>) semaphore(%arg22 : memref<!tpu.dma_semaphore, #tpu.memory_space<semaphore_mem>>)
      %dma_start3A_25 = arith.constant 0 : i32
      %dma_start3A_26 = tpu.memref_slice %arg9[%dma_start3A_25] : memref<400xi32, #tpu.memory_space<vmem>> -> memref<80xi32, #tpu.memory_space<vmem>>
      %dma_start3A_27 = arith.constant 0 : i32
      %dma_start3A_28 = arith.constant 0 : i32
      %dma_start3A_29 = tpu.memref_slice %arg3[%dma_start3A_27, %dma_start3A_28] : memref<10000x128xi32, #tpu.memory_space<hbm>> -> memref<10000x128xi32, #tpu.memory_space<hbm>>
      tpu.enqueue_indirect_dma source(%dma_start3A_29 : memref<10000x128xi32, #tpu.memory_space<hbm>>) target(%arg11 : memref<80x128xi32, #tpu.memory_space<vmem>>) offsets(%dma_start3A_26 : memref<80xi32, #tpu.memory_space<vmem>>) semaphore(%arg22 : memref<!tpu.dma_semaphore, #tpu.memory_space<semaphore_mem>>)
      %dma_start3A_30 = arith.constant 80 : i32
      %dma_start3A_31 = tpu.memref_slice %arg8[%dma_start3A_30] : memref<400xi32, #tpu.memory_space<vmem>> -> memref<80xi32, #tpu.memory_space<vmem>>
      %dma_start3A_32 = arith.constant 0 : i32
      %dma_start3A_33 = arith.constant 0 : i32
      %dma_start3A_34 = tpu.memref_slice %arg2[%dma_start3A_32, %dma_start3A_33] : memref<10000x128xi32, #tpu.memory_space<hbm>> -> memref<10000x128xi32, #tpu.memory_space<hbm>>
      tpu.enqueue_indirect_dma source(%dma_start3A_34 : memref<10000x128xi32, #tpu.memory_space<hbm>>) target(%arg12 : memref<80x128xi32, #tpu.memory_space<vmem>>) offsets(%dma_start3A_31 : memref<80xi32, #tpu.memory_space<vmem>>) semaphore(%arg22 : memref<!tpu.dma_semaphore, #tpu.memory_space<semaphore_mem>>)
      %dma_start3A_35 = arith.constant 80 : i32
      %dma_start3A_36 = tpu.memref_slice %arg9[%dma_start3A_35] : memref<400xi32, #tpu.memory_space<vmem>> -> memref<80xi32, #tpu.memory_space<vmem>>
      %dma_start3A_37 = arith.constant 0 : i32
      %dma_start3A_38 = arith.constant 0 : i32
      %dma_start3A_39 = tpu.memref_slice %arg3[%dma_start3A_37, %dma_start3A_38] : memref<10000x128xi32, #tpu.memory_space<hbm>> -> memref<10000x128xi32, #tpu.memory_space<hbm>>
      tpu.enqueue_indirect_dma source(%dma_start3A_39 : memref<10000x128xi32, #tpu.memory_space<hbm>>) target(%arg13 : memref<80x128xi32, #tpu.memory_space<vmem>>) offsets(%dma_start3A_36 : memref<80xi32, #tpu.memory_space<vmem>>) semaphore(%arg22 : memref<!tpu.dma_semaphore, #tpu.memory_space<semaphore_mem>>)
      %dma_start3A_40 = arith.constant 160 : i32
      %dma_start3A_41 = tpu.memref_slice %arg8[%dma_start3A_40] : memref<400xi32, #tpu.memory_space<vmem>> -> memref<80xi32, #tpu.memory_space<vmem>>
      %dma_start3A_42 = arith.constant 0 : i32
      %dma_start3A_43 = arith.constant 0 : i32
      %dma_start3A_44 = tpu.memref_slice %arg2[%dma_start3A_42, %dma_start3A_43] : memref<10000x128xi32, #tpu.memory_space<hbm>> -> memref<10000x128xi32, #tpu.memory_space<hbm>>
      tpu.enqueue_indirect_dma source(%dma_start3A_44 : memref<10000x128xi32, #tpu.memory_space<hbm>>) target(%arg14 : memref<80x128xi32, #tpu.memory_space<vmem>>) offsets(%dma_start3A_41 : memref<80xi32, #tpu.memory_space<vmem>>) semaphore(%arg22 : memref<!tpu.dma_semaphore, #tpu.memory_space<semaphore_mem>>)
      %dma_start3A_45 = arith.constant 160 : i32
      %dma_start3A_46 = tpu.memref_slice %arg9[%dma_start3A_45] : memref<400xi32, #tpu.memory_space<vmem>> -> memref<80xi32, #tpu.memory_space<vmem>>
      %dma_start3A_47 = arith.constant 0 : i32
      %dma_start3A_48 = arith.constant 0 : i32
      %dma_start3A_49 = tpu.memref_slice %arg3[%dma_start3A_47, %dma_start3A_48] : memref<10000x128xi32, #tpu.memory_space<hbm>> -> memref<10000x128xi32, #tpu.memory_space<hbm>>
      tpu.enqueue_indirect_dma source(%dma_start3A_49 : memref<10000x128xi32, #tpu.memory_space<hbm>>) target(%arg15 : memref<80x128xi32, #tpu.memory_space<vmem>>) offsets(%dma_start3A_46 : memref<80xi32, #tpu.memory_space<vmem>>) semaphore(%arg22 : memref<!tpu.dma_semaphore, #tpu.memory_space<semaphore_mem>>)
      %dma_start3A_50 = arith.constant 240 : i32
      %dma_start3A_51 = tpu.memref_slice %arg8[%dma_start3A_50] : memref<400xi32, #tpu.memory_space<vmem>> -> memref<80xi32, #tpu.memory_space<vmem>>
      %dma_start3A_52 = arith.constant 0 : i32
      %dma_start3A_53 = arith.constant 0 : i32
      %dma_start3A_54 = tpu.memref_slice %arg2[%dma_start3A_52, %dma_start3A_53] : memref<10000x128xi32, #tpu.memory_space<hbm>> -> memref<10000x128xi32, #tpu.memory_space<hbm>>
      tpu.enqueue_indirect_dma source(%dma_start3A_54 : memref<10000x128xi32, #tpu.memory_space<hbm>>) target(%arg16 : memref<80x128xi32, #tpu.memory_space<vmem>>) offsets(%dma_start3A_51 : memref<80xi32, #tpu.memory_space<vmem>>) semaphore(%arg22 : memref<!tpu.dma_semaphore, #tpu.memory_space<semaphore_mem>>)
      %dma_start3A_55 = arith.constant 240 : i32
      %dma_start3A_56 = tpu.memref_slice %arg9[%dma_start3A_55] : memref<400xi32, #tpu.memory_space<vmem>> -> memref<80xi32, #tpu.memory_space<vmem>>
      %dma_start3A_57 = arith.constant 0 : i32
      %dma_start3A_58 = arith.constant 0 : i32
      %dma_start3A_59 = tpu.memref_slice %arg3[%dma_start3A_57, %dma_start3A_58] : memref<10000x128xi32, #tpu.memory_space<hbm>> -> memref<10000x128xi32, #tpu.memory_space<hbm>>
      tpu.enqueue_indirect_dma source(%dma_start3A_59 : memref<10000x128xi32, #tpu.memory_space<hbm>>) target(%arg17 : memref<80x128xi32, #tpu.memory_space<vmem>>) offsets(%dma_start3A_56 : memref<80xi32, #tpu.memory_space<vmem>>) semaphore(%arg22 : memref<!tpu.dma_semaphore, #tpu.memory_space<semaphore_mem>>)
      %dma_start3A_60 = arith.constant 320 : i32
      %dma_start3A_61 = tpu.memref_slice %arg8[%dma_start3A_60] : memref<400xi32, #tpu.memory_space<vmem>> -> memref<80xi32, #tpu.memory_space<vmem>>
      %dma_start3A_62 = arith.constant 0 : i32
      %dma_start3A_63 = arith.constant 0 : i32
      %dma_start3A_64 = tpu.memref_slice %arg2[%dma_start3A_62, %dma_start3A_63] : memref<10000x128xi32, #tpu.memory_space<hbm>> -> memref<10000x128xi32, #tpu.memory_space<hbm>>
      tpu.enqueue_indirect_dma source(%dma_start3A_64 : memref<10000x128xi32, #tpu.memory_space<hbm>>) target(%arg18 : memref<80x128xi32, #tpu.memory_space<vmem>>) offsets(%dma_start3A_61 : memref<80xi32, #tpu.memory_space<vmem>>) semaphore(%arg22 : memref<!tpu.dma_semaphore, #tpu.memory_space<semaphore_mem>>)
      %dma_start3A_65 = arith.constant 320 : i32
      %dma_start3A_66 = tpu.memref_slice %arg9[%dma_start3A_65] : memref<400xi32, #tpu.memory_space<vmem>> -> memref<80xi32, #tpu.memory_space<vmem>>
      %dma_start3A_67 = arith.constant 0 : i32
      %dma_start3A_68 = arith.constant 0 : i32
      %dma_start3A_69 = tpu.memref_slice %arg3[%dma_start3A_67, %dma_start3A_68] : memref<10000x128xi32, #tpu.memory_space<hbm>> -> memref<10000x128xi32, #tpu.memory_space<hbm>>
      tpu.enqueue_indirect_dma source(%dma_start3A_69 : memref<10000x128xi32, #tpu.memory_space<hbm>>) target(%arg19 : memref<80x128xi32, #tpu.memory_space<vmem>>) offsets(%dma_start3A_66 : memref<80xi32, #tpu.memory_space<vmem>>) semaphore(%arg22 : memref<!tpu.dma_semaphore, #tpu.memory_space<semaphore_mem>>)
      %dma_wait3A_70 = arith.constant 0 : i32
      %dma_wait3A_71 = tpu.memref_slice %arg8[%dma_wait3A_70] : memref<400xi32, #tpu.memory_space<vmem>> -> memref<80xi32, #tpu.memory_space<vmem>>
      %dma_wait3A_72 = arith.constant 0 : i32
      %dma_wait3A_73 = arith.constant 0 : i32
      %dma_wait3A_74 = tpu.memref_slice %arg2[%dma_wait3A_72, %dma_wait3A_73] : memref<10000x128xi32, #tpu.memory_space<hbm>> -> memref<10000x128xi32, #tpu.memory_space<hbm>>
      tpu.wait_indirect_dma semaphore(%arg22 : memref<!tpu.dma_semaphore, #tpu.memory_space<semaphore_mem>>) src(%dma_wait3A_74 : memref<10000x128xi32, #tpu.memory_space<hbm>>) dst(%arg10 : memref<80x128xi32, #tpu.memory_space<vmem>>)
      %add3A_75 = arith.constant 0 : i32
      %add3A_76 = arith.addi %add3A_13, %add3A_75 : i32
      %dma_start3A_77 = arith.constant 0 : i32
      %dma_start3A_78 = tpu.memref_slice %arg6[%add3A_76, %dma_start3A_77] : memref<320000x128xi32, #tpu.memory_space<hbm>> -> memref<80x128xi32, #tpu.memory_space<hbm>>
      %dma_start3A_79 = arith.constant 0 : i32
      %dma_start3A_80 = tpu.memref_slice %arg6[%add3A_76, %dma_start3A_79] : memref<320000x128xi32, #tpu.memory_space<hbm>> -> memref<80x128xi32, #tpu.memory_space<hbm>>
      tpu.enqueue_dma source(%arg10 : memref<80x128xi32, #tpu.memory_space<vmem>>) target(%dma_start3A_80 : memref<80x128xi32, #tpu.memory_space<hbm>>) target_semaphore(%arg23 : memref<!tpu.dma_semaphore, #tpu.memory_space<semaphore_mem>>)
      %dma_wait3A_81 = arith.constant 0 : i32
      %dma_wait3A_82 = tpu.memref_slice %arg9[%dma_wait3A_81] : memref<400xi32, #tpu.memory_space<vmem>> -> memref<80xi32, #tpu.memory_space<vmem>>
      %dma_wait3A_83 = arith.constant 0 : i32
      %dma_wait3A_84 = arith.constant 0 : i32
      %dma_wait3A_85 = tpu.memref_slice %arg3[%dma_wait3A_83, %dma_wait3A_84] : memref<10000x128xi32, #tpu.memory_space<hbm>> -> memref<10000x128xi32, #tpu.memory_space<hbm>>
      tpu.wait_indirect_dma semaphore(%arg22 : memref<!tpu.dma_semaphore, #tpu.memory_space<semaphore_mem>>) src(%dma_wait3A_85 : memref<10000x128xi32, #tpu.memory_space<hbm>>) dst(%arg11 : memref<80x128xi32, #tpu.memory_space<vmem>>)
      %add3A_86 = arith.constant 0 : i32
      %add3A_87 = arith.addi %add3A_13, %add3A_86 : i32
      %dma_start3A_88 = arith.constant 0 : i32
      %dma_start3A_89 = tpu.memref_slice %arg7[%add3A_87, %dma_start3A_88] : memref<320000x128xi32, #tpu.memory_space<hbm>> -> memref<80x128xi32, #tpu.memory_space<hbm>>
      %dma_start3A_90 = arith.constant 0 : i32
      %dma_start3A_91 = tpu.memref_slice %arg7[%add3A_87, %dma_start3A_90] : memref<320000x128xi32, #tpu.memory_space<hbm>> -> memref<80x128xi32, #tpu.memory_space<hbm>>
      tpu.enqueue_dma source(%arg11 : memref<80x128xi32, #tpu.memory_space<vmem>>) target(%dma_start3A_91 : memref<80x128xi32, #tpu.memory_space<hbm>>) target_semaphore(%arg23 : memref<!tpu.dma_semaphore, #tpu.memory_space<semaphore_mem>>)
      %dma_wait3A_92 = arith.constant 80 : i32
      %dma_wait3A_93 = tpu.memref_slice %arg8[%dma_wait3A_92] : memref<400xi32, #tpu.memory_space<vmem>> -> memref<80xi32, #tpu.memory_space<vmem>>
      %dma_wait3A_94 = arith.constant 0 : i32
      %dma_wait3A_95 = arith.constant 0 : i32
      %dma_wait3A_96 = tpu.memref_slice %arg2[%dma_wait3A_94, %dma_wait3A_95] : memref<10000x128xi32, #tpu.memory_space<hbm>> -> memref<10000x128xi32, #tpu.memory_space<hbm>>
      tpu.wait_indirect_dma semaphore(%arg22 : memref<!tpu.dma_semaphore, #tpu.memory_space<semaphore_mem>>) src(%dma_wait3A_96 : memref<10000x128xi32, #tpu.memory_space<hbm>>) dst(%arg12 : memref<80x128xi32, #tpu.memory_space<vmem>>)
      %add3A_97 = arith.constant 80 : i32
      %add3A_98 = arith.addi %add3A_13, %add3A_97 : i32
      %dma_start3A_99 = arith.constant 0 : i32
      %dma_start3A_100 = tpu.memref_slice %arg6[%add3A_98, %dma_start3A_99] : memref<320000x128xi32, #tpu.memory_space<hbm>> -> memref<80x128xi32, #tpu.memory_space<hbm>>
      %dma_start3A_101 = arith.constant 0 : i32
      %dma_start3A_102 = tpu.memref_slice %arg6[%add3A_98, %dma_start3A_101] : memref<320000x128xi32, #tpu.memory_space<hbm>> -> memref<80x128xi32, #tpu.memory_space<hbm>>
      tpu.enqueue_dma source(%arg12 : memref<80x128xi32, #tpu.memory_space<vmem>>) target(%dma_start3A_102 : memref<80x128xi32, #tpu.memory_space<hbm>>) target_semaphore(%arg23 : memref<!tpu.dma_semaphore, #tpu.memory_space<semaphore_mem>>)
      %dma_wait3A_103 = arith.constant 80 : i32
      %dma_wait3A_104 = tpu.memref_slice %arg9[%dma_wait3A_103] : memref<400xi32, #tpu.memory_space<vmem>> -> memref<80xi32, #tpu.memory_space<vmem>>
      %dma_wait3A_105 = arith.constant 0 : i32
      %dma_wait3A_106 = arith.constant 0 : i32
      %dma_wait3A_107 = tpu.memref_slice %arg3[%dma_wait3A_105, %dma_wait3A_106] : memref<10000x128xi32, #tpu.memory_space<hbm>> -> memref<10000x128xi32, #tpu.memory_space<hbm>>
      tpu.wait_indirect_dma semaphore(%arg22 : memref<!tpu.dma_semaphore, #tpu.memory_space<semaphore_mem>>) src(%dma_wait3A_107 : memref<10000x128xi32, #tpu.memory_space<hbm>>) dst(%arg13 : memref<80x128xi32, #tpu.memory_space<vmem>>)
      %add3A_108 = arith.constant 80 : i32
      %add3A_109 = arith.addi %add3A_13, %add3A_108 : i32
      %dma_start3A_110 = arith.constant 0 : i32
      %dma_start3A_111 = tpu.memref_slice %arg7[%add3A_109, %dma_start3A_110] : memref<320000x128xi32, #tpu.memory_space<hbm>> -> memref<80x128xi32, #tpu.memory_space<hbm>>
      %dma_start3A_112 = arith.constant 0 : i32
      %dma_start3A_113 = tpu.memref_slice %arg7[%add3A_109, %dma_start3A_112] : memref<320000x128xi32, #tpu.memory_space<hbm>> -> memref<80x128xi32, #tpu.memory_space<hbm>>
      tpu.enqueue_dma source(%arg13 : memref<80x128xi32, #tpu.memory_space<vmem>>) target(%dma_start3A_113 : memref<80x128xi32, #tpu.memory_space<hbm>>) target_semaphore(%arg23 : memref<!tpu.dma_semaphore, #tpu.memory_space<semaphore_mem>>)
      %dma_wait3A_114 = arith.constant 160 : i32
      %dma_wait3A_115 = tpu.memref_slice %arg8[%dma_wait3A_114] : memref<400xi32, #tpu.memory_space<vmem>> -> memref<80xi32, #tpu.memory_space<vmem>>
      %dma_wait3A_116 = arith.constant 0 : i32
      %dma_wait3A_117 = arith.constant 0 : i32
      %dma_wait3A_118 = tpu.memref_slice %arg2[%dma_wait3A_116, %dma_wait3A_117] : memref<10000x128xi32, #tpu.memory_space<hbm>> -> memref<10000x128xi32, #tpu.memory_space<hbm>>
      tpu.wait_indirect_dma semaphore(%arg22 : memref<!tpu.dma_semaphore, #tpu.memory_space<semaphore_mem>>) src(%dma_wait3A_118 : memref<10000x128xi32, #tpu.memory_space<hbm>>) dst(%arg14 : memref<80x128xi32, #tpu.memory_space<vmem>>)
      %add3A_119 = arith.constant 160 : i32
      %add3A_120 = arith.addi %add3A_13, %add3A_119 : i32
      %dma_start3A_121 = arith.constant 0 : i32
      %dma_start3A_122 = tpu.memref_slice %arg6[%add3A_120, %dma_start3A_121] : memref<320000x128xi32, #tpu.memory_space<hbm>> -> memref<80x128xi32, #tpu.memory_space<hbm>>
      %dma_start3A_123 = arith.constant 0 : i32
      %dma_start3A_124 = tpu.memref_slice %arg6[%add3A_120, %dma_start3A_123] : memref<320000x128xi32, #tpu.memory_space<hbm>> -> memref<80x128xi32, #tpu.memory_space<hbm>>
      tpu.enqueue_dma source(%arg14 : memref<80x128xi32, #tpu.memory_space<vmem>>) target(%dma_start3A_124 : memref<80x128xi32, #tpu.memory_space<hbm>>) target_semaphore(%arg23 : memref<!tpu.dma_semaphore, #tpu.memory_space<semaphore_mem>>)
      %dma_wait3A_125 = arith.constant 160 : i32
      %dma_wait3A_126 = tpu.memref_slice %arg9[%dma_wait3A_125] : memref<400xi32, #tpu.memory_space<vmem>> -> memref<80xi32, #tpu.memory_space<vmem>>
      %dma_wait3A_127 = arith.constant 0 : i32
      %dma_wait3A_128 = arith.constant 0 : i32
      %dma_wait3A_129 = tpu.memref_slice %arg3[%dma_wait3A_127, %dma_wait3A_128] : memref<10000x128xi32, #tpu.memory_space<hbm>> -> memref<10000x128xi32, #tpu.memory_space<hbm>>
      tpu.wait_indirect_dma semaphore(%arg22 : memref<!tpu.dma_semaphore, #tpu.memory_space<semaphore_mem>>) src(%dma_wait3A_129 : memref<10000x128xi32, #tpu.memory_space<hbm>>) dst(%arg15 : memref<80x128xi32, #tpu.memory_space<vmem>>)
      %add3A_130 = arith.constant 160 : i32
      %add3A_131 = arith.addi %add3A_13, %add3A_130 : i32
      %dma_start3A_132 = arith.constant 0 : i32
      %dma_start3A_133 = tpu.memref_slice %arg7[%add3A_131, %dma_start3A_132] : memref<320000x128xi32, #tpu.memory_space<hbm>> -> memref<80x128xi32, #tpu.memory_space<hbm>>
      %dma_start3A_134 = arith.constant 0 : i32
      %dma_start3A_135 = tpu.memref_slice %arg7[%add3A_131, %dma_start3A_134] : memref<320000x128xi32, #tpu.memory_space<hbm>> -> memref<80x128xi32, #tpu.memory_space<hbm>>
      tpu.enqueue_dma source(%arg15 : memref<80x128xi32, #tpu.memory_space<vmem>>) target(%dma_start3A_135 : memref<80x128xi32, #tpu.memory_space<hbm>>) target_semaphore(%arg23 : memref<!tpu.dma_semaphore, #tpu.memory_space<semaphore_mem>>)
      %dma_wait3A_136 = arith.constant 240 : i32
      %dma_wait3A_137 = tpu.memref_slice %arg8[%dma_wait3A_136] : memref<400xi32, #tpu.memory_space<vmem>> -> memref<80xi32, #tpu.memory_space<vmem>>
      %dma_wait3A_138 = arith.constant 0 : i32
      %dma_wait3A_139 = arith.constant 0 : i32
      %dma_wait3A_140 = tpu.memref_slice %arg2[%dma_wait3A_138, %dma_wait3A_139] : memref<10000x128xi32, #tpu.memory_space<hbm>> -> memref<10000x128xi32, #tpu.memory_space<hbm>>
      tpu.wait_indirect_dma semaphore(%arg22 : memref<!tpu.dma_semaphore, #tpu.memory_space<semaphore_mem>>) src(%dma_wait3A_140 : memref<10000x128xi32, #tpu.memory_space<hbm>>) dst(%arg16 : memref<80x128xi32, #tpu.memory_space<vmem>>)
      %add3A_141 = arith.constant 240 : i32
      %add3A_142 = arith.addi %add3A_13, %add3A_141 : i32
      %dma_start3A_143 = arith.constant 0 : i32
      %dma_start3A_144 = tpu.memref_slice %arg6[%add3A_142, %dma_start3A_143] : memref<320000x128xi32, #tpu.memory_space<hbm>> -> memref<80x128xi32, #tpu.memory_space<hbm>>
      %dma_start3A_145 = arith.constant 0 : i32
      %dma_start3A_146 = tpu.memref_slice %arg6[%add3A_142, %dma_start3A_145] : memref<320000x128xi32, #tpu.memory_space<hbm>> -> memref<80x128xi32, #tpu.memory_space<hbm>>
      tpu.enqueue_dma source(%arg16 : memref<80x128xi32, #tpu.memory_space<vmem>>) target(%dma_start3A_146 : memref<80x128xi32, #tpu.memory_space<hbm>>) target_semaphore(%arg23 : memref<!tpu.dma_semaphore, #tpu.memory_space<semaphore_mem>>)
      %dma_wait3A_147 = arith.constant 240 : i32
      %dma_wait3A_148 = tpu.memref_slice %arg9[%dma_wait3A_147] : memref<400xi32, #tpu.memory_space<vmem>> -> memref<80xi32, #tpu.memory_space<vmem>>
      %dma_wait3A_149 = arith.constant 0 : i32
      %dma_wait3A_150 = arith.constant 0 : i32
      %dma_wait3A_151 = tpu.memref_slice %arg3[%dma_wait3A_149, %dma_wait3A_150] : memref<10000x128xi32, #tpu.memory_space<hbm>> -> memref<10000x128xi32, #tpu.memory_space<hbm>>
      tpu.wait_indirect_dma semaphore(%arg22 : memref<!tpu.dma_semaphore, #tpu.memory_space<semaphore_mem>>) src(%dma_wait3A_151 : memref<10000x128xi32, #tpu.memory_space<hbm>>) dst(%arg17 : memref<80x128xi32, #tpu.memory_space<vmem>>)
      %add3A_152 = arith.constant 240 : i32
      %add3A_153 = arith.addi %add3A_13, %add3A_152 : i32
      %dma_start3A_154 = arith.constant 0 : i32
      %dma_start3A_155 = tpu.memref_slice %arg7[%add3A_153, %dma_start3A_154] : memref<320000x128xi32, #tpu.memory_space<hbm>> -> memref<80x128xi32, #tpu.memory_space<hbm>>
      %dma_start3A_156 = arith.constant 0 : i32
      %dma_start3A_157 = tpu.memref_slice %arg7[%add3A_153, %dma_start3A_156] : memref<320000x128xi32, #tpu.memory_space<hbm>> -> memref<80x128xi32, #tpu.memory_space<hbm>>
      tpu.enqueue_dma source(%arg17 : memref<80x128xi32, #tpu.memory_space<vmem>>) target(%dma_start3A_157 : memref<80x128xi32, #tpu.memory_space<hbm>>) target_semaphore(%arg23 : memref<!tpu.dma_semaphore, #tpu.memory_space<semaphore_mem>>)
      %dma_wait3A_158 = arith.constant 320 : i32
      %dma_wait3A_159 = tpu.memref_slice %arg8[%dma_wait3A_158] : memref<400xi32, #tpu.memory_space<vmem>> -> memref<80xi32, #tpu.memory_space<vmem>>
      %dma_wait3A_160 = arith.constant 0 : i32
      %dma_wait3A_161 = arith.constant 0 : i32
      %dma_wait3A_162 = tpu.memref_slice %arg2[%dma_wait3A_160, %dma_wait3A_161] : memref<10000x128xi32, #tpu.memory_space<hbm>> -> memref<10000x128xi32, #tpu.memory_space<hbm>>
      tpu.wait_indirect_dma semaphore(%arg22 : memref<!tpu.dma_semaphore, #tpu.memory_space<semaphore_mem>>) src(%dma_wait3A_162 : memref<10000x128xi32, #tpu.memory_space<hbm>>) dst(%arg18 : memref<80x128xi32, #tpu.memory_space<vmem>>)
      %add3A_163 = arith.constant 320 : i32
      %add3A_164 = arith.addi %add3A_13, %add3A_163 : i32
      %dma_start3A_165 = arith.constant 0 : i32
      %dma_start3A_166 = tpu.memref_slice %arg6[%add3A_164, %dma_start3A_165] : memref<320000x128xi32, #tpu.memory_space<hbm>> -> memref<80x128xi32, #tpu.memory_space<hbm>>
      %dma_start3A_167 = arith.constant 0 : i32
      %dma_start3A_168 = tpu.memref_slice %arg6[%add3A_164, %dma_start3A_167] : memref<320000x128xi32, #tpu.memory_space<hbm>> -> memref<80x128xi32, #tpu.memory_space<hbm>>
      tpu.enqueue_dma source(%arg18 : memref<80x128xi32, #tpu.memory_space<vmem>>) target(%dma_start3A_168 : memref<80x128xi32, #tpu.memory_space<hbm>>) target_semaphore(%arg23 : memref<!tpu.dma_semaphore, #tpu.memory_space<semaphore_mem>>)
      %dma_wait3A_169 = arith.constant 320 : i32
      %dma_wait3A_170 = tpu.memref_slice %arg9[%dma_wait3A_169] : memref<400xi32, #tpu.memory_space<vmem>> -> memref<80xi32, #tpu.memory_space<vmem>>
      %dma_wait3A_171 = arith.constant 0 : i32
      %dma_wait3A_172 = arith.constant 0 : i32
      %dma_wait3A_173 = tpu.memref_slice %arg3[%dma_wait3A_171, %dma_wait3A_172] : memref<10000x128xi32, #tpu.memory_space<hbm>> -> memref<10000x128xi32, #tpu.memory_space<hbm>>
      tpu.wait_indirect_dma semaphore(%arg22 : memref<!tpu.dma_semaphore, #tpu.memory_space<semaphore_mem>>) src(%dma_wait3A_173 : memref<10000x128xi32, #tpu.memory_space<hbm>>) dst(%arg19 : memref<80x128xi32, #tpu.memory_space<vmem>>)
      %add3A_174 = arith.constant 320 : i32
      %add3A_175 = arith.addi %add3A_13, %add3A_174 : i32
      %dma_start3A_176 = arith.constant 0 : i32
      %dma_start3A_177 = tpu.memref_slice %arg7[%add3A_175, %dma_start3A_176] : memref<320000x128xi32, #tpu.memory_space<hbm>> -> memref<80x128xi32, #tpu.memory_space<hbm>>
      %dma_start3A_178 = arith.constant 0 : i32
      %dma_start3A_179 = tpu.memref_slice %arg7[%add3A_175, %dma_start3A_178] : memref<320000x128xi32, #tpu.memory_space<hbm>> -> memref<80x128xi32, #tpu.memory_space<hbm>>
      tpu.enqueue_dma source(%arg19 : memref<80x128xi32, #tpu.memory_space<vmem>>) target(%dma_start3A_179 : memref<80x128xi32, #tpu.memory_space<hbm>>) target_semaphore(%arg23 : memref<!tpu.dma_semaphore, #tpu.memory_space<semaphore_mem>>)
      %dma_wait3A_180 = arith.constant 0 : i32
      %dma_wait3A_181 = tpu.memref_slice %arg6[%add3A_76, %dma_wait3A_180] : memref<320000x128xi32, #tpu.memory_space<hbm>> -> memref<80x128xi32, #tpu.memory_space<hbm>>
      %dma_wait3A_182 = arith.constant 0 : i32
      %dma_wait3A_183 = tpu.memref_slice %arg6[%add3A_76, %dma_wait3A_182] : memref<320000x128xi32, #tpu.memory_space<hbm>> -> memref<80x128xi32, #tpu.memory_space<hbm>>
      tpu.wait_dma2 semaphore(%arg23 : memref<!tpu.dma_semaphore, #tpu.memory_space<semaphore_mem>>) src(%arg10 : memref<80x128xi32, #tpu.memory_space<vmem>>) dst(%dma_wait3A_183 : memref<80x128xi32, #tpu.memory_space<hbm>>)
      %dma_wait3A_184 = arith.constant 0 : i32
      %dma_wait3A_185 = tpu.memref_slice %arg7[%add3A_87, %dma_wait3A_184] : memref<320000x128xi32, #tpu.memory_space<hbm>> -> memref<80x128xi32, #tpu.memory_space<hbm>>
      %dma_wait3A_186 = arith.constant 0 : i32
      %dma_wait3A_187 = tpu.memref_slice %arg7[%add3A_87, %dma_wait3A_186] : memref<320000x128xi32, #tpu.memory_space<hbm>> -> memref<80x128xi32, #tpu.memory_space<hbm>>
      tpu.wait_dma2 semaphore(%arg23 : memref<!tpu.dma_semaphore, #tpu.memory_space<semaphore_mem>>) src(%arg11 : memref<80x128xi32, #tpu.memory_space<vmem>>) dst(%dma_wait3A_187 : memref<80x128xi32, #tpu.memory_space<hbm>>)
      %dma_wait3A_188 = arith.constant 0 : i32
      %dma_wait3A_189 = tpu.memref_slice %arg6[%add3A_98, %dma_wait3A_188] : memref<320000x128xi32, #tpu.memory_space<hbm>> -> memref<80x128xi32, #tpu.memory_space<hbm>>
      %dma_wait3A_190 = arith.constant 0 : i32
      %dma_wait3A_191 = tpu.memref_slice %arg6[%add3A_98, %dma_wait3A_190] : memref<320000x128xi32, #tpu.memory_space<hbm>> -> memref<80x128xi32, #tpu.memory_space<hbm>>
      tpu.wait_dma2 semaphore(%arg23 : memref<!tpu.dma_semaphore, #tpu.memory_space<semaphore_mem>>) src(%arg12 : memref<80x128xi32, #tpu.memory_space<vmem>>) dst(%dma_wait3A_191 : memref<80x128xi32, #tpu.memory_space<hbm>>)
      %dma_wait3A_192 = arith.constant 0 : i32
      %dma_wait3A_193 = tpu.memref_slice %arg7[%add3A_109, %dma_wait3A_192] : memref<320000x128xi32, #tpu.memory_space<hbm>> -> memref<80x128xi32, #tpu.memory_space<hbm>>
      %dma_wait3A_194 = arith.constant 0 : i32
      %dma_wait3A_195 = tpu.memref_slice %arg7[%add3A_109, %dma_wait3A_194] : memref<320000x128xi32, #tpu.memory_space<hbm>> -> memref<80x128xi32, #tpu.memory_space<hbm>>
      tpu.wait_dma2 semaphore(%arg23 : memref<!tpu.dma_semaphore, #tpu.memory_space<semaphore_mem>>) src(%arg13 : memref<80x128xi32, #tpu.memory_space<vmem>>) dst(%dma_wait3A_195 : memref<80x128xi32, #tpu.memory_space<hbm>>)
      %dma_wait3A_196 = arith.constant 0 : i32
      %dma_wait3A_197 = tpu.memref_slice %arg6[%add3A_120, %dma_wait3A_196] : memref<320000x128xi32, #tpu.memory_space<hbm>> -> memref<80x128xi32, #tpu.memory_space<hbm>>
      %dma_wait3A_198 = arith.constant 0 : i32
      %dma_wait3A_199 = tpu.memref_slice %arg6[%add3A_120, %dma_wait3A_198] : memref<320000x128xi32, #tpu.memory_space<hbm>> -> memref<80x128xi32, #tpu.memory_space<hbm>>
      tpu.wait_dma2 semaphore(%arg23 : memref<!tpu.dma_semaphore, #tpu.memory_space<semaphore_mem>>) src(%arg14 : memref<80x128xi32, #tpu.memory_space<vmem>>) dst(%dma_wait3A_199 : memref<80x128xi32, #tpu.memory_space<hbm>>)
      %dma_wait3A_200 = arith.constant 0 : i32
      %dma_wait3A_201 = tpu.memref_slice %arg7[%add3A_131, %dma_wait3A_200] : memref<320000x128xi32, #tpu.memory_space<hbm>> -> memref<80x128xi32, #tpu.memory_space<hbm>>
      %dma_wait3A_202 = arith.constant 0 : i32
      %dma_wait3A_203 = tpu.memref_slice %arg7[%add3A_131, %dma_wait3A_202] : memref<320000x128xi32, #tpu.memory_space<hbm>> -> memref<80x128xi32, #tpu.memory_space<hbm>>
      tpu.wait_dma2 semaphore(%arg23 : memref<!tpu.dma_semaphore, #tpu.memory_space<semaphore_mem>>) src(%arg15 : memref<80x128xi32, #tpu.memory_space<vmem>>) dst(%dma_wait3A_203 : memref<80x128xi32, #tpu.memory_space<hbm>>)
      %dma_wait3A_204 = arith.constant 0 : i32
      %dma_wait3A_205 = tpu.memref_slice %arg6[%add3A_142, %dma_wait3A_204] : memref<320000x128xi32, #tpu.memory_space<hbm>> -> memref<80x128xi32, #tpu.memory_space<hbm>>
      %dma_wait3A_206 = arith.constant 0 : i32
      %dma_wait3A_207 = tpu.memref_slice %arg6[%add3A_142, %dma_wait3A_206] : memref<320000x128xi32, #tpu.memory_space<hbm>> -> memref<80x128xi32, #tpu.memory_space<hbm>>
      tpu.wait_dma2 semaphore(%arg23 : memref<!tpu.dma_semaphore, #tpu.memory_space<semaphore_mem>>) src(%arg16 : memref<80x128xi32, #tpu.memory_space<vmem>>) dst(%dma_wait3A_207 : memref<80x128xi32, #tpu.memory_space<hbm>>)
      %dma_wait3A_208 = arith.constant 0 : i32
      %dma_wait3A_209 = tpu.memref_slice %arg7[%add3A_153, %dma_wait3A_208] : memref<320000x128xi32, #tpu.memory_space<hbm>> -> memref<80x128xi32, #tpu.memory_space<hbm>>
      %dma_wait3A_210 = arith.constant 0 : i32
      %dma_wait3A_211 = tpu.memref_slice %arg7[%add3A_153, %dma_wait3A_210] : memref<320000x128xi32, #tpu.memory_space<hbm>> -> memref<80x128xi32, #tpu.memory_space<hbm>>
      tpu.wait_dma2 semaphore(%arg23 : memref<!tpu.dma_semaphore, #tpu.memory_space<semaphore_mem>>) src(%arg17 : memref<80x128xi32, #tpu.memory_space<vmem>>) dst(%dma_wait3A_211 : memref<80x128xi32, #tpu.memory_space<hbm>>)
      %dma_wait3A_212 = arith.constant 0 : i32
      %dma_wait3A_213 = tpu.memref_slice %arg6[%add3A_164, %dma_wait3A_212] : memref<320000x128xi32, #tpu.memory_space<hbm>> -> memref<80x128xi32, #tpu.memory_space<hbm>>
      %dma_wait3A_214 = arith.constant 0 : i32
      %dma_wait3A_215 = tpu.memref_slice %arg6[%add3A_164, %dma_wait3A_214] : memref<320000x128xi32, #tpu.memory_space<hbm>> -> memref<80x128xi32, #tpu.memory_space<hbm>>
      tpu.wait_dma2 semaphore(%arg23 : memref<!tpu.dma_semaphore, #tpu.memory_space<semaphore_mem>>) src(%arg18 : memref<80x128xi32, #tpu.memory_space<vmem>>) dst(%dma_wait3A_215 : memref<80x128xi32, #tpu.memory_space<hbm>>)
      %dma_wait3A_216 = arith.constant 0 : i32
      %dma_wait3A_217 = tpu.memref_slice %arg7[%add3A_175, %dma_wait3A_216] : memref<320000x128xi32, #tpu.memory_space<hbm>> -> memref<80x128xi32, #tpu.memory_space<hbm>>
      %dma_wait3A_218 = arith.constant 0 : i32
      %dma_wait3A_219 = tpu.memref_slice %arg7[%add3A_175, %dma_wait3A_218] : memref<320000x128xi32, #tpu.memory_space<hbm>> -> memref<80x128xi32, #tpu.memory_space<hbm>>
      tpu.wait_dma2 semaphore(%arg23 : memref<!tpu.dma_semaphore, #tpu.memory_space<semaphore_mem>>) src(%arg19 : memref<80x128xi32, #tpu.memory_space<vmem>>) dst(%dma_wait3A_219 : memref<80x128xi32, #tpu.memory_space<hbm>>)
    }
    %scan3A_7 = arith.constant 25 : i32
    return
  }
}

#map = affine_map<(d0, d1) -> (0, 0)>
#map1 = affine_map<(d0, d1) -> (0)>
module attributes {stable_mosaic.version = 14 : i64} {
  func.func @k(%arg0: i32, %arg1: i32, %arg2: memref<320000x128xf32, #tpu.memory_space<hbm>>, %arg3: memref<320000xi32, #tpu.memory_space<hbm>>, %arg4: memref<640x128xf32, #tpu.memory_space<hbm>>, %arg5: memref<20000x128xf32, #tpu.memory_space<hbm>>, %arg6: memref<40xi32, #tpu.memory_space<vmem>>, %arg7: memref<40xi32, #tpu.memory_space<vmem>>, %arg8: memref<40xi32, #tpu.memory_space<vmem>>, %arg9: memref<40xi32, #tpu.memory_space<vmem>>, %arg10: memref<40xi32, #tpu.memory_space<vmem>>, %arg11: memref<40x128xf32, #tpu.memory_space<vmem>>, %arg12: memref<40x128xf32, #tpu.memory_space<vmem>>, %arg13: memref<40x128xf32, #tpu.memory_space<vmem>>, %arg14: memref<40x128xf32, #tpu.memory_space<vmem>>, %arg15: memref<40x128xf32, #tpu.memory_space<vmem>>, %arg16: memref<10000x128xf32, #tpu.memory_space<vmem_shared>>, %arg17: memref<!tpu.dma_semaphore, #tpu.memory_space<semaphore_mem>>, %arg18: memref<!tpu.dma_semaphore, #tpu.memory_space<semaphore_mem>>, %arg19: memref<!tpu.dma_semaphore, #tpu.memory_space<semaphore_mem>>) attributes {dimension_semantics = [#tpu.dimension_semantics<core_parallel>, #tpu.dimension_semantics<subcore_parallel>], iteration_bounds = array<i64: 2, 16>, scalar_prefetch = 0 : i64, scratch_operands = 14 : i64, tpu.core_type = #tpu.core_type<sc_vector_subcore>, window_params = [{transform_indices = #map}, {transform_indices = #map1}, {transform_indices = #map}, {transform_indices = #map}]} {
    %mul3A = arith.constant 2 : i32
    %mul3A_0 = arith.muli %arg1, %mul3A : i32
    %add3A = arith.addi %mul3A_0, %arg0 : i32
    %mul3A_1 = arith.constant 10000 : i32
    %mul3A_2 = arith.muli %add3A, %mul3A_1 : i32
    %lt3A = arith.constant 15 : i32
    %lt3A_3 = arith.cmpi slt, %arg1, %lt3A : i32
    %convert_element_type3A = arith.extui %lt3A_3 : i1 to i32
    %cond3A = arith.constant 0 : i32
    %cond3A_4 = arith.cmpi ne, %convert_element_type3A, %cond3A : i32
    scf.if %cond3A_4 {
      %mul3A_36 = arith.constant 624 : i32
      %mul3A_37 = arith.muli %arg1, %mul3A_36 : i32
      "tpu.region"() ({
        %run_scoped3A = tpu.sem_alloc : memref<!tpu.dma_semaphore, #tpu.memory_space<semaphore_mem>>
        %dma_start3A = arith.constant 0 : i32
        %dma_start3A_38 = tpu.memref_slice %arg16[%mul3A_37, %dma_start3A] : memref<10000x128xf32, #tpu.memory_space<vmem_shared>> -> memref<624x128xf32, #tpu.memory_space<vmem_shared>>
        %dma_start3A_39 = arith.constant 0 : i32
        %dma_start3A_40 = arith.constant 0 : i32
        %dma_start3A_41 = tpu.memref_slice %arg4[%dma_start3A_39, %dma_start3A_40] : memref<640x128xf32, #tpu.memory_space<hbm>> -> memref<624x128xf32, #tpu.memory_space<hbm>>
        tpu.enqueue_dma source(%dma_start3A_41 : memref<624x128xf32, #tpu.memory_space<hbm>>) target(%dma_start3A_38 : memref<624x128xf32, #tpu.memory_space<vmem_shared>>) target_semaphore(%run_scoped3A : memref<!tpu.dma_semaphore, #tpu.memory_space<semaphore_mem>>)
        %dma_wait3A = arith.constant 0 : i32
        %dma_wait3A_42 = tpu.memref_slice %arg16[%mul3A_37, %dma_wait3A] : memref<10000x128xf32, #tpu.memory_space<vmem_shared>> -> memref<624x128xf32, #tpu.memory_space<vmem_shared>>
        %dma_wait3A_43 = arith.constant 0 : i32
        %dma_wait3A_44 = arith.constant 0 : i32
        %dma_wait3A_45 = tpu.memref_slice %arg4[%dma_wait3A_43, %dma_wait3A_44] : memref<640x128xf32, #tpu.memory_space<hbm>> -> memref<624x128xf32, #tpu.memory_space<hbm>>
        tpu.wait_dma2 semaphore(%run_scoped3A : memref<!tpu.dma_semaphore, #tpu.memory_space<semaphore_mem>>) src(%dma_wait3A_45 : memref<624x128xf32, #tpu.memory_space<hbm>>) dst(%dma_wait3A_42 : memref<624x128xf32, #tpu.memory_space<vmem_shared>>)
        tpu.yield
      }) : () -> ()
    } else {
    }
    %eq3A = arith.constant 15 : i32
    %eq3A_5 = arith.cmpi eq, %arg1, %eq3A : i32
    %convert_element_type3A_6 = arith.extui %eq3A_5 : i1 to i32
    %cond3A_7 = arith.constant 0 : i32
    %cond3A_8 = arith.cmpi ne, %convert_element_type3A_6, %cond3A_7 : i32
    scf.if %cond3A_8 {
      "tpu.region"() ({
        %run_scoped3A = tpu.sem_alloc : memref<!tpu.dma_semaphore, #tpu.memory_space<semaphore_mem>>
        %dma_start3A = arith.constant 9360 : i32
        %dma_start3A_36 = arith.constant 0 : i32
        %dma_start3A_37 = tpu.memref_slice %arg16[%dma_start3A, %dma_start3A_36] : memref<10000x128xf32, #tpu.memory_space<vmem_shared>> -> memref<640x128xf32, #tpu.memory_space<vmem_shared>>
        tpu.enqueue_dma source(%arg4 : memref<640x128xf32, #tpu.memory_space<hbm>>) target(%dma_start3A_37 : memref<640x128xf32, #tpu.memory_space<vmem_shared>>) target_semaphore(%run_scoped3A : memref<!tpu.dma_semaphore, #tpu.memory_space<semaphore_mem>>)
        %dma_wait3A = arith.constant 9360 : i32
        %dma_wait3A_38 = arith.constant 0 : i32
        %dma_wait3A_39 = tpu.memref_slice %arg16[%dma_wait3A, %dma_wait3A_38] : memref<10000x128xf32, #tpu.memory_space<vmem_shared>> -> memref<640x128xf32, #tpu.memory_space<vmem_shared>>
        tpu.wait_dma2 semaphore(%run_scoped3A : memref<!tpu.dma_semaphore, #tpu.memory_space<semaphore_mem>>) src(%arg4 : memref<640x128xf32, #tpu.memory_space<hbm>>) dst(%dma_wait3A_39 : memref<640x128xf32, #tpu.memory_space<vmem_shared>>)
        tpu.yield
      }) : () -> ()
    } else {
    }
    %barrier3A = arith.constant 0 : index
    tpu.barrier barrier_id(%barrier3A)
    %scan3A = arith.constant 0 : i32
    %scan3A_9 = arith.constant 0 : i32
    %scan3A_10 = arith.constant 50 : i32
    %scan3A_11 = arith.addi %scan3A_9, %scan3A_10 : i32
    %scan3A_12 = arith.constant 1 : i32
    scf.for %scan3A_36 = %scan3A_9 to %scan3A_11 step %scan3A_12  : i32 {
      %mul3A_37 = arith.constant 40 : i32
      %mul3A_38 = arith.muli %scan3A_36, %mul3A_37 : i32
      %mul3A_39 = arith.constant 5 : i32
      %mul3A_40 = arith.muli %mul3A_38, %mul3A_39 : i32
      %add3A_41 = arith.addi %mul3A_2, %mul3A_40 : i32
      %add3A_42 = arith.constant 0 : i32
      %add3A_43 = arith.addi %add3A_41, %add3A_42 : i32
      %dma_start3A = tpu.memref_slice %arg3[%add3A_43] : memref<320000xi32, #tpu.memory_space<hbm>> -> memref<40xi32, #tpu.memory_space<hbm>>
      %dma_start3A_44 = tpu.memref_slice %arg3[%add3A_43] : memref<320000xi32, #tpu.memory_space<hbm>> -> memref<40xi32, #tpu.memory_space<hbm>>
      tpu.enqueue_dma source(%dma_start3A_44 : memref<40xi32, #tpu.memory_space<hbm>>) target(%arg6 : memref<40xi32, #tpu.memory_space<vmem>>) target_semaphore(%arg17 : memref<!tpu.dma_semaphore, #tpu.memory_space<semaphore_mem>>)
      %add3A_45 = arith.constant 0 : i32
      %add3A_46 = arith.addi %add3A_41, %add3A_45 : i32
      %dma_start3A_47 = arith.constant 0 : i32
      %dma_start3A_48 = tpu.memref_slice %arg2[%add3A_46, %dma_start3A_47] : memref<320000x128xf32, #tpu.memory_space<hbm>> -> memref<40x128xf32, #tpu.memory_space<hbm>>
      %dma_start3A_49 = arith.constant 0 : i32
      %dma_start3A_50 = tpu.memref_slice %arg2[%add3A_46, %dma_start3A_49] : memref<320000x128xf32, #tpu.memory_space<hbm>> -> memref<40x128xf32, #tpu.memory_space<hbm>>
      tpu.enqueue_dma source(%dma_start3A_50 : memref<40x128xf32, #tpu.memory_space<hbm>>) target(%arg11 : memref<40x128xf32, #tpu.memory_space<vmem>>) target_semaphore(%arg18 : memref<!tpu.dma_semaphore, #tpu.memory_space<semaphore_mem>>)
      %add3A_51 = arith.constant 40 : i32
      %add3A_52 = arith.addi %add3A_41, %add3A_51 : i32
      %dma_start3A_53 = tpu.memref_slice %arg3[%add3A_52] : memref<320000xi32, #tpu.memory_space<hbm>> -> memref<40xi32, #tpu.memory_space<hbm>>
      %dma_start3A_54 = tpu.memref_slice %arg3[%add3A_52] : memref<320000xi32, #tpu.memory_space<hbm>> -> memref<40xi32, #tpu.memory_space<hbm>>
      tpu.enqueue_dma source(%dma_start3A_54 : memref<40xi32, #tpu.memory_space<hbm>>) target(%arg7 : memref<40xi32, #tpu.memory_space<vmem>>) target_semaphore(%arg17 : memref<!tpu.dma_semaphore, #tpu.memory_space<semaphore_mem>>)
      %add3A_55 = arith.constant 40 : i32
      %add3A_56 = arith.addi %add3A_41, %add3A_55 : i32
      %dma_start3A_57 = arith.constant 0 : i32
      %dma_start3A_58 = tpu.memref_slice %arg2[%add3A_56, %dma_start3A_57] : memref<320000x128xf32, #tpu.memory_space<hbm>> -> memref<40x128xf32, #tpu.memory_space<hbm>>
      %dma_start3A_59 = arith.constant 0 : i32
      %dma_start3A_60 = tpu.memref_slice %arg2[%add3A_56, %dma_start3A_59] : memref<320000x128xf32, #tpu.memory_space<hbm>> -> memref<40x128xf32, #tpu.memory_space<hbm>>
      tpu.enqueue_dma source(%dma_start3A_60 : memref<40x128xf32, #tpu.memory_space<hbm>>) target(%arg12 : memref<40x128xf32, #tpu.memory_space<vmem>>) target_semaphore(%arg18 : memref<!tpu.dma_semaphore, #tpu.memory_space<semaphore_mem>>)
      %add3A_61 = arith.constant 80 : i32
      %add3A_62 = arith.addi %add3A_41, %add3A_61 : i32
      %dma_start3A_63 = tpu.memref_slice %arg3[%add3A_62] : memref<320000xi32, #tpu.memory_space<hbm>> -> memref<40xi32, #tpu.memory_space<hbm>>
      %dma_start3A_64 = tpu.memref_slice %arg3[%add3A_62] : memref<320000xi32, #tpu.memory_space<hbm>> -> memref<40xi32, #tpu.memory_space<hbm>>
      tpu.enqueue_dma source(%dma_start3A_64 : memref<40xi32, #tpu.memory_space<hbm>>) target(%arg8 : memref<40xi32, #tpu.memory_space<vmem>>) target_semaphore(%arg17 : memref<!tpu.dma_semaphore, #tpu.memory_space<semaphore_mem>>)
      %add3A_65 = arith.constant 80 : i32
      %add3A_66 = arith.addi %add3A_41, %add3A_65 : i32
      %dma_start3A_67 = arith.constant 0 : i32
      %dma_start3A_68 = tpu.memref_slice %arg2[%add3A_66, %dma_start3A_67] : memref<320000x128xf32, #tpu.memory_space<hbm>> -> memref<40x128xf32, #tpu.memory_space<hbm>>
      %dma_start3A_69 = arith.constant 0 : i32
      %dma_start3A_70 = tpu.memref_slice %arg2[%add3A_66, %dma_start3A_69] : memref<320000x128xf32, #tpu.memory_space<hbm>> -> memref<40x128xf32, #tpu.memory_space<hbm>>
      tpu.enqueue_dma source(%dma_start3A_70 : memref<40x128xf32, #tpu.memory_space<hbm>>) target(%arg13 : memref<40x128xf32, #tpu.memory_space<vmem>>) target_semaphore(%arg18 : memref<!tpu.dma_semaphore, #tpu.memory_space<semaphore_mem>>)
      %add3A_71 = arith.constant 120 : i32
      %add3A_72 = arith.addi %add3A_41, %add3A_71 : i32
      %dma_start3A_73 = tpu.memref_slice %arg3[%add3A_72] : memref<320000xi32, #tpu.memory_space<hbm>> -> memref<40xi32, #tpu.memory_space<hbm>>
      %dma_start3A_74 = tpu.memref_slice %arg3[%add3A_72] : memref<320000xi32, #tpu.memory_space<hbm>> -> memref<40xi32, #tpu.memory_space<hbm>>
      tpu.enqueue_dma source(%dma_start3A_74 : memref<40xi32, #tpu.memory_space<hbm>>) target(%arg9 : memref<40xi32, #tpu.memory_space<vmem>>) target_semaphore(%arg17 : memref<!tpu.dma_semaphore, #tpu.memory_space<semaphore_mem>>)
      %add3A_75 = arith.constant 120 : i32
      %add3A_76 = arith.addi %add3A_41, %add3A_75 : i32
      %dma_start3A_77 = arith.constant 0 : i32
      %dma_start3A_78 = tpu.memref_slice %arg2[%add3A_76, %dma_start3A_77] : memref<320000x128xf32, #tpu.memory_space<hbm>> -> memref<40x128xf32, #tpu.memory_space<hbm>>
      %dma_start3A_79 = arith.constant 0 : i32
      %dma_start3A_80 = tpu.memref_slice %arg2[%add3A_76, %dma_start3A_79] : memref<320000x128xf32, #tpu.memory_space<hbm>> -> memref<40x128xf32, #tpu.memory_space<hbm>>
      tpu.enqueue_dma source(%dma_start3A_80 : memref<40x128xf32, #tpu.memory_space<hbm>>) target(%arg14 : memref<40x128xf32, #tpu.memory_space<vmem>>) target_semaphore(%arg18 : memref<!tpu.dma_semaphore, #tpu.memory_space<semaphore_mem>>)
      %add3A_81 = arith.constant 160 : i32
      %add3A_82 = arith.addi %add3A_41, %add3A_81 : i32
      %dma_start3A_83 = tpu.memref_slice %arg3[%add3A_82] : memref<320000xi32, #tpu.memory_space<hbm>> -> memref<40xi32, #tpu.memory_space<hbm>>
      %dma_start3A_84 = tpu.memref_slice %arg3[%add3A_82] : memref<320000xi32, #tpu.memory_space<hbm>> -> memref<40xi32, #tpu.memory_space<hbm>>
      tpu.enqueue_dma source(%dma_start3A_84 : memref<40xi32, #tpu.memory_space<hbm>>) target(%arg10 : memref<40xi32, #tpu.memory_space<vmem>>) target_semaphore(%arg17 : memref<!tpu.dma_semaphore, #tpu.memory_space<semaphore_mem>>)
      %add3A_85 = arith.constant 160 : i32
      %add3A_86 = arith.addi %add3A_41, %add3A_85 : i32
      %dma_start3A_87 = arith.constant 0 : i32
      %dma_start3A_88 = tpu.memref_slice %arg2[%add3A_86, %dma_start3A_87] : memref<320000x128xf32, #tpu.memory_space<hbm>> -> memref<40x128xf32, #tpu.memory_space<hbm>>
      %dma_start3A_89 = arith.constant 0 : i32
      %dma_start3A_90 = tpu.memref_slice %arg2[%add3A_86, %dma_start3A_89] : memref<320000x128xf32, #tpu.memory_space<hbm>> -> memref<40x128xf32, #tpu.memory_space<hbm>>
      tpu.enqueue_dma source(%dma_start3A_90 : memref<40x128xf32, #tpu.memory_space<hbm>>) target(%arg15 : memref<40x128xf32, #tpu.memory_space<vmem>>) target_semaphore(%arg18 : memref<!tpu.dma_semaphore, #tpu.memory_space<semaphore_mem>>)
      %dma_wait3A = tpu.memref_slice %arg3[%add3A_43] : memref<320000xi32, #tpu.memory_space<hbm>> -> memref<40xi32, #tpu.memory_space<hbm>>
      %dma_wait3A_91 = tpu.memref_slice %arg3[%add3A_43] : memref<320000xi32, #tpu.memory_space<hbm>> -> memref<40xi32, #tpu.memory_space<hbm>>
      tpu.wait_dma2 semaphore(%arg17 : memref<!tpu.dma_semaphore, #tpu.memory_space<semaphore_mem>>) src(%dma_wait3A_91 : memref<40xi32, #tpu.memory_space<hbm>>) dst(%arg6 : memref<40xi32, #tpu.memory_space<vmem>>)
      %dma_wait3A_92 = arith.constant 0 : i32
      %dma_wait3A_93 = tpu.memref_slice %arg2[%add3A_46, %dma_wait3A_92] : memref<320000x128xf32, #tpu.memory_space<hbm>> -> memref<40x128xf32, #tpu.memory_space<hbm>>
      %dma_wait3A_94 = arith.constant 0 : i32
      %dma_wait3A_95 = tpu.memref_slice %arg2[%add3A_46, %dma_wait3A_94] : memref<320000x128xf32, #tpu.memory_space<hbm>> -> memref<40x128xf32, #tpu.memory_space<hbm>>
      tpu.wait_dma2 semaphore(%arg18 : memref<!tpu.dma_semaphore, #tpu.memory_space<semaphore_mem>>) src(%dma_wait3A_95 : memref<40x128xf32, #tpu.memory_space<hbm>>) dst(%arg11 : memref<40x128xf32, #tpu.memory_space<vmem>>)
      %dma_start3A_96 = arith.constant 0 : i32
      %dma_start3A_97 = arith.constant 0 : i32
      %dma_start3A_98 = tpu.memref_slice %arg16[%dma_start3A_96, %dma_start3A_97] : memref<10000x128xf32, #tpu.memory_space<vmem_shared>> -> memref<10000x128xf32, #tpu.memory_space<vmem_shared>>
      tpu.enqueue_indirect_dma source(%arg11 : memref<40x128xf32, #tpu.memory_space<vmem>>) target(%dma_start3A_98 : memref<10000x128xf32, #tpu.memory_space<vmem_shared>>) offsets(%arg6 : memref<40xi32, #tpu.memory_space<vmem>>) semaphore(%arg19 : memref<!tpu.dma_semaphore, #tpu.memory_space<semaphore_mem>>) {add = true}
      %dma_wait3A_99 = tpu.memref_slice %arg3[%add3A_52] : memref<320000xi32, #tpu.memory_space<hbm>> -> memref<40xi32, #tpu.memory_space<hbm>>
      %dma_wait3A_100 = tpu.memref_slice %arg3[%add3A_52] : memref<320000xi32, #tpu.memory_space<hbm>> -> memref<40xi32, #tpu.memory_space<hbm>>
      tpu.wait_dma2 semaphore(%arg17 : memref<!tpu.dma_semaphore, #tpu.memory_space<semaphore_mem>>) src(%dma_wait3A_100 : memref<40xi32, #tpu.memory_space<hbm>>) dst(%arg7 : memref<40xi32, #tpu.memory_space<vmem>>)
      %dma_wait3A_101 = arith.constant 0 : i32
      %dma_wait3A_102 = tpu.memref_slice %arg2[%add3A_56, %dma_wait3A_101] : memref<320000x128xf32, #tpu.memory_space<hbm>> -> memref<40x128xf32, #tpu.memory_space<hbm>>
      %dma_wait3A_103 = arith.constant 0 : i32
      %dma_wait3A_104 = tpu.memref_slice %arg2[%add3A_56, %dma_wait3A_103] : memref<320000x128xf32, #tpu.memory_space<hbm>> -> memref<40x128xf32, #tpu.memory_space<hbm>>
      tpu.wait_dma2 semaphore(%arg18 : memref<!tpu.dma_semaphore, #tpu.memory_space<semaphore_mem>>) src(%dma_wait3A_104 : memref<40x128xf32, #tpu.memory_space<hbm>>) dst(%arg12 : memref<40x128xf32, #tpu.memory_space<vmem>>)
      %dma_start3A_105 = arith.constant 0 : i32
      %dma_start3A_106 = arith.constant 0 : i32
      %dma_start3A_107 = tpu.memref_slice %arg16[%dma_start3A_105, %dma_start3A_106] : memref<10000x128xf32, #tpu.memory_space<vmem_shared>> -> memref<10000x128xf32, #tpu.memory_space<vmem_shared>>
      tpu.enqueue_indirect_dma source(%arg12 : memref<40x128xf32, #tpu.memory_space<vmem>>) target(%dma_start3A_107 : memref<10000x128xf32, #tpu.memory_space<vmem_shared>>) offsets(%arg7 : memref<40xi32, #tpu.memory_space<vmem>>) semaphore(%arg19 : memref<!tpu.dma_semaphore, #tpu.memory_space<semaphore_mem>>) {add = true}
      %dma_wait3A_108 = tpu.memref_slice %arg3[%add3A_62] : memref<320000xi32, #tpu.memory_space<hbm>> -> memref<40xi32, #tpu.memory_space<hbm>>
      %dma_wait3A_109 = tpu.memref_slice %arg3[%add3A_62] : memref<320000xi32, #tpu.memory_space<hbm>> -> memref<40xi32, #tpu.memory_space<hbm>>
      tpu.wait_dma2 semaphore(%arg17 : memref<!tpu.dma_semaphore, #tpu.memory_space<semaphore_mem>>) src(%dma_wait3A_109 : memref<40xi32, #tpu.memory_space<hbm>>) dst(%arg8 : memref<40xi32, #tpu.memory_space<vmem>>)
      %dma_wait3A_110 = arith.constant 0 : i32
      %dma_wait3A_111 = tpu.memref_slice %arg2[%add3A_66, %dma_wait3A_110] : memref<320000x128xf32, #tpu.memory_space<hbm>> -> memref<40x128xf32, #tpu.memory_space<hbm>>
      %dma_wait3A_112 = arith.constant 0 : i32
      %dma_wait3A_113 = tpu.memref_slice %arg2[%add3A_66, %dma_wait3A_112] : memref<320000x128xf32, #tpu.memory_space<hbm>> -> memref<40x128xf32, #tpu.memory_space<hbm>>
      tpu.wait_dma2 semaphore(%arg18 : memref<!tpu.dma_semaphore, #tpu.memory_space<semaphore_mem>>) src(%dma_wait3A_113 : memref<40x128xf32, #tpu.memory_space<hbm>>) dst(%arg13 : memref<40x128xf32, #tpu.memory_space<vmem>>)
      %dma_start3A_114 = arith.constant 0 : i32
      %dma_start3A_115 = arith.constant 0 : i32
      %dma_start3A_116 = tpu.memref_slice %arg16[%dma_start3A_114, %dma_start3A_115] : memref<10000x128xf32, #tpu.memory_space<vmem_shared>> -> memref<10000x128xf32, #tpu.memory_space<vmem_shared>>
      tpu.enqueue_indirect_dma source(%arg13 : memref<40x128xf32, #tpu.memory_space<vmem>>) target(%dma_start3A_116 : memref<10000x128xf32, #tpu.memory_space<vmem_shared>>) offsets(%arg8 : memref<40xi32, #tpu.memory_space<vmem>>) semaphore(%arg19 : memref<!tpu.dma_semaphore, #tpu.memory_space<semaphore_mem>>) {add = true}
      %dma_wait3A_117 = tpu.memref_slice %arg3[%add3A_72] : memref<320000xi32, #tpu.memory_space<hbm>> -> memref<40xi32, #tpu.memory_space<hbm>>
      %dma_wait3A_118 = tpu.memref_slice %arg3[%add3A_72] : memref<320000xi32, #tpu.memory_space<hbm>> -> memref<40xi32, #tpu.memory_space<hbm>>
      tpu.wait_dma2 semaphore(%arg17 : memref<!tpu.dma_semaphore, #tpu.memory_space<semaphore_mem>>) src(%dma_wait3A_118 : memref<40xi32, #tpu.memory_space<hbm>>) dst(%arg9 : memref<40xi32, #tpu.memory_space<vmem>>)
      %dma_wait3A_119 = arith.constant 0 : i32
      %dma_wait3A_120 = tpu.memref_slice %arg2[%add3A_76, %dma_wait3A_119] : memref<320000x128xf32, #tpu.memory_space<hbm>> -> memref<40x128xf32, #tpu.memory_space<hbm>>
      %dma_wait3A_121 = arith.constant 0 : i32
      %dma_wait3A_122 = tpu.memref_slice %arg2[%add3A_76, %dma_wait3A_121] : memref<320000x128xf32, #tpu.memory_space<hbm>> -> memref<40x128xf32, #tpu.memory_space<hbm>>
      tpu.wait_dma2 semaphore(%arg18 : memref<!tpu.dma_semaphore, #tpu.memory_space<semaphore_mem>>) src(%dma_wait3A_122 : memref<40x128xf32, #tpu.memory_space<hbm>>) dst(%arg14 : memref<40x128xf32, #tpu.memory_space<vmem>>)
      %dma_start3A_123 = arith.constant 0 : i32
      %dma_start3A_124 = arith.constant 0 : i32
      %dma_start3A_125 = tpu.memref_slice %arg16[%dma_start3A_123, %dma_start3A_124] : memref<10000x128xf32, #tpu.memory_space<vmem_shared>> -> memref<10000x128xf32, #tpu.memory_space<vmem_shared>>
      tpu.enqueue_indirect_dma source(%arg14 : memref<40x128xf32, #tpu.memory_space<vmem>>) target(%dma_start3A_125 : memref<10000x128xf32, #tpu.memory_space<vmem_shared>>) offsets(%arg9 : memref<40xi32, #tpu.memory_space<vmem>>) semaphore(%arg19 : memref<!tpu.dma_semaphore, #tpu.memory_space<semaphore_mem>>) {add = true}
      %dma_wait3A_126 = tpu.memref_slice %arg3[%add3A_82] : memref<320000xi32, #tpu.memory_space<hbm>> -> memref<40xi32, #tpu.memory_space<hbm>>
      %dma_wait3A_127 = tpu.memref_slice %arg3[%add3A_82] : memref<320000xi32, #tpu.memory_space<hbm>> -> memref<40xi32, #tpu.memory_space<hbm>>
      tpu.wait_dma2 semaphore(%arg17 : memref<!tpu.dma_semaphore, #tpu.memory_space<semaphore_mem>>) src(%dma_wait3A_127 : memref<40xi32, #tpu.memory_space<hbm>>) dst(%arg10 : memref<40xi32, #tpu.memory_space<vmem>>)
      %dma_wait3A_128 = arith.constant 0 : i32
      %dma_wait3A_129 = tpu.memref_slice %arg2[%add3A_86, %dma_wait3A_128] : memref<320000x128xf32, #tpu.memory_space<hbm>> -> memref<40x128xf32, #tpu.memory_space<hbm>>
      %dma_wait3A_130 = arith.constant 0 : i32
      %dma_wait3A_131 = tpu.memref_slice %arg2[%add3A_86, %dma_wait3A_130] : memref<320000x128xf32, #tpu.memory_space<hbm>> -> memref<40x128xf32, #tpu.memory_space<hbm>>
      tpu.wait_dma2 semaphore(%arg18 : memref<!tpu.dma_semaphore, #tpu.memory_space<semaphore_mem>>) src(%dma_wait3A_131 : memref<40x128xf32, #tpu.memory_space<hbm>>) dst(%arg15 : memref<40x128xf32, #tpu.memory_space<vmem>>)
      %dma_start3A_132 = arith.constant 0 : i32
      %dma_start3A_133 = arith.constant 0 : i32
      %dma_start3A_134 = tpu.memref_slice %arg16[%dma_start3A_132, %dma_start3A_133] : memref<10000x128xf32, #tpu.memory_space<vmem_shared>> -> memref<10000x128xf32, #tpu.memory_space<vmem_shared>>
      tpu.enqueue_indirect_dma source(%arg15 : memref<40x128xf32, #tpu.memory_space<vmem>>) target(%dma_start3A_134 : memref<10000x128xf32, #tpu.memory_space<vmem_shared>>) offsets(%arg10 : memref<40xi32, #tpu.memory_space<vmem>>) semaphore(%arg19 : memref<!tpu.dma_semaphore, #tpu.memory_space<semaphore_mem>>) {add = true}
      %dma_wait3A_135 = arith.constant 0 : i32
      %dma_wait3A_136 = arith.constant 0 : i32
      %dma_wait3A_137 = tpu.memref_slice %arg16[%dma_wait3A_135, %dma_wait3A_136] : memref<10000x128xf32, #tpu.memory_space<vmem_shared>> -> memref<10000x128xf32, #tpu.memory_space<vmem_shared>>
      tpu.wait_indirect_dma semaphore(%arg19 : memref<!tpu.dma_semaphore, #tpu.memory_space<semaphore_mem>>) src(%arg11 : memref<40x128xf32, #tpu.memory_space<vmem>>) dst(%dma_wait3A_137 : memref<10000x128xf32, #tpu.memory_space<vmem_shared>>)
      %dma_wait3A_138 = arith.constant 0 : i32
      %dma_wait3A_139 = arith.constant 0 : i32
      %dma_wait3A_140 = tpu.memref_slice %arg16[%dma_wait3A_138, %dma_wait3A_139] : memref<10000x128xf32, #tpu.memory_space<vmem_shared>> -> memref<10000x128xf32, #tpu.memory_space<vmem_shared>>
      tpu.wait_indirect_dma semaphore(%arg19 : memref<!tpu.dma_semaphore, #tpu.memory_space<semaphore_mem>>) src(%arg12 : memref<40x128xf32, #tpu.memory_space<vmem>>) dst(%dma_wait3A_140 : memref<10000x128xf32, #tpu.memory_space<vmem_shared>>)
      %dma_wait3A_141 = arith.constant 0 : i32
      %dma_wait3A_142 = arith.constant 0 : i32
      %dma_wait3A_143 = tpu.memref_slice %arg16[%dma_wait3A_141, %dma_wait3A_142] : memref<10000x128xf32, #tpu.memory_space<vmem_shared>> -> memref<10000x128xf32, #tpu.memory_space<vmem_shared>>
      tpu.wait_indirect_dma semaphore(%arg19 : memref<!tpu.dma_semaphore, #tpu.memory_space<semaphore_mem>>) src(%arg13 : memref<40x128xf32, #tpu.memory_space<vmem>>) dst(%dma_wait3A_143 : memref<10000x128xf32, #tpu.memory_space<vmem_shared>>)
      %dma_wait3A_144 = arith.constant 0 : i32
      %dma_wait3A_145 = arith.constant 0 : i32
      %dma_wait3A_146 = tpu.memref_slice %arg16[%dma_wait3A_144, %dma_wait3A_145] : memref<10000x128xf32, #tpu.memory_space<vmem_shared>> -> memref<10000x128xf32, #tpu.memory_space<vmem_shared>>
      tpu.wait_indirect_dma semaphore(%arg19 : memref<!tpu.dma_semaphore, #tpu.memory_space<semaphore_mem>>) src(%arg14 : memref<40x128xf32, #tpu.memory_space<vmem>>) dst(%dma_wait3A_146 : memref<10000x128xf32, #tpu.memory_space<vmem_shared>>)
      %dma_wait3A_147 = arith.constant 0 : i32
      %dma_wait3A_148 = arith.constant 0 : i32
      %dma_wait3A_149 = tpu.memref_slice %arg16[%dma_wait3A_147, %dma_wait3A_148] : memref<10000x128xf32, #tpu.memory_space<vmem_shared>> -> memref<10000x128xf32, #tpu.memory_space<vmem_shared>>
      tpu.wait_indirect_dma semaphore(%arg19 : memref<!tpu.dma_semaphore, #tpu.memory_space<semaphore_mem>>) src(%arg15 : memref<40x128xf32, #tpu.memory_space<vmem>>) dst(%dma_wait3A_149 : memref<10000x128xf32, #tpu.memory_space<vmem_shared>>)
    }
    %scan3A_13 = arith.constant 50 : i32
    %barrier3A_14 = arith.constant 0 : index
    tpu.barrier barrier_id(%barrier3A_14)
    %mul3A_15 = arith.constant 624 : i32
    %mul3A_16 = arith.muli %arg1, %mul3A_15 : i32
    %mul3A_17 = arith.constant 10000 : i32
    %mul3A_18 = arith.muli %arg0, %mul3A_17 : i32
    %mul3A_19 = arith.constant 624 : i32
    %mul3A_20 = arith.muli %arg1, %mul3A_19 : i32
    %add3A_21 = arith.addi %mul3A_18, %mul3A_20 : i32
    %mul3A_22 = arith.constant 10000 : i32
    %mul3A_23 = arith.muli %arg0, %mul3A_22 : i32
    %add3A_24 = arith.constant 9360 : i32
    %add3A_25 = arith.addi %mul3A_23, %add3A_24 : i32
    %lt3A_26 = arith.constant 15 : i32
    %lt3A_27 = arith.cmpi slt, %arg1, %lt3A_26 : i32
    %convert_element_type3A_28 = arith.extui %lt3A_27 : i1 to i32
    %cond3A_29 = arith.constant 0 : i32
    %cond3A_30 = arith.cmpi ne, %convert_element_type3A_28, %cond3A_29 : i32
    scf.if %cond3A_30 {
      "tpu.region"() ({
        %run_scoped3A = tpu.sem_alloc : memref<!tpu.dma_semaphore, #tpu.memory_space<semaphore_mem>>
        %dma_start3A = arith.constant 0 : i32
        %dma_start3A_36 = tpu.memref_slice %arg5[%add3A_21, %dma_start3A] : memref<20000x128xf32, #tpu.memory_space<hbm>> -> memref<624x128xf32, #tpu.memory_space<hbm>>
        %dma_start3A_37 = arith.constant 0 : i32
        %dma_start3A_38 = tpu.memref_slice %arg16[%mul3A_16, %dma_start3A_37] : memref<10000x128xf32, #tpu.memory_space<vmem_shared>> -> memref<624x128xf32, #tpu.memory_space<vmem_shared>>
        tpu.enqueue_dma source(%dma_start3A_38 : memref<624x128xf32, #tpu.memory_space<vmem_shared>>) target(%dma_start3A_36 : memref<624x128xf32, #tpu.memory_space<hbm>>) target_semaphore(%run_scoped3A : memref<!tpu.dma_semaphore, #tpu.memory_space<semaphore_mem>>)
        %dma_wait3A = arith.constant 0 : i32
        %dma_wait3A_39 = tpu.memref_slice %arg5[%add3A_21, %dma_wait3A] : memref<20000x128xf32, #tpu.memory_space<hbm>> -> memref<624x128xf32, #tpu.memory_space<hbm>>
        %dma_wait3A_40 = arith.constant 0 : i32
        %dma_wait3A_41 = tpu.memref_slice %arg16[%mul3A_16, %dma_wait3A_40] : memref<10000x128xf32, #tpu.memory_space<vmem_shared>> -> memref<624x128xf32, #tpu.memory_space<vmem_shared>>
        tpu.wait_dma2 semaphore(%run_scoped3A : memref<!tpu.dma_semaphore, #tpu.memory_space<semaphore_mem>>) src(%dma_wait3A_41 : memref<624x128xf32, #tpu.memory_space<vmem_shared>>) dst(%dma_wait3A_39 : memref<624x128xf32, #tpu.memory_space<hbm>>)
        tpu.yield
      }) : () -> ()
    } else {
    }
    %eq3A_31 = arith.constant 15 : i32
    %eq3A_32 = arith.cmpi eq, %arg1, %eq3A_31 : i32
    %convert_element_type3A_33 = arith.extui %eq3A_32 : i1 to i32
    %cond3A_34 = arith.constant 0 : i32
    %cond3A_35 = arith.cmpi ne, %convert_element_type3A_33, %cond3A_34 : i32
    scf.if %cond3A_35 {
      "tpu.region"() ({
        %run_scoped3A = tpu.sem_alloc : memref<!tpu.dma_semaphore, #tpu.memory_space<semaphore_mem>>
        %dma_start3A = arith.constant 0 : i32
        %dma_start3A_36 = tpu.memref_slice %arg5[%add3A_25, %dma_start3A] : memref<20000x128xf32, #tpu.memory_space<hbm>> -> memref<640x128xf32, #tpu.memory_space<hbm>>
        %dma_start3A_37 = arith.constant 9360 : i32
        %dma_start3A_38 = arith.constant 0 : i32
        %dma_start3A_39 = tpu.memref_slice %arg16[%dma_start3A_37, %dma_start3A_38] : memref<10000x128xf32, #tpu.memory_space<vmem_shared>> -> memref<640x128xf32, #tpu.memory_space<vmem_shared>>
        tpu.enqueue_dma source(%dma_start3A_39 : memref<640x128xf32, #tpu.memory_space<vmem_shared>>) target(%dma_start3A_36 : memref<640x128xf32, #tpu.memory_space<hbm>>) target_semaphore(%run_scoped3A : memref<!tpu.dma_semaphore, #tpu.memory_space<semaphore_mem>>)
        %dma_wait3A = arith.constant 0 : i32
        %dma_wait3A_40 = tpu.memref_slice %arg5[%add3A_25, %dma_wait3A] : memref<20000x128xf32, #tpu.memory_space<hbm>> -> memref<640x128xf32, #tpu.memory_space<hbm>>
        %dma_wait3A_41 = arith.constant 9360 : i32
        %dma_wait3A_42 = arith.constant 0 : i32
        %dma_wait3A_43 = tpu.memref_slice %arg16[%dma_wait3A_41, %dma_wait3A_42] : memref<10000x128xf32, #tpu.memory_space<vmem_shared>> -> memref<640x128xf32, #tpu.memory_space<vmem_shared>>
        tpu.wait_dma2 semaphore(%run_scoped3A : memref<!tpu.dma_semaphore, #tpu.memory_space<semaphore_mem>>) src(%dma_wait3A_43 : memref<640x128xf32, #tpu.memory_space<vmem_shared>>) dst(%dma_wait3A_40 : memref<640x128xf32, #tpu.memory_space<hbm>>)
        tpu.yield
      }) : () -> ()
    } else {
    }
    return
  }
}

#map = affine_map<(d0, d1) -> (0, 0)>
#map1 = affine_map<(d0, d1) -> (0)>
module attributes {stable_mosaic.version = 14 : i64} {
  func.func @k(%arg0: i32, %arg1: i32, %arg2: memref<10000x128xi32, #tpu.memory_space<hbm>>, %arg3: memref<10000x128xi32, #tpu.memory_space<hbm>>, %arg4: memref<320000xi32, #tpu.memory_space<hbm>>, %arg5: memref<320000xi32, #tpu.memory_space<hbm>>, %arg6: memref<320000x128xi32, #tpu.memory_space<hbm>>, %arg7: memref<320000x128xi32, #tpu.memory_space<hbm>>, %arg8: memref<400xi32, #tpu.memory_space<vmem>>, %arg9: memref<400xi32, #tpu.memory_space<vmem>>, %arg10: memref<80x128xi32, #tpu.memory_space<vmem>>, %arg11: memref<80x128xi32, #tpu.memory_space<vmem>>, %arg12: memref<80x128xi32, #tpu.memory_space<vmem>>, %arg13: memref<80x128xi32, #tpu.memory_space<vmem>>, %arg14: memref<80x128xi32, #tpu.memory_space<vmem>>, %arg15: memref<80x128xi32, #tpu.memory_space<vmem>>, %arg16: memref<80x128xi32, #tpu.memory_space<vmem>>, %arg17: memref<80x128xi32, #tpu.memory_space<vmem>>, %arg18: memref<80x128xi32, #tpu.memory_space<vmem>>, %arg19: memref<80x128xi32, #tpu.memory_space<vmem>>, %arg20: memref<!tpu.dma_semaphore, #tpu.memory_space<semaphore_mem>>, %arg21: memref<!tpu.dma_semaphore, #tpu.memory_space<semaphore_mem>>, %arg22: memref<!tpu.dma_semaphore, #tpu.memory_space<semaphore_mem>>, %arg23: memref<!tpu.dma_semaphore, #tpu.memory_space<semaphore_mem>>) attributes {dimension_semantics = [#tpu.dimension_semantics<core_parallel>, #tpu.dimension_semantics<subcore_parallel>], iteration_bounds = array<i64: 2, 16>, scalar_prefetch = 0 : i64, scratch_operands = 16 : i64, tpu.core_type = #tpu.core_type<sc_vector_subcore>, window_params = [{transform_indices = #map}, {transform_indices = #map}, {transform_indices = #map1}, {transform_indices = #map1}, {transform_indices = #map}, {transform_indices = #map}]} {
    %mul3A = arith.constant 2 : i32
    %mul3A_0 = arith.muli %arg1, %mul3A : i32
    %add3A = arith.addi %mul3A_0, %arg0 : i32
    %mul3A_1 = arith.constant 10000 : i32
    %mul3A_2 = arith.muli %add3A, %mul3A_1 : i32
    %scan3A = arith.constant 0 : i32
    %scan3A_3 = arith.constant 0 : i32
    %scan3A_4 = arith.constant 25 : i32
    %scan3A_5 = arith.addi %scan3A_3, %scan3A_4 : i32
    %scan3A_6 = arith.constant 1 : i32
    scf.for %scan3A_8 = %scan3A_3 to %scan3A_5 step %scan3A_6  : i32 {
      %mul3A_9 = arith.constant 80 : i32
      %mul3A_10 = arith.muli %scan3A_8, %mul3A_9 : i32
      %mul3A_11 = arith.constant 5 : i32
      %mul3A_12 = arith.muli %mul3A_10, %mul3A_11 : i32
      %add3A_13 = arith.addi %mul3A_2, %mul3A_12 : i32
      %dma_start3A = tpu.memref_slice %arg4[%add3A_13] : memref<320000xi32, #tpu.memory_space<hbm>> -> memref<400xi32, #tpu.memory_space<hbm>>
      %dma_start3A_14 = tpu.memref_slice %arg4[%add3A_13] : memref<320000xi32, #tpu.memory_space<hbm>> -> memref<400xi32, #tpu.memory_space<hbm>>
      tpu.enqueue_dma source(%dma_start3A_14 : memref<400xi32, #tpu.memory_space<hbm>>) target(%arg8 : memref<400xi32, #tpu.memory_space<vmem>>) target_semaphore(%arg20 : memref<!tpu.dma_semaphore, #tpu.memory_space<semaphore_mem>>)
      %dma_start3A_15 = tpu.memref_slice %arg5[%add3A_13] : memref<320000xi32, #tpu.memory_space<hbm>> -> memref<400xi32, #tpu.memory_space<hbm>>
      %dma_start3A_16 = tpu.memref_slice %arg5[%add3A_13] : memref<320000xi32, #tpu.memory_space<hbm>> -> memref<400xi32, #tpu.memory_space<hbm>>
      tpu.enqueue_dma source(%dma_start3A_16 : memref<400xi32, #tpu.memory_space<hbm>>) target(%arg9 : memref<400xi32, #tpu.memory_space<vmem>>) target_semaphore(%arg21 : memref<!tpu.dma_semaphore, #tpu.memory_space<semaphore_mem>>)
      %dma_wait3A = tpu.memref_slice %arg4[%add3A_13] : memref<320000xi32, #tpu.memory_space<hbm>> -> memref<400xi32, #tpu.memory_space<hbm>>
      %dma_wait3A_17 = tpu.memref_slice %arg4[%add3A_13] : memref<320000xi32, #tpu.memory_space<hbm>> -> memref<400xi32, #tpu.memory_space<hbm>>
      tpu.wait_dma2 semaphore(%arg20 : memref<!tpu.dma_semaphore, #tpu.memory_space<semaphore_mem>>) src(%dma_wait3A_17 : memref<400xi32, #tpu.memory_space<hbm>>) dst(%arg8 : memref<400xi32, #tpu.memory_space<vmem>>)
      %dma_wait3A_18 = tpu.memref_slice %arg5[%add3A_13] : memref<320000xi32, #tpu.memory_space<hbm>> -> memref<400xi32, #tpu.memory_space<hbm>>
      %dma_wait3A_19 = tpu.memref_slice %arg5[%add3A_13] : memref<320000xi32, #tpu.memory_space<hbm>> -> memref<400xi32, #tpu.memory_space<hbm>>
      tpu.wait_dma2 semaphore(%arg21 : memref<!tpu.dma_semaphore, #tpu.memory_space<semaphore_mem>>) src(%dma_wait3A_19 : memref<400xi32, #tpu.memory_space<hbm>>) dst(%arg9 : memref<400xi32, #tpu.memory_space<vmem>>)
      %dma_start3A_20 = arith.constant 0 : i32
      %dma_start3A_21 = tpu.memref_slice %arg8[%dma_start3A_20] : memref<400xi32, #tpu.memory_space<vmem>> -> memref<80xi32, #tpu.memory_space<vmem>>
      %dma_start3A_22 = arith.constant 0 : i32
      %dma_start3A_23 = arith.constant 0 : i32
      %dma_start3A_24 = tpu.memref_slice %arg2[%dma_start3A_22, %dma_start3A_23] : memref<10000x128xi32, #tpu.memory_space<hbm>> -> memref<10000x128xi32, #tpu.memory_space<hbm>>
      tpu.enqueue_indirect_dma source(%dma_start3A_24 : memref<10000x128xi32, #tpu.memory_space<hbm>>) target(%arg10 : memref<80x128xi32, #tpu.memory_space<vmem>>) offsets(%dma_start3A_21 : memref<80xi32, #tpu.memory_space<vmem>>) semaphore(%arg22 : memref<!tpu.dma_semaphore, #tpu.memory_space<semaphore_mem>>)
      %dma_start3A_25 = arith.constant 0 : i32
      %dma_start3A_26 = tpu.memref_slice %arg9[%dma_start3A_25] : memref<400xi32, #tpu.memory_space<vmem>> -> memref<80xi32, #tpu.memory_space<vmem>>
      %dma_start3A_27 = arith.constant 0 : i32
      %dma_start3A_28 = arith.constant 0 : i32
      %dma_start3A_29 = tpu.memref_slice %arg3[%dma_start3A_27, %dma_start3A_28] : memref<10000x128xi32, #tpu.memory_space<hbm>> -> memref<10000x128xi32, #tpu.memory_space<hbm>>
      tpu.enqueue_indirect_dma source(%dma_start3A_29 : memref<10000x128xi32, #tpu.memory_space<hbm>>) target(%arg11 : memref<80x128xi32, #tpu.memory_space<vmem>>) offsets(%dma_start3A_26 : memref<80xi32, #tpu.memory_space<vmem>>) semaphore(%arg22 : memref<!tpu.dma_semaphore, #tpu.memory_space<semaphore_mem>>)
      %dma_start3A_30 = arith.constant 80 : i32
      %dma_start3A_31 = tpu.memref_slice %arg8[%dma_start3A_30] : memref<400xi32, #tpu.memory_space<vmem>> -> memref<80xi32, #tpu.memory_space<vmem>>
      %dma_start3A_32 = arith.constant 0 : i32
      %dma_start3A_33 = arith.constant 0 : i32
      %dma_start3A_34 = tpu.memref_slice %arg2[%dma_start3A_32, %dma_start3A_33] : memref<10000x128xi32, #tpu.memory_space<hbm>> -> memref<10000x128xi32, #tpu.memory_space<hbm>>
      tpu.enqueue_indirect_dma source(%dma_start3A_34 : memref<10000x128xi32, #tpu.memory_space<hbm>>) target(%arg12 : memref<80x128xi32, #tpu.memory_space<vmem>>) offsets(%dma_start3A_31 : memref<80xi32, #tpu.memory_space<vmem>>) semaphore(%arg22 : memref<!tpu.dma_semaphore, #tpu.memory_space<semaphore_mem>>)
      %dma_start3A_35 = arith.constant 80 : i32
      %dma_start3A_36 = tpu.memref_slice %arg9[%dma_start3A_35] : memref<400xi32, #tpu.memory_space<vmem>> -> memref<80xi32, #tpu.memory_space<vmem>>
      %dma_start3A_37 = arith.constant 0 : i32
      %dma_start3A_38 = arith.constant 0 : i32
      %dma_start3A_39 = tpu.memref_slice %arg3[%dma_start3A_37, %dma_start3A_38] : memref<10000x128xi32, #tpu.memory_space<hbm>> -> memref<10000x128xi32, #tpu.memory_space<hbm>>
      tpu.enqueue_indirect_dma source(%dma_start3A_39 : memref<10000x128xi32, #tpu.memory_space<hbm>>) target(%arg13 : memref<80x128xi32, #tpu.memory_space<vmem>>) offsets(%dma_start3A_36 : memref<80xi32, #tpu.memory_space<vmem>>) semaphore(%arg22 : memref<!tpu.dma_semaphore, #tpu.memory_space<semaphore_mem>>)
      %dma_start3A_40 = arith.constant 160 : i32
      %dma_start3A_41 = tpu.memref_slice %arg8[%dma_start3A_40] : memref<400xi32, #tpu.memory_space<vmem>> -> memref<80xi32, #tpu.memory_space<vmem>>
      %dma_start3A_42 = arith.constant 0 : i32
      %dma_start3A_43 = arith.constant 0 : i32
      %dma_start3A_44 = tpu.memref_slice %arg2[%dma_start3A_42, %dma_start3A_43] : memref<10000x128xi32, #tpu.memory_space<hbm>> -> memref<10000x128xi32, #tpu.memory_space<hbm>>
      tpu.enqueue_indirect_dma source(%dma_start3A_44 : memref<10000x128xi32, #tpu.memory_space<hbm>>) target(%arg14 : memref<80x128xi32, #tpu.memory_space<vmem>>) offsets(%dma_start3A_41 : memref<80xi32, #tpu.memory_space<vmem>>) semaphore(%arg22 : memref<!tpu.dma_semaphore, #tpu.memory_space<semaphore_mem>>)
      %dma_start3A_45 = arith.constant 160 : i32
      %dma_start3A_46 = tpu.memref_slice %arg9[%dma_start3A_45] : memref<400xi32, #tpu.memory_space<vmem>> -> memref<80xi32, #tpu.memory_space<vmem>>
      %dma_start3A_47 = arith.constant 0 : i32
      %dma_start3A_48 = arith.constant 0 : i32
      %dma_start3A_49 = tpu.memref_slice %arg3[%dma_start3A_47, %dma_start3A_48] : memref<10000x128xi32, #tpu.memory_space<hbm>> -> memref<10000x128xi32, #tpu.memory_space<hbm>>
      tpu.enqueue_indirect_dma source(%dma_start3A_49 : memref<10000x128xi32, #tpu.memory_space<hbm>>) target(%arg15 : memref<80x128xi32, #tpu.memory_space<vmem>>) offsets(%dma_start3A_46 : memref<80xi32, #tpu.memory_space<vmem>>) semaphore(%arg22 : memref<!tpu.dma_semaphore, #tpu.memory_space<semaphore_mem>>)
      %dma_start3A_50 = arith.constant 240 : i32
      %dma_start3A_51 = tpu.memref_slice %arg8[%dma_start3A_50] : memref<400xi32, #tpu.memory_space<vmem>> -> memref<80xi32, #tpu.memory_space<vmem>>
      %dma_start3A_52 = arith.constant 0 : i32
      %dma_start3A_53 = arith.constant 0 : i32
      %dma_start3A_54 = tpu.memref_slice %arg2[%dma_start3A_52, %dma_start3A_53] : memref<10000x128xi32, #tpu.memory_space<hbm>> -> memref<10000x128xi32, #tpu.memory_space<hbm>>
      tpu.enqueue_indirect_dma source(%dma_start3A_54 : memref<10000x128xi32, #tpu.memory_space<hbm>>) target(%arg16 : memref<80x128xi32, #tpu.memory_space<vmem>>) offsets(%dma_start3A_51 : memref<80xi32, #tpu.memory_space<vmem>>) semaphore(%arg22 : memref<!tpu.dma_semaphore, #tpu.memory_space<semaphore_mem>>)
      %dma_start3A_55 = arith.constant 240 : i32
      %dma_start3A_56 = tpu.memref_slice %arg9[%dma_start3A_55] : memref<400xi32, #tpu.memory_space<vmem>> -> memref<80xi32, #tpu.memory_space<vmem>>
      %dma_start3A_57 = arith.constant 0 : i32
      %dma_start3A_58 = arith.constant 0 : i32
      %dma_start3A_59 = tpu.memref_slice %arg3[%dma_start3A_57, %dma_start3A_58] : memref<10000x128xi32, #tpu.memory_space<hbm>> -> memref<10000x128xi32, #tpu.memory_space<hbm>>
      tpu.enqueue_indirect_dma source(%dma_start3A_59 : memref<10000x128xi32, #tpu.memory_space<hbm>>) target(%arg17 : memref<80x128xi32, #tpu.memory_space<vmem>>) offsets(%dma_start3A_56 : memref<80xi32, #tpu.memory_space<vmem>>) semaphore(%arg22 : memref<!tpu.dma_semaphore, #tpu.memory_space<semaphore_mem>>)
      %dma_start3A_60 = arith.constant 320 : i32
      %dma_start3A_61 = tpu.memref_slice %arg8[%dma_start3A_60] : memref<400xi32, #tpu.memory_space<vmem>> -> memref<80xi32, #tpu.memory_space<vmem>>
      %dma_start3A_62 = arith.constant 0 : i32
      %dma_start3A_63 = arith.constant 0 : i32
      %dma_start3A_64 = tpu.memref_slice %arg2[%dma_start3A_62, %dma_start3A_63] : memref<10000x128xi32, #tpu.memory_space<hbm>> -> memref<10000x128xi32, #tpu.memory_space<hbm>>
      tpu.enqueue_indirect_dma source(%dma_start3A_64 : memref<10000x128xi32, #tpu.memory_space<hbm>>) target(%arg18 : memref<80x128xi32, #tpu.memory_space<vmem>>) offsets(%dma_start3A_61 : memref<80xi32, #tpu.memory_space<vmem>>) semaphore(%arg22 : memref<!tpu.dma_semaphore, #tpu.memory_space<semaphore_mem>>)
      %dma_start3A_65 = arith.constant 320 : i32
      %dma_start3A_66 = tpu.memref_slice %arg9[%dma_start3A_65] : memref<400xi32, #tpu.memory_space<vmem>> -> memref<80xi32, #tpu.memory_space<vmem>>
      %dma_start3A_67 = arith.constant 0 : i32
      %dma_start3A_68 = arith.constant 0 : i32
      %dma_start3A_69 = tpu.memref_slice %arg3[%dma_start3A_67, %dma_start3A_68] : memref<10000x128xi32, #tpu.memory_space<hbm>> -> memref<10000x128xi32, #tpu.memory_space<hbm>>
      tpu.enqueue_indirect_dma source(%dma_start3A_69 : memref<10000x128xi32, #tpu.memory_space<hbm>>) target(%arg19 : memref<80x128xi32, #tpu.memory_space<vmem>>) offsets(%dma_start3A_66 : memref<80xi32, #tpu.memory_space<vmem>>) semaphore(%arg22 : memref<!tpu.dma_semaphore, #tpu.memory_space<semaphore_mem>>)
      %dma_wait3A_70 = arith.constant 0 : i32
      %dma_wait3A_71 = tpu.memref_slice %arg8[%dma_wait3A_70] : memref<400xi32, #tpu.memory_space<vmem>> -> memref<80xi32, #tpu.memory_space<vmem>>
      %dma_wait3A_72 = arith.constant 0 : i32
      %dma_wait3A_73 = arith.constant 0 : i32
      %dma_wait3A_74 = tpu.memref_slice %arg2[%dma_wait3A_72, %dma_wait3A_73] : memref<10000x128xi32, #tpu.memory_space<hbm>> -> memref<10000x128xi32, #tpu.memory_space<hbm>>
      tpu.wait_indirect_dma semaphore(%arg22 : memref<!tpu.dma_semaphore, #tpu.memory_space<semaphore_mem>>) src(%dma_wait3A_74 : memref<10000x128xi32, #tpu.memory_space<hbm>>) dst(%arg10 : memref<80x128xi32, #tpu.memory_space<vmem>>)
      %add3A_75 = arith.constant 0 : i32
      %add3A_76 = arith.addi %add3A_13, %add3A_75 : i32
      %dma_start3A_77 = arith.constant 0 : i32
      %dma_start3A_78 = tpu.memref_slice %arg6[%add3A_76, %dma_start3A_77] : memref<320000x128xi32, #tpu.memory_space<hbm>> -> memref<80x128xi32, #tpu.memory_space<hbm>>
      %dma_start3A_79 = arith.constant 0 : i32
      %dma_start3A_80 = tpu.memref_slice %arg6[%add3A_76, %dma_start3A_79] : memref<320000x128xi32, #tpu.memory_space<hbm>> -> memref<80x128xi32, #tpu.memory_space<hbm>>
      tpu.enqueue_dma source(%arg10 : memref<80x128xi32, #tpu.memory_space<vmem>>) target(%dma_start3A_80 : memref<80x128xi32, #tpu.memory_space<hbm>>) target_semaphore(%arg23 : memref<!tpu.dma_semaphore, #tpu.memory_space<semaphore_mem>>)
      %dma_wait3A_81 = arith.constant 0 : i32
      %dma_wait3A_82 = tpu.memref_slice %arg9[%dma_wait3A_81] : memref<400xi32, #tpu.memory_space<vmem>> -> memref<80xi32, #tpu.memory_space<vmem>>
      %dma_wait3A_83 = arith.constant 0 : i32
      %dma_wait3A_84 = arith.constant 0 : i32
      %dma_wait3A_85 = tpu.memref_slice %arg3[%dma_wait3A_83, %dma_wait3A_84] : memref<10000x128xi32, #tpu.memory_space<hbm>> -> memref<10000x128xi32, #tpu.memory_space<hbm>>
      tpu.wait_indirect_dma semaphore(%arg22 : memref<!tpu.dma_semaphore, #tpu.memory_space<semaphore_mem>>) src(%dma_wait3A_85 : memref<10000x128xi32, #tpu.memory_space<hbm>>) dst(%arg11 : memref<80x128xi32, #tpu.memory_space<vmem>>)
      %add3A_86 = arith.constant 0 : i32
      %add3A_87 = arith.addi %add3A_13, %add3A_86 : i32
      %dma_start3A_88 = arith.constant 0 : i32
      %dma_start3A_89 = tpu.memref_slice %arg7[%add3A_87, %dma_start3A_88] : memref<320000x128xi32, #tpu.memory_space<hbm>> -> memref<80x128xi32, #tpu.memory_space<hbm>>
      %dma_start3A_90 = arith.constant 0 : i32
      %dma_start3A_91 = tpu.memref_slice %arg7[%add3A_87, %dma_start3A_90] : memref<320000x128xi32, #tpu.memory_space<hbm>> -> memref<80x128xi32, #tpu.memory_space<hbm>>
      tpu.enqueue_dma source(%arg11 : memref<80x128xi32, #tpu.memory_space<vmem>>) target(%dma_start3A_91 : memref<80x128xi32, #tpu.memory_space<hbm>>) target_semaphore(%arg23 : memref<!tpu.dma_semaphore, #tpu.memory_space<semaphore_mem>>)
      %dma_wait3A_92 = arith.constant 80 : i32
      %dma_wait3A_93 = tpu.memref_slice %arg8[%dma_wait3A_92] : memref<400xi32, #tpu.memory_space<vmem>> -> memref<80xi32, #tpu.memory_space<vmem>>
      %dma_wait3A_94 = arith.constant 0 : i32
      %dma_wait3A_95 = arith.constant 0 : i32
      %dma_wait3A_96 = tpu.memref_slice %arg2[%dma_wait3A_94, %dma_wait3A_95] : memref<10000x128xi32, #tpu.memory_space<hbm>> -> memref<10000x128xi32, #tpu.memory_space<hbm>>
      tpu.wait_indirect_dma semaphore(%arg22 : memref<!tpu.dma_semaphore, #tpu.memory_space<semaphore_mem>>) src(%dma_wait3A_96 : memref<10000x128xi32, #tpu.memory_space<hbm>>) dst(%arg12 : memref<80x128xi32, #tpu.memory_space<vmem>>)
      %add3A_97 = arith.constant 80 : i32
      %add3A_98 = arith.addi %add3A_13, %add3A_97 : i32
      %dma_start3A_99 = arith.constant 0 : i32
      %dma_start3A_100 = tpu.memref_slice %arg6[%add3A_98, %dma_start3A_99] : memref<320000x128xi32, #tpu.memory_space<hbm>> -> memref<80x128xi32, #tpu.memory_space<hbm>>
      %dma_start3A_101 = arith.constant 0 : i32
      %dma_start3A_102 = tpu.memref_slice %arg6[%add3A_98, %dma_start3A_101] : memref<320000x128xi32, #tpu.memory_space<hbm>> -> memref<80x128xi32, #tpu.memory_space<hbm>>
      tpu.enqueue_dma source(%arg12 : memref<80x128xi32, #tpu.memory_space<vmem>>) target(%dma_start3A_102 : memref<80x128xi32, #tpu.memory_space<hbm>>) target_semaphore(%arg23 : memref<!tpu.dma_semaphore, #tpu.memory_space<semaphore_mem>>)
      %dma_wait3A_103 = arith.constant 80 : i32
      %dma_wait3A_104 = tpu.memref_slice %arg9[%dma_wait3A_103] : memref<400xi32, #tpu.memory_space<vmem>> -> memref<80xi32, #tpu.memory_space<vmem>>
      %dma_wait3A_105 = arith.constant 0 : i32
      %dma_wait3A_106 = arith.constant 0 : i32
      %dma_wait3A_107 = tpu.memref_slice %arg3[%dma_wait3A_105, %dma_wait3A_106] : memref<10000x128xi32, #tpu.memory_space<hbm>> -> memref<10000x128xi32, #tpu.memory_space<hbm>>
      tpu.wait_indirect_dma semaphore(%arg22 : memref<!tpu.dma_semaphore, #tpu.memory_space<semaphore_mem>>) src(%dma_wait3A_107 : memref<10000x128xi32, #tpu.memory_space<hbm>>) dst(%arg13 : memref<80x128xi32, #tpu.memory_space<vmem>>)
      %add3A_108 = arith.constant 80 : i32
      %add3A_109 = arith.addi %add3A_13, %add3A_108 : i32
      %dma_start3A_110 = arith.constant 0 : i32
      %dma_start3A_111 = tpu.memref_slice %arg7[%add3A_109, %dma_start3A_110] : memref<320000x128xi32, #tpu.memory_space<hbm>> -> memref<80x128xi32, #tpu.memory_space<hbm>>
      %dma_start3A_112 = arith.constant 0 : i32
      %dma_start3A_113 = tpu.memref_slice %arg7[%add3A_109, %dma_start3A_112] : memref<320000x128xi32, #tpu.memory_space<hbm>> -> memref<80x128xi32, #tpu.memory_space<hbm>>
      tpu.enqueue_dma source(%arg13 : memref<80x128xi32, #tpu.memory_space<vmem>>) target(%dma_start3A_113 : memref<80x128xi32, #tpu.memory_space<hbm>>) target_semaphore(%arg23 : memref<!tpu.dma_semaphore, #tpu.memory_space<semaphore_mem>>)
      %dma_wait3A_114 = arith.constant 160 : i32
      %dma_wait3A_115 = tpu.memref_slice %arg8[%dma_wait3A_114] : memref<400xi32, #tpu.memory_space<vmem>> -> memref<80xi32, #tpu.memory_space<vmem>>
      %dma_wait3A_116 = arith.constant 0 : i32
      %dma_wait3A_117 = arith.constant 0 : i32
      %dma_wait3A_118 = tpu.memref_slice %arg2[%dma_wait3A_116, %dma_wait3A_117] : memref<10000x128xi32, #tpu.memory_space<hbm>> -> memref<10000x128xi32, #tpu.memory_space<hbm>>
      tpu.wait_indirect_dma semaphore(%arg22 : memref<!tpu.dma_semaphore, #tpu.memory_space<semaphore_mem>>) src(%dma_wait3A_118 : memref<10000x128xi32, #tpu.memory_space<hbm>>) dst(%arg14 : memref<80x128xi32, #tpu.memory_space<vmem>>)
      %add3A_119 = arith.constant 160 : i32
      %add3A_120 = arith.addi %add3A_13, %add3A_119 : i32
      %dma_start3A_121 = arith.constant 0 : i32
      %dma_start3A_122 = tpu.memref_slice %arg6[%add3A_120, %dma_start3A_121] : memref<320000x128xi32, #tpu.memory_space<hbm>> -> memref<80x128xi32, #tpu.memory_space<hbm>>
      %dma_start3A_123 = arith.constant 0 : i32
      %dma_start3A_124 = tpu.memref_slice %arg6[%add3A_120, %dma_start3A_123] : memref<320000x128xi32, #tpu.memory_space<hbm>> -> memref<80x128xi32, #tpu.memory_space<hbm>>
      tpu.enqueue_dma source(%arg14 : memref<80x128xi32, #tpu.memory_space<vmem>>) target(%dma_start3A_124 : memref<80x128xi32, #tpu.memory_space<hbm>>) target_semaphore(%arg23 : memref<!tpu.dma_semaphore, #tpu.memory_space<semaphore_mem>>)
      %dma_wait3A_125 = arith.constant 160 : i32
      %dma_wait3A_126 = tpu.memref_slice %arg9[%dma_wait3A_125] : memref<400xi32, #tpu.memory_space<vmem>> -> memref<80xi32, #tpu.memory_space<vmem>>
      %dma_wait3A_127 = arith.constant 0 : i32
      %dma_wait3A_128 = arith.constant 0 : i32
      %dma_wait3A_129 = tpu.memref_slice %arg3[%dma_wait3A_127, %dma_wait3A_128] : memref<10000x128xi32, #tpu.memory_space<hbm>> -> memref<10000x128xi32, #tpu.memory_space<hbm>>
      tpu.wait_indirect_dma semaphore(%arg22 : memref<!tpu.dma_semaphore, #tpu.memory_space<semaphore_mem>>) src(%dma_wait3A_129 : memref<10000x128xi32, #tpu.memory_space<hbm>>) dst(%arg15 : memref<80x128xi32, #tpu.memory_space<vmem>>)
      %add3A_130 = arith.constant 160 : i32
      %add3A_131 = arith.addi %add3A_13, %add3A_130 : i32
      %dma_start3A_132 = arith.constant 0 : i32
      %dma_start3A_133 = tpu.memref_slice %arg7[%add3A_131, %dma_start3A_132] : memref<320000x128xi32, #tpu.memory_space<hbm>> -> memref<80x128xi32, #tpu.memory_space<hbm>>
      %dma_start3A_134 = arith.constant 0 : i32
      %dma_start3A_135 = tpu.memref_slice %arg7[%add3A_131, %dma_start3A_134] : memref<320000x128xi32, #tpu.memory_space<hbm>> -> memref<80x128xi32, #tpu.memory_space<hbm>>
      tpu.enqueue_dma source(%arg15 : memref<80x128xi32, #tpu.memory_space<vmem>>) target(%dma_start3A_135 : memref<80x128xi32, #tpu.memory_space<hbm>>) target_semaphore(%arg23 : memref<!tpu.dma_semaphore, #tpu.memory_space<semaphore_mem>>)
      %dma_wait3A_136 = arith.constant 240 : i32
      %dma_wait3A_137 = tpu.memref_slice %arg8[%dma_wait3A_136] : memref<400xi32, #tpu.memory_space<vmem>> -> memref<80xi32, #tpu.memory_space<vmem>>
      %dma_wait3A_138 = arith.constant 0 : i32
      %dma_wait3A_139 = arith.constant 0 : i32
      %dma_wait3A_140 = tpu.memref_slice %arg2[%dma_wait3A_138, %dma_wait3A_139] : memref<10000x128xi32, #tpu.memory_space<hbm>> -> memref<10000x128xi32, #tpu.memory_space<hbm>>
      tpu.wait_indirect_dma semaphore(%arg22 : memref<!tpu.dma_semaphore, #tpu.memory_space<semaphore_mem>>) src(%dma_wait3A_140 : memref<10000x128xi32, #tpu.memory_space<hbm>>) dst(%arg16 : memref<80x128xi32, #tpu.memory_space<vmem>>)
      %add3A_141 = arith.constant 240 : i32
      %add3A_142 = arith.addi %add3A_13, %add3A_141 : i32
      %dma_start3A_143 = arith.constant 0 : i32
      %dma_start3A_144 = tpu.memref_slice %arg6[%add3A_142, %dma_start3A_143] : memref<320000x128xi32, #tpu.memory_space<hbm>> -> memref<80x128xi32, #tpu.memory_space<hbm>>
      %dma_start3A_145 = arith.constant 0 : i32
      %dma_start3A_146 = tpu.memref_slice %arg6[%add3A_142, %dma_start3A_145] : memref<320000x128xi32, #tpu.memory_space<hbm>> -> memref<80x128xi32, #tpu.memory_space<hbm>>
      tpu.enqueue_dma source(%arg16 : memref<80x128xi32, #tpu.memory_space<vmem>>) target(%dma_start3A_146 : memref<80x128xi32, #tpu.memory_space<hbm>>) target_semaphore(%arg23 : memref<!tpu.dma_semaphore, #tpu.memory_space<semaphore_mem>>)
      %dma_wait3A_147 = arith.constant 240 : i32
      %dma_wait3A_148 = tpu.memref_slice %arg9[%dma_wait3A_147] : memref<400xi32, #tpu.memory_space<vmem>> -> memref<80xi32, #tpu.memory_space<vmem>>
      %dma_wait3A_149 = arith.constant 0 : i32
      %dma_wait3A_150 = arith.constant 0 : i32
      %dma_wait3A_151 = tpu.memref_slice %arg3[%dma_wait3A_149, %dma_wait3A_150] : memref<10000x128xi32, #tpu.memory_space<hbm>> -> memref<10000x128xi32, #tpu.memory_space<hbm>>
      tpu.wait_indirect_dma semaphore(%arg22 : memref<!tpu.dma_semaphore, #tpu.memory_space<semaphore_mem>>) src(%dma_wait3A_151 : memref<10000x128xi32, #tpu.memory_space<hbm>>) dst(%arg17 : memref<80x128xi32, #tpu.memory_space<vmem>>)
      %add3A_152 = arith.constant 240 : i32
      %add3A_153 = arith.addi %add3A_13, %add3A_152 : i32
      %dma_start3A_154 = arith.constant 0 : i32
      %dma_start3A_155 = tpu.memref_slice %arg7[%add3A_153, %dma_start3A_154] : memref<320000x128xi32, #tpu.memory_space<hbm>> -> memref<80x128xi32, #tpu.memory_space<hbm>>
      %dma_start3A_156 = arith.constant 0 : i32
      %dma_start3A_157 = tpu.memref_slice %arg7[%add3A_153, %dma_start3A_156] : memref<320000x128xi32, #tpu.memory_space<hbm>> -> memref<80x128xi32, #tpu.memory_space<hbm>>
      tpu.enqueue_dma source(%arg17 : memref<80x128xi32, #tpu.memory_space<vmem>>) target(%dma_start3A_157 : memref<80x128xi32, #tpu.memory_space<hbm>>) target_semaphore(%arg23 : memref<!tpu.dma_semaphore, #tpu.memory_space<semaphore_mem>>)
      %dma_wait3A_158 = arith.constant 320 : i32
      %dma_wait3A_159 = tpu.memref_slice %arg8[%dma_wait3A_158] : memref<400xi32, #tpu.memory_space<vmem>> -> memref<80xi32, #tpu.memory_space<vmem>>
      %dma_wait3A_160 = arith.constant 0 : i32
      %dma_wait3A_161 = arith.constant 0 : i32
      %dma_wait3A_162 = tpu.memref_slice %arg2[%dma_wait3A_160, %dma_wait3A_161] : memref<10000x128xi32, #tpu.memory_space<hbm>> -> memref<10000x128xi32, #tpu.memory_space<hbm>>
      tpu.wait_indirect_dma semaphore(%arg22 : memref<!tpu.dma_semaphore, #tpu.memory_space<semaphore_mem>>) src(%dma_wait3A_162 : memref<10000x128xi32, #tpu.memory_space<hbm>>) dst(%arg18 : memref<80x128xi32, #tpu.memory_space<vmem>>)
      %add3A_163 = arith.constant 320 : i32
      %add3A_164 = arith.addi %add3A_13, %add3A_163 : i32
      %dma_start3A_165 = arith.constant 0 : i32
      %dma_start3A_166 = tpu.memref_slice %arg6[%add3A_164, %dma_start3A_165] : memref<320000x128xi32, #tpu.memory_space<hbm>> -> memref<80x128xi32, #tpu.memory_space<hbm>>
      %dma_start3A_167 = arith.constant 0 : i32
      %dma_start3A_168 = tpu.memref_slice %arg6[%add3A_164, %dma_start3A_167] : memref<320000x128xi32, #tpu.memory_space<hbm>> -> memref<80x128xi32, #tpu.memory_space<hbm>>
      tpu.enqueue_dma source(%arg18 : memref<80x128xi32, #tpu.memory_space<vmem>>) target(%dma_start3A_168 : memref<80x128xi32, #tpu.memory_space<hbm>>) target_semaphore(%arg23 : memref<!tpu.dma_semaphore, #tpu.memory_space<semaphore_mem>>)
      %dma_wait3A_169 = arith.constant 320 : i32
      %dma_wait3A_170 = tpu.memref_slice %arg9[%dma_wait3A_169] : memref<400xi32, #tpu.memory_space<vmem>> -> memref<80xi32, #tpu.memory_space<vmem>>
      %dma_wait3A_171 = arith.constant 0 : i32
      %dma_wait3A_172 = arith.constant 0 : i32
      %dma_wait3A_173 = tpu.memref_slice %arg3[%dma_wait3A_171, %dma_wait3A_172] : memref<10000x128xi32, #tpu.memory_space<hbm>> -> memref<10000x128xi32, #tpu.memory_space<hbm>>
      tpu.wait_indirect_dma semaphore(%arg22 : memref<!tpu.dma_semaphore, #tpu.memory_space<semaphore_mem>>) src(%dma_wait3A_173 : memref<10000x128xi32, #tpu.memory_space<hbm>>) dst(%arg19 : memref<80x128xi32, #tpu.memory_space<vmem>>)
      %add3A_174 = arith.constant 320 : i32
      %add3A_175 = arith.addi %add3A_13, %add3A_174 : i32
      %dma_start3A_176 = arith.constant 0 : i32
      %dma_start3A_177 = tpu.memref_slice %arg7[%add3A_175, %dma_start3A_176] : memref<320000x128xi32, #tpu.memory_space<hbm>> -> memref<80x128xi32, #tpu.memory_space<hbm>>
      %dma_start3A_178 = arith.constant 0 : i32
      %dma_start3A_179 = tpu.memref_slice %arg7[%add3A_175, %dma_start3A_178] : memref<320000x128xi32, #tpu.memory_space<hbm>> -> memref<80x128xi32, #tpu.memory_space<hbm>>
      tpu.enqueue_dma source(%arg19 : memref<80x128xi32, #tpu.memory_space<vmem>>) target(%dma_start3A_179 : memref<80x128xi32, #tpu.memory_space<hbm>>) target_semaphore(%arg23 : memref<!tpu.dma_semaphore, #tpu.memory_space<semaphore_mem>>)
      %dma_wait3A_180 = arith.constant 0 : i32
      %dma_wait3A_181 = tpu.memref_slice %arg6[%add3A_76, %dma_wait3A_180] : memref<320000x128xi32, #tpu.memory_space<hbm>> -> memref<80x128xi32, #tpu.memory_space<hbm>>
      %dma_wait3A_182 = arith.constant 0 : i32
      %dma_wait3A_183 = tpu.memref_slice %arg6[%add3A_76, %dma_wait3A_182] : memref<320000x128xi32, #tpu.memory_space<hbm>> -> memref<80x128xi32, #tpu.memory_space<hbm>>
      tpu.wait_dma2 semaphore(%arg23 : memref<!tpu.dma_semaphore, #tpu.memory_space<semaphore_mem>>) src(%arg10 : memref<80x128xi32, #tpu.memory_space<vmem>>) dst(%dma_wait3A_183 : memref<80x128xi32, #tpu.memory_space<hbm>>)
      %dma_wait3A_184 = arith.constant 0 : i32
      %dma_wait3A_185 = tpu.memref_slice %arg7[%add3A_87, %dma_wait3A_184] : memref<320000x128xi32, #tpu.memory_space<hbm>> -> memref<80x128xi32, #tpu.memory_space<hbm>>
      %dma_wait3A_186 = arith.constant 0 : i32
      %dma_wait3A_187 = tpu.memref_slice %arg7[%add3A_87, %dma_wait3A_186] : memref<320000x128xi32, #tpu.memory_space<hbm>> -> memref<80x128xi32, #tpu.memory_space<hbm>>
      tpu.wait_dma2 semaphore(%arg23 : memref<!tpu.dma_semaphore, #tpu.memory_space<semaphore_mem>>) src(%arg11 : memref<80x128xi32, #tpu.memory_space<vmem>>) dst(%dma_wait3A_187 : memref<80x128xi32, #tpu.memory_space<hbm>>)
      %dma_wait3A_188 = arith.constant 0 : i32
      %dma_wait3A_189 = tpu.memref_slice %arg6[%add3A_98, %dma_wait3A_188] : memref<320000x128xi32, #tpu.memory_space<hbm>> -> memref<80x128xi32, #tpu.memory_space<hbm>>
      %dma_wait3A_190 = arith.constant 0 : i32
      %dma_wait3A_191 = tpu.memref_slice %arg6[%add3A_98, %dma_wait3A_190] : memref<320000x128xi32, #tpu.memory_space<hbm>> -> memref<80x128xi32, #tpu.memory_space<hbm>>
      tpu.wait_dma2 semaphore(%arg23 : memref<!tpu.dma_semaphore, #tpu.memory_space<semaphore_mem>>) src(%arg12 : memref<80x128xi32, #tpu.memory_space<vmem>>) dst(%dma_wait3A_191 : memref<80x128xi32, #tpu.memory_space<hbm>>)
      %dma_wait3A_192 = arith.constant 0 : i32
      %dma_wait3A_193 = tpu.memref_slice %arg7[%add3A_109, %dma_wait3A_192] : memref<320000x128xi32, #tpu.memory_space<hbm>> -> memref<80x128xi32, #tpu.memory_space<hbm>>
      %dma_wait3A_194 = arith.constant 0 : i32
      %dma_wait3A_195 = tpu.memref_slice %arg7[%add3A_109, %dma_wait3A_194] : memref<320000x128xi32, #tpu.memory_space<hbm>> -> memref<80x128xi32, #tpu.memory_space<hbm>>
      tpu.wait_dma2 semaphore(%arg23 : memref<!tpu.dma_semaphore, #tpu.memory_space<semaphore_mem>>) src(%arg13 : memref<80x128xi32, #tpu.memory_space<vmem>>) dst(%dma_wait3A_195 : memref<80x128xi32, #tpu.memory_space<hbm>>)
      %dma_wait3A_196 = arith.constant 0 : i32
      %dma_wait3A_197 = tpu.memref_slice %arg6[%add3A_120, %dma_wait3A_196] : memref<320000x128xi32, #tpu.memory_space<hbm>> -> memref<80x128xi32, #tpu.memory_space<hbm>>
      %dma_wait3A_198 = arith.constant 0 : i32
      %dma_wait3A_199 = tpu.memref_slice %arg6[%add3A_120, %dma_wait3A_198] : memref<320000x128xi32, #tpu.memory_space<hbm>> -> memref<80x128xi32, #tpu.memory_space<hbm>>
      tpu.wait_dma2 semaphore(%arg23 : memref<!tpu.dma_semaphore, #tpu.memory_space<semaphore_mem>>) src(%arg14 : memref<80x128xi32, #tpu.memory_space<vmem>>) dst(%dma_wait3A_199 : memref<80x128xi32, #tpu.memory_space<hbm>>)
      %dma_wait3A_200 = arith.constant 0 : i32
      %dma_wait3A_201 = tpu.memref_slice %arg7[%add3A_131, %dma_wait3A_200] : memref<320000x128xi32, #tpu.memory_space<hbm>> -> memref<80x128xi32, #tpu.memory_space<hbm>>
      %dma_wait3A_202 = arith.constant 0 : i32
      %dma_wait3A_203 = tpu.memref_slice %arg7[%add3A_131, %dma_wait3A_202] : memref<320000x128xi32, #tpu.memory_space<hbm>> -> memref<80x128xi32, #tpu.memory_space<hbm>>
      tpu.wait_dma2 semaphore(%arg23 : memref<!tpu.dma_semaphore, #tpu.memory_space<semaphore_mem>>) src(%arg15 : memref<80x128xi32, #tpu.memory_space<vmem>>) dst(%dma_wait3A_203 : memref<80x128xi32, #tpu.memory_space<hbm>>)
      %dma_wait3A_204 = arith.constant 0 : i32
      %dma_wait3A_205 = tpu.memref_slice %arg6[%add3A_142, %dma_wait3A_204] : memref<320000x128xi32, #tpu.memory_space<hbm>> -> memref<80x128xi32, #tpu.memory_space<hbm>>
      %dma_wait3A_206 = arith.constant 0 : i32
      %dma_wait3A_207 = tpu.memref_slice %arg6[%add3A_142, %dma_wait3A_206] : memref<320000x128xi32, #tpu.memory_space<hbm>> -> memref<80x128xi32, #tpu.memory_space<hbm>>
      tpu.wait_dma2 semaphore(%arg23 : memref<!tpu.dma_semaphore, #tpu.memory_space<semaphore_mem>>) src(%arg16 : memref<80x128xi32, #tpu.memory_space<vmem>>) dst(%dma_wait3A_207 : memref<80x128xi32, #tpu.memory_space<hbm>>)
      %dma_wait3A_208 = arith.constant 0 : i32
      %dma_wait3A_209 = tpu.memref_slice %arg7[%add3A_153, %dma_wait3A_208] : memref<320000x128xi32, #tpu.memory_space<hbm>> -> memref<80x128xi32, #tpu.memory_space<hbm>>
      %dma_wait3A_210 = arith.constant 0 : i32
      %dma_wait3A_211 = tpu.memref_slice %arg7[%add3A_153, %dma_wait3A_210] : memref<320000x128xi32, #tpu.memory_space<hbm>> -> memref<80x128xi32, #tpu.memory_space<hbm>>
      tpu.wait_dma2 semaphore(%arg23 : memref<!tpu.dma_semaphore, #tpu.memory_space<semaphore_mem>>) src(%arg17 : memref<80x128xi32, #tpu.memory_space<vmem>>) dst(%dma_wait3A_211 : memref<80x128xi32, #tpu.memory_space<hbm>>)
      %dma_wait3A_212 = arith.constant 0 : i32
      %dma_wait3A_213 = tpu.memref_slice %arg6[%add3A_164, %dma_wait3A_212] : memref<320000x128xi32, #tpu.memory_space<hbm>> -> memref<80x128xi32, #tpu.memory_space<hbm>>
      %dma_wait3A_214 = arith.constant 0 : i32
      %dma_wait3A_215 = tpu.memref_slice %arg6[%add3A_164, %dma_wait3A_214] : memref<320000x128xi32, #tpu.memory_space<hbm>> -> memref<80x128xi32, #tpu.memory_space<hbm>>
      tpu.wait_dma2 semaphore(%arg23 : memref<!tpu.dma_semaphore, #tpu.memory_space<semaphore_mem>>) src(%arg18 : memref<80x128xi32, #tpu.memory_space<vmem>>) dst(%dma_wait3A_215 : memref<80x128xi32, #tpu.memory_space<hbm>>)
      %dma_wait3A_216 = arith.constant 0 : i32
      %dma_wait3A_217 = tpu.memref_slice %arg7[%add3A_175, %dma_wait3A_216] : memref<320000x128xi32, #tpu.memory_space<hbm>> -> memref<80x128xi32, #tpu.memory_space<hbm>>
      %dma_wait3A_218 = arith.constant 0 : i32
      %dma_wait3A_219 = tpu.memref_slice %arg7[%add3A_175, %dma_wait3A_218] : memref<320000x128xi32, #tpu.memory_space<hbm>> -> memref<80x128xi32, #tpu.memory_space<hbm>>
      tpu.wait_dma2 semaphore(%arg23 : memref<!tpu.dma_semaphore, #tpu.memory_space<semaphore_mem>>) src(%arg19 : memref<80x128xi32, #tpu.memory_space<vmem>>) dst(%dma_wait3A_219 : memref<80x128xi32, #tpu.memory_space<hbm>>)
    }
    %scan3A_7 = arith.constant 25 : i32
    return
  }
}

#map = affine_map<(d0, d1) -> (0, 0)>
#map1 = affine_map<(d0, d1) -> (0)>
module attributes {stable_mosaic.version = 14 : i64} {
  func.func @k(%arg0: i32, %arg1: i32, %arg2: memref<320000x128xf32, #tpu.memory_space<hbm>>, %arg3: memref<320000xi32, #tpu.memory_space<hbm>>, %arg4: memref<640x128xf32, #tpu.memory_space<hbm>>, %arg5: memref<20000x128xf32, #tpu.memory_space<hbm>>, %arg6: memref<40xi32, #tpu.memory_space<vmem>>, %arg7: memref<40xi32, #tpu.memory_space<vmem>>, %arg8: memref<40xi32, #tpu.memory_space<vmem>>, %arg9: memref<40xi32, #tpu.memory_space<vmem>>, %arg10: memref<40xi32, #tpu.memory_space<vmem>>, %arg11: memref<40x128xf32, #tpu.memory_space<vmem>>, %arg12: memref<40x128xf32, #tpu.memory_space<vmem>>, %arg13: memref<40x128xf32, #tpu.memory_space<vmem>>, %arg14: memref<40x128xf32, #tpu.memory_space<vmem>>, %arg15: memref<40x128xf32, #tpu.memory_space<vmem>>, %arg16: memref<10000x128xf32, #tpu.memory_space<vmem_shared>>, %arg17: memref<!tpu.dma_semaphore, #tpu.memory_space<semaphore_mem>>, %arg18: memref<!tpu.dma_semaphore, #tpu.memory_space<semaphore_mem>>, %arg19: memref<!tpu.dma_semaphore, #tpu.memory_space<semaphore_mem>>) attributes {dimension_semantics = [#tpu.dimension_semantics<core_parallel>, #tpu.dimension_semantics<subcore_parallel>], iteration_bounds = array<i64: 2, 16>, scalar_prefetch = 0 : i64, scratch_operands = 14 : i64, tpu.core_type = #tpu.core_type<sc_vector_subcore>, window_params = [{transform_indices = #map}, {transform_indices = #map1}, {transform_indices = #map}, {transform_indices = #map}]} {
    %mul3A = arith.constant 2 : i32
    %mul3A_0 = arith.muli %arg1, %mul3A : i32
    %add3A = arith.addi %mul3A_0, %arg0 : i32
    %mul3A_1 = arith.constant 10000 : i32
    %mul3A_2 = arith.muli %add3A, %mul3A_1 : i32
    %lt3A = arith.constant 15 : i32
    %lt3A_3 = arith.cmpi slt, %arg1, %lt3A : i32
    %convert_element_type3A = arith.extui %lt3A_3 : i1 to i32
    %cond3A = arith.constant 0 : i32
    %cond3A_4 = arith.cmpi ne, %convert_element_type3A, %cond3A : i32
    scf.if %cond3A_4 {
      %mul3A_36 = arith.constant 624 : i32
      %mul3A_37 = arith.muli %arg1, %mul3A_36 : i32
      "tpu.region"() ({
        %run_scoped3A = tpu.sem_alloc : memref<!tpu.dma_semaphore, #tpu.memory_space<semaphore_mem>>
        %dma_start3A = arith.constant 0 : i32
        %dma_start3A_38 = tpu.memref_slice %arg16[%mul3A_37, %dma_start3A] : memref<10000x128xf32, #tpu.memory_space<vmem_shared>> -> memref<624x128xf32, #tpu.memory_space<vmem_shared>>
        %dma_start3A_39 = arith.constant 0 : i32
        %dma_start3A_40 = arith.constant 0 : i32
        %dma_start3A_41 = tpu.memref_slice %arg4[%dma_start3A_39, %dma_start3A_40] : memref<640x128xf32, #tpu.memory_space<hbm>> -> memref<624x128xf32, #tpu.memory_space<hbm>>
        tpu.enqueue_dma source(%dma_start3A_41 : memref<624x128xf32, #tpu.memory_space<hbm>>) target(%dma_start3A_38 : memref<624x128xf32, #tpu.memory_space<vmem_shared>>) target_semaphore(%run_scoped3A : memref<!tpu.dma_semaphore, #tpu.memory_space<semaphore_mem>>)
        %dma_wait3A = arith.constant 0 : i32
        %dma_wait3A_42 = tpu.memref_slice %arg16[%mul3A_37, %dma_wait3A] : memref<10000x128xf32, #tpu.memory_space<vmem_shared>> -> memref<624x128xf32, #tpu.memory_space<vmem_shared>>
        %dma_wait3A_43 = arith.constant 0 : i32
        %dma_wait3A_44 = arith.constant 0 : i32
        %dma_wait3A_45 = tpu.memref_slice %arg4[%dma_wait3A_43, %dma_wait3A_44] : memref<640x128xf32, #tpu.memory_space<hbm>> -> memref<624x128xf32, #tpu.memory_space<hbm>>
        tpu.wait_dma2 semaphore(%run_scoped3A : memref<!tpu.dma_semaphore, #tpu.memory_space<semaphore_mem>>) src(%dma_wait3A_45 : memref<624x128xf32, #tpu.memory_space<hbm>>) dst(%dma_wait3A_42 : memref<624x128xf32, #tpu.memory_space<vmem_shared>>)
        tpu.yield
      }) : () -> ()
    } else {
    }
    %eq3A = arith.constant 15 : i32
    %eq3A_5 = arith.cmpi eq, %arg1, %eq3A : i32
    %convert_element_type3A_6 = arith.extui %eq3A_5 : i1 to i32
    %cond3A_7 = arith.constant 0 : i32
    %cond3A_8 = arith.cmpi ne, %convert_element_type3A_6, %cond3A_7 : i32
    scf.if %cond3A_8 {
      "tpu.region"() ({
        %run_scoped3A = tpu.sem_alloc : memref<!tpu.dma_semaphore, #tpu.memory_space<semaphore_mem>>
        %dma_start3A = arith.constant 9360 : i32
        %dma_start3A_36 = arith.constant 0 : i32
        %dma_start3A_37 = tpu.memref_slice %arg16[%dma_start3A, %dma_start3A_36] : memref<10000x128xf32, #tpu.memory_space<vmem_shared>> -> memref<640x128xf32, #tpu.memory_space<vmem_shared>>
        tpu.enqueue_dma source(%arg4 : memref<640x128xf32, #tpu.memory_space<hbm>>) target(%dma_start3A_37 : memref<640x128xf32, #tpu.memory_space<vmem_shared>>) target_semaphore(%run_scoped3A : memref<!tpu.dma_semaphore, #tpu.memory_space<semaphore_mem>>)
        %dma_wait3A = arith.constant 9360 : i32
        %dma_wait3A_38 = arith.constant 0 : i32
        %dma_wait3A_39 = tpu.memref_slice %arg16[%dma_wait3A, %dma_wait3A_38] : memref<10000x128xf32, #tpu.memory_space<vmem_shared>> -> memref<640x128xf32, #tpu.memory_space<vmem_shared>>
        tpu.wait_dma2 semaphore(%run_scoped3A : memref<!tpu.dma_semaphore, #tpu.memory_space<semaphore_mem>>) src(%arg4 : memref<640x128xf32, #tpu.memory_space<hbm>>) dst(%dma_wait3A_39 : memref<640x128xf32, #tpu.memory_space<vmem_shared>>)
        tpu.yield
      }) : () -> ()
    } else {
    }
    %barrier3A = arith.constant 0 : index
    tpu.barrier barrier_id(%barrier3A)
    %scan3A = arith.constant 0 : i32
    %scan3A_9 = arith.constant 0 : i32
    %scan3A_10 = arith.constant 50 : i32
    %scan3A_11 = arith.addi %scan3A_9, %scan3A_10 : i32
    %scan3A_12 = arith.constant 1 : i32
    scf.for %scan3A_36 = %scan3A_9 to %scan3A_11 step %scan3A_12  : i32 {
      %mul3A_37 = arith.constant 40 : i32
      %mul3A_38 = arith.muli %scan3A_36, %mul3A_37 : i32
      %mul3A_39 = arith.constant 5 : i32
      %mul3A_40 = arith.muli %mul3A_38, %mul3A_39 : i32
      %add3A_41 = arith.addi %mul3A_2, %mul3A_40 : i32
      %add3A_42 = arith.constant 0 : i32
      %add3A_43 = arith.addi %add3A_41, %add3A_42 : i32
      %dma_start3A = tpu.memref_slice %arg3[%add3A_43] : memref<320000xi32, #tpu.memory_space<hbm>> -> memref<40xi32, #tpu.memory_space<hbm>>
      %dma_start3A_44 = tpu.memref_slice %arg3[%add3A_43] : memref<320000xi32, #tpu.memory_space<hbm>> -> memref<40xi32, #tpu.memory_space<hbm>>
      tpu.enqueue_dma source(%dma_start3A_44 : memref<40xi32, #tpu.memory_space<hbm>>) target(%arg6 : memref<40xi32, #tpu.memory_space<vmem>>) target_semaphore(%arg17 : memref<!tpu.dma_semaphore, #tpu.memory_space<semaphore_mem>>)
      %add3A_45 = arith.constant 0 : i32
      %add3A_46 = arith.addi %add3A_41, %add3A_45 : i32
      %dma_start3A_47 = arith.constant 0 : i32
      %dma_start3A_48 = tpu.memref_slice %arg2[%add3A_46, %dma_start3A_47] : memref<320000x128xf32, #tpu.memory_space<hbm>> -> memref<40x128xf32, #tpu.memory_space<hbm>>
      %dma_start3A_49 = arith.constant 0 : i32
      %dma_start3A_50 = tpu.memref_slice %arg2[%add3A_46, %dma_start3A_49] : memref<320000x128xf32, #tpu.memory_space<hbm>> -> memref<40x128xf32, #tpu.memory_space<hbm>>
      tpu.enqueue_dma source(%dma_start3A_50 : memref<40x128xf32, #tpu.memory_space<hbm>>) target(%arg11 : memref<40x128xf32, #tpu.memory_space<vmem>>) target_semaphore(%arg18 : memref<!tpu.dma_semaphore, #tpu.memory_space<semaphore_mem>>)
      %add3A_51 = arith.constant 40 : i32
      %add3A_52 = arith.addi %add3A_41, %add3A_51 : i32
      %dma_start3A_53 = tpu.memref_slice %arg3[%add3A_52] : memref<320000xi32, #tpu.memory_space<hbm>> -> memref<40xi32, #tpu.memory_space<hbm>>
      %dma_start3A_54 = tpu.memref_slice %arg3[%add3A_52] : memref<320000xi32, #tpu.memory_space<hbm>> -> memref<40xi32, #tpu.memory_space<hbm>>
      tpu.enqueue_dma source(%dma_start3A_54 : memref<40xi32, #tpu.memory_space<hbm>>) target(%arg7 : memref<40xi32, #tpu.memory_space<vmem>>) target_semaphore(%arg17 : memref<!tpu.dma_semaphore, #tpu.memory_space<semaphore_mem>>)
      %add3A_55 = arith.constant 40 : i32
      %add3A_56 = arith.addi %add3A_41, %add3A_55 : i32
      %dma_start3A_57 = arith.constant 0 : i32
      %dma_start3A_58 = tpu.memref_slice %arg2[%add3A_56, %dma_start3A_57] : memref<320000x128xf32, #tpu.memory_space<hbm>> -> memref<40x128xf32, #tpu.memory_space<hbm>>
      %dma_start3A_59 = arith.constant 0 : i32
      %dma_start3A_60 = tpu.memref_slice %arg2[%add3A_56, %dma_start3A_59] : memref<320000x128xf32, #tpu.memory_space<hbm>> -> memref<40x128xf32, #tpu.memory_space<hbm>>
      tpu.enqueue_dma source(%dma_start3A_60 : memref<40x128xf32, #tpu.memory_space<hbm>>) target(%arg12 : memref<40x128xf32, #tpu.memory_space<vmem>>) target_semaphore(%arg18 : memref<!tpu.dma_semaphore, #tpu.memory_space<semaphore_mem>>)
      %add3A_61 = arith.constant 80 : i32
      %add3A_62 = arith.addi %add3A_41, %add3A_61 : i32
      %dma_start3A_63 = tpu.memref_slice %arg3[%add3A_62] : memref<320000xi32, #tpu.memory_space<hbm>> -> memref<40xi32, #tpu.memory_space<hbm>>
      %dma_start3A_64 = tpu.memref_slice %arg3[%add3A_62] : memref<320000xi32, #tpu.memory_space<hbm>> -> memref<40xi32, #tpu.memory_space<hbm>>
      tpu.enqueue_dma source(%dma_start3A_64 : memref<40xi32, #tpu.memory_space<hbm>>) target(%arg8 : memref<40xi32, #tpu.memory_space<vmem>>) target_semaphore(%arg17 : memref<!tpu.dma_semaphore, #tpu.memory_space<semaphore_mem>>)
      %add3A_65 = arith.constant 80 : i32
      %add3A_66 = arith.addi %add3A_41, %add3A_65 : i32
      %dma_start3A_67 = arith.constant 0 : i32
      %dma_start3A_68 = tpu.memref_slice %arg2[%add3A_66, %dma_start3A_67] : memref<320000x128xf32, #tpu.memory_space<hbm>> -> memref<40x128xf32, #tpu.memory_space<hbm>>
      %dma_start3A_69 = arith.constant 0 : i32
      %dma_start3A_70 = tpu.memref_slice %arg2[%add3A_66, %dma_start3A_69] : memref<320000x128xf32, #tpu.memory_space<hbm>> -> memref<40x128xf32, #tpu.memory_space<hbm>>
      tpu.enqueue_dma source(%dma_start3A_70 : memref<40x128xf32, #tpu.memory_space<hbm>>) target(%arg13 : memref<40x128xf32, #tpu.memory_space<vmem>>) target_semaphore(%arg18 : memref<!tpu.dma_semaphore, #tpu.memory_space<semaphore_mem>>)
      %add3A_71 = arith.constant 120 : i32
      %add3A_72 = arith.addi %add3A_41, %add3A_71 : i32
      %dma_start3A_73 = tpu.memref_slice %arg3[%add3A_72] : memref<320000xi32, #tpu.memory_space<hbm>> -> memref<40xi32, #tpu.memory_space<hbm>>
      %dma_start3A_74 = tpu.memref_slice %arg3[%add3A_72] : memref<320000xi32, #tpu.memory_space<hbm>> -> memref<40xi32, #tpu.memory_space<hbm>>
      tpu.enqueue_dma source(%dma_start3A_74 : memref<40xi32, #tpu.memory_space<hbm>>) target(%arg9 : memref<40xi32, #tpu.memory_space<vmem>>) target_semaphore(%arg17 : memref<!tpu.dma_semaphore, #tpu.memory_space<semaphore_mem>>)
      %add3A_75 = arith.constant 120 : i32
      %add3A_76 = arith.addi %add3A_41, %add3A_75 : i32
      %dma_start3A_77 = arith.constant 0 : i32
      %dma_start3A_78 = tpu.memref_slice %arg2[%add3A_76, %dma_start3A_77] : memref<320000x128xf32, #tpu.memory_space<hbm>> -> memref<40x128xf32, #tpu.memory_space<hbm>>
      %dma_start3A_79 = arith.constant 0 : i32
      %dma_start3A_80 = tpu.memref_slice %arg2[%add3A_76, %dma_start3A_79] : memref<320000x128xf32, #tpu.memory_space<hbm>> -> memref<40x128xf32, #tpu.memory_space<hbm>>
      tpu.enqueue_dma source(%dma_start3A_80 : memref<40x128xf32, #tpu.memory_space<hbm>>) target(%arg14 : memref<40x128xf32, #tpu.memory_space<vmem>>) target_semaphore(%arg18 : memref<!tpu.dma_semaphore, #tpu.memory_space<semaphore_mem>>)
      %add3A_81 = arith.constant 160 : i32
      %add3A_82 = arith.addi %add3A_41, %add3A_81 : i32
      %dma_start3A_83 = tpu.memref_slice %arg3[%add3A_82] : memref<320000xi32, #tpu.memory_space<hbm>> -> memref<40xi32, #tpu.memory_space<hbm>>
      %dma_start3A_84 = tpu.memref_slice %arg3[%add3A_82] : memref<320000xi32, #tpu.memory_space<hbm>> -> memref<40xi32, #tpu.memory_space<hbm>>
      tpu.enqueue_dma source(%dma_start3A_84 : memref<40xi32, #tpu.memory_space<hbm>>) target(%arg10 : memref<40xi32, #tpu.memory_space<vmem>>) target_semaphore(%arg17 : memref<!tpu.dma_semaphore, #tpu.memory_space<semaphore_mem>>)
      %add3A_85 = arith.constant 160 : i32
      %add3A_86 = arith.addi %add3A_41, %add3A_85 : i32
      %dma_start3A_87 = arith.constant 0 : i32
      %dma_start3A_88 = tpu.memref_slice %arg2[%add3A_86, %dma_start3A_87] : memref<320000x128xf32, #tpu.memory_space<hbm>> -> memref<40x128xf32, #tpu.memory_space<hbm>>
      %dma_start3A_89 = arith.constant 0 : i32
      %dma_start3A_90 = tpu.memref_slice %arg2[%add3A_86, %dma_start3A_89] : memref<320000x128xf32, #tpu.memory_space<hbm>> -> memref<40x128xf32, #tpu.memory_space<hbm>>
      tpu.enqueue_dma source(%dma_start3A_90 : memref<40x128xf32, #tpu.memory_space<hbm>>) target(%arg15 : memref<40x128xf32, #tpu.memory_space<vmem>>) target_semaphore(%arg18 : memref<!tpu.dma_semaphore, #tpu.memory_space<semaphore_mem>>)
      %dma_wait3A = tpu.memref_slice %arg3[%add3A_43] : memref<320000xi32, #tpu.memory_space<hbm>> -> memref<40xi32, #tpu.memory_space<hbm>>
      %dma_wait3A_91 = tpu.memref_slice %arg3[%add3A_43] : memref<320000xi32, #tpu.memory_space<hbm>> -> memref<40xi32, #tpu.memory_space<hbm>>
      tpu.wait_dma2 semaphore(%arg17 : memref<!tpu.dma_semaphore, #tpu.memory_space<semaphore_mem>>) src(%dma_wait3A_91 : memref<40xi32, #tpu.memory_space<hbm>>) dst(%arg6 : memref<40xi32, #tpu.memory_space<vmem>>)
      %dma_wait3A_92 = arith.constant 0 : i32
      %dma_wait3A_93 = tpu.memref_slice %arg2[%add3A_46, %dma_wait3A_92] : memref<320000x128xf32, #tpu.memory_space<hbm>> -> memref<40x128xf32, #tpu.memory_space<hbm>>
      %dma_wait3A_94 = arith.constant 0 : i32
      %dma_wait3A_95 = tpu.memref_slice %arg2[%add3A_46, %dma_wait3A_94] : memref<320000x128xf32, #tpu.memory_space<hbm>> -> memref<40x128xf32, #tpu.memory_space<hbm>>
      tpu.wait_dma2 semaphore(%arg18 : memref<!tpu.dma_semaphore, #tpu.memory_space<semaphore_mem>>) src(%dma_wait3A_95 : memref<40x128xf32, #tpu.memory_space<hbm>>) dst(%arg11 : memref<40x128xf32, #tpu.memory_space<vmem>>)
      %dma_start3A_96 = arith.constant 0 : i32
      %dma_start3A_97 = arith.constant 0 : i32
      %dma_start3A_98 = tpu.memref_slice %arg16[%dma_start3A_96, %dma_start3A_97] : memref<10000x128xf32, #tpu.memory_space<vmem_shared>> -> memref<10000x128xf32, #tpu.memory_space<vmem_shared>>
      tpu.enqueue_indirect_dma source(%arg11 : memref<40x128xf32, #tpu.memory_space<vmem>>) target(%dma_start3A_98 : memref<10000x128xf32, #tpu.memory_space<vmem_shared>>) offsets(%arg6 : memref<40xi32, #tpu.memory_space<vmem>>) semaphore(%arg19 : memref<!tpu.dma_semaphore, #tpu.memory_space<semaphore_mem>>) {add = true}
      %dma_wait3A_99 = tpu.memref_slice %arg3[%add3A_52] : memref<320000xi32, #tpu.memory_space<hbm>> -> memref<40xi32, #tpu.memory_space<hbm>>
      %dma_wait3A_100 = tpu.memref_slice %arg3[%add3A_52] : memref<320000xi32, #tpu.memory_space<hbm>> -> memref<40xi32, #tpu.memory_space<hbm>>
      tpu.wait_dma2 semaphore(%arg17 : memref<!tpu.dma_semaphore, #tpu.memory_space<semaphore_mem>>) src(%dma_wait3A_100 : memref<40xi32, #tpu.memory_space<hbm>>) dst(%arg7 : memref<40xi32, #tpu.memory_space<vmem>>)
      %dma_wait3A_101 = arith.constant 0 : i32
      %dma_wait3A_102 = tpu.memref_slice %arg2[%add3A_56, %dma_wait3A_101] : memref<320000x128xf32, #tpu.memory_space<hbm>> -> memref<40x128xf32, #tpu.memory_space<hbm>>
      %dma_wait3A_103 = arith.constant 0 : i32
      %dma_wait3A_104 = tpu.memref_slice %arg2[%add3A_56, %dma_wait3A_103] : memref<320000x128xf32, #tpu.memory_space<hbm>> -> memref<40x128xf32, #tpu.memory_space<hbm>>
      tpu.wait_dma2 semaphore(%arg18 : memref<!tpu.dma_semaphore, #tpu.memory_space<semaphore_mem>>) src(%dma_wait3A_104 : memref<40x128xf32, #tpu.memory_space<hbm>>) dst(%arg12 : memref<40x128xf32, #tpu.memory_space<vmem>>)
      %dma_start3A_105 = arith.constant 0 : i32
      %dma_start3A_106 = arith.constant 0 : i32
      %dma_start3A_107 = tpu.memref_slice %arg16[%dma_start3A_105, %dma_start3A_106] : memref<10000x128xf32, #tpu.memory_space<vmem_shared>> -> memref<10000x128xf32, #tpu.memory_space<vmem_shared>>
      tpu.enqueue_indirect_dma source(%arg12 : memref<40x128xf32, #tpu.memory_space<vmem>>) target(%dma_start3A_107 : memref<10000x128xf32, #tpu.memory_space<vmem_shared>>) offsets(%arg7 : memref<40xi32, #tpu.memory_space<vmem>>) semaphore(%arg19 : memref<!tpu.dma_semaphore, #tpu.memory_space<semaphore_mem>>) {add = true}
      %dma_wait3A_108 = tpu.memref_slice %arg3[%add3A_62] : memref<320000xi32, #tpu.memory_space<hbm>> -> memref<40xi32, #tpu.memory_space<hbm>>
      %dma_wait3A_109 = tpu.memref_slice %arg3[%add3A_62] : memref<320000xi32, #tpu.memory_space<hbm>> -> memref<40xi32, #tpu.memory_space<hbm>>
      tpu.wait_dma2 semaphore(%arg17 : memref<!tpu.dma_semaphore, #tpu.memory_space<semaphore_mem>>) src(%dma_wait3A_109 : memref<40xi32, #tpu.memory_space<hbm>>) dst(%arg8 : memref<40xi32, #tpu.memory_space<vmem>>)
      %dma_wait3A_110 = arith.constant 0 : i32
      %dma_wait3A_111 = tpu.memref_slice %arg2[%add3A_66, %dma_wait3A_110] : memref<320000x128xf32, #tpu.memory_space<hbm>> -> memref<40x128xf32, #tpu.memory_space<hbm>>
      %dma_wait3A_112 = arith.constant 0 : i32
      %dma_wait3A_113 = tpu.memref_slice %arg2[%add3A_66, %dma_wait3A_112] : memref<320000x128xf32, #tpu.memory_space<hbm>> -> memref<40x128xf32, #tpu.memory_space<hbm>>
      tpu.wait_dma2 semaphore(%arg18 : memref<!tpu.dma_semaphore, #tpu.memory_space<semaphore_mem>>) src(%dma_wait3A_113 : memref<40x128xf32, #tpu.memory_space<hbm>>) dst(%arg13 : memref<40x128xf32, #tpu.memory_space<vmem>>)
      %dma_start3A_114 = arith.constant 0 : i32
      %dma_start3A_115 = arith.constant 0 : i32
      %dma_start3A_116 = tpu.memref_slice %arg16[%dma_start3A_114, %dma_start3A_115] : memref<10000x128xf32, #tpu.memory_space<vmem_shared>> -> memref<10000x128xf32, #tpu.memory_space<vmem_shared>>
      tpu.enqueue_indirect_dma source(%arg13 : memref<40x128xf32, #tpu.memory_space<vmem>>) target(%dma_start3A_116 : memref<10000x128xf32, #tpu.memory_space<vmem_shared>>) offsets(%arg8 : memref<40xi32, #tpu.memory_space<vmem>>) semaphore(%arg19 : memref<!tpu.dma_semaphore, #tpu.memory_space<semaphore_mem>>) {add = true}
      %dma_wait3A_117 = tpu.memref_slice %arg3[%add3A_72] : memref<320000xi32, #tpu.memory_space<hbm>> -> memref<40xi32, #tpu.memory_space<hbm>>
      %dma_wait3A_118 = tpu.memref_slice %arg3[%add3A_72] : memref<320000xi32, #tpu.memory_space<hbm>> -> memref<40xi32, #tpu.memory_space<hbm>>
      tpu.wait_dma2 semaphore(%arg17 : memref<!tpu.dma_semaphore, #tpu.memory_space<semaphore_mem>>) src(%dma_wait3A_118 : memref<40xi32, #tpu.memory_space<hbm>>) dst(%arg9 : memref<40xi32, #tpu.memory_space<vmem>>)
      %dma_wait3A_119 = arith.constant 0 : i32
      %dma_wait3A_120 = tpu.memref_slice %arg2[%add3A_76, %dma_wait3A_119] : memref<320000x128xf32, #tpu.memory_space<hbm>> -> memref<40x128xf32, #tpu.memory_space<hbm>>
      %dma_wait3A_121 = arith.constant 0 : i32
      %dma_wait3A_122 = tpu.memref_slice %arg2[%add3A_76, %dma_wait3A_121] : memref<320000x128xf32, #tpu.memory_space<hbm>> -> memref<40x128xf32, #tpu.memory_space<hbm>>
      tpu.wait_dma2 semaphore(%arg18 : memref<!tpu.dma_semaphore, #tpu.memory_space<semaphore_mem>>) src(%dma_wait3A_122 : memref<40x128xf32, #tpu.memory_space<hbm>>) dst(%arg14 : memref<40x128xf32, #tpu.memory_space<vmem>>)
      %dma_start3A_123 = arith.constant 0 : i32
      %dma_start3A_124 = arith.constant 0 : i32
      %dma_start3A_125 = tpu.memref_slice %arg16[%dma_start3A_123, %dma_start3A_124] : memref<10000x128xf32, #tpu.memory_space<vmem_shared>> -> memref<10000x128xf32, #tpu.memory_space<vmem_shared>>
      tpu.enqueue_indirect_dma source(%arg14 : memref<40x128xf32, #tpu.memory_space<vmem>>) target(%dma_start3A_125 : memref<10000x128xf32, #tpu.memory_space<vmem_shared>>) offsets(%arg9 : memref<40xi32, #tpu.memory_space<vmem>>) semaphore(%arg19 : memref<!tpu.dma_semaphore, #tpu.memory_space<semaphore_mem>>) {add = true}
      %dma_wait3A_126 = tpu.memref_slice %arg3[%add3A_82] : memref<320000xi32, #tpu.memory_space<hbm>> -> memref<40xi32, #tpu.memory_space<hbm>>
      %dma_wait3A_127 = tpu.memref_slice %arg3[%add3A_82] : memref<320000xi32, #tpu.memory_space<hbm>> -> memref<40xi32, #tpu.memory_space<hbm>>
      tpu.wait_dma2 semaphore(%arg17 : memref<!tpu.dma_semaphore, #tpu.memory_space<semaphore_mem>>) src(%dma_wait3A_127 : memref<40xi32, #tpu.memory_space<hbm>>) dst(%arg10 : memref<40xi32, #tpu.memory_space<vmem>>)
      %dma_wait3A_128 = arith.constant 0 : i32
      %dma_wait3A_129 = tpu.memref_slice %arg2[%add3A_86, %dma_wait3A_128] : memref<320000x128xf32, #tpu.memory_space<hbm>> -> memref<40x128xf32, #tpu.memory_space<hbm>>
      %dma_wait3A_130 = arith.constant 0 : i32
      %dma_wait3A_131 = tpu.memref_slice %arg2[%add3A_86, %dma_wait3A_130] : memref<320000x128xf32, #tpu.memory_space<hbm>> -> memref<40x128xf32, #tpu.memory_space<hbm>>
      tpu.wait_dma2 semaphore(%arg18 : memref<!tpu.dma_semaphore, #tpu.memory_space<semaphore_mem>>) src(%dma_wait3A_131 : memref<40x128xf32, #tpu.memory_space<hbm>>) dst(%arg15 : memref<40x128xf32, #tpu.memory_space<vmem>>)
      %dma_start3A_132 = arith.constant 0 : i32
      %dma_start3A_133 = arith.constant 0 : i32
      %dma_start3A_134 = tpu.memref_slice %arg16[%dma_start3A_132, %dma_start3A_133] : memref<10000x128xf32, #tpu.memory_space<vmem_shared>> -> memref<10000x128xf32, #tpu.memory_space<vmem_shared>>
      tpu.enqueue_indirect_dma source(%arg15 : memref<40x128xf32, #tpu.memory_space<vmem>>) target(%dma_start3A_134 : memref<10000x128xf32, #tpu.memory_space<vmem_shared>>) offsets(%arg10 : memref<40xi32, #tpu.memory_space<vmem>>) semaphore(%arg19 : memref<!tpu.dma_semaphore, #tpu.memory_space<semaphore_mem>>) {add = true}
      %dma_wait3A_135 = arith.constant 0 : i32
      %dma_wait3A_136 = arith.constant 0 : i32
      %dma_wait3A_137 = tpu.memref_slice %arg16[%dma_wait3A_135, %dma_wait3A_136] : memref<10000x128xf32, #tpu.memory_space<vmem_shared>> -> memref<10000x128xf32, #tpu.memory_space<vmem_shared>>
      tpu.wait_indirect_dma semaphore(%arg19 : memref<!tpu.dma_semaphore, #tpu.memory_space<semaphore_mem>>) src(%arg11 : memref<40x128xf32, #tpu.memory_space<vmem>>) dst(%dma_wait3A_137 : memref<10000x128xf32, #tpu.memory_space<vmem_shared>>)
      %dma_wait3A_138 = arith.constant 0 : i32
      %dma_wait3A_139 = arith.constant 0 : i32
      %dma_wait3A_140 = tpu.memref_slice %arg16[%dma_wait3A_138, %dma_wait3A_139] : memref<10000x128xf32, #tpu.memory_space<vmem_shared>> -> memref<10000x128xf32, #tpu.memory_space<vmem_shared>>
      tpu.wait_indirect_dma semaphore(%arg19 : memref<!tpu.dma_semaphore, #tpu.memory_space<semaphore_mem>>) src(%arg12 : memref<40x128xf32, #tpu.memory_space<vmem>>) dst(%dma_wait3A_140 : memref<10000x128xf32, #tpu.memory_space<vmem_shared>>)
      %dma_wait3A_141 = arith.constant 0 : i32
      %dma_wait3A_142 = arith.constant 0 : i32
      %dma_wait3A_143 = tpu.memref_slice %arg16[%dma_wait3A_141, %dma_wait3A_142] : memref<10000x128xf32, #tpu.memory_space<vmem_shared>> -> memref<10000x128xf32, #tpu.memory_space<vmem_shared>>
      tpu.wait_indirect_dma semaphore(%arg19 : memref<!tpu.dma_semaphore, #tpu.memory_space<semaphore_mem>>) src(%arg13 : memref<40x128xf32, #tpu.memory_space<vmem>>) dst(%dma_wait3A_143 : memref<10000x128xf32, #tpu.memory_space<vmem_shared>>)
      %dma_wait3A_144 = arith.constant 0 : i32
      %dma_wait3A_145 = arith.constant 0 : i32
      %dma_wait3A_146 = tpu.memref_slice %arg16[%dma_wait3A_144, %dma_wait3A_145] : memref<10000x128xf32, #tpu.memory_space<vmem_shared>> -> memref<10000x128xf32, #tpu.memory_space<vmem_shared>>
      tpu.wait_indirect_dma semaphore(%arg19 : memref<!tpu.dma_semaphore, #tpu.memory_space<semaphore_mem>>) src(%arg14 : memref<40x128xf32, #tpu.memory_space<vmem>>) dst(%dma_wait3A_146 : memref<10000x128xf32, #tpu.memory_space<vmem_shared>>)
      %dma_wait3A_147 = arith.constant 0 : i32
      %dma_wait3A_148 = arith.constant 0 : i32
      %dma_wait3A_149 = tpu.memref_slice %arg16[%dma_wait3A_147, %dma_wait3A_148] : memref<10000x128xf32, #tpu.memory_space<vmem_shared>> -> memref<10000x128xf32, #tpu.memory_space<vmem_shared>>
      tpu.wait_indirect_dma semaphore(%arg19 : memref<!tpu.dma_semaphore, #tpu.memory_space<semaphore_mem>>) src(%arg15 : memref<40x128xf32, #tpu.memory_space<vmem>>) dst(%dma_wait3A_149 : memref<10000x128xf32, #tpu.memory_space<vmem_shared>>)
    }
    %scan3A_13 = arith.constant 50 : i32
    %barrier3A_14 = arith.constant 0 : index
    tpu.barrier barrier_id(%barrier3A_14)
    %mul3A_15 = arith.constant 624 : i32
    %mul3A_16 = arith.muli %arg1, %mul3A_15 : i32
    %mul3A_17 = arith.constant 10000 : i32
    %mul3A_18 = arith.muli %arg0, %mul3A_17 : i32
    %mul3A_19 = arith.constant 624 : i32
    %mul3A_20 = arith.muli %arg1, %mul3A_19 : i32
    %add3A_21 = arith.addi %mul3A_18, %mul3A_20 : i32
    %mul3A_22 = arith.constant 10000 : i32
    %mul3A_23 = arith.muli %arg0, %mul3A_22 : i32
    %add3A_24 = arith.constant 9360 : i32
    %add3A_25 = arith.addi %mul3A_23, %add3A_24 : i32
    %lt3A_26 = arith.constant 15 : i32
    %lt3A_27 = arith.cmpi slt, %arg1, %lt3A_26 : i32
    %convert_element_type3A_28 = arith.extui %lt3A_27 : i1 to i32
    %cond3A_29 = arith.constant 0 : i32
    %cond3A_30 = arith.cmpi ne, %convert_element_type3A_28, %cond3A_29 : i32
    scf.if %cond3A_30 {
      "tpu.region"() ({
        %run_scoped3A = tpu.sem_alloc : memref<!tpu.dma_semaphore, #tpu.memory_space<semaphore_mem>>
        %dma_start3A = arith.constant 0 : i32
        %dma_start3A_36 = tpu.memref_slice %arg5[%add3A_21, %dma_start3A] : memref<20000x128xf32, #tpu.memory_space<hbm>> -> memref<624x128xf32, #tpu.memory_space<hbm>>
        %dma_start3A_37 = arith.constant 0 : i32
        %dma_start3A_38 = tpu.memref_slice %arg16[%mul3A_16, %dma_start3A_37] : memref<10000x128xf32, #tpu.memory_space<vmem_shared>> -> memref<624x128xf32, #tpu.memory_space<vmem_shared>>
        tpu.enqueue_dma source(%dma_start3A_38 : memref<624x128xf32, #tpu.memory_space<vmem_shared>>) target(%dma_start3A_36 : memref<624x128xf32, #tpu.memory_space<hbm>>) target_semaphore(%run_scoped3A : memref<!tpu.dma_semaphore, #tpu.memory_space<semaphore_mem>>)
        %dma_wait3A = arith.constant 0 : i32
        %dma_wait3A_39 = tpu.memref_slice %arg5[%add3A_21, %dma_wait3A] : memref<20000x128xf32, #tpu.memory_space<hbm>> -> memref<624x128xf32, #tpu.memory_space<hbm>>
        %dma_wait3A_40 = arith.constant 0 : i32
        %dma_wait3A_41 = tpu.memref_slice %arg16[%mul3A_16, %dma_wait3A_40] : memref<10000x128xf32, #tpu.memory_space<vmem_shared>> -> memref<624x128xf32, #tpu.memory_space<vmem_shared>>
        tpu.wait_dma2 semaphore(%run_scoped3A : memref<!tpu.dma_semaphore, #tpu.memory_space<semaphore_mem>>) src(%dma_wait3A_41 : memref<624x128xf32, #tpu.memory_space<vmem_shared>>) dst(%dma_wait3A_39 : memref<624x128xf32, #tpu.memory_space<hbm>>)
        tpu.yield
      }) : () -> ()
    } else {
    }
    %eq3A_31 = arith.constant 15 : i32
    %eq3A_32 = arith.cmpi eq, %arg1, %eq3A_31 : i32
    %convert_element_type3A_33 = arith.extui %eq3A_32 : i1 to i32
    %cond3A_34 = arith.constant 0 : i32
    %cond3A_35 = arith.cmpi ne, %convert_element_type3A_33, %cond3A_34 : i32
    scf.if %cond3A_35 {
      "tpu.region"() ({
        %run_scoped3A = tpu.sem_alloc : memref<!tpu.dma_semaphore, #tpu.memory_space<semaphore_mem>>
        %dma_start3A = arith.constant 0 : i32
        %dma_start3A_36 = tpu.memref_slice %arg5[%add3A_25, %dma_start3A] : memref<20000x128xf32, #tpu.memory_space<hbm>> -> memref<640x128xf32, #tpu.memory_space<hbm>>
        %dma_start3A_37 = arith.constant 9360 : i32
        %dma_start3A_38 = arith.constant 0 : i32
        %dma_start3A_39 = tpu.memref_slice %arg16[%dma_start3A_37, %dma_start3A_38] : memref<10000x128xf32, #tpu.memory_space<vmem_shared>> -> memref<640x128xf32, #tpu.memory_space<vmem_shared>>
        tpu.enqueue_dma source(%dma_start3A_39 : memref<640x128xf32, #tpu.memory_space<vmem_shared>>) target(%dma_start3A_36 : memref<640x128xf32, #tpu.memory_space<hbm>>) target_semaphore(%run_scoped3A : memref<!tpu.dma_semaphore, #tpu.memory_space<semaphore_mem>>)
        %dma_wait3A = arith.constant 0 : i32
        %dma_wait3A_40 = tpu.memref_slice %arg5[%add3A_25, %dma_wait3A] : memref<20000x128xf32, #tpu.memory_space<hbm>> -> memref<640x128xf32, #tpu.memory_space<hbm>>
        %dma_wait3A_41 = arith.constant 9360 : i32
        %dma_wait3A_42 = arith.constant 0 : i32
        %dma_wait3A_43 = tpu.memref_slice %arg16[%dma_wait3A_41, %dma_wait3A_42] : memref<10000x128xf32, #tpu.memory_space<vmem_shared>> -> memref<640x128xf32, #tpu.memory_space<vmem_shared>>
        tpu.wait_dma2 semaphore(%run_scoped3A : memref<!tpu.dma_semaphore, #tpu.memory_space<semaphore_mem>>) src(%dma_wait3A_43 : memref<640x128xf32, #tpu.memory_space<vmem_shared>>) dst(%dma_wait3A_40 : memref<640x128xf32, #tpu.memory_space<hbm>>)
        tpu.yield
      }) : () -> ()
    } else {
    }
    return
  }
}

#map = affine_map<(d0, d1) -> (0, 0)>
#map1 = affine_map<(d0, d1) -> (0)>
module attributes {stable_mosaic.version = 14 : i64} {
  func.func @k(%arg0: i32, %arg1: i32, %arg2: memref<320000x128xf32, #tpu.memory_space<hbm>>, %arg3: memref<320000xi32, #tpu.memory_space<hbm>>, %arg4: memref<640x128xf32, #tpu.memory_space<hbm>>, %arg5: memref<20000x128xf32, #tpu.memory_space<hbm>>, %arg6: memref<40xi32, #tpu.memory_space<vmem>>, %arg7: memref<40xi32, #tpu.memory_space<vmem>>, %arg8: memref<40xi32, #tpu.memory_space<vmem>>, %arg9: memref<40xi32, #tpu.memory_space<vmem>>, %arg10: memref<40xi32, #tpu.memory_space<vmem>>, %arg11: memref<40x128xf32, #tpu.memory_space<vmem>>, %arg12: memref<40x128xf32, #tpu.memory_space<vmem>>, %arg13: memref<40x128xf32, #tpu.memory_space<vmem>>, %arg14: memref<40x128xf32, #tpu.memory_space<vmem>>, %arg15: memref<40x128xf32, #tpu.memory_space<vmem>>, %arg16: memref<10000x128xf32, #tpu.memory_space<vmem_shared>>, %arg17: memref<!tpu.dma_semaphore, #tpu.memory_space<semaphore_mem>>, %arg18: memref<!tpu.dma_semaphore, #tpu.memory_space<semaphore_mem>>, %arg19: memref<!tpu.dma_semaphore, #tpu.memory_space<semaphore_mem>>) attributes {dimension_semantics = [#tpu.dimension_semantics<core_parallel>, #tpu.dimension_semantics<subcore_parallel>], iteration_bounds = array<i64: 2, 16>, scalar_prefetch = 0 : i64, scratch_operands = 14 : i64, tpu.core_type = #tpu.core_type<sc_vector_subcore>, window_params = [{transform_indices = #map}, {transform_indices = #map1}, {transform_indices = #map}, {transform_indices = #map}]} {
    %mul3A = arith.constant 2 : i32
    %mul3A_0 = arith.muli %arg1, %mul3A : i32
    %add3A = arith.addi %mul3A_0, %arg0 : i32
    %mul3A_1 = arith.constant 10000 : i32
    %mul3A_2 = arith.muli %add3A, %mul3A_1 : i32
    %lt3A = arith.constant 15 : i32
    %lt3A_3 = arith.cmpi slt, %arg1, %lt3A : i32
    %convert_element_type3A = arith.extui %lt3A_3 : i1 to i32
    %cond3A = arith.constant 0 : i32
    %cond3A_4 = arith.cmpi ne, %convert_element_type3A, %cond3A : i32
    scf.if %cond3A_4 {
      %mul3A_36 = arith.constant 624 : i32
      %mul3A_37 = arith.muli %arg1, %mul3A_36 : i32
      "tpu.region"() ({
        %run_scoped3A = tpu.sem_alloc : memref<!tpu.dma_semaphore, #tpu.memory_space<semaphore_mem>>
        %dma_start3A = arith.constant 0 : i32
        %dma_start3A_38 = tpu.memref_slice %arg16[%mul3A_37, %dma_start3A] : memref<10000x128xf32, #tpu.memory_space<vmem_shared>> -> memref<624x128xf32, #tpu.memory_space<vmem_shared>>
        %dma_start3A_39 = arith.constant 0 : i32
        %dma_start3A_40 = arith.constant 0 : i32
        %dma_start3A_41 = tpu.memref_slice %arg4[%dma_start3A_39, %dma_start3A_40] : memref<640x128xf32, #tpu.memory_space<hbm>> -> memref<624x128xf32, #tpu.memory_space<hbm>>
        tpu.enqueue_dma source(%dma_start3A_41 : memref<624x128xf32, #tpu.memory_space<hbm>>) target(%dma_start3A_38 : memref<624x128xf32, #tpu.memory_space<vmem_shared>>) target_semaphore(%run_scoped3A : memref<!tpu.dma_semaphore, #tpu.memory_space<semaphore_mem>>)
        %dma_wait3A = arith.constant 0 : i32
        %dma_wait3A_42 = tpu.memref_slice %arg16[%mul3A_37, %dma_wait3A] : memref<10000x128xf32, #tpu.memory_space<vmem_shared>> -> memref<624x128xf32, #tpu.memory_space<vmem_shared>>
        %dma_wait3A_43 = arith.constant 0 : i32
        %dma_wait3A_44 = arith.constant 0 : i32
        %dma_wait3A_45 = tpu.memref_slice %arg4[%dma_wait3A_43, %dma_wait3A_44] : memref<640x128xf32, #tpu.memory_space<hbm>> -> memref<624x128xf32, #tpu.memory_space<hbm>>
        tpu.wait_dma2 semaphore(%run_scoped3A : memref<!tpu.dma_semaphore, #tpu.memory_space<semaphore_mem>>) src(%dma_wait3A_45 : memref<624x128xf32, #tpu.memory_space<hbm>>) dst(%dma_wait3A_42 : memref<624x128xf32, #tpu.memory_space<vmem_shared>>)
        tpu.yield
      }) : () -> ()
    } else {
    }
    %eq3A = arith.constant 15 : i32
    %eq3A_5 = arith.cmpi eq, %arg1, %eq3A : i32
    %convert_element_type3A_6 = arith.extui %eq3A_5 : i1 to i32
    %cond3A_7 = arith.constant 0 : i32
    %cond3A_8 = arith.cmpi ne, %convert_element_type3A_6, %cond3A_7 : i32
    scf.if %cond3A_8 {
      "tpu.region"() ({
        %run_scoped3A = tpu.sem_alloc : memref<!tpu.dma_semaphore, #tpu.memory_space<semaphore_mem>>
        %dma_start3A = arith.constant 9360 : i32
        %dma_start3A_36 = arith.constant 0 : i32
        %dma_start3A_37 = tpu.memref_slice %arg16[%dma_start3A, %dma_start3A_36] : memref<10000x128xf32, #tpu.memory_space<vmem_shared>> -> memref<640x128xf32, #tpu.memory_space<vmem_shared>>
        tpu.enqueue_dma source(%arg4 : memref<640x128xf32, #tpu.memory_space<hbm>>) target(%dma_start3A_37 : memref<640x128xf32, #tpu.memory_space<vmem_shared>>) target_semaphore(%run_scoped3A : memref<!tpu.dma_semaphore, #tpu.memory_space<semaphore_mem>>)
        %dma_wait3A = arith.constant 9360 : i32
        %dma_wait3A_38 = arith.constant 0 : i32
        %dma_wait3A_39 = tpu.memref_slice %arg16[%dma_wait3A, %dma_wait3A_38] : memref<10000x128xf32, #tpu.memory_space<vmem_shared>> -> memref<640x128xf32, #tpu.memory_space<vmem_shared>>
        tpu.wait_dma2 semaphore(%run_scoped3A : memref<!tpu.dma_semaphore, #tpu.memory_space<semaphore_mem>>) src(%arg4 : memref<640x128xf32, #tpu.memory_space<hbm>>) dst(%dma_wait3A_39 : memref<640x128xf32, #tpu.memory_space<vmem_shared>>)
        tpu.yield
      }) : () -> ()
    } else {
    }
    %barrier3A = arith.constant 0 : index
    tpu.barrier barrier_id(%barrier3A)
    %scan3A = arith.constant 0 : i32
    %scan3A_9 = arith.constant 0 : i32
    %scan3A_10 = arith.constant 50 : i32
    %scan3A_11 = arith.addi %scan3A_9, %scan3A_10 : i32
    %scan3A_12 = arith.constant 1 : i32
    scf.for %scan3A_36 = %scan3A_9 to %scan3A_11 step %scan3A_12  : i32 {
      %mul3A_37 = arith.constant 40 : i32
      %mul3A_38 = arith.muli %scan3A_36, %mul3A_37 : i32
      %mul3A_39 = arith.constant 5 : i32
      %mul3A_40 = arith.muli %mul3A_38, %mul3A_39 : i32
      %add3A_41 = arith.addi %mul3A_2, %mul3A_40 : i32
      %add3A_42 = arith.constant 0 : i32
      %add3A_43 = arith.addi %add3A_41, %add3A_42 : i32
      %dma_start3A = tpu.memref_slice %arg3[%add3A_43] : memref<320000xi32, #tpu.memory_space<hbm>> -> memref<40xi32, #tpu.memory_space<hbm>>
      %dma_start3A_44 = tpu.memref_slice %arg3[%add3A_43] : memref<320000xi32, #tpu.memory_space<hbm>> -> memref<40xi32, #tpu.memory_space<hbm>>
      tpu.enqueue_dma source(%dma_start3A_44 : memref<40xi32, #tpu.memory_space<hbm>>) target(%arg6 : memref<40xi32, #tpu.memory_space<vmem>>) target_semaphore(%arg17 : memref<!tpu.dma_semaphore, #tpu.memory_space<semaphore_mem>>)
      %add3A_45 = arith.constant 0 : i32
      %add3A_46 = arith.addi %add3A_41, %add3A_45 : i32
      %dma_start3A_47 = arith.constant 0 : i32
      %dma_start3A_48 = tpu.memref_slice %arg2[%add3A_46, %dma_start3A_47] : memref<320000x128xf32, #tpu.memory_space<hbm>> -> memref<40x128xf32, #tpu.memory_space<hbm>>
      %dma_start3A_49 = arith.constant 0 : i32
      %dma_start3A_50 = tpu.memref_slice %arg2[%add3A_46, %dma_start3A_49] : memref<320000x128xf32, #tpu.memory_space<hbm>> -> memref<40x128xf32, #tpu.memory_space<hbm>>
      tpu.enqueue_dma source(%dma_start3A_50 : memref<40x128xf32, #tpu.memory_space<hbm>>) target(%arg11 : memref<40x128xf32, #tpu.memory_space<vmem>>) target_semaphore(%arg18 : memref<!tpu.dma_semaphore, #tpu.memory_space<semaphore_mem>>)
      %add3A_51 = arith.constant 40 : i32
      %add3A_52 = arith.addi %add3A_41, %add3A_51 : i32
      %dma_start3A_53 = tpu.memref_slice %arg3[%add3A_52] : memref<320000xi32, #tpu.memory_space<hbm>> -> memref<40xi32, #tpu.memory_space<hbm>>
      %dma_start3A_54 = tpu.memref_slice %arg3[%add3A_52] : memref<320000xi32, #tpu.memory_space<hbm>> -> memref<40xi32, #tpu.memory_space<hbm>>
      tpu.enqueue_dma source(%dma_start3A_54 : memref<40xi32, #tpu.memory_space<hbm>>) target(%arg7 : memref<40xi32, #tpu.memory_space<vmem>>) target_semaphore(%arg17 : memref<!tpu.dma_semaphore, #tpu.memory_space<semaphore_mem>>)
      %add3A_55 = arith.constant 40 : i32
      %add3A_56 = arith.addi %add3A_41, %add3A_55 : i32
      %dma_start3A_57 = arith.constant 0 : i32
      %dma_start3A_58 = tpu.memref_slice %arg2[%add3A_56, %dma_start3A_57] : memref<320000x128xf32, #tpu.memory_space<hbm>> -> memref<40x128xf32, #tpu.memory_space<hbm>>
      %dma_start3A_59 = arith.constant 0 : i32
      %dma_start3A_60 = tpu.memref_slice %arg2[%add3A_56, %dma_start3A_59] : memref<320000x128xf32, #tpu.memory_space<hbm>> -> memref<40x128xf32, #tpu.memory_space<hbm>>
      tpu.enqueue_dma source(%dma_start3A_60 : memref<40x128xf32, #tpu.memory_space<hbm>>) target(%arg12 : memref<40x128xf32, #tpu.memory_space<vmem>>) target_semaphore(%arg18 : memref<!tpu.dma_semaphore, #tpu.memory_space<semaphore_mem>>)
      %add3A_61 = arith.constant 80 : i32
      %add3A_62 = arith.addi %add3A_41, %add3A_61 : i32
      %dma_start3A_63 = tpu.memref_slice %arg3[%add3A_62] : memref<320000xi32, #tpu.memory_space<hbm>> -> memref<40xi32, #tpu.memory_space<hbm>>
      %dma_start3A_64 = tpu.memref_slice %arg3[%add3A_62] : memref<320000xi32, #tpu.memory_space<hbm>> -> memref<40xi32, #tpu.memory_space<hbm>>
      tpu.enqueue_dma source(%dma_start3A_64 : memref<40xi32, #tpu.memory_space<hbm>>) target(%arg8 : memref<40xi32, #tpu.memory_space<vmem>>) target_semaphore(%arg17 : memref<!tpu.dma_semaphore, #tpu.memory_space<semaphore_mem>>)
      %add3A_65 = arith.constant 80 : i32
      %add3A_66 = arith.addi %add3A_41, %add3A_65 : i32
      %dma_start3A_67 = arith.constant 0 : i32
      %dma_start3A_68 = tpu.memref_slice %arg2[%add3A_66, %dma_start3A_67] : memref<320000x128xf32, #tpu.memory_space<hbm>> -> memref<40x128xf32, #tpu.memory_space<hbm>>
      %dma_start3A_69 = arith.constant 0 : i32
      %dma_start3A_70 = tpu.memref_slice %arg2[%add3A_66, %dma_start3A_69] : memref<320000x128xf32, #tpu.memory_space<hbm>> -> memref<40x128xf32, #tpu.memory_space<hbm>>
      tpu.enqueue_dma source(%dma_start3A_70 : memref<40x128xf32, #tpu.memory_space<hbm>>) target(%arg13 : memref<40x128xf32, #tpu.memory_space<vmem>>) target_semaphore(%arg18 : memref<!tpu.dma_semaphore, #tpu.memory_space<semaphore_mem>>)
      %add3A_71 = arith.constant 120 : i32
      %add3A_72 = arith.addi %add3A_41, %add3A_71 : i32
      %dma_start3A_73 = tpu.memref_slice %arg3[%add3A_72] : memref<320000xi32, #tpu.memory_space<hbm>> -> memref<40xi32, #tpu.memory_space<hbm>>
      %dma_start3A_74 = tpu.memref_slice %arg3[%add3A_72] : memref<320000xi32, #tpu.memory_space<hbm>> -> memref<40xi32, #tpu.memory_space<hbm>>
      tpu.enqueue_dma source(%dma_start3A_74 : memref<40xi32, #tpu.memory_space<hbm>>) target(%arg9 : memref<40xi32, #tpu.memory_space<vmem>>) target_semaphore(%arg17 : memref<!tpu.dma_semaphore, #tpu.memory_space<semaphore_mem>>)
      %add3A_75 = arith.constant 120 : i32
      %add3A_76 = arith.addi %add3A_41, %add3A_75 : i32
      %dma_start3A_77 = arith.constant 0 : i32
      %dma_start3A_78 = tpu.memref_slice %arg2[%add3A_76, %dma_start3A_77] : memref<320000x128xf32, #tpu.memory_space<hbm>> -> memref<40x128xf32, #tpu.memory_space<hbm>>
      %dma_start3A_79 = arith.constant 0 : i32
      %dma_start3A_80 = tpu.memref_slice %arg2[%add3A_76, %dma_start3A_79] : memref<320000x128xf32, #tpu.memory_space<hbm>> -> memref<40x128xf32, #tpu.memory_space<hbm>>
      tpu.enqueue_dma source(%dma_start3A_80 : memref<40x128xf32, #tpu.memory_space<hbm>>) target(%arg14 : memref<40x128xf32, #tpu.memory_space<vmem>>) target_semaphore(%arg18 : memref<!tpu.dma_semaphore, #tpu.memory_space<semaphore_mem>>)
      %add3A_81 = arith.constant 160 : i32
      %add3A_82 = arith.addi %add3A_41, %add3A_81 : i32
      %dma_start3A_83 = tpu.memref_slice %arg3[%add3A_82] : memref<320000xi32, #tpu.memory_space<hbm>> -> memref<40xi32, #tpu.memory_space<hbm>>
      %dma_start3A_84 = tpu.memref_slice %arg3[%add3A_82] : memref<320000xi32, #tpu.memory_space<hbm>> -> memref<40xi32, #tpu.memory_space<hbm>>
      tpu.enqueue_dma source(%dma_start3A_84 : memref<40xi32, #tpu.memory_space<hbm>>) target(%arg10 : memref<40xi32, #tpu.memory_space<vmem>>) target_semaphore(%arg17 : memref<!tpu.dma_semaphore, #tpu.memory_space<semaphore_mem>>)
      %add3A_85 = arith.constant 160 : i32
      %add3A_86 = arith.addi %add3A_41, %add3A_85 : i32
      %dma_start3A_87 = arith.constant 0 : i32
      %dma_start3A_88 = tpu.memref_slice %arg2[%add3A_86, %dma_start3A_87] : memref<320000x128xf32, #tpu.memory_space<hbm>> -> memref<40x128xf32, #tpu.memory_space<hbm>>
      %dma_start3A_89 = arith.constant 0 : i32
      %dma_start3A_90 = tpu.memref_slice %arg2[%add3A_86, %dma_start3A_89] : memref<320000x128xf32, #tpu.memory_space<hbm>> -> memref<40x128xf32, #tpu.memory_space<hbm>>
      tpu.enqueue_dma source(%dma_start3A_90 : memref<40x128xf32, #tpu.memory_space<hbm>>) target(%arg15 : memref<40x128xf32, #tpu.memory_space<vmem>>) target_semaphore(%arg18 : memref<!tpu.dma_semaphore, #tpu.memory_space<semaphore_mem>>)
      %dma_wait3A = tpu.memref_slice %arg3[%add3A_43] : memref<320000xi32, #tpu.memory_space<hbm>> -> memref<40xi32, #tpu.memory_space<hbm>>
      %dma_wait3A_91 = tpu.memref_slice %arg3[%add3A_43] : memref<320000xi32, #tpu.memory_space<hbm>> -> memref<40xi32, #tpu.memory_space<hbm>>
      tpu.wait_dma2 semaphore(%arg17 : memref<!tpu.dma_semaphore, #tpu.memory_space<semaphore_mem>>) src(%dma_wait3A_91 : memref<40xi32, #tpu.memory_space<hbm>>) dst(%arg6 : memref<40xi32, #tpu.memory_space<vmem>>)
      %dma_wait3A_92 = arith.constant 0 : i32
      %dma_wait3A_93 = tpu.memref_slice %arg2[%add3A_46, %dma_wait3A_92] : memref<320000x128xf32, #tpu.memory_space<hbm>> -> memref<40x128xf32, #tpu.memory_space<hbm>>
      %dma_wait3A_94 = arith.constant 0 : i32
      %dma_wait3A_95 = tpu.memref_slice %arg2[%add3A_46, %dma_wait3A_94] : memref<320000x128xf32, #tpu.memory_space<hbm>> -> memref<40x128xf32, #tpu.memory_space<hbm>>
      tpu.wait_dma2 semaphore(%arg18 : memref<!tpu.dma_semaphore, #tpu.memory_space<semaphore_mem>>) src(%dma_wait3A_95 : memref<40x128xf32, #tpu.memory_space<hbm>>) dst(%arg11 : memref<40x128xf32, #tpu.memory_space<vmem>>)
      %dma_start3A_96 = arith.constant 0 : i32
      %dma_start3A_97 = arith.constant 0 : i32
      %dma_start3A_98 = tpu.memref_slice %arg16[%dma_start3A_96, %dma_start3A_97] : memref<10000x128xf32, #tpu.memory_space<vmem_shared>> -> memref<10000x128xf32, #tpu.memory_space<vmem_shared>>
      tpu.enqueue_indirect_dma source(%arg11 : memref<40x128xf32, #tpu.memory_space<vmem>>) target(%dma_start3A_98 : memref<10000x128xf32, #tpu.memory_space<vmem_shared>>) offsets(%arg6 : memref<40xi32, #tpu.memory_space<vmem>>) semaphore(%arg19 : memref<!tpu.dma_semaphore, #tpu.memory_space<semaphore_mem>>) {add = true}
      %dma_wait3A_99 = tpu.memref_slice %arg3[%add3A_52] : memref<320000xi32, #tpu.memory_space<hbm>> -> memref<40xi32, #tpu.memory_space<hbm>>
      %dma_wait3A_100 = tpu.memref_slice %arg3[%add3A_52] : memref<320000xi32, #tpu.memory_space<hbm>> -> memref<40xi32, #tpu.memory_space<hbm>>
      tpu.wait_dma2 semaphore(%arg17 : memref<!tpu.dma_semaphore, #tpu.memory_space<semaphore_mem>>) src(%dma_wait3A_100 : memref<40xi32, #tpu.memory_space<hbm>>) dst(%arg7 : memref<40xi32, #tpu.memory_space<vmem>>)
      %dma_wait3A_101 = arith.constant 0 : i32
      %dma_wait3A_102 = tpu.memref_slice %arg2[%add3A_56, %dma_wait3A_101] : memref<320000x128xf32, #tpu.memory_space<hbm>> -> memref<40x128xf32, #tpu.memory_space<hbm>>
      %dma_wait3A_103 = arith.constant 0 : i32
      %dma_wait3A_104 = tpu.memref_slice %arg2[%add3A_56, %dma_wait3A_103] : memref<320000x128xf32, #tpu.memory_space<hbm>> -> memref<40x128xf32, #tpu.memory_space<hbm>>
      tpu.wait_dma2 semaphore(%arg18 : memref<!tpu.dma_semaphore, #tpu.memory_space<semaphore_mem>>) src(%dma_wait3A_104 : memref<40x128xf32, #tpu.memory_space<hbm>>) dst(%arg12 : memref<40x128xf32, #tpu.memory_space<vmem>>)
      %dma_start3A_105 = arith.constant 0 : i32
      %dma_start3A_106 = arith.constant 0 : i32
      %dma_start3A_107 = tpu.memref_slice %arg16[%dma_start3A_105, %dma_start3A_106] : memref<10000x128xf32, #tpu.memory_space<vmem_shared>> -> memref<10000x128xf32, #tpu.memory_space<vmem_shared>>
      tpu.enqueue_indirect_dma source(%arg12 : memref<40x128xf32, #tpu.memory_space<vmem>>) target(%dma_start3A_107 : memref<10000x128xf32, #tpu.memory_space<vmem_shared>>) offsets(%arg7 : memref<40xi32, #tpu.memory_space<vmem>>) semaphore(%arg19 : memref<!tpu.dma_semaphore, #tpu.memory_space<semaphore_mem>>) {add = true}
      %dma_wait3A_108 = tpu.memref_slice %arg3[%add3A_62] : memref<320000xi32, #tpu.memory_space<hbm>> -> memref<40xi32, #tpu.memory_space<hbm>>
      %dma_wait3A_109 = tpu.memref_slice %arg3[%add3A_62] : memref<320000xi32, #tpu.memory_space<hbm>> -> memref<40xi32, #tpu.memory_space<hbm>>
      tpu.wait_dma2 semaphore(%arg17 : memref<!tpu.dma_semaphore, #tpu.memory_space<semaphore_mem>>) src(%dma_wait3A_109 : memref<40xi32, #tpu.memory_space<hbm>>) dst(%arg8 : memref<40xi32, #tpu.memory_space<vmem>>)
      %dma_wait3A_110 = arith.constant 0 : i32
      %dma_wait3A_111 = tpu.memref_slice %arg2[%add3A_66, %dma_wait3A_110] : memref<320000x128xf32, #tpu.memory_space<hbm>> -> memref<40x128xf32, #tpu.memory_space<hbm>>
      %dma_wait3A_112 = arith.constant 0 : i32
      %dma_wait3A_113 = tpu.memref_slice %arg2[%add3A_66, %dma_wait3A_112] : memref<320000x128xf32, #tpu.memory_space<hbm>> -> memref<40x128xf32, #tpu.memory_space<hbm>>
      tpu.wait_dma2 semaphore(%arg18 : memref<!tpu.dma_semaphore, #tpu.memory_space<semaphore_mem>>) src(%dma_wait3A_113 : memref<40x128xf32, #tpu.memory_space<hbm>>) dst(%arg13 : memref<40x128xf32, #tpu.memory_space<vmem>>)
      %dma_start3A_114 = arith.constant 0 : i32
      %dma_start3A_115 = arith.constant 0 : i32
      %dma_start3A_116 = tpu.memref_slice %arg16[%dma_start3A_114, %dma_start3A_115] : memref<10000x128xf32, #tpu.memory_space<vmem_shared>> -> memref<10000x128xf32, #tpu.memory_space<vmem_shared>>
      tpu.enqueue_indirect_dma source(%arg13 : memref<40x128xf32, #tpu.memory_space<vmem>>) target(%dma_start3A_116 : memref<10000x128xf32, #tpu.memory_space<vmem_shared>>) offsets(%arg8 : memref<40xi32, #tpu.memory_space<vmem>>) semaphore(%arg19 : memref<!tpu.dma_semaphore, #tpu.memory_space<semaphore_mem>>) {add = true}
      %dma_wait3A_117 = tpu.memref_slice %arg3[%add3A_72] : memref<320000xi32, #tpu.memory_space<hbm>> -> memref<40xi32, #tpu.memory_space<hbm>>
      %dma_wait3A_118 = tpu.memref_slice %arg3[%add3A_72] : memref<320000xi32, #tpu.memory_space<hbm>> -> memref<40xi32, #tpu.memory_space<hbm>>
      tpu.wait_dma2 semaphore(%arg17 : memref<!tpu.dma_semaphore, #tpu.memory_space<semaphore_mem>>) src(%dma_wait3A_118 : memref<40xi32, #tpu.memory_space<hbm>>) dst(%arg9 : memref<40xi32, #tpu.memory_space<vmem>>)
      %dma_wait3A_119 = arith.constant 0 : i32
      %dma_wait3A_120 = tpu.memref_slice %arg2[%add3A_76, %dma_wait3A_119] : memref<320000x128xf32, #tpu.memory_space<hbm>> -> memref<40x128xf32, #tpu.memory_space<hbm>>
      %dma_wait3A_121 = arith.constant 0 : i32
      %dma_wait3A_122 = tpu.memref_slice %arg2[%add3A_76, %dma_wait3A_121] : memref<320000x128xf32, #tpu.memory_space<hbm>> -> memref<40x128xf32, #tpu.memory_space<hbm>>
      tpu.wait_dma2 semaphore(%arg18 : memref<!tpu.dma_semaphore, #tpu.memory_space<semaphore_mem>>) src(%dma_wait3A_122 : memref<40x128xf32, #tpu.memory_space<hbm>>) dst(%arg14 : memref<40x128xf32, #tpu.memory_space<vmem>>)
      %dma_start3A_123 = arith.constant 0 : i32
      %dma_start3A_124 = arith.constant 0 : i32
      %dma_start3A_125 = tpu.memref_slice %arg16[%dma_start3A_123, %dma_start3A_124] : memref<10000x128xf32, #tpu.memory_space<vmem_shared>> -> memref<10000x128xf32, #tpu.memory_space<vmem_shared>>
      tpu.enqueue_indirect_dma source(%arg14 : memref<40x128xf32, #tpu.memory_space<vmem>>) target(%dma_start3A_125 : memref<10000x128xf32, #tpu.memory_space<vmem_shared>>) offsets(%arg9 : memref<40xi32, #tpu.memory_space<vmem>>) semaphore(%arg19 : memref<!tpu.dma_semaphore, #tpu.memory_space<semaphore_mem>>) {add = true}
      %dma_wait3A_126 = tpu.memref_slice %arg3[%add3A_82] : memref<320000xi32, #tpu.memory_space<hbm>> -> memref<40xi32, #tpu.memory_space<hbm>>
      %dma_wait3A_127 = tpu.memref_slice %arg3[%add3A_82] : memref<320000xi32, #tpu.memory_space<hbm>> -> memref<40xi32, #tpu.memory_space<hbm>>
      tpu.wait_dma2 semaphore(%arg17 : memref<!tpu.dma_semaphore, #tpu.memory_space<semaphore_mem>>) src(%dma_wait3A_127 : memref<40xi32, #tpu.memory_space<hbm>>) dst(%arg10 : memref<40xi32, #tpu.memory_space<vmem>>)
      %dma_wait3A_128 = arith.constant 0 : i32
      %dma_wait3A_129 = tpu.memref_slice %arg2[%add3A_86, %dma_wait3A_128] : memref<320000x128xf32, #tpu.memory_space<hbm>> -> memref<40x128xf32, #tpu.memory_space<hbm>>
      %dma_wait3A_130 = arith.constant 0 : i32
      %dma_wait3A_131 = tpu.memref_slice %arg2[%add3A_86, %dma_wait3A_130] : memref<320000x128xf32, #tpu.memory_space<hbm>> -> memref<40x128xf32, #tpu.memory_space<hbm>>
      tpu.wait_dma2 semaphore(%arg18 : memref<!tpu.dma_semaphore, #tpu.memory_space<semaphore_mem>>) src(%dma_wait3A_131 : memref<40x128xf32, #tpu.memory_space<hbm>>) dst(%arg15 : memref<40x128xf32, #tpu.memory_space<vmem>>)
      %dma_start3A_132 = arith.constant 0 : i32
      %dma_start3A_133 = arith.constant 0 : i32
      %dma_start3A_134 = tpu.memref_slice %arg16[%dma_start3A_132, %dma_start3A_133] : memref<10000x128xf32, #tpu.memory_space<vmem_shared>> -> memref<10000x128xf32, #tpu.memory_space<vmem_shared>>
      tpu.enqueue_indirect_dma source(%arg15 : memref<40x128xf32, #tpu.memory_space<vmem>>) target(%dma_start3A_134 : memref<10000x128xf32, #tpu.memory_space<vmem_shared>>) offsets(%arg10 : memref<40xi32, #tpu.memory_space<vmem>>) semaphore(%arg19 : memref<!tpu.dma_semaphore, #tpu.memory_space<semaphore_mem>>) {add = true}
      %dma_wait3A_135 = arith.constant 0 : i32
      %dma_wait3A_136 = arith.constant 0 : i32
      %dma_wait3A_137 = tpu.memref_slice %arg16[%dma_wait3A_135, %dma_wait3A_136] : memref<10000x128xf32, #tpu.memory_space<vmem_shared>> -> memref<10000x128xf32, #tpu.memory_space<vmem_shared>>
      tpu.wait_indirect_dma semaphore(%arg19 : memref<!tpu.dma_semaphore, #tpu.memory_space<semaphore_mem>>) src(%arg11 : memref<40x128xf32, #tpu.memory_space<vmem>>) dst(%dma_wait3A_137 : memref<10000x128xf32, #tpu.memory_space<vmem_shared>>)
      %dma_wait3A_138 = arith.constant 0 : i32
      %dma_wait3A_139 = arith.constant 0 : i32
      %dma_wait3A_140 = tpu.memref_slice %arg16[%dma_wait3A_138, %dma_wait3A_139] : memref<10000x128xf32, #tpu.memory_space<vmem_shared>> -> memref<10000x128xf32, #tpu.memory_space<vmem_shared>>
      tpu.wait_indirect_dma semaphore(%arg19 : memref<!tpu.dma_semaphore, #tpu.memory_space<semaphore_mem>>) src(%arg12 : memref<40x128xf32, #tpu.memory_space<vmem>>) dst(%dma_wait3A_140 : memref<10000x128xf32, #tpu.memory_space<vmem_shared>>)
      %dma_wait3A_141 = arith.constant 0 : i32
      %dma_wait3A_142 = arith.constant 0 : i32
      %dma_wait3A_143 = tpu.memref_slice %arg16[%dma_wait3A_141, %dma_wait3A_142] : memref<10000x128xf32, #tpu.memory_space<vmem_shared>> -> memref<10000x128xf32, #tpu.memory_space<vmem_shared>>
      tpu.wait_indirect_dma semaphore(%arg19 : memref<!tpu.dma_semaphore, #tpu.memory_space<semaphore_mem>>) src(%arg13 : memref<40x128xf32, #tpu.memory_space<vmem>>) dst(%dma_wait3A_143 : memref<10000x128xf32, #tpu.memory_space<vmem_shared>>)
      %dma_wait3A_144 = arith.constant 0 : i32
      %dma_wait3A_145 = arith.constant 0 : i32
      %dma_wait3A_146 = tpu.memref_slice %arg16[%dma_wait3A_144, %dma_wait3A_145] : memref<10000x128xf32, #tpu.memory_space<vmem_shared>> -> memref<10000x128xf32, #tpu.memory_space<vmem_shared>>
      tpu.wait_indirect_dma semaphore(%arg19 : memref<!tpu.dma_semaphore, #tpu.memory_space<semaphore_mem>>) src(%arg14 : memref<40x128xf32, #tpu.memory_space<vmem>>) dst(%dma_wait3A_146 : memref<10000x128xf32, #tpu.memory_space<vmem_shared>>)
      %dma_wait3A_147 = arith.constant 0 : i32
      %dma_wait3A_148 = arith.constant 0 : i32
      %dma_wait3A_149 = tpu.memref_slice %arg16[%dma_wait3A_147, %dma_wait3A_148] : memref<10000x128xf32, #tpu.memory_space<vmem_shared>> -> memref<10000x128xf32, #tpu.memory_space<vmem_shared>>
      tpu.wait_indirect_dma semaphore(%arg19 : memref<!tpu.dma_semaphore, #tpu.memory_space<semaphore_mem>>) src(%arg15 : memref<40x128xf32, #tpu.memory_space<vmem>>) dst(%dma_wait3A_149 : memref<10000x128xf32, #tpu.memory_space<vmem_shared>>)
    }
    %scan3A_13 = arith.constant 50 : i32
    %barrier3A_14 = arith.constant 0 : index
    tpu.barrier barrier_id(%barrier3A_14)
    %mul3A_15 = arith.constant 624 : i32
    %mul3A_16 = arith.muli %arg1, %mul3A_15 : i32
    %mul3A_17 = arith.constant 10000 : i32
    %mul3A_18 = arith.muli %arg0, %mul3A_17 : i32
    %mul3A_19 = arith.constant 624 : i32
    %mul3A_20 = arith.muli %arg1, %mul3A_19 : i32
    %add3A_21 = arith.addi %mul3A_18, %mul3A_20 : i32
    %mul3A_22 = arith.constant 10000 : i32
    %mul3A_23 = arith.muli %arg0, %mul3A_22 : i32
    %add3A_24 = arith.constant 9360 : i32
    %add3A_25 = arith.addi %mul3A_23, %add3A_24 : i32
    %lt3A_26 = arith.constant 15 : i32
    %lt3A_27 = arith.cmpi slt, %arg1, %lt3A_26 : i32
    %convert_element_type3A_28 = arith.extui %lt3A_27 : i1 to i32
    %cond3A_29 = arith.constant 0 : i32
    %cond3A_30 = arith.cmpi ne, %convert_element_type3A_28, %cond3A_29 : i32
    scf.if %cond3A_30 {
      "tpu.region"() ({
        %run_scoped3A = tpu.sem_alloc : memref<!tpu.dma_semaphore, #tpu.memory_space<semaphore_mem>>
        %dma_start3A = arith.constant 0 : i32
        %dma_start3A_36 = tpu.memref_slice %arg5[%add3A_21, %dma_start3A] : memref<20000x128xf32, #tpu.memory_space<hbm>> -> memref<624x128xf32, #tpu.memory_space<hbm>>
        %dma_start3A_37 = arith.constant 0 : i32
        %dma_start3A_38 = tpu.memref_slice %arg16[%mul3A_16, %dma_start3A_37] : memref<10000x128xf32, #tpu.memory_space<vmem_shared>> -> memref<624x128xf32, #tpu.memory_space<vmem_shared>>
        tpu.enqueue_dma source(%dma_start3A_38 : memref<624x128xf32, #tpu.memory_space<vmem_shared>>) target(%dma_start3A_36 : memref<624x128xf32, #tpu.memory_space<hbm>>) target_semaphore(%run_scoped3A : memref<!tpu.dma_semaphore, #tpu.memory_space<semaphore_mem>>)
        %dma_wait3A = arith.constant 0 : i32
        %dma_wait3A_39 = tpu.memref_slice %arg5[%add3A_21, %dma_wait3A] : memref<20000x128xf32, #tpu.memory_space<hbm>> -> memref<624x128xf32, #tpu.memory_space<hbm>>
        %dma_wait3A_40 = arith.constant 0 : i32
        %dma_wait3A_41 = tpu.memref_slice %arg16[%mul3A_16, %dma_wait3A_40] : memref<10000x128xf32, #tpu.memory_space<vmem_shared>> -> memref<624x128xf32, #tpu.memory_space<vmem_shared>>
        tpu.wait_dma2 semaphore(%run_scoped3A : memref<!tpu.dma_semaphore, #tpu.memory_space<semaphore_mem>>) src(%dma_wait3A_41 : memref<624x128xf32, #tpu.memory_space<vmem_shared>>) dst(%dma_wait3A_39 : memref<624x128xf32, #tpu.memory_space<hbm>>)
        tpu.yield
      }) : () -> ()
    } else {
    }
    %eq3A_31 = arith.constant 15 : i32
    %eq3A_32 = arith.cmpi eq, %arg1, %eq3A_31 : i32
    %convert_element_type3A_33 = arith.extui %eq3A_32 : i1 to i32
    %cond3A_34 = arith.constant 0 : i32
    %cond3A_35 = arith.cmpi ne, %convert_element_type3A_33, %cond3A_34 : i32
    scf.if %cond3A_35 {
      "tpu.region"() ({
        %run_scoped3A = tpu.sem_alloc : memref<!tpu.dma_semaphore, #tpu.memory_space<semaphore_mem>>
        %dma_start3A = arith.constant 0 : i32
        %dma_start3A_36 = tpu.memref_slice %arg5[%add3A_25, %dma_start3A] : memref<20000x128xf32, #tpu.memory_space<hbm>> -> memref<640x128xf32, #tpu.memory_space<hbm>>
        %dma_start3A_37 = arith.constant 9360 : i32
        %dma_start3A_38 = arith.constant 0 : i32
        %dma_start3A_39 = tpu.memref_slice %arg16[%dma_start3A_37, %dma_start3A_38] : memref<10000x128xf32, #tpu.memory_space<vmem_shared>> -> memref<640x128xf32, #tpu.memory_space<vmem_shared>>
        tpu.enqueue_dma source(%dma_start3A_39 : memref<640x128xf32, #tpu.memory_space<vmem_shared>>) target(%dma_start3A_36 : memref<640x128xf32, #tpu.memory_space<hbm>>) target_semaphore(%run_scoped3A : memref<!tpu.dma_semaphore, #tpu.memory_space<semaphore_mem>>)
        %dma_wait3A = arith.constant 0 : i32
        %dma_wait3A_40 = tpu.memref_slice %arg5[%add3A_25, %dma_wait3A] : memref<20000x128xf32, #tpu.memory_space<hbm>> -> memref<640x128xf32, #tpu.memory_space<hbm>>
        %dma_wait3A_41 = arith.constant 9360 : i32
        %dma_wait3A_42 = arith.constant 0 : i32
        %dma_wait3A_43 = tpu.memref_slice %arg16[%dma_wait3A_41, %dma_wait3A_42] : memref<10000x128xf32, #tpu.memory_space<vmem_shared>> -> memref<640x128xf32, #tpu.memory_space<vmem_shared>>
        tpu.wait_dma2 semaphore(%run_scoped3A : memref<!tpu.dma_semaphore, #tpu.memory_space<semaphore_mem>>) src(%dma_wait3A_43 : memref<640x128xf32, #tpu.memory_space<vmem_shared>>) dst(%dma_wait3A_40 : memref<640x128xf32, #tpu.memory_space<hbm>>)
        tpu.yield
      }) : () -> ()
    } else {
    }
    return
  }
}

module attributes {stable_mosaic.version = 14 : i64} {
  func.func @_edge_body(%arg0: i32, %arg1: memref<4000x128xi32, #tpu.memory_space<vmem>>, %arg2: memref<4000x128xi32, #tpu.memory_space<vmem>>, %arg3: memref<1x128xf32, #tpu.memory_space<vmem>>, %arg4: memref<16x128xf32, #tpu.memory_space<vmem>>, %arg5: memref<3x128xf32, #tpu.memory_space<vmem>>, %arg6: memref<1x128xf32, #tpu.memory_space<vmem>>, %arg7: memref<128x128xf32, #tpu.memory_space<vmem>>, %arg8: memref<1x128xf32, #tpu.memory_space<vmem>>, %arg9: memref<1x128xf32, #tpu.memory_space<vmem>>, %arg10: memref<1x128xf32, #tpu.memory_space<vmem>>, %arg11: memref<128x128xf32, #tpu.memory_space<vmem>>, %arg12: memref<1x128xf32, #tpu.memory_space<vmem>>, %arg13: memref<1x128xf32, #tpu.memory_space<vmem>>, %arg14: memref<1x128xf32, #tpu.memory_space<vmem>>, %arg15: memref<4000x128xf32, #tpu.memory_space<vmem>>, %arg16: memref<4000x128xf32, #tpu.memory_space<vmem>>) attributes {dimension_semantics = [#tpu.dimension_semantics<arbitrary>], iteration_bounds = array<i64: 80>, scalar_prefetch = 0 : i64, scratch_operands = 0 : i64, tpu.core_type = #tpu.core_type<tc>, window_params = [{transform_indices = @transform_0, window_bounds = array<i64: 4000, 128>}, {transform_indices = @transform_1, window_bounds = array<i64: 4000, 128>}, {pipeline_mode = #tpu.pipeline_mode<synchronous>, transform_indices = @transform_2, window_bounds = array<i64: 1, 128>}, {pipeline_mode = #tpu.pipeline_mode<synchronous>, transform_indices = @transform_3, window_bounds = array<i64: 16, 128>}, {pipeline_mode = #tpu.pipeline_mode<synchronous>, transform_indices = @transform_4, window_bounds = array<i64: 3, 128>}, {pipeline_mode = #tpu.pipeline_mode<synchronous>, transform_indices = @transform_5, window_bounds = array<i64: 1, 128>}, {pipeline_mode = #tpu.pipeline_mode<synchronous>, transform_indices = @transform_6, window_bounds = array<i64: 128, 128>}, {pipeline_mode = #tpu.pipeline_mode<synchronous>, transform_indices = @transform_7, window_bounds = array<i64: 1, 128>}, {pipeline_mode = #tpu.pipeline_mode<synchronous>, transform_indices = @transform_8, window_bounds = array<i64: 1, 128>}, {pipeline_mode = #tpu.pipeline_mode<synchronous>, transform_indices = @transform_9, window_bounds = array<i64: 1, 128>}, {pipeline_mode = #tpu.pipeline_mode<synchronous>, transform_indices = @transform_10, window_bounds = array<i64: 128, 128>}, {pipeline_mode = #tpu.pipeline_mode<synchronous>, transform_indices = @transform_11, window_bounds = array<i64: 1, 128>}, {pipeline_mode = #tpu.pipeline_mode<synchronous>, transform_indices = @transform_12, window_bounds = array<i64: 1, 128>}, {pipeline_mode = #tpu.pipeline_mode<synchronous>, transform_indices = @transform_13, window_bounds = array<i64: 1, 128>}, {transform_indices = @transform_14, window_bounds = array<i64: 4000, 128>}, {transform_indices = @transform_15, window_bounds = array<i64: 4000, 128>}]} {
    %get3A = arith.constant 0 : index
    %get3A_0 = arith.constant 0 : index
    %get3A_1 = vector.load %arg1[%get3A, %get3A_0] : memref<4000x128xi32, #tpu.memory_space<vmem>>, vector<4000x128xi32>
    %get3A_2 = arith.constant 0 : index
    %get3A_3 = arith.constant 0 : index
    %get3A_4 = vector.load %arg2[%get3A_2, %get3A_3] : memref<4000x128xi32, #tpu.memory_space<vmem>>, vector<4000x128xi32>
    %shift_left3A = arith.constant 16 : i32
    %shift_left3A_5 = vector.broadcast %shift_left3A : i32 to vector<4000x128xi32>
    %shift_left3A_6 = arith.shli %get3A_1, %shift_left3A_5 : vector<4000x128xi32>
    %bitcast_convert_type3A = tpu.bitcast %shift_left3A_6 : vector<4000x128xi32> -> vector<4000x128xf32>
    %shift_left3A_7 = arith.constant 16 : i32
    %shift_left3A_8 = vector.broadcast %shift_left3A_7 : i32 to vector<4000x128xi32>
    %shift_left3A_9 = arith.shli %get3A_4, %shift_left3A_8 : vector<4000x128xi32>
    %bitcast_convert_type3A_10 = tpu.bitcast %shift_left3A_9 : vector<4000x128xi32> -> vector<4000x128xf32>
    %slice3A = vector.extract_strided_slice %get3A_1 {offsets = [0, 0], sizes = [4000, 12], strides = [1, 1]} : vector<4000x128xi32> to vector<4000x12xi32>
    %and3A = arith.constant -65536 : i32
    %and3A_11 = vector.broadcast %and3A : i32 to vector<4000x12xi32>
    %and3A_12 = arith.andi %slice3A, %and3A_11 : vector<4000x12xi32>
    %bitcast_convert_type3A_13 = tpu.bitcast %and3A_12 : vector<4000x12xi32> -> vector<4000x12xf32>
    %slice3A_14 = vector.extract_strided_slice %get3A_4 {offsets = [0, 0], sizes = [4000, 12], strides = [1, 1]} : vector<4000x128xi32> to vector<4000x12xi32>
    %and3A_15 = arith.constant -65536 : i32
    %and3A_16 = vector.broadcast %and3A_15 : i32 to vector<4000x12xi32>
    %and3A_17 = arith.andi %slice3A_14, %and3A_16 : vector<4000x12xi32>
    %bitcast_convert_type3A_18 = tpu.bitcast %and3A_17 : vector<4000x12xi32> -> vector<4000x12xf32>
    %slice3A_19 = vector.extract_strided_slice %bitcast_convert_type3A_13 {offsets = [0, 0], sizes = [4000, 3], strides = [1, 1]} : vector<4000x12xf32> to vector<4000x3xf32>
    %slice3A_20 = vector.extract_strided_slice %bitcast_convert_type3A_13 {offsets = [0, 6], sizes = [4000, 3], strides = [1, 1]} : vector<4000x12xf32> to vector<4000x3xf32>
    %add3A = arith.addf %slice3A_19, %slice3A_20 : vector<4000x3xf32>
    %slice3A_21 = vector.extract_strided_slice %bitcast_convert_type3A_18 {offsets = [0, 0], sizes = [4000, 3], strides = [1, 1]} : vector<4000x12xf32> to vector<4000x3xf32>
    %slice3A_22 = vector.extract_strided_slice %bitcast_convert_type3A_18 {offsets = [0, 6], sizes = [4000, 3], strides = [1, 1]} : vector<4000x12xf32> to vector<4000x3xf32>
    %add3A_23 = arith.addf %slice3A_21, %slice3A_22 : vector<4000x3xf32>
    %slice3A_24 = vector.extract_strided_slice %bitcast_convert_type3A_13 {offsets = [0, 3], sizes = [4000, 3], strides = [1, 1]} : vector<4000x12xf32> to vector<4000x3xf32>
    %slice3A_25 = vector.extract_strided_slice %bitcast_convert_type3A_13 {offsets = [0, 9], sizes = [4000, 3], strides = [1, 1]} : vector<4000x12xf32> to vector<4000x3xf32>
    %add3A_26 = arith.addf %slice3A_24, %slice3A_25 : vector<4000x3xf32>
    %slice3A_27 = vector.extract_strided_slice %bitcast_convert_type3A_18 {offsets = [0, 3], sizes = [4000, 3], strides = [1, 1]} : vector<4000x12xf32> to vector<4000x3xf32>
    %slice3A_28 = vector.extract_strided_slice %bitcast_convert_type3A_18 {offsets = [0, 9], sizes = [4000, 3], strides = [1, 1]} : vector<4000x12xf32> to vector<4000x3xf32>
    %add3A_29 = arith.addf %slice3A_27, %slice3A_28 : vector<4000x3xf32>
    %sub3A = arith.subf %add3A, %add3A_23 : vector<4000x3xf32>
    %sub3A_30 = arith.subf %add3A_29, %add3A_26 : vector<4000x3xf32>
    %mul3A = arith.mulf %sub3A, %sub3A : vector<4000x3xf32>
    %reduce_sum3A = arith.constant dense<0.000000e+00> : vector<4000xf32>
    %reduce_sum3A_31 = vector.multi_reduction <add>, %mul3A, %reduce_sum3A [1] : vector<4000x3xf32> to vector<4000xf32>
    %broadcast_in_dim3A = vector.shape_cast %reduce_sum3A_31 : vector<4000xf32> to vector<4000x1xf32>
    %mul3A_32 = arith.mulf %sub3A_30, %sub3A_30 : vector<4000x3xf32>
    %reduce_sum3A_33 = arith.constant dense<0.000000e+00> : vector<4000xf32>
    %reduce_sum3A_34 = vector.multi_reduction <add>, %mul3A_32, %reduce_sum3A_33 [1] : vector<4000x3xf32> to vector<4000xf32>
    %broadcast_in_dim3A_35 = vector.shape_cast %reduce_sum3A_34 : vector<4000xf32> to vector<4000x1xf32>
    %add3A_36 = arith.constant 9.99999993E-9 : f32
    %add3A_37 = vector.broadcast %add3A_36 : f32 to vector<4000x1xf32>
    %add3A_38 = arith.addf %broadcast_in_dim3A_35, %add3A_37 : vector<4000x1xf32>
    %sqrt3A = math.sqrt %add3A_38 : vector<4000x1xf32>
    %add3A_39 = arith.constant 9.99999993E-9 : f32
    %add3A_40 = vector.broadcast %add3A_39 : f32 to vector<4000x1xf32>
    %add3A_41 = arith.addf %sqrt3A, %add3A_40 : vector<4000x1xf32>
    %div3A = vector.broadcast %add3A_41 : vector<4000x1xf32> to vector<4000x3xf32>
    %div3A_42 = arith.divf %sub3A_30, %div3A : vector<4000x3xf32>
    %iota3A = tpu.iota {dimensions = array<i32: 1>} : vector<1x16xi32>
    %convert_element_type3A = arith.sitofp %iota3A : vector<1x16xi32> to vector<1x16xf32>
    %mul3A_43 = arith.constant 1.33333337 : f32
    %mul3A_44 = vector.broadcast %mul3A_43 : f32 to vector<1x16xf32>
    %mul3A_45 = arith.mulf %convert_element_type3A, %mul3A_44 : vector<1x16xf32>
    %sub3A_46 = vector.broadcast %sqrt3A : vector<4000x1xf32> to vector<4000x16xf32>
    %sub3A_47 = vector.broadcast %mul3A_45 : vector<1x16xf32> to vector<4000x16xf32>
    %sub3A_48 = arith.subf %sub3A_46, %sub3A_47 : vector<4000x16xf32>
    %div3A_49 = arith.constant 1.250000e+00 : f32
    %div3A_50 = vector.broadcast %div3A_49 : f32 to vector<4000x16xf32>
    %div3A_51 = arith.divf %sub3A_48, %div3A_50 : vector<4000x16xf32>
    %integer_pow3A = arith.mulf %div3A_51, %div3A_51 : vector<4000x16xf32>
    %neg3A = arith.constant 0.000000e+00 : f32
    %neg3A_52 = vector.broadcast %neg3A : f32 to vector<4000x16xf32>
    %neg3A_53 = arith.subf %neg3A_52, %integer_pow3A : vector<4000x16xf32>
    %exp3A = math.exp %neg3A_53 : vector<4000x16xf32>
    %add3A_54 = arith.addf %bitcast_convert_type3A, %bitcast_convert_type3A_10 : vector<4000x128xf32>
    %get3A_55 = arith.constant 0 : index
    %get3A_56 = arith.constant 0 : index
    %get3A_57 = vector.load %arg3[%get3A_55, %get3A_56] : memref<1x128xf32, #tpu.memory_space<vmem>>, vector<1x128xf32>
    %mul3A_58 = vector.broadcast %broadcast_in_dim3A : vector<4000x1xf32> to vector<4000x128xf32>
    %mul3A_59 = vector.broadcast %get3A_57 : vector<1x128xf32> to vector<4000x128xf32>
    %mul3A_60 = arith.mulf %mul3A_58, %mul3A_59 : vector<4000x128xf32>
    %add3A_61 = arith.addf %add3A_54, %mul3A_60 : vector<4000x128xf32>
    %get3A_62 = arith.constant 0 : index
    %get3A_63 = arith.constant 0 : index
    %get3A_64 = vector.load %arg4[%get3A_62, %get3A_63] : memref<16x128xf32, #tpu.memory_space<vmem>>, vector<16x128xf32>
    %dot_general3A = arith.constant dense<0.000000e+00> : vector<4000x128xf32>
    %dot_general3A_65 = tpu.matmul %exp3A, %get3A_64, %dot_general3A {dimension_numbers = #tpu.dot_dimension_numbers<[1], [0], [0], [1], [0, 0, 1, 1], [], []>, transpose_lhs_hint = false} : vector<4000x16xf32>, vector<16x128xf32>, vector<4000x128xf32> -> vector<4000x128xf32>
    %add3A_66 = arith.addf %add3A_61, %dot_general3A_65 : vector<4000x128xf32>
    %get3A_67 = arith.constant 0 : index
    %get3A_68 = arith.constant 0 : index
    %get3A_69 = vector.load %arg5[%get3A_67, %get3A_68] : memref<3x128xf32, #tpu.memory_space<vmem>>, vector<3x128xf32>
    %dot_general3A_70 = arith.constant dense<0.000000e+00> : vector<4000x128xf32>
    %dot_general3A_71 = tpu.matmul %div3A_42, %get3A_69, %dot_general3A_70 {dimension_numbers = #tpu.dot_dimension_numbers<[1], [0], [0], [1], [0, 0, 1, 1], [], []>, transpose_lhs_hint = false} : vector<4000x3xf32>, vector<3x128xf32>, vector<4000x128xf32> -> vector<4000x128xf32>
    %add3A_72 = arith.addf %add3A_66, %dot_general3A_71 : vector<4000x128xf32>
    %get3A_73 = arith.constant 0 : index
    %get3A_74 = arith.constant 0 : index
    %get3A_75 = vector.load %arg6[%get3A_73, %get3A_74] : memref<1x128xf32, #tpu.memory_space<vmem>>, vector<1x128xf32>
    %add3A_76 = vector.broadcast %get3A_75 : vector<1x128xf32> to vector<4000x128xf32>
    %add3A_77 = arith.addf %add3A_72, %add3A_76 : vector<4000x128xf32>
    %logistic3A = arith.negf %add3A_77 : vector<4000x128xf32>
    %logistic3A_78 = math.exp %logistic3A : vector<4000x128xf32>
    %logistic3A_79 = arith.constant 1.000000e+00 : f32
    %logistic3A_80 = vector.broadcast %logistic3A_79 : f32 to vector<4000x128xf32>
    %logistic3A_81 = arith.addf %logistic3A_80, %logistic3A_78 : vector<4000x128xf32>
    %logistic3A_82 = arith.divf %logistic3A_80, %logistic3A_81 : vector<4000x128xf32>
    %mul3A_83 = arith.mulf %add3A_77, %logistic3A_82 : vector<4000x128xf32>
    %get3A_84 = arith.constant 0 : index
    %get3A_85 = arith.constant 0 : index
    %get3A_86 = vector.load %arg7[%get3A_84, %get3A_85] : memref<128x128xf32, #tpu.memory_space<vmem>>, vector<128x128xf32>
    %dot_general3A_87 = arith.constant dense<0.000000e+00> : vector<4000x128xf32>
    %dot_general3A_88 = tpu.matmul %mul3A_83, %get3A_86, %dot_general3A_87 {dimension_numbers = #tpu.dot_dimension_numbers<[1], [0], [0], [1], [0, 0, 1, 1], [], []>, transpose_lhs_hint = false} : vector<4000x128xf32>, vector<128x128xf32>, vector<4000x128xf32> -> vector<4000x128xf32>
    %get3A_89 = arith.constant 0 : index
    %get3A_90 = arith.constant 0 : index
    %get3A_91 = vector.load %arg8[%get3A_89, %get3A_90] : memref<1x128xf32, #tpu.memory_space<vmem>>, vector<1x128xf32>
    %add3A_92 = vector.broadcast %get3A_91 : vector<1x128xf32> to vector<4000x128xf32>
    %add3A_93 = arith.addf %dot_general3A_88, %add3A_92 : vector<4000x128xf32>
    %logistic3A_94 = arith.negf %add3A_93 : vector<4000x128xf32>
    %logistic3A_95 = math.exp %logistic3A_94 : vector<4000x128xf32>
    %logistic3A_96 = arith.constant 1.000000e+00 : f32
    %logistic3A_97 = vector.broadcast %logistic3A_96 : f32 to vector<4000x128xf32>
    %logistic3A_98 = arith.addf %logistic3A_97, %logistic3A_95 : vector<4000x128xf32>
    %logistic3A_99 = arith.divf %logistic3A_97, %logistic3A_98 : vector<4000x128xf32>
    %mul3A_100 = arith.mulf %add3A_93, %logistic3A_99 : vector<4000x128xf32>
    %get3A_101 = arith.constant 0 : index
    %get3A_102 = arith.constant 0 : index
    %get3A_103 = vector.load %arg9[%get3A_101, %get3A_102] : memref<1x128xf32, #tpu.memory_space<vmem>>, vector<1x128xf32>
    %reshape3A = vector.shape_cast %get3A_103 : vector<1x128xf32> to vector<128x1xf32>
    %dot_general3A_104 = arith.constant dense<0.000000e+00> : vector<4000x1xf32>
    %dot_general3A_105 = tpu.matmul %mul3A_100, %reshape3A, %dot_general3A_104 {dimension_numbers = #tpu.dot_dimension_numbers<[1], [0], [0], [1], [0, 0, 1, 1], [], []>, transpose_lhs_hint = false} : vector<4000x128xf32>, vector<128x1xf32>, vector<4000x1xf32> -> vector<4000x1xf32>
    %get3A_106 = arith.constant 0 : index
    %get3A_107 = arith.constant 0 : index
    %get3A_108 = vector.load %arg10[%get3A_106, %get3A_107] : memref<1x128xf32, #tpu.memory_space<vmem>>, vector<1x1xf32>
    %add3A_109 = vector.broadcast %get3A_108 : vector<1x1xf32> to vector<4000x1xf32>
    %add3A_110 = arith.addf %dot_general3A_105, %add3A_109 : vector<4000x1xf32>
    %logistic3A_111 = arith.negf %add3A_110 : vector<4000x1xf32>
    %logistic3A_112 = math.exp %logistic3A_111 : vector<4000x1xf32>
    %logistic3A_113 = arith.constant 1.000000e+00 : f32
    %logistic3A_114 = vector.broadcast %logistic3A_113 : f32 to vector<4000x1xf32>
    %logistic3A_115 = arith.addf %logistic3A_114, %logistic3A_112 : vector<4000x1xf32>
    %logistic3A_116 = arith.divf %logistic3A_114, %logistic3A_115 : vector<4000x1xf32>
    %mul3A_117 = vector.broadcast %logistic3A_116 : vector<4000x1xf32> to vector<4000x128xf32>
    %mul3A_118 = arith.mulf %mul3A_100, %mul3A_117 : vector<4000x128xf32>
    %get3A_119 = arith.constant 0 : index
    %get3A_120 = arith.constant 0 : index
    %get3A_121 = vector.load %arg11[%get3A_119, %get3A_120] : memref<128x128xf32, #tpu.memory_space<vmem>>, vector<128x128xf32>
    %dot_general3A_122 = arith.constant dense<0.000000e+00> : vector<4000x128xf32>
    %dot_general3A_123 = tpu.matmul %mul3A_118, %get3A_121, %dot_general3A_122 {dimension_numbers = #tpu.dot_dimension_numbers<[1], [0], [0], [1], [0, 0, 1, 1], [], []>, transpose_lhs_hint = false} : vector<4000x128xf32>, vector<128x128xf32>, vector<4000x128xf32> -> vector<4000x128xf32>
    %get3A_124 = arith.constant 0 : index
    %get3A_125 = arith.constant 0 : index
    %get3A_126 = vector.load %arg12[%get3A_124, %get3A_125] : memref<1x128xf32, #tpu.memory_space<vmem>>, vector<1x128xf32>
    %add3A_127 = vector.broadcast %get3A_126 : vector<1x128xf32> to vector<4000x128xf32>
    %add3A_128 = arith.addf %dot_general3A_123, %add3A_127 : vector<4000x128xf32>
    %logistic3A_129 = arith.negf %add3A_128 : vector<4000x128xf32>
    %logistic3A_130 = math.exp %logistic3A_129 : vector<4000x128xf32>
    %logistic3A_131 = arith.constant 1.000000e+00 : f32
    %logistic3A_132 = vector.broadcast %logistic3A_131 : f32 to vector<4000x128xf32>
    %logistic3A_133 = arith.addf %logistic3A_132, %logistic3A_130 : vector<4000x128xf32>
    %logistic3A_134 = arith.divf %logistic3A_132, %logistic3A_133 : vector<4000x128xf32>
    %mul3A_135 = arith.mulf %add3A_128, %logistic3A_134 : vector<4000x128xf32>
    %get3A_136 = arith.constant 0 : index
    %get3A_137 = arith.constant 0 : index
    %get3A_138 = vector.load %arg13[%get3A_136, %get3A_137] : memref<1x128xf32, #tpu.memory_space<vmem>>, vector<1x128xf32>
    %reshape3A_139 = vector.shape_cast %get3A_138 : vector<1x128xf32> to vector<128x1xf32>
    %dot_general3A_140 = arith.constant dense<0.000000e+00> : vector<4000x1xf32>
    %dot_general3A_141 = tpu.matmul %mul3A_135, %reshape3A_139, %dot_general3A_140 {dimension_numbers = #tpu.dot_dimension_numbers<[1], [0], [0], [1], [0, 0, 1, 1], [], []>, transpose_lhs_hint = false} : vector<4000x128xf32>, vector<128x1xf32>, vector<4000x1xf32> -> vector<4000x1xf32>
    %get3A_142 = arith.constant 0 : index
    %get3A_143 = arith.constant 0 : index
    %get3A_144 = vector.load %arg14[%get3A_142, %get3A_143] : memref<1x128xf32, #tpu.memory_space<vmem>>, vector<1x1xf32>
    %add3A_145 = vector.broadcast %get3A_144 : vector<1x1xf32> to vector<4000x1xf32>
    %add3A_146 = arith.addf %dot_general3A_141, %add3A_145 : vector<4000x1xf32>
    %tanh3A = math.tanh %add3A_146 : vector<4000x1xf32>
    %sqrt3A_147 = math.sqrt %broadcast_in_dim3A : vector<4000x1xf32>
    %add3A_148 = arith.constant 1.000000e+00 : f32
    %add3A_149 = vector.broadcast %add3A_148 : f32 to vector<4000x1xf32>
    %add3A_150 = arith.addf %sqrt3A_147, %add3A_149 : vector<4000x1xf32>
    %div3A_151 = vector.broadcast %add3A_150 : vector<4000x1xf32> to vector<4000x3xf32>
    %div3A_152 = arith.divf %sub3A, %div3A_151 : vector<4000x3xf32>
    %mul3A_153 = vector.broadcast %tanh3A : vector<4000x1xf32> to vector<4000x3xf32>
    %mul3A_154 = arith.mulf %div3A_152, %mul3A_153 : vector<4000x3xf32>
    %swap3A = arith.constant 0 : index
    %swap3A_155 = arith.constant 0 : index
    %swap3A_156 = vector.load %arg15[%swap3A, %swap3A_155] : memref<4000x128xf32, #tpu.memory_space<vmem>>, vector<4000x128xf32>
    tpu.vector_store %arg15[%swap3A, %swap3A_155], %mul3A_118 {strides = array<i32>} : memref<4000x128xf32, #tpu.memory_space<vmem>>, vector<4000x128xf32>,
    %broadcast_in_dim3A_157 = arith.constant 0.000000e+00 : f32
    %broadcast_in_dim3A_158 = vector.broadcast %broadcast_in_dim3A_157 : f32 to vector<4000x3xf32>
    %broadcast_in_dim3A_159 = arith.constant 1.000000e+00 : f32
    %broadcast_in_dim3A_160 = vector.broadcast %broadcast_in_dim3A_159 : f32 to vector<4000x1xf32>
    %broadcast_in_dim3A_161 = arith.constant 0.000000e+00 : f32
    %broadcast_in_dim3A_162 = vector.broadcast %broadcast_in_dim3A_161 : f32 to vector<4000x121xf32>
    %concatenate3A = tpu.concatenate %mul3A_154, %broadcast_in_dim3A_158, %broadcast_in_dim3A_160, %broadcast_in_dim3A_162 in 1 : vector<4000x3xf32>, vector<4000x3xf32>, vector<4000x1xf32>, vector<4000x121xf32> -> vector<4000x128xf32>
    %swap3A_163 = arith.constant 0 : index
    %swap3A_164 = arith.constant 0 : index
    %swap3A_165 = vector.load %arg16[%swap3A_163, %swap3A_164] : memref<4000x128xf32, #tpu.memory_space<vmem>>, vector<4000x128xf32>
    tpu.vector_store %arg16[%swap3A_163, %swap3A_164], %concatenate3A {strides = array<i32>} : memref<4000x128xf32, #tpu.memory_space<vmem>>, vector<4000x128xf32>,
    return
  }
  func.func @transform_0(%arg0: i32) -> (i32, i32) {
    %c0_i32 = arith.constant 0 : i32
    %c0_i32_0 = arith.constant 0 : i32
    return %arg0, %c0_i32 : i32, i32
  }
  func.func @transform_1(%arg0: i32) -> (i32, i32) {
    %c0_i32 = arith.constant 0 : i32
    %c0_i32_0 = arith.constant 0 : i32
    return %arg0, %c0_i32 : i32, i32
  }
  func.func @transform_2(%arg0: i32) -> (i32, i32) {
    %c0_i32 = arith.constant 0 : i32
    %c0_i32_0 = arith.constant 0 : i32
    %c0_i32_1 = arith.constant 0 : i32
    return %c0_i32, %c0_i32_0 : i32, i32
  }
  func.func @transform_3(%arg0: i32) -> (i32, i32) {
    %c0_i32 = arith.constant 0 : i32
    %c0_i32_0 = arith.constant 0 : i32
    %c0_i32_1 = arith.constant 0 : i32
    return %c0_i32, %c0_i32_0 : i32, i32
  }
  func.func @transform_4(%arg0: i32) -> (i32, i32) {
    %c0_i32 = arith.constant 0 : i32
    %c0_i32_0 = arith.constant 0 : i32
    %c0_i32_1 = arith.constant 0 : i32
    return %c0_i32, %c0_i32_0 : i32, i32
  }
  func.func @transform_5(%arg0: i32) -> (i32, i32) {
    %c0_i32 = arith.constant 0 : i32
    %c0_i32_0 = arith.constant 0 : i32
    %c0_i32_1 = arith.constant 0 : i32
    return %c0_i32, %c0_i32_0 : i32, i32
  }
  func.func @transform_6(%arg0: i32) -> (i32, i32) {
    %c0_i32 = arith.constant 0 : i32
    %c0_i32_0 = arith.constant 0 : i32
    %c0_i32_1 = arith.constant 0 : i32
    return %c0_i32, %c0_i32_0 : i32, i32
  }
  func.func @transform_7(%arg0: i32) -> (i32, i32) {
    %c0_i32 = arith.constant 0 : i32
    %c0_i32_0 = arith.constant 0 : i32
    %c0_i32_1 = arith.constant 0 : i32
    return %c0_i32, %c0_i32_0 : i32, i32
  }
  func.func @transform_8(%arg0: i32) -> (i32, i32) {
    %c0_i32 = arith.constant 0 : i32
    %c0_i32_0 = arith.constant 0 : i32
    %c0_i32_1 = arith.constant 0 : i32
    return %c0_i32, %c0_i32_0 : i32, i32
  }
  func.func @transform_9(%arg0: i32) -> (i32, i32) {
    %c0_i32 = arith.constant 0 : i32
    %c0_i32_0 = arith.constant 0 : i32
    %c0_i32_1 = arith.constant 0 : i32
    return %c0_i32, %c0_i32_0 : i32, i32
  }
  func.func @transform_10(%arg0: i32) -> (i32, i32) {
    %c0_i32 = arith.constant 0 : i32
    %c0_i32_0 = arith.constant 0 : i32
    %c0_i32_1 = arith.constant 0 : i32
    return %c0_i32, %c0_i32_0 : i32, i32
  }
  func.func @transform_11(%arg0: i32) -> (i32, i32) {
    %c0_i32 = arith.constant 0 : i32
    %c0_i32_0 = arith.constant 0 : i32
    %c0_i32_1 = arith.constant 0 : i32
    return %c0_i32, %c0_i32_0 : i32, i32
  }
  func.func @transform_12(%arg0: i32) -> (i32, i32) {
    %c0_i32 = arith.constant 0 : i32
    %c0_i32_0 = arith.constant 0 : i32
    %c0_i32_1 = arith.constant 0 : i32
    return %c0_i32, %c0_i32_0 : i32, i32
  }
  func.func @transform_13(%arg0: i32) -> (i32, i32) {
    %c0_i32 = arith.constant 0 : i32
    %c0_i32_0 = arith.constant 0 : i32
    %c0_i32_1 = arith.constant 0 : i32
    return %c0_i32, %c0_i32_0 : i32, i32
  }
  func.func @transform_14(%arg0: i32) -> (i32, i32) {
    %c0_i32 = arith.constant 0 : i32
    %c0_i32_0 = arith.constant 0 : i32
    return %arg0, %c0_i32 : i32, i32
  }
  func.func @transform_15(%arg0: i32) -> (i32, i32) {
    %c0_i32 = arith.constant 0 : i32
    %c0_i32_0 = arith.constant 0 : i32
    return %arg0, %c0_i32 : i32, i32
  }
}

module attributes {stable_mosaic.version = 14 : i64} {
  func.func @_edge_body(%arg0: i32, %arg1: memref<4000x128xi32, #tpu.memory_space<vmem>>, %arg2: memref<4000x128xi32, #tpu.memory_space<vmem>>, %arg3: memref<1x128xf32, #tpu.memory_space<vmem>>, %arg4: memref<16x128xf32, #tpu.memory_space<vmem>>, %arg5: memref<3x128xf32, #tpu.memory_space<vmem>>, %arg6: memref<1x128xf32, #tpu.memory_space<vmem>>, %arg7: memref<128x128xf32, #tpu.memory_space<vmem>>, %arg8: memref<1x128xf32, #tpu.memory_space<vmem>>, %arg9: memref<1x128xf32, #tpu.memory_space<vmem>>, %arg10: memref<1x128xf32, #tpu.memory_space<vmem>>, %arg11: memref<4000x128xf32, #tpu.memory_space<vmem>>) attributes {dimension_semantics = [#tpu.dimension_semantics<arbitrary>], iteration_bounds = array<i64: 80>, scalar_prefetch = 0 : i64, scratch_operands = 0 : i64, tpu.core_type = #tpu.core_type<tc>, window_params = [{transform_indices = @transform_0, window_bounds = array<i64: 4000, 128>}, {transform_indices = @transform_1, window_bounds = array<i64: 4000, 128>}, {pipeline_mode = #tpu.pipeline_mode<synchronous>, transform_indices = @transform_2, window_bounds = array<i64: 1, 128>}, {pipeline_mode = #tpu.pipeline_mode<synchronous>, transform_indices = @transform_3, window_bounds = array<i64: 16, 128>}, {pipeline_mode = #tpu.pipeline_mode<synchronous>, transform_indices = @transform_4, window_bounds = array<i64: 3, 128>}, {pipeline_mode = #tpu.pipeline_mode<synchronous>, transform_indices = @transform_5, window_bounds = array<i64: 1, 128>}, {pipeline_mode = #tpu.pipeline_mode<synchronous>, transform_indices = @transform_6, window_bounds = array<i64: 128, 128>}, {pipeline_mode = #tpu.pipeline_mode<synchronous>, transform_indices = @transform_7, window_bounds = array<i64: 1, 128>}, {pipeline_mode = #tpu.pipeline_mode<synchronous>, transform_indices = @transform_8, window_bounds = array<i64: 1, 128>}, {pipeline_mode = #tpu.pipeline_mode<synchronous>, transform_indices = @transform_9, window_bounds = array<i64: 1, 128>}, {transform_indices = @transform_10, window_bounds = array<i64: 4000, 128>}]} {
    %get3A = arith.constant 0 : index
    %get3A_0 = arith.constant 0 : index
    %get3A_1 = vector.load %arg1[%get3A, %get3A_0] : memref<4000x128xi32, #tpu.memory_space<vmem>>, vector<4000x128xi32>
    %get3A_2 = arith.constant 0 : index
    %get3A_3 = arith.constant 0 : index
    %get3A_4 = vector.load %arg2[%get3A_2, %get3A_3] : memref<4000x128xi32, #tpu.memory_space<vmem>>, vector<4000x128xi32>
    %shift_left3A = arith.constant 16 : i32
    %shift_left3A_5 = vector.broadcast %shift_left3A : i32 to vector<4000x128xi32>
    %shift_left3A_6 = arith.shli %get3A_1, %shift_left3A_5 : vector<4000x128xi32>
    %bitcast_convert_type3A = tpu.bitcast %shift_left3A_6 : vector<4000x128xi32> -> vector<4000x128xf32>
    %shift_left3A_7 = arith.constant 16 : i32
    %shift_left3A_8 = vector.broadcast %shift_left3A_7 : i32 to vector<4000x128xi32>
    %shift_left3A_9 = arith.shli %get3A_4, %shift_left3A_8 : vector<4000x128xi32>
    %bitcast_convert_type3A_10 = tpu.bitcast %shift_left3A_9 : vector<4000x128xi32> -> vector<4000x128xf32>
    %slice3A = vector.extract_strided_slice %get3A_1 {offsets = [0, 0], sizes = [4000, 12], strides = [1, 1]} : vector<4000x128xi32> to vector<4000x12xi32>
    %and3A = arith.constant -65536 : i32
    %and3A_11 = vector.broadcast %and3A : i32 to vector<4000x12xi32>
    %and3A_12 = arith.andi %slice3A, %and3A_11 : vector<4000x12xi32>
    %bitcast_convert_type3A_13 = tpu.bitcast %and3A_12 : vector<4000x12xi32> -> vector<4000x12xf32>
    %slice3A_14 = vector.extract_strided_slice %get3A_4 {offsets = [0, 0], sizes = [4000, 12], strides = [1, 1]} : vector<4000x128xi32> to vector<4000x12xi32>
    %and3A_15 = arith.constant -65536 : i32
    %and3A_16 = vector.broadcast %and3A_15 : i32 to vector<4000x12xi32>
    %and3A_17 = arith.andi %slice3A_14, %and3A_16 : vector<4000x12xi32>
    %bitcast_convert_type3A_18 = tpu.bitcast %and3A_17 : vector<4000x12xi32> -> vector<4000x12xf32>
    %slice3A_19 = vector.extract_strided_slice %bitcast_convert_type3A_13 {offsets = [0, 0], sizes = [4000, 3], strides = [1, 1]} : vector<4000x12xf32> to vector<4000x3xf32>
    %slice3A_20 = vector.extract_strided_slice %bitcast_convert_type3A_13 {offsets = [0, 6], sizes = [4000, 3], strides = [1, 1]} : vector<4000x12xf32> to vector<4000x3xf32>
    %add3A = arith.addf %slice3A_19, %slice3A_20 : vector<4000x3xf32>
    %slice3A_21 = vector.extract_strided_slice %bitcast_convert_type3A_18 {offsets = [0, 0], sizes = [4000, 3], strides = [1, 1]} : vector<4000x12xf32> to vector<4000x3xf32>
    %slice3A_22 = vector.extract_strided_slice %bitcast_convert_type3A_18 {offsets = [0, 6], sizes = [4000, 3], strides = [1, 1]} : vector<4000x12xf32> to vector<4000x3xf32>
    %add3A_23 = arith.addf %slice3A_21, %slice3A_22 : vector<4000x3xf32>
    %slice3A_24 = vector.extract_strided_slice %bitcast_convert_type3A_13 {offsets = [0, 3], sizes = [4000, 3], strides = [1, 1]} : vector<4000x12xf32> to vector<4000x3xf32>
    %slice3A_25 = vector.extract_strided_slice %bitcast_convert_type3A_13 {offsets = [0, 9], sizes = [4000, 3], strides = [1, 1]} : vector<4000x12xf32> to vector<4000x3xf32>
    %add3A_26 = arith.addf %slice3A_24, %slice3A_25 : vector<4000x3xf32>
    %slice3A_27 = vector.extract_strided_slice %bitcast_convert_type3A_18 {offsets = [0, 3], sizes = [4000, 3], strides = [1, 1]} : vector<4000x12xf32> to vector<4000x3xf32>
    %slice3A_28 = vector.extract_strided_slice %bitcast_convert_type3A_18 {offsets = [0, 9], sizes = [4000, 3], strides = [1, 1]} : vector<4000x12xf32> to vector<4000x3xf32>
    %add3A_29 = arith.addf %slice3A_27, %slice3A_28 : vector<4000x3xf32>
    %sub3A = arith.subf %add3A, %add3A_23 : vector<4000x3xf32>
    %sub3A_30 = arith.subf %add3A_29, %add3A_26 : vector<4000x3xf32>
    %mul3A = arith.mulf %sub3A, %sub3A : vector<4000x3xf32>
    %reduce_sum3A = arith.constant dense<0.000000e+00> : vector<4000xf32>
    %reduce_sum3A_31 = vector.multi_reduction <add>, %mul3A, %reduce_sum3A [1] : vector<4000x3xf32> to vector<4000xf32>
    %broadcast_in_dim3A = vector.shape_cast %reduce_sum3A_31 : vector<4000xf32> to vector<4000x1xf32>
    %mul3A_32 = arith.mulf %sub3A_30, %sub3A_30 : vector<4000x3xf32>
    %reduce_sum3A_33 = arith.constant dense<0.000000e+00> : vector<4000xf32>
    %reduce_sum3A_34 = vector.multi_reduction <add>, %mul3A_32, %reduce_sum3A_33 [1] : vector<4000x3xf32> to vector<4000xf32>
    %broadcast_in_dim3A_35 = vector.shape_cast %reduce_sum3A_34 : vector<4000xf32> to vector<4000x1xf32>
    %add3A_36 = arith.constant 9.99999993E-9 : f32
    %add3A_37 = vector.broadcast %add3A_36 : f32 to vector<4000x1xf32>
    %add3A_38 = arith.addf %broadcast_in_dim3A_35, %add3A_37 : vector<4000x1xf32>
    %sqrt3A = math.sqrt %add3A_38 : vector<4000x1xf32>
    %add3A_39 = arith.constant 9.99999993E-9 : f32
    %add3A_40 = vector.broadcast %add3A_39 : f32 to vector<4000x1xf32>
    %add3A_41 = arith.addf %sqrt3A, %add3A_40 : vector<4000x1xf32>
    %div3A = vector.broadcast %add3A_41 : vector<4000x1xf32> to vector<4000x3xf32>
    %div3A_42 = arith.divf %sub3A_30, %div3A : vector<4000x3xf32>
    %iota3A = tpu.iota {dimensions = array<i32: 1>} : vector<1x16xi32>
    %convert_element_type3A = arith.sitofp %iota3A : vector<1x16xi32> to vector<1x16xf32>
    %mul3A_43 = arith.constant 1.33333337 : f32
    %mul3A_44 = vector.broadcast %mul3A_43 : f32 to vector<1x16xf32>
    %mul3A_45 = arith.mulf %convert_element_type3A, %mul3A_44 : vector<1x16xf32>
    %sub3A_46 = vector.broadcast %sqrt3A : vector<4000x1xf32> to vector<4000x16xf32>
    %sub3A_47 = vector.broadcast %mul3A_45 : vector<1x16xf32> to vector<4000x16xf32>
    %sub3A_48 = arith.subf %sub3A_46, %sub3A_47 : vector<4000x16xf32>
    %div3A_49 = arith.constant 1.250000e+00 : f32
    %div3A_50 = vector.broadcast %div3A_49 : f32 to vector<4000x16xf32>
    %div3A_51 = arith.divf %sub3A_48, %div3A_50 : vector<4000x16xf32>
    %integer_pow3A = arith.mulf %div3A_51, %div3A_51 : vector<4000x16xf32>
    %neg3A = arith.constant 0.000000e+00 : f32
    %neg3A_52 = vector.broadcast %neg3A : f32 to vector<4000x16xf32>
    %neg3A_53 = arith.subf %neg3A_52, %integer_pow3A : vector<4000x16xf32>
    %exp3A = math.exp %neg3A_53 : vector<4000x16xf32>
    %add3A_54 = arith.addf %bitcast_convert_type3A, %bitcast_convert_type3A_10 : vector<4000x128xf32>
    %get3A_55 = arith.constant 0 : index
    %get3A_56 = arith.constant 0 : index
    %get3A_57 = vector.load %arg3[%get3A_55, %get3A_56] : memref<1x128xf32, #tpu.memory_space<vmem>>, vector<1x128xf32>
    %mul3A_58 = vector.broadcast %broadcast_in_dim3A : vector<4000x1xf32> to vector<4000x128xf32>
    %mul3A_59 = vector.broadcast %get3A_57 : vector<1x128xf32> to vector<4000x128xf32>
    %mul3A_60 = arith.mulf %mul3A_58, %mul3A_59 : vector<4000x128xf32>
    %add3A_61 = arith.addf %add3A_54, %mul3A_60 : vector<4000x128xf32>
    %get3A_62 = arith.constant 0 : index
    %get3A_63 = arith.constant 0 : index
    %get3A_64 = vector.load %arg4[%get3A_62, %get3A_63] : memref<16x128xf32, #tpu.memory_space<vmem>>, vector<16x128xf32>
    %dot_general3A = arith.constant dense<0.000000e+00> : vector<4000x128xf32>
    %dot_general3A_65 = tpu.matmul %exp3A, %get3A_64, %dot_general3A {dimension_numbers = #tpu.dot_dimension_numbers<[1], [0], [0], [1], [0, 0, 1, 1], [], []>, transpose_lhs_hint = false} : vector<4000x16xf32>, vector<16x128xf32>, vector<4000x128xf32> -> vector<4000x128xf32>
    %add3A_66 = arith.addf %add3A_61, %dot_general3A_65 : vector<4000x128xf32>
    %get3A_67 = arith.constant 0 : index
    %get3A_68 = arith.constant 0 : index
    %get3A_69 = vector.load %arg5[%get3A_67, %get3A_68] : memref<3x128xf32, #tpu.memory_space<vmem>>, vector<3x128xf32>
    %dot_general3A_70 = arith.constant dense<0.000000e+00> : vector<4000x128xf32>
    %dot_general3A_71 = tpu.matmul %div3A_42, %get3A_69, %dot_general3A_70 {dimension_numbers = #tpu.dot_dimension_numbers<[1], [0], [0], [1], [0, 0, 1, 1], [], []>, transpose_lhs_hint = false} : vector<4000x3xf32>, vector<3x128xf32>, vector<4000x128xf32> -> vector<4000x128xf32>
    %add3A_72 = arith.addf %add3A_66, %dot_general3A_71 : vector<4000x128xf32>
    %get3A_73 = arith.constant 0 : index
    %get3A_74 = arith.constant 0 : index
    %get3A_75 = vector.load %arg6[%get3A_73, %get3A_74] : memref<1x128xf32, #tpu.memory_space<vmem>>, vector<1x128xf32>
    %add3A_76 = vector.broadcast %get3A_75 : vector<1x128xf32> to vector<4000x128xf32>
    %add3A_77 = arith.addf %add3A_72, %add3A_76 : vector<4000x128xf32>
    %logistic3A = arith.negf %add3A_77 : vector<4000x128xf32>
    %logistic3A_78 = math.exp %logistic3A : vector<4000x128xf32>
    %logistic3A_79 = arith.constant 1.000000e+00 : f32
    %logistic3A_80 = vector.broadcast %logistic3A_79 : f32 to vector<4000x128xf32>
    %logistic3A_81 = arith.addf %logistic3A_80, %logistic3A_78 : vector<4000x128xf32>
    %logistic3A_82 = arith.divf %logistic3A_80, %logistic3A_81 : vector<4000x128xf32>
    %mul3A_83 = arith.mulf %add3A_77, %logistic3A_82 : vector<4000x128xf32>
    %get3A_84 = arith.constant 0 : index
    %get3A_85 = arith.constant 0 : index
    %get3A_86 = vector.load %arg7[%get3A_84, %get3A_85] : memref<128x128xf32, #tpu.memory_space<vmem>>, vector<128x128xf32>
    %dot_general3A_87 = arith.constant dense<0.000000e+00> : vector<4000x128xf32>
    %dot_general3A_88 = tpu.matmul %mul3A_83, %get3A_86, %dot_general3A_87 {dimension_numbers = #tpu.dot_dimension_numbers<[1], [0], [0], [1], [0, 0, 1, 1], [], []>, transpose_lhs_hint = false} : vector<4000x128xf32>, vector<128x128xf32>, vector<4000x128xf32> -> vector<4000x128xf32>
    %get3A_89 = arith.constant 0 : index
    %get3A_90 = arith.constant 0 : index
    %get3A_91 = vector.load %arg8[%get3A_89, %get3A_90] : memref<1x128xf32, #tpu.memory_space<vmem>>, vector<1x128xf32>
    %add3A_92 = vector.broadcast %get3A_91 : vector<1x128xf32> to vector<4000x128xf32>
    %add3A_93 = arith.addf %dot_general3A_88, %add3A_92 : vector<4000x128xf32>
    %logistic3A_94 = arith.negf %add3A_93 : vector<4000x128xf32>
    %logistic3A_95 = math.exp %logistic3A_94 : vector<4000x128xf32>
    %logistic3A_96 = arith.constant 1.000000e+00 : f32
    %logistic3A_97 = vector.broadcast %logistic3A_96 : f32 to vector<4000x128xf32>
    %logistic3A_98 = arith.addf %logistic3A_97, %logistic3A_95 : vector<4000x128xf32>
    %logistic3A_99 = arith.divf %logistic3A_97, %logistic3A_98 : vector<4000x128xf32>
    %mul3A_100 = arith.mulf %add3A_93, %logistic3A_99 : vector<4000x128xf32>
    %get3A_101 = arith.constant 0 : index
    %get3A_102 = arith.constant 0 : index
    %get3A_103 = vector.load %arg9[%get3A_101, %get3A_102] : memref<1x128xf32, #tpu.memory_space<vmem>>, vector<1x128xf32>
    %reshape3A = vector.shape_cast %get3A_103 : vector<1x128xf32> to vector<128x1xf32>
    %dot_general3A_104 = arith.constant dense<0.000000e+00> : vector<4000x1xf32>
    %dot_general3A_105 = tpu.matmul %mul3A_100, %reshape3A, %dot_general3A_104 {dimension_numbers = #tpu.dot_dimension_numbers<[1], [0], [0], [1], [0, 0, 1, 1], [], []>, transpose_lhs_hint = false} : vector<4000x128xf32>, vector<128x1xf32>, vector<4000x1xf32> -> vector<4000x1xf32>
    %get3A_106 = arith.constant 0 : index
    %get3A_107 = arith.constant 0 : index
    %get3A_108 = vector.load %arg10[%get3A_106, %get3A_107] : memref<1x128xf32, #tpu.memory_space<vmem>>, vector<1x1xf32>
    %add3A_109 = vector.broadcast %get3A_108 : vector<1x1xf32> to vector<4000x1xf32>
    %add3A_110 = arith.addf %dot_general3A_105, %add3A_109 : vector<4000x1xf32>
    %logistic3A_111 = arith.negf %add3A_110 : vector<4000x1xf32>
    %logistic3A_112 = math.exp %logistic3A_111 : vector<4000x1xf32>
    %logistic3A_113 = arith.constant 1.000000e+00 : f32
    %logistic3A_114 = vector.broadcast %logistic3A_113 : f32 to vector<4000x1xf32>
    %logistic3A_115 = arith.addf %logistic3A_114, %logistic3A_112 : vector<4000x1xf32>
    %logistic3A_116 = arith.divf %logistic3A_114, %logistic3A_115 : vector<4000x1xf32>
    %mul3A_117 = vector.broadcast %logistic3A_116 : vector<4000x1xf32> to vector<4000x128xf32>
    %mul3A_118 = arith.mulf %mul3A_100, %mul3A_117 : vector<4000x128xf32>
    %swap3A = arith.constant 0 : index
    %swap3A_119 = arith.constant 0 : index
    %swap3A_120 = vector.load %arg11[%swap3A, %swap3A_119] : memref<4000x128xf32, #tpu.memory_space<vmem>>, vector<4000x128xf32>
    tpu.vector_store %arg11[%swap3A, %swap3A_119], %mul3A_118 {strides = array<i32>} : memref<4000x128xf32, #tpu.memory_space<vmem>>, vector<4000x128xf32>,
    return
  }
  func.func @transform_0(%arg0: i32) -> (i32, i32) {
    %c0_i32 = arith.constant 0 : i32
    %c0_i32_0 = arith.constant 0 : i32
    return %arg0, %c0_i32 : i32, i32
  }
  func.func @transform_1(%arg0: i32) -> (i32, i32) {
    %c0_i32 = arith.constant 0 : i32
    %c0_i32_0 = arith.constant 0 : i32
    return %arg0, %c0_i32 : i32, i32
  }
  func.func @transform_2(%arg0: i32) -> (i32, i32) {
    %c0_i32 = arith.constant 0 : i32
    %c0_i32_0 = arith.constant 0 : i32
    %c0_i32_1 = arith.constant 0 : i32
    return %c0_i32, %c0_i32_0 : i32, i32
  }
  func.func @transform_3(%arg0: i32) -> (i32, i32) {
    %c0_i32 = arith.constant 0 : i32
    %c0_i32_0 = arith.constant 0 : i32
    %c0_i32_1 = arith.constant 0 : i32
    return %c0_i32, %c0_i32_0 : i32, i32
  }
  func.func @transform_4(%arg0: i32) -> (i32, i32) {
    %c0_i32 = arith.constant 0 : i32
    %c0_i32_0 = arith.constant 0 : i32
    %c0_i32_1 = arith.constant 0 : i32
    return %c0_i32, %c0_i32_0 : i32, i32
  }
  func.func @transform_5(%arg0: i32) -> (i32, i32) {
    %c0_i32 = arith.constant 0 : i32
    %c0_i32_0 = arith.constant 0 : i32
    %c0_i32_1 = arith.constant 0 : i32
    return %c0_i32, %c0_i32_0 : i32, i32
  }
  func.func @transform_6(%arg0: i32) -> (i32, i32) {
    %c0_i32 = arith.constant 0 : i32
    %c0_i32_0 = arith.constant 0 : i32
    %c0_i32_1 = arith.constant 0 : i32
    return %c0_i32, %c0_i32_0 : i32, i32
  }
  func.func @transform_7(%arg0: i32) -> (i32, i32) {
    %c0_i32 = arith.constant 0 : i32
    %c0_i32_0 = arith.constant 0 : i32
    %c0_i32_1 = arith.constant 0 : i32
    return %c0_i32, %c0_i32_0 : i32, i32
  }
  func.func @transform_8(%arg0: i32) -> (i32, i32) {
    %c0_i32 = arith.constant 0 : i32
    %c0_i32_0 = arith.constant 0 : i32
    %c0_i32_1 = arith.constant 0 : i32
    return %c0_i32, %c0_i32_0 : i32, i32
  }
  func.func @transform_9(%arg0: i32) -> (i32, i32) {
    %c0_i32 = arith.constant 0 : i32
    %c0_i32_0 = arith.constant 0 : i32
    %c0_i32_1 = arith.constant 0 : i32
    return %c0_i32, %c0_i32_0 : i32, i32
  }
  func.func @transform_10(%arg0: i32) -> (i32, i32) {
    %c0_i32 = arith.constant 0 : i32
    %c0_i32_0 = arith.constant 0 : i32
    return %arg0, %c0_i32 : i32, i32
  }
}

</mosaic_0001>

<sc_bundles>
// kernel: kernel.12.cloned.1.call-start
scs
__scs_entry_jumppad:
0x0: {  	(pc) =	sbr.rel $0x88, $3  }
0x1: {  	(tag) =	ssettag $0x0;
	lr =	simm.s32 $0x1  }
0x2: {  	[smem:$0x3F76] =	sst lr;
	_ =	strace $0xD0000000  }
0x3: {  	_ = 	snop  }
0x4: {  	_ = 	snop  }
0x5: {  	_ = 	snop  }
0x6: {  	_ = 	snop  }
0x7: {  	_ = 	snop  }
__scs_overlays_trampoline_lowered:
0x8: {  	[smem:$0x3F85] =	sst s0  }
0x9: {  	[smem:$0x3F86] =	sst s1  }
0xa: {  	[smem:$0x3F87] =	sst s2  }
0xb: {  	[smem:$0x3F88] =	sst s3  }
0xc: {  	[smem:$0x3F89] =	sst s4  }
0xd: {  	[smem:$0x3F8A] =	sst s5  }
0xe: {  	[smem:$0x3F8B] =	sst s6  }
0xf: {  	[smem:$0x3F8C] =	sst s7  }
0x10: {  	[smem:$0x3F8D] =	sst s8  }
0x11: {  	[smem:$0x3F8E] =	sst s9;
	s0 =	simm.s32 @!p0 $0x0  }
0x12: {  	s1 =	sld [smem:$0x3F74];
	s0 =	simm.s32 @p0 $0x1  }
0x13: {  	[smem:$0x3F8F] =	sst s0;
	s0 =	simm.s32 @!p1 $0x0  }
0x14: {  	s2 =	sld [smem:$0x3F73];
	s0 =	simm.s32 @p1 $0x1  }
0x15: {  	[smem:$0x3F90] =	sst s0;
	s0 =	simm.s32 @!p2 $0x0  }
0x16: {  	s3 =	sld [smem:$0x3FDB];
	s0 =	simm.s32 @p2 $0x1  }
0x17: {  	s4 =	simm.s32 $0x1BF5;
	[smem:$0x3F92] =	sst s0  }
0x18: {  	s0 =	sld [smem:$0x3F75];
	_ =	swait.ge [sflag:s4], $0x0  }
0x19: {  	s7 =	sld [smem:$0x3F76]  }
0x1a: {  	s8 =	sadd.s32 $0xFFFFE003, lr  }
0x1b: {  	s9 =	sadd.s32 $0xFFFFFEF7, lr;
	s5 =	simm.s32 $0xFFFFFFFF;
	p2 =	slt.u32 s8, $0xFFFFF086  }
0x1c: {  	p1 =	slt.u32 s9, $0xF7A;
	s5 =	simm.s32 @!p2 $0x0  }
0x1d: {  	s5 =	simm.s32 @p1 $0x1;
	p0 =	seq.s32 s7, s2  }
0x1e: {  	s7 =	smul.u32 @!p0 $0xF7A, s2;
	p2 =	seq.s32 @!p0 s5, $0x0  }
0x1f: {  	s9 =	smul.u32 $0xF7A, s1;
	s8 =	simm.s32 @!p0 $0x1BF5;
	p2 =	por !p2, p0  }
0x20: {  	[sflag:s8] =	ssyncset.s32 @!p0 $0xFFFFF086;
	s6 =	sadd.s32 @!p0 s3, s7;
	s7 =	simm.s32 @!p0 $0x108  }
0x21: {  	s3 =	sadd.s32 s3, s9;
	s6 =	sadd.s32 @!p0 $0x88, s6;
	s7 =	simm.s32 @p2 $0x1082  }
0x22: {  	[simem:s7], [sflag:s8] =	dma.local @!p0 [hbm:s6], $0xF7A  }
0x23: {  	s9 =	sor.u32 $0xD0000000, s2;
	s6 =	simm.s32 $0x108;
	_ =	swait.ge @!p0 [sflag:s8], $0x0  }
0x24: {  	s3 =	sadd.s32 $0x88, s3;
	s6 =	simm.s32 @!p1 $0x1082;
	[sflag:s4] =	ssyncset.s32 $0xFFFFF086  }
0x25: {  	[simem:s6], [sflag:s4] =	dma.local [hbm:s3], $0xF7A  }
0x26: {  	[smem:$0x3F76] =	sst s1;
	(tag) =	ssettag s2;
	_ =	strace s9  }
0x27: {  	s1 =	sld [smem:$0x3F86]  }
0x28: {  	s2 =	sld [smem:$0x3F87]  }
0x29: {  	s4 =	sld [smem:$0x3F89]  }
0x2a: {  	p0 =	seq.s32 s5, $0x0;
	s5 =	sld [smem:$0x3F8A]  }
0x2b: {  	s6 =	sld [smem:$0x3F8B]  }
0x2c: {  	s7 =	sld [smem:$0x3F8C]  }
0x2d: {  	s3 =	simm.s32 $0x108;
	s8 =	sld [smem:$0x3F8D]  }
0x2e: {  	s3 =	simm.s32 @!p0 $0x1082;
	s9 =	sld [smem:$0x3F8E]  }
0x2f: {  	lr =	sadd.s32 s0, s3;
	s0 =	sld [smem:$0x3F85]  }
0x30: {  	s3 =	sld [smem:$0x3F88]  }
0x31: {  	[smem:$0x3F91] =	sst s10  }
0x32: {  	s10 =	sld [smem:$0x3F8F];
	_ =	sdelay $0x3  }
0x33: {  	p0 =	seq.s32 s10, $0x1;
	s10 =	sld [smem:$0x3F91];
	_ =	sdelay $0x3  }
0x34: {  	[smem:$0x3F91] =	sst s10  }
0x35: {  	s10 =	sld [smem:$0x3F90];
	_ =	sdelay $0x3  }
0x36: {  	p1 =	seq.s32 s10, $0x1;
	s10 =	sld [smem:$0x3F91];
	_ =	sdelay $0x3  }
0x37: {  	[smem:$0x3F91] =	sst s10  }
0x38: {  	s10 =	sld [smem:$0x3F92]  }
0x39: {  	_ = 	snop;
	(pc) =	sbr.ind lr, $3  }
0x3a: {  	_ = 	snop  }
0x3b: {  	_ = 	snop  }
0x3c: {  	p2 =	seq.s32 s10, $0x1;
	s10 =	sld [smem:$0x3F91]  }
0x3d: {  	_ =	shalt  }
0x3e: {  	_ =	shalt  }
0x3f: {  	_ =	shalt  }
0x40: {  	_ =	shalt  }
0x41: {  	_ =	shalt  }
0x42: {  	_ =	shalt  }
0x43: {  	_ =	shalt  }
0x44: {  	_ =	shalt  }
0x45: {  	_ =	shalt  }
0x46: {  	_ =	shalt  }
0x47: {  	_ =	shalt  }
0x48: {  	_ =	shalt  }
0x49: {  	_ =	shalt  }
0x4a: {  	_ =	shalt  }
0x4b: {  	_ =	shalt  }
0x4c: {  	_ =	shalt  }
0x4d: {  	_ =	shalt  }
0x4e: {  	_ =	shalt  }
0x4f: {  	_ =	shalt  }
0x50: {  	_ =	shalt  }
0x51: {  	_ =	shalt  }
0x52: {  	_ =	shalt  }
0x53: {  	_ =	shalt  }
0x54: {  	_ =	shalt  }
0x55: {  	_ =	shalt  }
0x56: {  	_ =	shalt  }
0x57: {  	_ =	shalt  }
0x58: {  	_ =	shalt  }
0x59: {  	_ =	shalt  }
0x5a: {  	_ =	shalt  }
0x5b: {  	_ =	shalt  }
0x5c: {  	_ =	shalt  }
0x5d: {  	_ =	shalt  }
0x5e: {  	_ =	shalt  }
0x5f: {  	_ =	shalt  }
0x60: {  	_ =	shalt  }
0x61: {  	_ =	shalt  }
0x62: {  	_ =	shalt  }
0x63: {  	_ =	shalt  }
0x64: {  	_ =	shalt  }
0x65: {  	_ =	shalt  }
0x66: {  	_ =	shalt  }
0x67: {  	_ =	shalt  }
0x68: {  	_ =	shalt  }
0x69: {  	_ =	shalt  }
0x6a: {  	_ =	shalt  }
0x6b: {  	_ =	shalt  }
0x6c: {  	_ =	shalt  }
0x6d: {  	_ =	shalt  }
0x6e: {  	_ =	shalt  }
0x6f: {  	_ =	shalt  }
0x70: {  	_ =	shalt  }
0x71: {  	_ =	shalt  }
0x72: {  	_ =	shalt  }
0x73: {  	_ =	shalt  }
0x74: {  	_ =	shalt  }
0x75: {  	_ =	shalt  }
0x76: {  	_ =	shalt  }
0x77: {  	_ =	shalt  }
0x78: {  	_ =	shalt  }
0x79: {  	_ =	shalt  }
0x7a: {  	_ =	shalt  }
0x7b: {  	_ =	shalt  }
0x7c: {  	_ =	shalt  }
0x7d: {  	_ =	shalt  }
0x7e: {  	_ =	shalt  }
0x7f: {  	_ =	shalt  }
0x80: {  	_ =	shalt  }
0x81: {  	_ =	shalt  }
0x82: {  	_ =	shalt  }
0x83: {  	_ =	shalt  }
0x84: {  	_ =	shalt  }
0x85: {  	_ =	shalt  }
0x86: {  	_ =	shalt  }
0x87: {  	_ =	shalt  }
.Lfunc_end0:
.L_simem_size_0:
called_computation.1_lowered:
.L_overlay_start_0:
0x88: {  	s2 =	sld [smem:$0x3FD9]  }
0x89: {  	s3 =	sld [smem:$0x3FFE];
	_ =	sdelay $0x1  }
0x8a: {  	s1 =	srdreg.scid  }
0x8b: {  	s0 =	sand.u32 $0x1, s1  }
0x8c: {  	s17 =	sshll.u32 s0, $0xA;
	s2 =	sadd.s32 s3, s2  }
0x8d: {  	s2 =	sadd.s32 s2, s17  }
0x8e: {  	[smem:$0x3F9D] =	sst s2  }
0x8f: {  	_ = 	snop  }
0x90: {  	(tm) =	ssettm $0x1  }
0x91: {  	s18 =	sld [smem:$0x3FFB];
	_ =	sdelay $0x3  }
0x92: {  	_ =	strace s18  }
0x93: {  	s2 =	sld [smem:$0x3FFC];
	_ =	sdelay $0x3  }
0x94: {  	_ =	strace s2  }
0x95: {  	s2 =	sld [smem:$0x3FFD];
	_ =	sdelay $0x3  }
0x96: {  	_ =	strace s2  }
0x97: {  	_ =	strace $0x8FFFFFFF  }
0x98: {  	s19 =	sld [smem:$0x3FDB];
	_ =	sdelay $0x1  }
0x99: {  	s20 =	simm.s32 $_scs_section_size  }
0x9a: {  	s4 =	simm.s32 $_size__tile_overlayer_lowered;
	s5 =	simm.s32 $_tile_overlayer_lowered  }
0x9b: {  	s6 =	simm.s32 $0x1BFF;
	s21 =	sshll.u32 s5, $0x1;
	s3 =	sadd.s32 s20, s19  }
0x9c: {  	s22 =	simm.s32 $0x0;
	s4 =	sshll.u32 s4, $0x1;
	s5 =	sadd.s32 s21, s3  }
0x9d: {  	[timem:s22], [sflag:s6] =	dma.local [hbm:s5], s4  }
0x9e: {  	_ =	swait.ge [sflag:s6], s4  }
0x9f: {  	s4 =	ssub.s32 $0x0, s4;
	[sflag:s6] =	ssyncset.done $0x0  }
0xa0: {  	[sflag:s6] =	ssyncadd.s32 s4;
	_ =	sdelay $0x1  }
0xa1: {  	s23 =	simm.s32 $0x1B8B  }
0xa2: {  	_ =	swait.ge [sflag:s23], $0x1  }
0xa3: {  	[sflag:s23] =	ssyncset.done $0x0  }
0xa4: {  	[sflag:s23] =	ssyncadd.s32 $0xFFFFFFFF  }
0xa5: {  	s4 =	sld [smem:$0x0]  }
0xa6: {  	s5 =	sand.u32 $0xFFFFFFFE, s1  }
0xa7: {  	p0 =	sne.s32 s1, s5  }
0xa8: {  	s5 =	sshll.u32 @p0 s5, $0xE  }
0xa9: {  	s5 =	sadd.s32 @p0 $0x11B8D, s5;
	s6 =	sshll.u32 @p0 s4, $0x11  }
0xaa: {  	s5 =	sor.u32 @p0 s6, s5  }
0xab: {  	[sflag:s5] =	ssyncadd.remote.s32 @p0 $0x1;
	_ =	sdelay $0x1  }
0xac: {  	s5 =	simm.s32 @p0 $0x1B8D  }
0xad: {  	_ =	swait.eq @p0 [sflag:s5], $0x1  }
0xae: {  	[sflag:s5] =	ssyncadd.s32 @p0 $0xFFFFFFFF  }
0xaf: {  	s6 =	sshll.u32 @!p0 s1, $0xE  }
0xb0: {  	s6 =	sor.u32 @!p0 $0x4000, s6;
	s5 =	simm.s32 @!p0 $0x1B8D  }
0xb1: {  	s4 =	sshll.u32 @!p0 s4, $0x11;
	s6 =	sadd.s32 @!p0 $0x11B8D, s6;
	_ =	swait.eq @!p0 [sflag:s5], $0x1  }
0xb2: {  	s4 =	sor.u32 @!p0 s4, s6;
	[sflag:s5] =	ssyncadd.s32 @!p0 $0xFFFFFFFF  }
0xb3: {  	s25 =	simm.s32 $0x1B8E;
	s24 =	sld [smem:$0x3FFE];
	[sflag:s4] =	ssyncadd.remote.s32 @!p0 $0x1  }
0xb4: {  	s26 =	simm.s32 $execute0_lowered;
	[smem:$0x3FD2] =	sst s25  }
0xb5: {  	s5 =	sshll.u32 s26, $0x1;
	_ =	strace $0x8000004C;
	[dreg:$0x1] =	wrdreg $0xFFFFFFFF  }
0xb6: {  	s28 =	simm.s32 $_size_execute0_lowered;
	s3 =	sadd.s32 s3, s5;
	[dreg:$0x0] =	wrdreg $0x0  }
0xb7: {  	s5 =	sshll.u32 s28, $0x1;
	[dreg:$0x2] =	wrdreg s3  }
0xb8: {  	[dreg:$0x3] =	wrdreg s5  }
0xb9: {  	[dreg:$0x4] =	wrdreg $0xC0  }
0xba: {  	_ =	task [dreg:s22], $0x5FFFF  }
0xbb: {  	[dreg:$0x1] =	wrdreg $0xFFFFFFFF  }
0xbc: {  	[dreg:$0x0] =	wrdreg $0x60  }
0xbd: {  	[dreg:$0x2] =	wrdreg s24  }
0xbe: {  	[dreg:$0x3] =	wrdreg $0x66800  }
0xbf: {  	[dreg:$0x4] =	wrdreg $0x9  }
0xc0: {  	_ =	task.clear_ibuf [dreg:s22], $0x5FFFF;
	_ =	strace $0x9000004C  }
0xc1: {  	s29 =	simm.s32 $0x9;
	_ =	strace $0x8000004E  }
0xc2: {  	_ =	swait.ge [sflag:s29], $0x1  }
0xc3: {  	[sflag:s29] =	ssyncadd.s32 $0xFFFFFFFF  }
0xc4: {  	_ =	strace $0x9000004E  }
0xc5: {  	_ =	sfence  }
0xc6: {  	s30 =	sld [smem:$0x0];
	_ =	sdelay $0x2  }
0xc7: {  	s31 =	sshll.u32 s1, $0xD;
	s1 =	sshrl.u32 s1, $0x2  }
0xc8: {  	s4 =	sand.u32 $0x4000, s31;
	s1 =	sadd.s32 s1, s30  }
0xc9: {  	s0 =	sor.u32 s4, s0;
	s1 =	sshll.u32 s1, $0x11  }
0xca: {  	s0 =	sor.u32 s1, s0  }
0xcb: {  	s0 =	sadd.s32 $0x8F2B, s0  }
0xcc: {  	[sflag:s0] =	ssyncadd.remote.s32 $0x1  }
0xcd: {  	_ =	sfence.sel $0xFFFF  }
0xce: {  	[dreg:$0x0] =	wrdreg $0xFFFFFFFF;
	(pc) =	sbr.abs _section_cstart, $3  }
0xcf: {  	[dreg:$0x1] =	wrdreg $0xFFFFFFFF  }
0xd0: {  	_ =	task.clear_ibuf [dreg:s22], $0x2FFFF;
	_ =	strace $0x9FFFFFFF  }
0xd1: {  	(tm) =	ssettm $0x7FFFFFFF  }
tec
execute0_lowered:
.L_overlay_start_1:
0x0: {  	(tag) =	ssettag $0x1  }
0x1: {  	s0 =	rddreg [dreg:$0x0]  }
0x2: {  	s2 =	rddreg [dreg:$0x1]  }
0x3: {  	s3 =	simm.s32 $0x0;
	s12 =	stileid.u32;
	s4 =	srdreg.scid  }
0x4: {  	s28 =	simm.s32 $0x28;
	s29 =	simm.s32 $0x3;
	s1 =	smul.u32 $0x4E200, s12  }
0x5: {  	s30 =	simm.s32 $0x0;
	[smem:$0x7FF] =	sst s3;
	s5 =	smul.u32 $0x4E000, s12  }
0x6: {  	s4 =	sand.u32 $0x1, s4;
	s6 =	sadd.s32 $0xE6A00, s0;
	s9 =	smul.u32 $0x2700, s12  }
0x7: {  	s7 =	sadd.s32 $0x8E800, s0;
	s13 =	sadd.s32 $0x124800, s2;
	s17 =	smul.u32 $0x4E20, s12  }
0x8: {  	p0 =	seq.s32 s12, $0xF;
	_ =	strace $0x8000004D;
	s15 =	smul.u32 $0x27100, s4  }
0x9: {  	[dreg:$0x4] =	wrdreg s7;
	s8 =	ssub.s32 $0x2, s4;
	s11 =	smul.u32 $0x138800, s4  }
0xa: {  	s4 =	smul.u32 $0x2710, s4;
	s13 =	sshrl.u32 @p0 s13, $0x3;
	s1 =	sadd.s32 s1, s0  }
0xb: {  	s0 =	sadd.s32 $0x13EA00, s0;
	s10 =	sshrl.u32 s8, $0x1;
	s5 =	sshrl.u32 s5, $0x2  }
0xc: {  	s8 =	ssub.s32 s8, s10;
	s5 =	sadd.s32 s5, s2;
	s9 =	sadd.s32 s9, s15  }
0xd: {  	s16 =	sshrl.u32 s11, $0x3;
	s1 =	sadd.s32 s15, s1;
	s21 =	sadd.s32 s4, s17  }
0xe: {  	s17 =	simm.s32 $0x80;
	s10 =	sadd.s32 s0, s16;
	s0 =	sadd.s32 s0, s9  }
0xf: {  	s19 =	sadd.s32 $0xF96800, s1;
	s20 =	smax.u32 s8, $0x1;
	s22 =	sshrl.u32 s21, $0x3  }
0x10: {  	s4 =	sadd.s32 $0xA0, s21;
	s23 =	sadd.s32 $0x78, s21;
	[dreg:$0x5] =	wrdreg s0  }
0x11: {  	s31 =	sadd.s32 $0x50, s21;
	s15 =	sshrl.u32 @!p0 s5, $0x3;
	[dreg:$0x7] =	wrdreg s20  }
0x12: {  	s16 =	simm.s32 $0x280;
	s18 =	sadd.s32 $0x24900, s10;
	[dreg:$0x3] =	wrdreg s19  }
0x13: {  	s1 =	sadd.s32 s22, s6;
	s24 =	sshrl.u32 s4, $0x3;
	s25 =	sshrl.u32 s23, $0x3  }
0x14: {  	s0 =	sadd.s32 $0x28, s21;
	s19 =	simm.s32 $0x100;
	s20 =	simm.s32 $0x2A80  }
0x15: {  	s21 =	simm.s32 $0x180;
	s22 =	simm.s32 $0x3E80;
	[dreg:$0x6] =	wrdreg s18  }
0x16: {  	s23 =	simm.s32 $0x200;
	[dreg:$0x8] =	wrdreg s1;
	s9 =	sadd.s32 s24, s6  }
0x17: {  	s26 =	sadd.s32 s25, s6;
	s1 =	sshrl.u32 s31, $0x3;
	s0 =	sshrl.u32 s0, $0x3  }
0x18: {  	s18 =	simm.s32 $0x1680;
	s24 =	simm.s32 $0x5280;
	s25 =	simm.s32 $0x1  }
0x19: {  	[dreg:$0x9] =	wrdreg s26;
	s11 =	sadd.s32 s1, s6;
	s1 =	sshll.u32 @!p0 s12, $0x6  }
0x1a: {  	s12 =	sadd.s32 s0, s6;
	s26 =	simm.s32 $0x2;
	s14 =	sor.u32 @!p0 $0x1C04, s1  }
.LBB2_1:
0x1b: {  	s0 =	simm.s32 @p0 $0x1FC4;
	s1 =	rddreg [dreg:$0x4]  }
0x1c: {  	[spmem:s13], [sflag:s0] =	dma.local @p0 [hbm:s1], $0x2800  }
0x1d: {  	s0 =	simm.s32 @p0 $0x4  }
0x1e: {  	_ =	swait.ge @p0 [sflag:s0], $0x2800  }
0x1f: {  	[sflag:s0] =	ssyncset.done @p0 $0x0  }
0x20: {  	[sflag:s0] =	ssyncadd.s32 @p0 $0xFFFFD800;
	s0 =	simm.s32 @!p0 $0x4  }
0x21: {  	[spmem:s15], [sflag:s14] =	dma.local @!p0 [hbm:s1], $0x2700  }
0x22: {  	_ =	swait.ge @!p0 [sflag:s0], $0x2700  }
0x23: {  	[sflag:s0] =	ssyncset.done @!p0 $0x0  }
0x24: {  	[sflag:s0] =	ssyncadd.s32 @!p0 $0xFFFFD900  }
0x25: {  	[bflag:$0x0] =	sbarrier.arrive $0xFFFF  }
0x26: {  	s4 =	rddreg [dreg:$0x3]  }
0x27: {  	s8 =	rddreg [dreg:$0x8]  }
0x28: {  	[tilespmem:s3], [sflag:$0x1] =	stream.linear.gather [hbm4b:s8+s3], $0x28, $0x38;
	[tilespmem:$0x19F00] =	vst v63  }
0x29: {  	s0 =	sadd.s32 $0x0, s4  }
0x2a: {  	[tilespmem:s16], [sflag:$0x2] =	stream.linear.gather [hbm4b:s0+s3], $0x1400, $0x38;
	[tilespmem:$0x19F00] =	vst v63  }
0x2b: {  	_ = 	snop  }
0x2c: {  	[tilespmem:s17], [sflag:$0x1] =	stream.linear.gather [hbm4b:s12+s3], $0x28, $0x38;
	[tilespmem:$0x19F00] =	vst v63  }
0x2d: {  	s5 =	sadd.s32 $0x280, s0  }
0x2e: {  	[tilespmem:s18], [sflag:$0x2] =	stream.linear.gather [hbm4b:s5+s3], $0x1400, $0x38;
	[tilespmem:$0x19F00] =	vst v63  }
0x2f: {  	_ = 	snop  }
0x30: {  	[tilespmem:s19], [sflag:$0x1] =	stream.linear.gather [hbm4b:s11+s3], $0x28, $0x38;
	[tilespmem:$0x19F00] =	vst v63  }
0x31: {  	s6 =	sadd.s32 $0x500, s0  }
0x32: {  	[tilespmem:s20], [sflag:$0x2] =	stream.linear.gather [hbm4b:s6+s3], $0x1400, $0x38;
	[tilespmem:$0x19F00] =	vst v63  }
0x33: {  	s10 =	rddreg [dreg:$0x9]  }
0x34: {  	[tilespmem:s21], [sflag:$0x1] =	stream.linear.gather [hbm4b:s10+s3], $0x28, $0x38;
	[tilespmem:$0x19F00] =	vst v63  }
0x35: {  	s7 =	sadd.s32 $0x780, s0  }
0x36: {  	[tilespmem:s22], [sflag:$0x2] =	stream.linear.gather [hbm4b:s7+s3], $0x1400, $0x38;
	[tilespmem:$0x19F00] =	vst v63  }
0x37: {  	_ = 	snop  }
0x38: {  	[tilespmem:s23], [sflag:$0x1] =	stream.linear.gather [hbm4b:s9+s3], $0x28, $0x38;
	[tilespmem:$0x19F00] =	vst v63  }
0x39: {  	s0 =	sadd.s32 $0xA00, s0  }
0x3a: {  	[tilespmem:s24], [sflag:$0x2] =	stream.linear.gather [hbm4b:s0+s3], $0x1400, $0x38;
	[tilespmem:$0x19F00] =	vst v63  }
0x3b: {  	_ =	swait.ge [sflag:s25], $0x28  }
0x3c: {  	[sflag:s25] =	ssyncset.done $0x0  }
0x3d: {  	[sflag:s25] =	ssyncadd.s32 $0xFFFFFFD8  }
0x3e: {  	_ =	swait.ge [sflag:s26], $0x1400  }
0x3f: {  	[sflag:s26] =	ssyncset.done $0x0  }
0x40: {  	[sflag:s26] =	ssyncadd.s32 $0xFFFFEC00  }
0x41: {  	[spmem:s2] =	stream.indirect.scatter.add.f32 [tilespmem:s16], [sflag:$0x3], $0x80, s3, s28, $0xb8;
	[tilespmem:$0x19F00] =	vst v63  }
0x42: {  	_ =	swait.ge [sflag:s25], $0x28  }
0x43: {  	[sflag:s25] =	ssyncset.done $0x0  }
0x44: {  	[sflag:s25] =	ssyncadd.s32 $0xFFFFFFD8  }
0x45: {  	_ =	swait.ge [sflag:s26], $0x1400  }
0x46: {  	[sflag:s26] =	ssyncset.done $0x0  }
0x47: {  	[sflag:s26] =	ssyncadd.s32 $0xFFFFEC00  }
0x48: {  	[spmem:s2] =	stream.indirect.scatter.add.f32 [tilespmem:s18], [sflag:$0x3], $0x80, s17, s28, $0xb8;
	[tilespmem:$0x19F00] =	vst v63  }
0x49: {  	_ =	swait.ge [sflag:s25], $0x28  }
0x4a: {  	[sflag:s25] =	ssyncset.done $0x0  }
0x4b: {  	[sflag:s25] =	ssyncadd.s32 $0xFFFFFFD8  }
0x4c: {  	_ =	swait.ge [sflag:s26], $0x1400  }
0x4d: {  	[sflag:s26] =	ssyncset.done $0x0  }
0x4e: {  	[sflag:s26] =	ssyncadd.s32 $0xFFFFEC00  }
0x4f: {  	[spmem:s2] =	stream.indirect.scatter.add.f32 [tilespmem:s20], [sflag:$0x3], $0x80, s19, s28, $0xb8;
	[tilespmem:$0x19F00] =	vst v63  }
0x50: {  	_ =	swait.ge [sflag:s25], $0x28  }
0x51: {  	[sflag:s25] =	ssyncset.done $0x0  }
0x52: {  	[sflag:s25] =	ssyncadd.s32 $0xFFFFFFD8  }
0x53: {  	_ =	swait.ge [sflag:s26], $0x1400  }
0x54: {  	[sflag:s26] =	ssyncset.done $0x0  }
0x55: {  	[sflag:s26] =	ssyncadd.s32 $0xFFFFEC00  }
0x56: {  	[spmem:s2] =	stream.indirect.scatter.add.f32 [tilespmem:s22], [sflag:$0x3], $0x80, s21, s28, $0xb8;
	[tilespmem:$0x19F00] =	vst v63  }
0x57: {  	_ =	swait.ge [sflag:s25], $0x28  }
0x58: {  	[sflag:s25] =	ssyncset.done $0x0  }
0x59: {  	[sflag:s25] =	ssyncadd.s32 $0xFFFFFFD8  }
0x5a: {  	_ =	swait.ge [sflag:s26], $0x1400  }
0x5b: {  	[sflag:s26] =	ssyncset.done $0x0  }
0x5c: {  	[sflag:s26] =	ssyncadd.s32 $0xFFFFEC00  }
0x5d: {  	[spmem:s2] =	stream.indirect.scatter.add.f32 [tilespmem:s24], [sflag:$0x3], $0x80, s23, s28, $0xb8;
	[tilespmem:$0x19F00] =	vst v63  }
0x5e: {  	_ =	swait.ge [sflag:s29], $0x1400  }
0x5f: {  	[sflag:s29] =	ssyncset.done $0x0  }
0x60: {  	[sflag:s29] =	ssyncadd.s32 $0xFFFFEC00  }
0x61: {  	_ =	swait.ge [sflag:s29], $0x1400  }
0x62: {  	[sflag:s29] =	ssyncset.done $0x0  }
0x63: {  	[sflag:s29] =	ssyncadd.s32 $0xFFFFEC00  }
0x64: {  	_ =	swait.ge [sflag:s29], $0x1400  }
0x65: {  	[sflag:s29] =	ssyncset.done $0x0  }
0x66: {  	[sflag:s29] =	ssyncadd.s32 $0xFFFFEC00  }
0x67: {  	_ =	swait.ge [sflag:s29], $0x1400  }
0x68: {  	s31 =	smov.u32 s9;
	[sflag:s29] =	ssyncset.done $0x0  }
0x69: {  	s1 =	sadd.s32 $0x19, s10;
	s5 =	sadd.s32 $0x19, s12;
	[sflag:s29] =	ssyncadd.s32 $0xFFFFEC00  }
0x6a: {  	s6 =	simm.s32 $0xC80;
	s7 =	simm.s32 $0x1900;
	_ =	swait.ge [sflag:s29], $0x1400  }
0x6b: {  	s0 =	sadd.s32 $0x19, s11;
	s4 =	rddreg [dreg:$0x3];
	[sflag:s29] =	ssyncset.done $0x0  }
.LBB2_2:
0x6c: {  	[sflag:s29] =	ssyncadd.s32 $0xFFFFEC00;
	s8 =	sadd.s32 $0x19, s8  }
0x6d: {  	[tilespmem:s3], [sflag:$0x1] =	stream.linear.gather [hbm4b:s8+s3], $0x28, $0x38;
	[tilespmem:$0x19F00] =	vst v63  }
0x6e: {  	s4 =	sadd.s32 s6, s4  }
0x6f: {  	[tilespmem:s16], [sflag:$0x2] =	stream.linear.gather [hbm4b:s4+s3], $0x1400, $0x38;
	[tilespmem:$0x19F00] =	vst v63  }
0x70: {  	s10 =	smov.u32 s7  }
0x71: {  	[tilespmem:s17], [sflag:$0x1] =	stream.linear.gather [hbm4b:s5+s3], $0x28, $0x38;
	[tilespmem:$0x19F00] =	vst v63  }
0x72: {  	s6 =	smov.u32 s10;
	s10 =	sadd.s32 $0x280, s4  }
0x73: {  	[tilespmem:s18], [sflag:$0x2] =	stream.linear.gather [hbm4b:s10+s3], $0x1400, $0x38;
	[tilespmem:$0x19F00] =	vst v63  }
0x74: {  	_ = 	snop  }
0x75: {  	[tilespmem:s19], [sflag:$0x1] =	stream.linear.gather [hbm4b:s0+s3], $0x28, $0x38;
	[tilespmem:$0x19F00] =	vst v63  }
0x76: {  	s10 =	sadd.s32 $0x500, s4  }
0x77: {  	[tilespmem:s20], [sflag:$0x2] =	stream.linear.gather [hbm4b:s10+s3], $0x1400, $0x38;
	[tilespmem:$0x19F00] =	vst v63  }
0x78: {  	_ = 	snop  }
0x79: {  	[tilespmem:s21], [sflag:$0x1] =	stream.linear.gather [hbm4b:s1+s3], $0x28, $0x38;
	[tilespmem:$0x19F00] =	vst v63  }
0x7a: {  	s10 =	sadd.s32 $0x780, s4  }
0x7b: {  	[tilespmem:s22], [sflag:$0x2] =	stream.linear.gather [hbm4b:s10+s3], $0x1400, $0x38;
	[tilespmem:$0x19F00] =	vst v63  }
0x7c: {  	s31 =	sadd.s32 $0x19, s31  }
0x7d: {  	[tilespmem:s23], [sflag:$0x1] =	stream.linear.gather [hbm4b:s31+s3], $0x28, $0x38;
	[tilespmem:$0x19F00] =	vst v63  }
0x7e: {  	s4 =	sadd.s32 $0xA00, s4  }
0x7f: {  	[tilespmem:s24], [sflag:$0x2] =	stream.linear.gather [hbm4b:s4+s3], $0x1400, $0x38;
	[tilespmem:$0x19F00] =	vst v63  }
0x80: {  	_ =	swait.ge [sflag:s25], $0x28  }
0x81: {  	[sflag:s25] =	ssyncset.done $0x0  }
0x82: {  	[sflag:s25] =	ssyncadd.s32 $0xFFFFFFD8  }
0x83: {  	_ =	swait.ge [sflag:s26], $0x1400  }
0x84: {  	[sflag:s26] =	ssyncset.done $0x0  }
0x85: {  	[sflag:s26] =	ssyncadd.s32 $0xFFFFEC00  }
0x86: {  	[spmem:s2] =	stream.indirect.scatter.add.f32 [tilespmem:s16], [sflag:$0x3], $0x80, s3, s28, $0xb8;
	[tilespmem:$0x19F00] =	vst v63  }
0x87: {  	_ =	swait.ge [sflag:s25], $0x28  }
0x88: {  	[sflag:s25] =	ssyncset.done $0x0  }
0x89: {  	[sflag:s25] =	ssyncadd.s32 $0xFFFFFFD8  }
0x8a: {  	_ =	swait.ge [sflag:s26], $0x1400  }
0x8b: {  	[sflag:s26] =	ssyncset.done $0x0  }
0x8c: {  	[sflag:s26] =	ssyncadd.s32 $0xFFFFEC00  }
0x8d: {  	[spmem:s2] =	stream.indirect.scatter.add.f32 [tilespmem:s18], [sflag:$0x3], $0x80, s17, s28, $0xb8;
	[tilespmem:$0x19F00] =	vst v63  }
0x8e: {  	_ =	swait.ge [sflag:s25], $0x28  }
0x8f: {  	[sflag:s25] =	ssyncset.done $0x0  }
0x90: {  	[sflag:s25] =	ssyncadd.s32 $0xFFFFFFD8  }
0x91: {  	_ =	swait.ge [sflag:s26], $0x1400  }
0x92: {  	[sflag:s26] =	ssyncset.done $0x0  }
0x93: {  	[sflag:s26] =	ssyncadd.s32 $0xFFFFEC00  }
0x94: {  	[spmem:s2] =	stream.indirect.scatter.add.f32 [tilespmem:s20], [sflag:$0x3], $0x80, s19, s28, $0xb8;
	[tilespmem:$0x19F00] =	vst v63  }
0x95: {  	_ =	swait.ge [sflag:s25], $0x28  }
0x96: {  	[sflag:s25] =	ssyncset.done $0x0  }
0x97: {  	[sflag:s25] =	ssyncadd.s32 $0xFFFFFFD8  }
0x98: {  	_ =	swait.ge [sflag:s26], $0x1400  }
0x99: {  	[sflag:s26] =	ssyncset.done $0x0  }
0x9a: {  	[sflag:s26] =	ssyncadd.s32 $0xFFFFEC00  }
0x9b: {  	[spmem:s2] =	stream.indirect.scatter.add.f32 [tilespmem:s22], [sflag:$0x3], $0x80, s21, s28, $0xb8;
	[tilespmem:$0x19F00] =	vst v63  }
0x9c: {  	_ =	swait.ge [sflag:s25], $0x28  }
0x9d: {  	[sflag:s25] =	ssyncset.done $0x0  }
0x9e: {  	[sflag:s25] =	ssyncadd.s32 $0xFFFFFFD8  }
0x9f: {  	_ =	swait.ge [sflag:s26], $0x1400  }
0xa0: {  	[sflag:s26] =	ssyncset.done $0x0  }
0xa1: {  	[sflag:s26] =	ssyncadd.s32 $0xFFFFEC00  }
0xa2: {  	[spmem:s2] =	stream.indirect.scatter.add.f32 [tilespmem:s24], [sflag:$0x3], $0x80, s23, s28, $0xb8;
	[tilespmem:$0x19F00] =	vst v63  }
0xa3: {  	_ =	swait.ge [sflag:s29], $0x1400  }
0xa4: {  	[sflag:s29] =	ssyncset.done $0x0  }
0xa5: {  	[sflag:s29] =	ssyncadd.s32 $0xFFFFEC00  }
0xa6: {  	_ =	swait.ge [sflag:s29], $0x1400  }
0xa7: {  	[sflag:s29] =	ssyncset.done $0x0  }
0xa8: {  	[sflag:s29] =	ssyncadd.s32 $0xFFFFEC00  }
0xa9: {  	_ =	swait.ge [sflag:s29], $0x1400  }
0xaa: {  	[sflag:s29] =	ssyncset.done $0x0  }
0xab: {  	p1 =	sne.s32 s7, $0x26480;
	[sflag:s29] =	ssyncadd.s32 $0xFFFFEC00  }
.Ltmp0:
0xac: {  	_ =	swait.ge [sflag:s29], $0x1400;
	(pc) =	sbr.rel @p1 .LBB2_2-.Ltmp0, $4  }
0xad: {  	[sflag:s29] =	ssyncset.done $0x0  }
0xae: {  	s7 =	sadd.s32 $0xC80, s7;
	[sflag:s29] =	ssyncadd.s32 $0xFFFFEC00  }
0xaf: {  	s5 =	sadd.s32 $0x19, s5;
	s0 =	sadd.s32 $0x19, s0;
	_ =	swait.ge [sflag:s29], $0x1400  }
0xb0: {  	s1 =	sadd.s32 $0x19, s1;
	s4 =	rddreg [dreg:$0x3];
	[sflag:s29] =	ssyncset.done $0x0  }
0xb1: {  	[sflag:s29] =	ssyncadd.s32 $0xFFFFEC00;
	s7 =	sadd.s32 $0x19, s8  }
0xb2: {  	[tilespmem:s3], [sflag:$0x1] =	stream.linear.gather [hbm4b:s7+s3], $0x28, $0x38;
	[tilespmem:$0x19F00] =	vst v63  }
0xb3: {  	s4 =	sadd.s32 s6, s4  }
0xb4: {  	[tilespmem:s16], [sflag:$0x2] =	stream.linear.gather [hbm4b:s4+s3], $0x1400, $0x38;
	[tilespmem:$0x19F00] =	vst v63  }
0xb5: {  	_ = 	snop  }
0xb6: {  	[tilespmem:s17], [sflag:$0x1] =	stream.linear.gather [hbm4b:s5+s3], $0x28, $0x38;
	[tilespmem:$0x19F00] =	vst v63  }
0xb7: {  	s10 =	sadd.s32 $0x280, s4  }
0xb8: {  	[tilespmem:s18], [sflag:$0x2] =	stream.linear.gather [hbm4b:s10+s3], $0x1400, $0x38;
	[tilespmem:$0x19F00] =	vst v63  }
0xb9: {  	_ = 	snop  }
0xba: {  	[tilespmem:s19], [sflag:$0x1] =	stream.linear.gather [hbm4b:s0+s3], $0x28, $0x38;
	[tilespmem:$0x19F00] =	vst v63  }
0xbb: {  	s6 =	sadd.s32 $0x500, s4  }
0xbc: {  	[tilespmem:s20], [sflag:$0x2] =	stream.linear.gather [hbm4b:s6+s3], $0x1400, $0x38;
	[tilespmem:$0x19F00] =	vst v63  }
0xbd: {  	_ = 	snop  }
0xbe: {  	[tilespmem:s21], [sflag:$0x1] =	stream.linear.gather [hbm4b:s1+s3], $0x28, $0x38;
	[tilespmem:$0x19F00] =	vst v63  }
0xbf: {  	s7 =	sadd.s32 $0x780, s4  }
0xc0: {  	[tilespmem:s22], [sflag:$0x2] =	stream.linear.gather [hbm4b:s7+s3], $0x1400, $0x38;
	[tilespmem:$0x19F00] =	vst v63  }
0xc1: {  	s8 =	sadd.s32 $0x19, s31  }
0xc2: {  	[tilespmem:s23], [sflag:$0x1] =	stream.linear.gather [hbm4b:s8+s3], $0x28, $0x38;
	[tilespmem:$0x19F00] =	vst v63  }
0xc3: {  	s10 =	sadd.s32 $0xA00, s4  }
0xc4: {  	[tilespmem:s24], [sflag:$0x2] =	stream.linear.gather [hbm4b:s10+s3], $0x1400, $0x38;
	[tilespmem:$0x19F00] =	vst v63  }
0xc5: {  	_ =	swait.ge [sflag:s25], $0x28  }
0xc6: {  	[sflag:s25] =	ssyncset.done $0x0  }
0xc7: {  	[sflag:s25] =	ssyncadd.s32 $0xFFFFFFD8  }
0xc8: {  	_ =	swait.ge [sflag:s26], $0x1400  }
0xc9: {  	[sflag:s26] =	ssyncset.done $0x0  }
0xca: {  	[sflag:s26] =	ssyncadd.s32 $0xFFFFEC00  }
0xcb: {  	[spmem:s2] =	stream.indirect.scatter.add.f32 [tilespmem:s16], [sflag:$0x3], $0x80, s3, s28, $0xb8;
	[tilespmem:$0x19F00] =	vst v63  }
0xcc: {  	_ =	swait.ge [sflag:s25], $0x28  }
0xcd: {  	[sflag:s25] =	ssyncset.done $0x0  }
0xce: {  	[sflag:s25] =	ssyncadd.s32 $0xFFFFFFD8  }
0xcf: {  	_ =	swait.ge [sflag:s26], $0x1400  }
0xd0: {  	[sflag:s26] =	ssyncset.done $0x0  }
0xd1: {  	[sflag:s26] =	ssyncadd.s32 $0xFFFFEC00  }
0xd2: {  	[spmem:s2] =	stream.indirect.scatter.add.f32 [tilespmem:s18], [sflag:$0x3], $0x80, s17, s28, $0xb8;
	[tilespmem:$0x19F00] =	vst v63  }
0xd3: {  	_ =	swait.ge [sflag:s25], $0x28  }
0xd4: {  	[sflag:s25] =	ssyncset.done $0x0  }
0xd5: {  	[sflag:s25] =	ssyncadd.s32 $0xFFFFFFD8  }
0xd6: {  	_ =	swait.ge [sflag:s26], $0x1400  }
0xd7: {  	[sflag:s26] =	ssyncset.done $0x0  }
0xd8: {  	[sflag:s26] =	ssyncadd.s32 $0xFFFFEC00  }
0xd9: {  	[spmem:s2] =	stream.indirect.scatter.add.f32 [tilespmem:s20], [sflag:$0x3], $0x80, s19, s28, $0xb8;
	[tilespmem:$0x19F00] =	vst v63  }
0xda: {  	_ =	swait.ge [sflag:s25], $0x28  }
0xdb: {  	[sflag:s25] =	ssyncset.done $0x0  }
0xdc: {  	[sflag:s25] =	ssyncadd.s32 $0xFFFFFFD8  }
0xdd: {  	_ =	swait.ge [sflag:s26], $0x1400  }
0xde: {  	[sflag:s26] =	ssyncset.done $0x0  }
0xdf: {  	[sflag:s26] =	ssyncadd.s32 $0xFFFFEC00  }
0xe0: {  	[spmem:s2] =	stream.indirect.scatter.add.f32 [tilespmem:s22], [sflag:$0x3], $0x80, s21, s28, $0xb8;
	[tilespmem:$0x19F00] =	vst v63  }
0xe1: {  	_ =	swait.ge [sflag:s25], $0x28  }
0xe2: {  	[sflag:s25] =	ssyncset.done $0x0  }
0xe3: {  	[sflag:s25] =	ssyncadd.s32 $0xFFFFFFD8  }
0xe4: {  	_ =	swait.ge [sflag:s26], $0x1400  }
0xe5: {  	[sflag:s26] =	ssyncset.done $0x0  }
0xe6: {  	[sflag:s26] =	ssyncadd.s32 $0xFFFFEC00  }
0xe7: {  	[spmem:s2] =	stream.indirect.scatter.add.f32 [tilespmem:s24], [sflag:$0x3], $0x80, s23, s28, $0xb8;
	[tilespmem:$0x19F00] =	vst v63  }
0xe8: {  	_ =	swait.ge [sflag:s29], $0x1400  }
0xe9: {  	[sflag:s29] =	ssyncset.done $0x0  }
0xea: {  	[sflag:s29] =	ssyncadd.s32 $0xFFFFEC00  }
0xeb: {  	_ =	swait.ge [sflag:s29], $0x1400  }
0xec: {  	[sflag:s29] =	ssyncset.done $0x0  }
0xed: {  	[sflag:s29] =	ssyncadd.s32 $0xFFFFEC00  }
0xee: {  	_ =	swait.ge [sflag:s29], $0x1400  }
0xef: {  	[sflag:s29] =	ssyncset.done $0x0  }
0xf0: {  	[sflag:s29] =	ssyncadd.s32 $0xFFFFEC00  }
0xf1: {  	_ =	swait.ge [sflag:s29], $0x1400  }
0xf2: {  	[sflag:s29] =	ssyncset.done $0x0  }
0xf3: {  	[sflag:s29] =	ssyncadd.s32 $0xFFFFEC00  }
0xf4: {  	_ =	swait.ge [sflag:s29], $0x1400  }
0xf5: {  	[sflag:s29] =	ssyncset.done $0x0  }
0xf6: {  	[sflag:s29] =	ssyncadd.s32 $0xFFFFEC00  }
0xf7: {  	[bflag:$0x0] =	sbarrier.arrive $0xFFFF  }
0xf8: {  	s0 =	simm.s32 @p0 $0x1FC4;
	s1 =	rddreg [dreg:$0x6]  }
0xf9: {  	[hbm:s1], [sflag:s0] =	dma.local @p0 [spmem:s13], $0x2800  }
0xfa: {  	s0 =	simm.s32 @p0 $0x4  }
0xfb: {  	_ =	swait.ge @p0 [sflag:s0], $0x2800  }
0xfc: {  	[sflag:s0] =	ssyncset.done @p0 $0x0  }
0xfd: {  	[sflag:s0] =	ssyncadd.s32 @p0 $0xFFFFD800;
	s0 =	rddreg [dreg:$0x5]  }
0xfe: {  	[hbm:s0], [sflag:s14] =	dma.local @!p0 [spmem:s15], $0x2700  }
0xff: {  	s0 =	simm.s32 @!p0 $0x4  }
0x100: {  	_ =	swait.ge @!p0 [sflag:s0], $0x2700  }
0x101: {  	s30 =	sadd.s32 $0x1, s30;
	s31 =	rddreg [dreg:$0x7]  }
0x102: {  	p1 =	sne.s32 s30, s31  }
.Ltmp1:
0x103: {  	_ = 	snop;
	(pc) =	sbr.rel @p1 .LBB2_1-.Ltmp1, $3  }
0x104: {  	_ =	sdelay $0x1  }
0x105: {  	[sflag:s0] =	ssyncset.done @!p0 $0x0  }
0x106: {  	[sflag:s0] =	ssyncadd.s32 @!p0 $0xFFFFD900  }
0x107: {  	_ =	sfence.sel $0x180000  }
0x108: {  	[bflag:$0x0] =	sbarrier.arrive $0xFFFF  }
0x109: {  	_ =	strace $0x9000004D  }
0x10a: {  	s0 =	stileid.u32;
	[bflag:$0x2] =	sbarrier.arrive $0xFFFF  }
0x10b: {  	p0 =	sne.s32 s0, $0x0;
	s0 =	rddreg [dreg:$0x2]  }
0x10c: {  	s0 =	sadd.s32 @!p0 $0x100000, s0  }
0x10d: {  	[sflag:s0] =	ssyncadd.tile.s32 @!p0 $0x1;
	_ =	shalt  }
.Lfunc_end2:
_tile_overlayer_lowered:
.L_overlay_start_2:
0x10e: {  	(tag) =	ssettag $0x2  }
0x10f: {  	s0 =	rddreg [dreg:$0x0];
	s2 =	stileid.u32  }
0x110: {  	s1 =	rddreg [dreg:$0x1];
	p0 =	sne.s32 s2, $0x0  }
0x111: {  	s3 =	rddreg [dreg:$0x2];
	[bflag:$0x3] =	sbarrier.arrive $0xFFFF;
	s2 =	simm.s32 @!p0 $0x1C04  }
0x112: {  	[timem:s3], [sflag:s2] =	dma.local @!p0 [hbm:s0], s1  }
0x113: {  	s0 =	simm.s32 @!p0 $0x4  }
0x114: {  	_ =	swait.ge @!p0 [sflag:s0], s1  }
0x115: {  	s1 =	ssub.s32 @!p0 $0x0, s1;
	[sflag:s0] =	ssyncset.done @!p0 $0x0  }
0x116: {  	[sflag:s0] =	ssyncadd.s32 @!p0 s1  }
0x117: {  	[bflag:$0x3] =	sbarrier.arrive $0xFFFF  }
0x118: {  	_ =	shalt  }

// kernel: kernel.15.cloned.1.call-start
scs
__scs_entry_jumppad:
0x0: {  	(pc) =	sbr.rel $0x88, $3  }
0x1: {  	(tag) =	ssettag $0x0;
	lr =	simm.s32 $0x1  }
0x2: {  	[smem:$0x3F76] =	sst lr;
	_ =	strace $0xD0000000  }
0x3: {  	_ = 	snop  }
0x4: {  	_ = 	snop  }
0x5: {  	_ = 	snop  }
0x6: {  	_ = 	snop  }
0x7: {  	_ = 	snop  }
__scs_overlays_trampoline_lowered:
0x8: {  	[smem:$0x3F85] =	sst s0  }
0x9: {  	[smem:$0x3F86] =	sst s1  }
0xa: {  	[smem:$0x3F87] =	sst s2  }
0xb: {  	[smem:$0x3F88] =	sst s3  }
0xc: {  	[smem:$0x3F89] =	sst s4  }
0xd: {  	[smem:$0x3F8A] =	sst s5  }
0xe: {  	[smem:$0x3F8B] =	sst s6  }
0xf: {  	[smem:$0x3F8C] =	sst s7  }
0x10: {  	[smem:$0x3F8D] =	sst s8  }
0x11: {  	[smem:$0x3F8E] =	sst s9;
	s0 =	simm.s32 @!p0 $0x0  }
0x12: {  	s1 =	sld [smem:$0x3F74];
	s0 =	simm.s32 @p0 $0x1  }
0x13: {  	[smem:$0x3F8F] =	sst s0;
	s0 =	simm.s32 @!p1 $0x0  }
0x14: {  	s2 =	sld [smem:$0x3F73];
	s0 =	simm.s32 @p1 $0x1  }
0x15: {  	[smem:$0x3F90] =	sst s0;
	s0 =	simm.s32 @!p2 $0x0  }
0x16: {  	s3 =	sld [smem:$0x3FDB];
	s0 =	simm.s32 @p2 $0x1  }
0x17: {  	s4 =	simm.s32 $0x1BF5;
	[smem:$0x3F92] =	sst s0  }
0x18: {  	s0 =	sld [smem:$0x3F75];
	_ =	swait.ge [sflag:s4], $0x0  }
0x19: {  	s7 =	sld [smem:$0x3F76]  }
0x1a: {  	s8 =	sadd.s32 $0xFFFFE003, lr  }
0x1b: {  	s9 =	sadd.s32 $0xFFFFFEF7, lr;
	s5 =	simm.s32 $0xFFFFFFFF;
	p2 =	slt.u32 s8, $0xFFFFF086  }
0x1c: {  	p1 =	slt.u32 s9, $0xF7A;
	s5 =	simm.s32 @!p2 $0x0  }
0x1d: {  	s5 =	simm.s32 @p1 $0x1;
	p0 =	seq.s32 s7, s2  }
0x1e: {  	s7 =	smul.u32 @!p0 $0xF7A, s2;
	p2 =	seq.s32 @!p0 s5, $0x0  }
0x1f: {  	s9 =	smul.u32 $0xF7A, s1;
	s8 =	simm.s32 @!p0 $0x1BF5;
	p2 =	por !p2, p0  }
0x20: {  	[sflag:s8] =	ssyncset.s32 @!p0 $0xFFFFF086;
	s6 =	sadd.s32 @!p0 s3, s7;
	s7 =	simm.s32 @!p0 $0x108  }
0x21: {  	s3 =	sadd.s32 s3, s9;
	s6 =	sadd.s32 @!p0 $0x88, s6;
	s7 =	simm.s32 @p2 $0x1082  }
0x22: {  	[simem:s7], [sflag:s8] =	dma.local @!p0 [hbm:s6], $0xF7A  }
0x23: {  	s9 =	sor.u32 $0xD0000000, s2;
	s6 =	simm.s32 $0x108;
	_ =	swait.ge @!p0 [sflag:s8], $0x0  }
0x24: {  	s3 =	sadd.s32 $0x88, s3;
	s6 =	simm.s32 @!p1 $0x1082;
	[sflag:s4] =	ssyncset.s32 $0xFFFFF086  }
0x25: {  	[simem:s6], [sflag:s4] =	dma.local [hbm:s3], $0xF7A  }
0x26: {  	[smem:$0x3F76] =	sst s1;
	(tag) =	ssettag s2;
	_ =	strace s9  }
0x27: {  	s1 =	sld [smem:$0x3F86]  }
0x28: {  	s2 =	sld [smem:$0x3F87]  }
0x29: {  	s4 =	sld [smem:$0x3F89]  }
0x2a: {  	p0 =	seq.s32 s5, $0x0;
	s5 =	sld [smem:$0x3F8A]  }
0x2b: {  	s6 =	sld [smem:$0x3F8B]  }
0x2c: {  	s7 =	sld [smem:$0x3F8C]  }
0x2d: {  	s3 =	simm.s32 $0x108;
	s8 =	sld [smem:$0x3F8D]  }
0x2e: {  	s3 =	simm.s32 @!p0 $0x1082;
	s9 =	sld [smem:$0x3F8E]  }
0x2f: {  	lr =	sadd.s32 s0, s3;
	s0 =	sld [smem:$0x3F85]  }
0x30: {  	s3 =	sld [smem:$0x3F88]  }
0x31: {  	[smem:$0x3F91] =	sst s10  }
0x32: {  	s10 =	sld [smem:$0x3F8F];
	_ =	sdelay $0x3  }
0x33: {  	p0 =	seq.s32 s10, $0x1;
	s10 =	sld [smem:$0x3F91];
	_ =	sdelay $0x3  }
0x34: {  	[smem:$0x3F91] =	sst s10  }
0x35: {  	s10 =	sld [smem:$0x3F90];
	_ =	sdelay $0x3  }
0x36: {  	p1 =	seq.s32 s10, $0x1;
	s10 =	sld [smem:$0x3F91];
	_ =	sdelay $0x3  }
0x37: {  	[smem:$0x3F91] =	sst s10  }
0x38: {  	s10 =	sld [smem:$0x3F92]  }
0x39: {  	_ = 	snop;
	(pc) =	sbr.ind lr, $3  }
0x3a: {  	_ = 	snop  }
0x3b: {  	_ = 	snop  }
0x3c: {  	p2 =	seq.s32 s10, $0x1;
	s10 =	sld [smem:$0x3F91]  }
0x3d: {  	_ =	shalt  }
0x3e: {  	_ =	shalt  }
0x3f: {  	_ =	shalt  }
0x40: {  	_ =	shalt  }
0x41: {  	_ =	shalt  }
0x42: {  	_ =	shalt  }
0x43: {  	_ =	shalt  }
0x44: {  	_ =	shalt  }
0x45: {  	_ =	shalt  }
0x46: {  	_ =	shalt  }
0x47: {  	_ =	shalt  }
0x48: {  	_ =	shalt  }
0x49: {  	_ =	shalt  }
0x4a: {  	_ =	shalt  }
0x4b: {  	_ =	shalt  }
0x4c: {  	_ =	shalt  }
0x4d: {  	_ =	shalt  }
0x4e: {  	_ =	shalt  }
0x4f: {  	_ =	shalt  }
0x50: {  	_ =	shalt  }
0x51: {  	_ =	shalt  }
0x52: {  	_ =	shalt  }
0x53: {  	_ =	shalt  }
0x54: {  	_ =	shalt  }
0x55: {  	_ =	shalt  }
0x56: {  	_ =	shalt  }
0x57: {  	_ =	shalt  }
0x58: {  	_ =	shalt  }
0x59: {  	_ =	shalt  }
0x5a: {  	_ =	shalt  }
0x5b: {  	_ =	shalt  }
0x5c: {  	_ =	shalt  }
0x5d: {  	_ =	shalt  }
0x5e: {  	_ =	shalt  }
0x5f: {  	_ =	shalt  }
0x60: {  	_ =	shalt  }
0x61: {  	_ =	shalt  }
0x62: {  	_ =	shalt  }
0x63: {  	_ =	shalt  }
0x64: {  	_ =	shalt  }
0x65: {  	_ =	shalt  }
0x66: {  	_ =	shalt  }
0x67: {  	_ =	shalt  }
0x68: {  	_ =	shalt  }
0x69: {  	_ =	shalt  }
0x6a: {  	_ =	shalt  }
0x6b: {  	_ =	shalt  }
0x6c: {  	_ =	shalt  }
0x6d: {  	_ =	shalt  }
0x6e: {  	_ =	shalt  }
0x6f: {  	_ =	shalt  }
0x70: {  	_ =	shalt  }
0x71: {  	_ =	shalt  }
0x72: {  	_ =	shalt  }
0x73: {  	_ =	shalt  }
0x74: {  	_ =	shalt  }
0x75: {  	_ =	shalt  }
0x76: {  	_ =	shalt  }
0x77: {  	_ =	shalt  }
0x78: {  	_ =	shalt  }
0x79: {  	_ =	shalt  }
0x7a: {  	_ =	shalt  }
0x7b: {  	_ =	shalt  }
0x7c: {  	_ =	shalt  }
0x7d: {  	_ =	shalt  }
0x7e: {  	_ =	shalt  }
0x7f: {  	_ =	shalt  }
0x80: {  	_ =	shalt  }
0x81: {  	_ =	shalt  }
0x82: {  	_ =	shalt  }
0x83: {  	_ =	shalt  }
0x84: {  	_ =	shalt  }
0x85: {  	_ =	shalt  }
0x86: {  	_ =	shalt  }
0x87: {  	_ =	shalt  }
.Lfunc_end0:
.L_simem_size_0:
called_computation.2_lowered:
.L_overlay_start_0:
0x88: {  	s2 =	sld [smem:$0x3FD9]  }
0x89: {  	s3 =	sld [smem:$0x3FFE];
	_ =	sdelay $0x1  }
0x8a: {  	s1 =	srdreg.scid  }
0x8b: {  	s0 =	sand.u32 $0x1, s1  }
0x8c: {  	s16 =	sshll.u32 s0, $0xA;
	s2 =	sadd.s32 s3, s2  }
0x8d: {  	s2 =	sadd.s32 s2, s16  }
0x8e: {  	[smem:$0x3F9D] =	sst s2  }
0x8f: {  	_ = 	snop  }
0x90: {  	(tm) =	ssettm $0x1  }
0x91: {  	s17 =	sld [smem:$0x3FFB];
	_ =	sdelay $0x3  }
0x92: {  	_ =	strace s17  }
0x93: {  	s2 =	sld [smem:$0x3FFC];
	_ =	sdelay $0x3  }
0x94: {  	_ =	strace s2  }
0x95: {  	s2 =	sld [smem:$0x3FFD];
	_ =	sdelay $0x3  }
0x96: {  	_ =	strace s2  }
0x97: {  	_ =	strace $0x8FFFFFFF  }
0x98: {  	s18 =	sld [smem:$0x3FDB];
	_ =	sdelay $0x1  }
0x99: {  	s19 =	simm.s32 $_scs_section_size  }
0x9a: {  	s4 =	simm.s32 $_size__tile_overlayer_lowered;
	s5 =	simm.s32 $_tile_overlayer_lowered  }
0x9b: {  	s22 =	simm.s32 $0x1BFF;
	s21 =	sshll.u32 s5, $0x1;
	s2 =	sadd.s32 s19, s18  }
0x9c: {  	s6 =	simm.s32 $0x0;
	s20 =	sshll.u32 s4, $0x1;
	s4 =	sadd.s32 s21, s2  }
0x9d: {  	[timem:s6], [sflag:s22] =	dma.local [hbm:s4], s20  }
0x9e: {  	_ =	swait.ge [sflag:s22], s20  }
0x9f: {  	s3 =	ssub.s32 $0x0, s20;
	[sflag:s22] =	ssyncset.done $0x0  }
0xa0: {  	[sflag:s22] =	ssyncadd.s32 s3;
	_ =	sdelay $0x1  }
0xa1: {  	s23 =	simm.s32 $0x1B8B  }
0xa2: {  	_ =	swait.ge [sflag:s23], $0x1  }
0xa3: {  	[sflag:s23] =	ssyncset.done $0x0  }
0xa4: {  	s25 =	simm.s32 $0x1B8E;
	s24 =	sld [smem:$0x3FFE];
	[sflag:s23] =	ssyncadd.s32 $0xFFFFFFFF  }
0xa5: {  	s26 =	simm.s32 $execute0_lowered;
	[smem:$0x3FD2] =	sst s25  }
0xa6: {  	s4 =	sshll.u32 s26, $0x1;
	_ =	strace $0x80000049;
	[dreg:$0x1] =	wrdreg $0xFFFFFFFF  }
0xa7: {  	s28 =	simm.s32 $_size_execute0_lowered;
	s2 =	sadd.s32 s2, s4;
	[dreg:$0x0] =	wrdreg $0x0  }
0xa8: {  	s4 =	sshll.u32 s28, $0x1;
	[dreg:$0x2] =	wrdreg s2  }
0xa9: {  	[dreg:$0x3] =	wrdreg s4  }
0xaa: {  	[dreg:$0x4] =	wrdreg $0xC0  }
0xab: {  	_ =	task [dreg:s6], $0x5FFFF  }
0xac: {  	[dreg:$0x1] =	wrdreg $0xFFFFFFFF  }
0xad: {  	[dreg:$0x0] =	wrdreg $0x60  }
0xae: {  	[dreg:$0x2] =	wrdreg s24  }
0xaf: {  	[dreg:$0x3] =	wrdreg $0x66800  }
0xb0: {  	[dreg:$0x4] =	wrdreg $0xA  }
0xb1: {  	_ =	task.clear_ibuf [dreg:s6], $0x5FFFF;
	_ =	strace $0x90000049  }
0xb2: {  	s29 =	simm.s32 $0xA;
	_ =	strace $0x8000004B  }
0xb3: {  	_ =	swait.ge [sflag:s29], $0x1  }
0xb4: {  	[sflag:s29] =	ssyncadd.s32 $0xFFFFFFFF  }
0xb5: {  	_ =	strace $0x9000004B  }
0xb6: {  	_ =	sfence  }
0xb7: {  	s30 =	sld [smem:$0x0];
	_ =	sdelay $0x2  }
0xb8: {  	s31 =	sshll.u32 s1, $0xD;
	s1 =	sshrl.u32 s1, $0x2  }
0xb9: {  	s3 =	sand.u32 $0x4000, s31;
	s1 =	sadd.s32 s1, s30  }
0xba: {  	s0 =	sor.u32 s3, s0;
	s1 =	sshll.u32 s1, $0x11  }
0xbb: {  	s0 =	sor.u32 s1, s0  }
0xbc: {  	s0 =	sadd.s32 $0x8F2B, s0  }
0xbd: {  	[sflag:s0] =	ssyncadd.remote.s32 $0x1  }
0xbe: {  	_ =	sfence.sel $0xFFFF  }
0xbf: {  	[dreg:$0x0] =	wrdreg $0xFFFFFFFF;
	(pc) =	sbr.abs _section_cstart, $3  }
0xc0: {  	[dreg:$0x1] =	wrdreg $0xFFFFFFFF  }
0xc1: {  	_ =	task.clear_ibuf [dreg:s6], $0x2FFFF;
	_ =	strace $0x9FFFFFFF  }
0xc2: {  	(tm) =	ssettm $0x7FFFFFFF  }
0xc3: {  	_ =	shalt  }
tec
execute0_lowered:
.L_overlay_start_1:
0x0: {  	(tag) =	ssettag $0x1  }
0x1: {  	s0 =	rddreg [dreg:$0x0]  }
0x2: {  	s2 =	rddreg [dreg:$0x1]  }
0x3: {  	s3 =	simm.s32 $0x0;
	s12 =	stileid.u32;
	s4 =	srdreg.scid  }
0x4: {  	s28 =	simm.s32 $0x28;
	s29 =	simm.s32 $0x3;
	s1 =	smul.u32 $0x4E200, s12  }
0x5: {  	s30 =	simm.s32 $0x0;
	[smem:$0x7FF] =	sst s3;
	s5 =	smul.u32 $0x4E000, s12  }
0x6: {  	s4 =	sand.u32 $0x1, s4;
	s6 =	sadd.s32 $0xE6A00, s0;
	s9 =	smul.u32 $0x2700, s12  }
0x7: {  	s7 =	sadd.s32 $0x8E800, s0;
	s13 =	sadd.s32 $0x124800, s2;
	s17 =	smul.u32 $0x4E20, s12  }
0x8: {  	p0 =	seq.s32 s12, $0xF;
	_ =	strace $0x8000004A;
	s15 =	smul.u32 $0x27100, s4  }
0x9: {  	[dreg:$0x4] =	wrdreg s7;
	s8 =	ssub.s32 $0x2, s4;
	s11 =	smul.u32 $0x138800, s4  }
0xa: {  	s4 =	smul.u32 $0x2710, s4;
	s13 =	sshrl.u32 @p0 s13, $0x3;
	s1 =	sadd.s32 s1, s0  }
0xb: {  	s0 =	sadd.s32 $0xF0800, s0;
	s10 =	sshrl.u32 s8, $0x1;
	s5 =	sshrl.u32 s5, $0x2  }
0xc: {  	s8 =	ssub.s32 s8, s10;
	s5 =	sadd.s32 s5, s2;
	s9 =	sadd.s32 s9, s15  }
0xd: {  	s16 =	sshrl.u32 s11, $0x3;
	s1 =	sadd.s32 s15, s1;
	s21 =	sadd.s32 s4, s17  }
0xe: {  	s17 =	simm.s32 $0x80;
	s10 =	sadd.s32 s0, s16;
	s0 =	sadd.s32 s0, s9  }
0xf: {  	s19 =	sadd.s32 $0xAB4800, s1;
	s20 =	smax.u32 s8, $0x1;
	s22 =	sshrl.u32 s21, $0x3  }
0x10: {  	s4 =	sadd.s32 $0xA0, s21;
	s23 =	sadd.s32 $0x78, s21;
	[dreg:$0x5] =	wrdreg s0  }
0x11: {  	s31 =	sadd.s32 $0x50, s21;
	s15 =	sshrl.u32 @!p0 s5, $0x3;
	[dreg:$0x7] =	wrdreg s20  }
0x12: {  	s16 =	simm.s32 $0x280;
	s18 =	sadd.s32 $0x24900, s10;
	[dreg:$0x3] =	wrdreg s19  }
0x13: {  	s1 =	sadd.s32 s22, s6;
	s24 =	sshrl.u32 s4, $0x3;
	s25 =	sshrl.u32 s23, $0x3  }
0x14: {  	s0 =	sadd.s32 $0x28, s21;
	s19 =	simm.s32 $0x100;
	s20 =	simm.s32 $0x2A80  }
0x15: {  	s21 =	simm.s32 $0x180;
	s22 =	simm.s32 $0x3E80;
	[dreg:$0x6] =	wrdreg s18  }
0x16: {  	s23 =	simm.s32 $0x200;
	[dreg:$0x8] =	wrdreg s1;
	s9 =	sadd.s32 s24, s6  }
0x17: {  	s26 =	sadd.s32 s25, s6;
	s1 =	sshrl.u32 s31, $0x3;
	s0 =	sshrl.u32 s0, $0x3  }
0x18: {  	s18 =	simm.s32 $0x1680;
	s24 =	simm.s32 $0x5280;
	s25 =	simm.s32 $0x1  }
0x19: {  	[dreg:$0x9] =	wrdreg s26;
	s11 =	sadd.s32 s1, s6;
	s1 =	sshll.u32 @!p0 s12, $0x6  }
0x1a: {  	s12 =	sadd.s32 s0, s6;
	s26 =	simm.s32 $0x2;
	s14 =	sor.u32 @!p0 $0x1C04, s1  }
.LBB2_1:
0x1b: {  	s0 =	simm.s32 @p0 $0x1FC4;
	s1 =	rddreg [dreg:$0x4]  }
0x1c: {  	[spmem:s13], [sflag:s0] =	dma.local @p0 [hbm:s1], $0x2800  }
0x1d: {  	s0 =	simm.s32 @p0 $0x4  }
0x1e: {  	_ =	swait.ge @p0 [sflag:s0], $0x2800  }
0x1f: {  	[sflag:s0] =	ssyncset.done @p0 $0x0  }
0x20: {  	[sflag:s0] =	ssyncadd.s32 @p0 $0xFFFFD800;
	s0 =	simm.s32 @!p0 $0x4  }
0x21: {  	[spmem:s15], [sflag:s14] =	dma.local @!p0 [hbm:s1], $0x2700  }
0x22: {  	_ =	swait.ge @!p0 [sflag:s0], $0x2700  }
0x23: {  	[sflag:s0] =	ssyncset.done @!p0 $0x0  }
0x24: {  	[sflag:s0] =	ssyncadd.s32 @!p0 $0xFFFFD900  }
0x25: {  	[bflag:$0x0] =	sbarrier.arrive $0xFFFF  }
0x26: {  	s4 =	rddreg [dreg:$0x3]  }
0x27: {  	s8 =	rddreg [dreg:$0x8]  }
0x28: {  	[tilespmem:s3], [sflag:$0x1] =	stream.linear.gather [hbm4b:s8+s3], $0x28, $0x38;
	[tilespmem:$0x19F00] =	vst v63  }
0x29: {  	s0 =	sadd.s32 $0x0, s4  }
0x2a: {  	[tilespmem:s16], [sflag:$0x2] =	stream.linear.gather [hbm4b:s0+s3], $0x1400, $0x38;
	[tilespmem:$0x19F00] =	vst v63  }
0x2b: {  	_ = 	snop  }
0x2c: {  	[tilespmem:s17], [sflag:$0x1] =	stream.linear.gather [hbm4b:s12+s3], $0x28, $0x38;
	[tilespmem:$0x19F00] =	vst v63  }
0x2d: {  	s5 =	sadd.s32 $0x280, s0  }
0x2e: {  	[tilespmem:s18], [sflag:$0x2] =	stream.linear.gather [hbm4b:s5+s3], $0x1400, $0x38;
	[tilespmem:$0x19F00] =	vst v63  }
0x2f: {  	_ = 	snop  }
0x30: {  	[tilespmem:s19], [sflag:$0x1] =	stream.linear.gather [hbm4b:s11+s3], $0x28, $0x38;
	[tilespmem:$0x19F00] =	vst v63  }
0x31: {  	s6 =	sadd.s32 $0x500, s0  }
0x32: {  	[tilespmem:s20], [sflag:$0x2] =	stream.linear.gather [hbm4b:s6+s3], $0x1400, $0x38;
	[tilespmem:$0x19F00] =	vst v63  }
0x33: {  	s10 =	rddreg [dreg:$0x9]  }
0x34: {  	[tilespmem:s21], [sflag:$0x1] =	stream.linear.gather [hbm4b:s10+s3], $0x28, $0x38;
	[tilespmem:$0x19F00] =	vst v63  }
0x35: {  	s7 =	sadd.s32 $0x780, s0  }
0x36: {  	[tilespmem:s22], [sflag:$0x2] =	stream.linear.gather [hbm4b:s7+s3], $0x1400, $0x38;
	[tilespmem:$0x19F00] =	vst v63  }
0x37: {  	_ = 	snop  }
0x38: {  	[tilespmem:s23], [sflag:$0x1] =	stream.linear.gather [hbm4b:s9+s3], $0x28, $0x38;
	[tilespmem:$0x19F00] =	vst v63  }
0x39: {  	s0 =	sadd.s32 $0xA00, s0  }
0x3a: {  	[tilespmem:s24], [sflag:$0x2] =	stream.linear.gather [hbm4b:s0+s3], $0x1400, $0x38;
	[tilespmem:$0x19F00] =	vst v63  }
0x3b: {  	_ =	swait.ge [sflag:s25], $0x28  }
0x3c: {  	[sflag:s25] =	ssyncset.done $0x0  }
0x3d: {  	[sflag:s25] =	ssyncadd.s32 $0xFFFFFFD8  }
0x3e: {  	_ =	swait.ge [sflag:s26], $0x1400  }
0x3f: {  	[sflag:s26] =	ssyncset.done $0x0  }
0x40: {  	[sflag:s26] =	ssyncadd.s32 $0xFFFFEC00  }
0x41: {  	[spmem:s2] =	stream.indirect.scatter.add.f32 [tilespmem:s16], [sflag:$0x3], $0x80, s3, s28, $0xb8;
	[tilespmem:$0x19F00] =	vst v63  }
0x42: {  	_ =	swait.ge [sflag:s25], $0x28  }
0x43: {  	[sflag:s25] =	ssyncset.done $0x0  }
0x44: {  	[sflag:s25] =	ssyncadd.s32 $0xFFFFFFD8  }
0x45: {  	_ =	swait.ge [sflag:s26], $0x1400  }
0x46: {  	[sflag:s26] =	ssyncset.done $0x0  }
0x47: {  	[sflag:s26] =	ssyncadd.s32 $0xFFFFEC00  }
0x48: {  	[spmem:s2] =	stream.indirect.scatter.add.f32 [tilespmem:s18], [sflag:$0x3], $0x80, s17, s28, $0xb8;
	[tilespmem:$0x19F00] =	vst v63  }
0x49: {  	_ =	swait.ge [sflag:s25], $0x28  }
0x4a: {  	[sflag:s25] =	ssyncset.done $0x0  }
0x4b: {  	[sflag:s25] =	ssyncadd.s32 $0xFFFFFFD8  }
0x4c: {  	_ =	swait.ge [sflag:s26], $0x1400  }
0x4d: {  	[sflag:s26] =	ssyncset.done $0x0  }
0x4e: {  	[sflag:s26] =	ssyncadd.s32 $0xFFFFEC00  }
0x4f: {  	[spmem:s2] =	stream.indirect.scatter.add.f32 [tilespmem:s20], [sflag:$0x3], $0x80, s19, s28, $0xb8;
	[tilespmem:$0x19F00] =	vst v63  }
0x50: {  	_ =	swait.ge [sflag:s25], $0x28  }
0x51: {  	[sflag:s25] =	ssyncset.done $0x0  }
0x52: {  	[sflag:s25] =	ssyncadd.s32 $0xFFFFFFD8  }
0x53: {  	_ =	swait.ge [sflag:s26], $0x1400  }
0x54: {  	[sflag:s26] =	ssyncset.done $0x0  }
0x55: {  	[sflag:s26] =	ssyncadd.s32 $0xFFFFEC00  }
0x56: {  	[spmem:s2] =	stream.indirect.scatter.add.f32 [tilespmem:s22], [sflag:$0x3], $0x80, s21, s28, $0xb8;
	[tilespmem:$0x19F00] =	vst v63  }
0x57: {  	_ =	swait.ge [sflag:s25], $0x28  }
0x58: {  	[sflag:s25] =	ssyncset.done $0x0  }
0x59: {  	[sflag:s25] =	ssyncadd.s32 $0xFFFFFFD8  }
0x5a: {  	_ =	swait.ge [sflag:s26], $0x1400  }
0x5b: {  	[sflag:s26] =	ssyncset.done $0x0  }
0x5c: {  	[sflag:s26] =	ssyncadd.s32 $0xFFFFEC00  }
0x5d: {  	[spmem:s2] =	stream.indirect.scatter.add.f32 [tilespmem:s24], [sflag:$0x3], $0x80, s23, s28, $0xb8;
	[tilespmem:$0x19F00] =	vst v63  }
0x5e: {  	_ =	swait.ge [sflag:s29], $0x1400  }
0x5f: {  	[sflag:s29] =	ssyncset.done $0x0  }
0x60: {  	[sflag:s29] =	ssyncadd.s32 $0xFFFFEC00  }
0x61: {  	_ =	swait.ge [sflag:s29], $0x1400  }
0x62: {  	[sflag:s29] =	ssyncset.done $0x0  }
0x63: {  	[sflag:s29] =	ssyncadd.s32 $0xFFFFEC00  }
0x64: {  	_ =	swait.ge [sflag:s29], $0x1400  }
0x65: {  	[sflag:s29] =	ssyncset.done $0x0  }
0x66: {  	[sflag:s29] =	ssyncadd.s32 $0xFFFFEC00  }
0x67: {  	_ =	swait.ge [sflag:s29], $0x1400  }
0x68: {  	s31 =	smov.u32 s9;
	[sflag:s29] =	ssyncset.done $0x0  }
0x69: {  	s1 =	sadd.s32 $0x19, s10;
	s5 =	sadd.s32 $0x19, s12;
	[sflag:s29] =	ssyncadd.s32 $0xFFFFEC00  }
0x6a: {  	s6 =	simm.s32 $0xC80;
	s7 =	simm.s32 $0x1900;
	_ =	swait.ge [sflag:s29], $0x1400  }
0x6b: {  	s0 =	sadd.s32 $0x19, s11;
	s4 =	rddreg [dreg:$0x3];
	[sflag:s29] =	ssyncset.done $0x0  }
.LBB2_2:
0x6c: {  	[sflag:s29] =	ssyncadd.s32 $0xFFFFEC00;
	s8 =	sadd.s32 $0x19, s8  }
0x6d: {  	[tilespmem:s3], [sflag:$0x1] =	stream.linear.gather [hbm4b:s8+s3], $0x28, $0x38;
	[tilespmem:$0x19F00] =	vst v63  }
0x6e: {  	s4 =	sadd.s32 s6, s4  }
0x6f: {  	[tilespmem:s16], [sflag:$0x2] =	stream.linear.gather [hbm4b:s4+s3], $0x1400, $0x38;
	[tilespmem:$0x19F00] =	vst v63  }
0x70: {  	s10 =	smov.u32 s7  }
0x71: {  	[tilespmem:s17], [sflag:$0x1] =	stream.linear.gather [hbm4b:s5+s3], $0x28, $0x38;
	[tilespmem:$0x19F00] =	vst v63  }
0x72: {  	s6 =	smov.u32 s10;
	s10 =	sadd.s32 $0x280, s4  }
0x73: {  	[tilespmem:s18], [sflag:$0x2] =	stream.linear.gather [hbm4b:s10+s3], $0x1400, $0x38;
	[tilespmem:$0x19F00] =	vst v63  }
0x74: {  	_ = 	snop  }
0x75: {  	[tilespmem:s19], [sflag:$0x1] =	stream.linear.gather [hbm4b:s0+s3], $0x28, $0x38;
	[tilespmem:$0x19F00] =	vst v63  }
0x76: {  	s10 =	sadd.s32 $0x500, s4  }
0x77: {  	[tilespmem:s20], [sflag:$0x2] =	stream.linear.gather [hbm4b:s10+s3], $0x1400, $0x38;
	[tilespmem:$0x19F00] =	vst v63  }
0x78: {  	_ = 	snop  }
0x79: {  	[tilespmem:s21], [sflag:$0x1] =	stream.linear.gather [hbm4b:s1+s3], $0x28, $0x38;
	[tilespmem:$0x19F00] =	vst v63  }
0x7a: {  	s10 =	sadd.s32 $0x780, s4  }
0x7b: {  	[tilespmem:s22], [sflag:$0x2] =	stream.linear.gather [hbm4b:s10+s3], $0x1400, $0x38;
	[tilespmem:$0x19F00] =	vst v63  }
0x7c: {  	s31 =	sadd.s32 $0x19, s31  }
0x7d: {  	[tilespmem:s23], [sflag:$0x1] =	stream.linear.gather [hbm4b:s31+s3], $0x28, $0x38;
	[tilespmem:$0x19F00] =	vst v63  }
0x7e: {  	s4 =	sadd.s32 $0xA00, s4  }
0x7f: {  	[tilespmem:s24], [sflag:$0x2] =	stream.linear.gather [hbm4b:s4+s3], $0x1400, $0x38;
	[tilespmem:$0x19F00] =	vst v63  }
0x80: {  	_ =	swait.ge [sflag:s25], $0x28  }
0x81: {  	[sflag:s25] =	ssyncset.done $0x0  }
0x82: {  	[sflag:s25] =	ssyncadd.s32 $0xFFFFFFD8  }
0x83: {  	_ =	swait.ge [sflag:s26], $0x1400  }
0x84: {  	[sflag:s26] =	ssyncset.done $0x0  }
0x85: {  	[sflag:s26] =	ssyncadd.s32 $0xFFFFEC00  }
0x86: {  	[spmem:s2] =	stream.indirect.scatter.add.f32 [tilespmem:s16], [sflag:$0x3], $0x80, s3, s28, $0xb8;
	[tilespmem:$0x19F00] =	vst v63  }
0x87: {  	_ =	swait.ge [sflag:s25], $0x28  }
0x88: {  	[sflag:s25] =	ssyncset.done $0x0  }
0x89: {  	[sflag:s25] =	ssyncadd.s32 $0xFFFFFFD8  }
0x8a: {  	_ =	swait.ge [sflag:s26], $0x1400  }
0x8b: {  	[sflag:s26] =	ssyncset.done $0x0  }
0x8c: {  	[sflag:s26] =	ssyncadd.s32 $0xFFFFEC00  }
0x8d: {  	[spmem:s2] =	stream.indirect.scatter.add.f32 [tilespmem:s18], [sflag:$0x3], $0x80, s17, s28, $0xb8;
	[tilespmem:$0x19F00] =	vst v63  }
0x8e: {  	_ =	swait.ge [sflag:s25], $0x28  }
0x8f: {  	[sflag:s25] =	ssyncset.done $0x0  }
0x90: {  	[sflag:s25] =	ssyncadd.s32 $0xFFFFFFD8  }
0x91: {  	_ =	swait.ge [sflag:s26], $0x1400  }
0x92: {  	[sflag:s26] =	ssyncset.done $0x0  }
0x93: {  	[sflag:s26] =	ssyncadd.s32 $0xFFFFEC00  }
0x94: {  	[spmem:s2] =	stream.indirect.scatter.add.f32 [tilespmem:s20], [sflag:$0x3], $0x80, s19, s28, $0xb8;
	[tilespmem:$0x19F00] =	vst v63  }
0x95: {  	_ =	swait.ge [sflag:s25], $0x28  }
0x96: {  	[sflag:s25] =	ssyncset.done $0x0  }
0x97: {  	[sflag:s25] =	ssyncadd.s32 $0xFFFFFFD8  }
0x98: {  	_ =	swait.ge [sflag:s26], $0x1400  }
0x99: {  	[sflag:s26] =	ssyncset.done $0x0  }
0x9a: {  	[sflag:s26] =	ssyncadd.s32 $0xFFFFEC00  }
0x9b: {  	[spmem:s2] =	stream.indirect.scatter.add.f32 [tilespmem:s22], [sflag:$0x3], $0x80, s21, s28, $0xb8;
	[tilespmem:$0x19F00] =	vst v63  }
0x9c: {  	_ =	swait.ge [sflag:s25], $0x28  }
0x9d: {  	[sflag:s25] =	ssyncset.done $0x0  }
0x9e: {  	[sflag:s25] =	ssyncadd.s32 $0xFFFFFFD8  }
0x9f: {  	_ =	swait.ge [sflag:s26], $0x1400  }
0xa0: {  	[sflag:s26] =	ssyncset.done $0x0  }
0xa1: {  	[sflag:s26] =	ssyncadd.s32 $0xFFFFEC00  }
0xa2: {  	[spmem:s2] =	stream.indirect.scatter.add.f32 [tilespmem:s24], [sflag:$0x3], $0x80, s23, s28, $0xb8;
	[tilespmem:$0x19F00] =	vst v63  }
0xa3: {  	_ =	swait.ge [sflag:s29], $0x1400  }
0xa4: {  	[sflag:s29] =	ssyncset.done $0x0  }
0xa5: {  	[sflag:s29] =	ssyncadd.s32 $0xFFFFEC00  }
0xa6: {  	_ =	swait.ge [sflag:s29], $0x1400  }
0xa7: {  	[sflag:s29] =	ssyncset.done $0x0  }
0xa8: {  	[sflag:s29] =	ssyncadd.s32 $0xFFFFEC00  }
0xa9: {  	_ =	swait.ge [sflag:s29], $0x1400  }
0xaa: {  	[sflag:s29] =	ssyncset.done $0x0  }
0xab: {  	p1 =	sne.s32 s7, $0x26480;
	[sflag:s29] =	ssyncadd.s32 $0xFFFFEC00  }
.Ltmp0:
0xac: {  	_ =	swait.ge [sflag:s29], $0x1400;
	(pc) =	sbr.rel @p1 .LBB2_2-.Ltmp0, $4  }
0xad: {  	[sflag:s29] =	ssyncset.done $0x0  }
0xae: {  	s7 =	sadd.s32 $0xC80, s7;
	[sflag:s29] =	ssyncadd.s32 $0xFFFFEC00  }
0xaf: {  	s5 =	sadd.s32 $0x19, s5;
	s0 =	sadd.s32 $0x19, s0;
	_ =	swait.ge [sflag:s29], $0x1400  }
0xb0: {  	s1 =	sadd.s32 $0x19, s1;
	s4 =	rddreg [dreg:$0x3];
	[sflag:s29] =	ssyncset.done $0x0  }
0xb1: {  	[sflag:s29] =	ssyncadd.s32 $0xFFFFEC00;
	s7 =	sadd.s32 $0x19, s8  }
0xb2: {  	[tilespmem:s3], [sflag:$0x1] =	stream.linear.gather [hbm4b:s7+s3], $0x28, $0x38;
	[tilespmem:$0x19F00] =	vst v63  }
0xb3: {  	s4 =	sadd.s32 s6, s4  }
0xb4: {  	[tilespmem:s16], [sflag:$0x2] =	stream.linear.gather [hbm4b:s4+s3], $0x1400, $0x38;
	[tilespmem:$0x19F00] =	vst v63  }
0xb5: {  	_ = 	snop  }
0xb6: {  	[tilespmem:s17], [sflag:$0x1] =	stream.linear.gather [hbm4b:s5+s3], $0x28, $0x38;
	[tilespmem:$0x19F00] =	vst v63  }
0xb7: {  	s10 =	sadd.s32 $0x280, s4  }
0xb8: {  	[tilespmem:s18], [sflag:$0x2] =	stream.linear.gather [hbm4b:s10+s3], $0x1400, $0x38;
	[tilespmem:$0x19F00] =	vst v63  }
0xb9: {  	_ = 	snop  }
0xba: {  	[tilespmem:s19], [sflag:$0x1] =	stream.linear.gather [hbm4b:s0+s3], $0x28, $0x38;
	[tilespmem:$0x19F00] =	vst v63  }
0xbb: {  	s6 =	sadd.s32 $0x500, s4  }
0xbc: {  	[tilespmem:s20], [sflag:$0x2] =	stream.linear.gather [hbm4b:s6+s3], $0x1400, $0x38;
	[tilespmem:$0x19F00] =	vst v63  }
0xbd: {  	_ = 	snop  }
0xbe: {  	[tilespmem:s21], [sflag:$0x1] =	stream.linear.gather [hbm4b:s1+s3], $0x28, $0x38;
	[tilespmem:$0x19F00] =	vst v63  }
0xbf: {  	s7 =	sadd.s32 $0x780, s4  }
0xc0: {  	[tilespmem:s22], [sflag:$0x2] =	stream.linear.gather [hbm4b:s7+s3], $0x1400, $0x38;
	[tilespmem:$0x19F00] =	vst v63  }
0xc1: {  	s8 =	sadd.s32 $0x19, s31  }
0xc2: {  	[tilespmem:s23], [sflag:$0x1] =	stream.linear.gather [hbm4b:s8+s3], $0x28, $0x38;
	[tilespmem:$0x19F00] =	vst v63  }
0xc3: {  	s10 =	sadd.s32 $0xA00, s4  }
0xc4: {  	[tilespmem:s24], [sflag:$0x2] =	stream.linear.gather [hbm4b:s10+s3], $0x1400, $0x38;
	[tilespmem:$0x19F00] =	vst v63  }
0xc5: {  	_ =	swait.ge [sflag:s25], $0x28  }
0xc6: {  	[sflag:s25] =	ssyncset.done $0x0  }
0xc7: {  	[sflag:s25] =	ssyncadd.s32 $0xFFFFFFD8  }
0xc8: {  	_ =	swait.ge [sflag:s26], $0x1400  }
0xc9: {  	[sflag:s26] =	ssyncset.done $0x0  }
0xca: {  	[sflag:s26] =	ssyncadd.s32 $0xFFFFEC00  }
0xcb: {  	[spmem:s2] =	stream.indirect.scatter.add.f32 [tilespmem:s16], [sflag:$0x3], $0x80, s3, s28, $0xb8;
	[tilespmem:$0x19F00] =	vst v63  }
0xcc: {  	_ =	swait.ge [sflag:s25], $0x28  }
0xcd: {  	[sflag:s25] =	ssyncset.done $0x0  }
0xce: {  	[sflag:s25] =	ssyncadd.s32 $0xFFFFFFD8  }
0xcf: {  	_ =	swait.ge [sflag:s26], $0x1400  }
0xd0: {  	[sflag:s26] =	ssyncset.done $0x0  }
0xd1: {  	[sflag:s26] =	ssyncadd.s32 $0xFFFFEC00  }
0xd2: {  	[spmem:s2] =	stream.indirect.scatter.add.f32 [tilespmem:s18], [sflag:$0x3], $0x80, s17, s28, $0xb8;
	[tilespmem:$0x19F00] =	vst v63  }
0xd3: {  	_ =	swait.ge [sflag:s25], $0x28  }
0xd4: {  	[sflag:s25] =	ssyncset.done $0x0  }
0xd5: {  	[sflag:s25] =	ssyncadd.s32 $0xFFFFFFD8  }
0xd6: {  	_ =	swait.ge [sflag:s26], $0x1400  }
0xd7: {  	[sflag:s26] =	ssyncset.done $0x0  }
0xd8: {  	[sflag:s26] =	ssyncadd.s32 $0xFFFFEC00  }
0xd9: {  	[spmem:s2] =	stream.indirect.scatter.add.f32 [tilespmem:s20], [sflag:$0x3], $0x80, s19, s28, $0xb8;
	[tilespmem:$0x19F00] =	vst v63  }
0xda: {  	_ =	swait.ge [sflag:s25], $0x28  }
0xdb: {  	[sflag:s25] =	ssyncset.done $0x0  }
0xdc: {  	[sflag:s25] =	ssyncadd.s32 $0xFFFFFFD8  }
0xdd: {  	_ =	swait.ge [sflag:s26], $0x1400  }
0xde: {  	[sflag:s26] =	ssyncset.done $0x0  }
0xdf: {  	[sflag:s26] =	ssyncadd.s32 $0xFFFFEC00  }
0xe0: {  	[spmem:s2] =	stream.indirect.scatter.add.f32 [tilespmem:s22], [sflag:$0x3], $0x80, s21, s28, $0xb8;
	[tilespmem:$0x19F00] =	vst v63  }
0xe1: {  	_ =	swait.ge [sflag:s25], $0x28  }
0xe2: {  	[sflag:s25] =	ssyncset.done $0x0  }
0xe3: {  	[sflag:s25] =	ssyncadd.s32 $0xFFFFFFD8  }
0xe4: {  	_ =	swait.ge [sflag:s26], $0x1400  }
0xe5: {  	[sflag:s26] =	ssyncset.done $0x0  }
0xe6: {  	[sflag:s26] =	ssyncadd.s32 $0xFFFFEC00  }
0xe7: {  	[spmem:s2] =	stream.indirect.scatter.add.f32 [tilespmem:s24], [sflag:$0x3], $0x80, s23, s28, $0xb8;
	[tilespmem:$0x19F00] =	vst v63  }
0xe8: {  	_ =	swait.ge [sflag:s29], $0x1400  }
0xe9: {  	[sflag:s29] =	ssyncset.done $0x0  }
0xea: {  	[sflag:s29] =	ssyncadd.s32 $0xFFFFEC00  }
0xeb: {  	_ =	swait.ge [sflag:s29], $0x1400  }
0xec: {  	[sflag:s29] =	ssyncset.done $0x0  }
0xed: {  	[sflag:s29] =	ssyncadd.s32 $0xFFFFEC00  }
0xee: {  	_ =	swait.ge [sflag:s29], $0x1400  }
0xef: {  	[sflag:s29] =	ssyncset.done $0x0  }
0xf0: {  	[sflag:s29] =	ssyncadd.s32 $0xFFFFEC00  }
0xf1: {  	_ =	swait.ge [sflag:s29], $0x1400  }
0xf2: {  	[sflag:s29] =	ssyncset.done $0x0  }
0xf3: {  	[sflag:s29] =	ssyncadd.s32 $0xFFFFEC00  }
0xf4: {  	_ =	swait.ge [sflag:s29], $0x1400  }
0xf5: {  	[sflag:s29] =	ssyncset.done $0x0  }
0xf6: {  	[sflag:s29] =	ssyncadd.s32 $0xFFFFEC00  }
0xf7: {  	[bflag:$0x0] =	sbarrier.arrive $0xFFFF  }
0xf8: {  	s0 =	simm.s32 @p0 $0x1FC4;
	s1 =	rddreg [dreg:$0x6]  }
0xf9: {  	[hbm:s1], [sflag:s0] =	dma.local @p0 [spmem:s13], $0x2800  }
0xfa: {  	s0 =	simm.s32 @p0 $0x4  }
0xfb: {  	_ =	swait.ge @p0 [sflag:s0], $0x2800  }
0xfc: {  	[sflag:s0] =	ssyncset.done @p0 $0x0  }
0xfd: {  	[sflag:s0] =	ssyncadd.s32 @p0 $0xFFFFD800;
	s0 =	rddreg [dreg:$0x5]  }
0xfe: {  	[hbm:s0], [sflag:s14] =	dma.local @!p0 [spmem:s15], $0x2700  }
0xff: {  	s0 =	simm.s32 @!p0 $0x4  }
0x100: {  	_ =	swait.ge @!p0 [sflag:s0], $0x2700  }
0x101: {  	s30 =	sadd.s32 $0x1, s30;
	s31 =	rddreg [dreg:$0x7]  }
0x102: {  	p1 =	sne.s32 s30, s31  }
.Ltmp1:
0x103: {  	_ = 	snop;
	(pc) =	sbr.rel @p1 .LBB2_1-.Ltmp1, $3  }
0x104: {  	_ =	sdelay $0x1  }
0x105: {  	[sflag:s0] =	ssyncset.done @!p0 $0x0  }
0x106: {  	[sflag:s0] =	ssyncadd.s32 @!p0 $0xFFFFD900  }
0x107: {  	_ =	sfence.sel $0x180000  }
0x108: {  	[bflag:$0x0] =	sbarrier.arrive $0xFFFF  }
0x109: {  	_ =	strace $0x9000004A  }
0x10a: {  	s0 =	stileid.u32;
	[bflag:$0x2] =	sbarrier.arrive $0xFFFF  }
0x10b: {  	p0 =	sne.s32 s0, $0x0;
	s0 =	rddreg [dreg:$0x2]  }
0x10c: {  	s0 =	sadd.s32 @!p0 $0x100000, s0  }
0x10d: {  	[sflag:s0] =	ssyncadd.tile.s32 @!p0 $0x1;
	_ =	shalt  }
.Lfunc_end2:
_tile_overlayer_lowered:
.L_overlay_start_2:
0x10e: {  	(tag) =	ssettag $0x2  }
0x10f: {  	s0 =	rddreg [dreg:$0x0];
	s2 =	stileid.u32  }
0x110: {  	s1 =	rddreg [dreg:$0x1];
	p0 =	sne.s32 s2, $0x0  }
0x111: {  	s3 =	rddreg [dreg:$0x2];
	[bflag:$0x3] =	sbarrier.arrive $0xFFFF;
	s2 =	simm.s32 @!p0 $0x1C04  }
0x112: {  	[timem:s3], [sflag:s2] =	dma.local @!p0 [hbm:s0], s1  }
0x113: {  	s0 =	simm.s32 @!p0 $0x4  }
0x114: {  	_ =	swait.ge @!p0 [sflag:s0], s1  }
0x115: {  	s1 =	ssub.s32 @!p0 $0x0, s1;
	[sflag:s0] =	ssyncset.done @!p0 $0x0  }
0x116: {  	[sflag:s0] =	ssyncadd.s32 @!p0 s1  }
0x117: {  	[bflag:$0x3] =	sbarrier.arrive $0xFFFF  }
0x118: {  	_ =	shalt  }

// kernel: kernel.18.cloned.1.call-start
scs
__scs_entry_jumppad:
0x0: {  	(pc) =	sbr.rel $0x88, $3  }
0x1: {  	(tag) =	ssettag $0x0;
	lr =	simm.s32 $0x1  }
0x2: {  	[smem:$0x3F76] =	sst lr;
	_ =	strace $0xD0000000  }
0x3: {  	_ = 	snop  }
0x4: {  	_ = 	snop  }
0x5: {  	_ = 	snop  }
0x6: {  	_ = 	snop  }
0x7: {  	_ = 	snop  }
__scs_overlays_trampoline_lowered:
0x8: {  	[smem:$0x3F85] =	sst s0  }
0x9: {  	[smem:$0x3F86] =	sst s1  }
0xa: {  	[smem:$0x3F87] =	sst s2  }
0xb: {  	[smem:$0x3F88] =	sst s3  }
0xc: {  	[smem:$0x3F89] =	sst s4  }
0xd: {  	[smem:$0x3F8A] =	sst s5  }
0xe: {  	[smem:$0x3F8B] =	sst s6  }
0xf: {  	[smem:$0x3F8C] =	sst s7  }
0x10: {  	[smem:$0x3F8D] =	sst s8  }
0x11: {  	[smem:$0x3F8E] =	sst s9;
	s0 =	simm.s32 @!p0 $0x0  }
0x12: {  	s1 =	sld [smem:$0x3F74];
	s0 =	simm.s32 @p0 $0x1  }
0x13: {  	[smem:$0x3F8F] =	sst s0;
	s0 =	simm.s32 @!p1 $0x0  }
0x14: {  	s2 =	sld [smem:$0x3F73];
	s0 =	simm.s32 @p1 $0x1  }
0x15: {  	[smem:$0x3F90] =	sst s0;
	s0 =	simm.s32 @!p2 $0x0  }
0x16: {  	s3 =	sld [smem:$0x3FDB];
	s0 =	simm.s32 @p2 $0x1  }
0x17: {  	s4 =	simm.s32 $0x1BF5;
	[smem:$0x3F92] =	sst s0  }
0x18: {  	s0 =	sld [smem:$0x3F75];
	_ =	swait.ge [sflag:s4], $0x0  }
0x19: {  	s7 =	sld [smem:$0x3F76]  }
0x1a: {  	s8 =	sadd.s32 $0xFFFFE003, lr  }
0x1b: {  	s9 =	sadd.s32 $0xFFFFFEF7, lr;
	s5 =	simm.s32 $0xFFFFFFFF;
	p2 =	slt.u32 s8, $0xFFFFF086  }
0x1c: {  	p1 =	slt.u32 s9, $0xF7A;
	s5 =	simm.s32 @!p2 $0x0  }
0x1d: {  	s5 =	simm.s32 @p1 $0x1;
	p0 =	seq.s32 s7, s2  }
0x1e: {  	s7 =	smul.u32 @!p0 $0xF7A, s2;
	p2 =	seq.s32 @!p0 s5, $0x0  }
0x1f: {  	s9 =	smul.u32 $0xF7A, s1;
	s8 =	simm.s32 @!p0 $0x1BF5;
	p2 =	por !p2, p0  }
0x20: {  	[sflag:s8] =	ssyncset.s32 @!p0 $0xFFFFF086;
	s6 =	sadd.s32 @!p0 s3, s7;
	s7 =	simm.s32 @!p0 $0x108  }
0x21: {  	s3 =	sadd.s32 s3, s9;
	s6 =	sadd.s32 @!p0 $0x88, s6;
	s7 =	simm.s32 @p2 $0x1082  }
0x22: {  	[simem:s7], [sflag:s8] =	dma.local @!p0 [hbm:s6], $0xF7A  }
0x23: {  	s9 =	sor.u32 $0xD0000000, s2;
	s6 =	simm.s32 $0x108;
	_ =	swait.ge @!p0 [sflag:s8], $0x0  }
0x24: {  	s3 =	sadd.s32 $0x88, s3;
	s6 =	simm.s32 @!p1 $0x1082;
	[sflag:s4] =	ssyncset.s32 $0xFFFFF086  }
0x25: {  	[simem:s6], [sflag:s4] =	dma.local [hbm:s3], $0xF7A  }
0x26: {  	[smem:$0x3F76] =	sst s1;
	(tag) =	ssettag s2;
	_ =	strace s9  }
0x27: {  	s1 =	sld [smem:$0x3F86]  }
0x28: {  	s2 =	sld [smem:$0x3F87]  }
0x29: {  	s4 =	sld [smem:$0x3F89]  }
0x2a: {  	p0 =	seq.s32 s5, $0x0;
	s5 =	sld [smem:$0x3F8A]  }
0x2b: {  	s6 =	sld [smem:$0x3F8B]  }
0x2c: {  	s7 =	sld [smem:$0x3F8C]  }
0x2d: {  	s3 =	simm.s32 $0x108;
	s8 =	sld [smem:$0x3F8D]  }
0x2e: {  	s3 =	simm.s32 @!p0 $0x1082;
	s9 =	sld [smem:$0x3F8E]  }
0x2f: {  	lr =	sadd.s32 s0, s3;
	s0 =	sld [smem:$0x3F85]  }
0x30: {  	s3 =	sld [smem:$0x3F88]  }
0x31: {  	[smem:$0x3F91] =	sst s10  }
0x32: {  	s10 =	sld [smem:$0x3F8F];
	_ =	sdelay $0x3  }
0x33: {  	p0 =	seq.s32 s10, $0x1;
	s10 =	sld [smem:$0x3F91];
	_ =	sdelay $0x3  }
0x34: {  	[smem:$0x3F91] =	sst s10  }
0x35: {  	s10 =	sld [smem:$0x3F90];
	_ =	sdelay $0x3  }
0x36: {  	p1 =	seq.s32 s10, $0x1;
	s10 =	sld [smem:$0x3F91];
	_ =	sdelay $0x3  }
0x37: {  	[smem:$0x3F91] =	sst s10  }
0x38: {  	s10 =	sld [smem:$0x3F92]  }
0x39: {  	_ = 	snop;
	(pc) =	sbr.ind lr, $3  }
0x3a: {  	_ = 	snop  }
0x3b: {  	_ = 	snop  }
0x3c: {  	p2 =	seq.s32 s10, $0x1;
	s10 =	sld [smem:$0x3F91]  }
0x3d: {  	_ =	shalt  }
0x3e: {  	_ =	shalt  }
0x3f: {  	_ =	shalt  }
0x40: {  	_ =	shalt  }
0x41: {  	_ =	shalt  }
0x42: {  	_ =	shalt  }
0x43: {  	_ =	shalt  }
0x44: {  	_ =	shalt  }
0x45: {  	_ =	shalt  }
0x46: {  	_ =	shalt  }
0x47: {  	_ =	shalt  }
0x48: {  	_ =	shalt  }
0x49: {  	_ =	shalt  }
0x4a: {  	_ =	shalt  }
0x4b: {  	_ =	shalt  }
0x4c: {  	_ =	shalt  }
0x4d: {  	_ =	shalt  }
0x4e: {  	_ =	shalt  }
0x4f: {  	_ =	shalt  }
0x50: {  	_ =	shalt  }
0x51: {  	_ =	shalt  }
0x52: {  	_ =	shalt  }
0x53: {  	_ =	shalt  }
0x54: {  	_ =	shalt  }
0x55: {  	_ =	shalt  }
0x56: {  	_ =	shalt  }
0x57: {  	_ =	shalt  }
0x58: {  	_ =	shalt  }
0x59: {  	_ =	shalt  }
0x5a: {  	_ =	shalt  }
0x5b: {  	_ =	shalt  }
0x5c: {  	_ =	shalt  }
0x5d: {  	_ =	shalt  }
0x5e: {  	_ =	shalt  }
0x5f: {  	_ =	shalt  }
0x60: {  	_ =	shalt  }
0x61: {  	_ =	shalt  }
0x62: {  	_ =	shalt  }
0x63: {  	_ =	shalt  }
0x64: {  	_ =	shalt  }
0x65: {  	_ =	shalt  }
0x66: {  	_ =	shalt  }
0x67: {  	_ =	shalt  }
0x68: {  	_ =	shalt  }
0x69: {  	_ =	shalt  }
0x6a: {  	_ =	shalt  }
0x6b: {  	_ =	shalt  }
0x6c: {  	_ =	shalt  }
0x6d: {  	_ =	shalt  }
0x6e: {  	_ =	shalt  }
0x6f: {  	_ =	shalt  }
0x70: {  	_ =	shalt  }
0x71: {  	_ =	shalt  }
0x72: {  	_ =	shalt  }
0x73: {  	_ =	shalt  }
0x74: {  	_ =	shalt  }
0x75: {  	_ =	shalt  }
0x76: {  	_ =	shalt  }
0x77: {  	_ =	shalt  }
0x78: {  	_ =	shalt  }
0x79: {  	_ =	shalt  }
0x7a: {  	_ =	shalt  }
0x7b: {  	_ =	shalt  }
0x7c: {  	_ =	shalt  }
0x7d: {  	_ =	shalt  }
0x7e: {  	_ =	shalt  }
0x7f: {  	_ =	shalt  }
0x80: {  	_ =	shalt  }
0x81: {  	_ =	shalt  }
0x82: {  	_ =	shalt  }
0x83: {  	_ =	shalt  }
0x84: {  	_ =	shalt  }
0x85: {  	_ =	shalt  }
0x86: {  	_ =	shalt  }
0x87: {  	_ =	shalt  }
.Lfunc_end0:
.L_simem_size_0:
called_computation.3_lowered:
.L_overlay_start_0:
0x88: {  	s2 =	sld [smem:$0x3FD9]  }
0x89: {  	s3 =	sld [smem:$0x3FFE];
	_ =	sdelay $0x1  }
0x8a: {  	s1 =	srdreg.scid  }
0x8b: {  	s0 =	sand.u32 $0x1, s1  }
0x8c: {  	s16 =	sshll.u32 s0, $0xA;
	s2 =	sadd.s32 s3, s2  }
0x8d: {  	s2 =	sadd.s32 s2, s16  }
0x8e: {  	[smem:$0x3F9D] =	sst s2  }
0x8f: {  	_ = 	snop  }
0x90: {  	(tm) =	ssettm $0x1  }
0x91: {  	s17 =	sld [smem:$0x3FFB];
	_ =	sdelay $0x3  }
0x92: {  	_ =	strace s17  }
0x93: {  	s2 =	sld [smem:$0x3FFC];
	_ =	sdelay $0x3  }
0x94: {  	_ =	strace s2  }
0x95: {  	s2 =	sld [smem:$0x3FFD];
	_ =	sdelay $0x3  }
0x96: {  	_ =	strace s2  }
0x97: {  	_ =	strace $0x8FFFFFFF  }
0x98: {  	s18 =	sld [smem:$0x3FDB];
	_ =	sdelay $0x1  }
0x99: {  	s19 =	simm.s32 $_scs_section_size  }
0x9a: {  	s4 =	simm.s32 $_size__tile_overlayer_lowered;
	s5 =	simm.s32 $_tile_overlayer_lowered  }
0x9b: {  	s22 =	simm.s32 $0x1BFF;
	s21 =	sshll.u32 s5, $0x1;
	s2 =	sadd.s32 s19, s18  }
0x9c: {  	s6 =	simm.s32 $0x0;
	s20 =	sshll.u32 s4, $0x1;
	s4 =	sadd.s32 s21, s2  }
0x9d: {  	[timem:s6], [sflag:s22] =	dma.local [hbm:s4], s20  }
0x9e: {  	_ =	swait.ge [sflag:s22], s20  }
0x9f: {  	s3 =	ssub.s32 $0x0, s20;
	[sflag:s22] =	ssyncset.done $0x0  }
0xa0: {  	[sflag:s22] =	ssyncadd.s32 s3;
	_ =	sdelay $0x1  }
0xa1: {  	s23 =	simm.s32 $0x1B8B  }
0xa2: {  	_ =	swait.ge [sflag:s23], $0x1  }
0xa3: {  	[sflag:s23] =	ssyncset.done $0x0  }
0xa4: {  	s25 =	simm.s32 $0x1B8E;
	s24 =	sld [smem:$0x3FFE];
	[sflag:s23] =	ssyncadd.s32 $0xFFFFFFFF  }
0xa5: {  	s26 =	simm.s32 $execute0_lowered;
	[smem:$0x3FD2] =	sst s25  }
0xa6: {  	s4 =	sshll.u32 s26, $0x1;
	_ =	strace $0x8000004F;
	[dreg:$0x1] =	wrdreg $0xFFFFFFFF  }
0xa7: {  	s28 =	simm.s32 $_size_execute0_lowered;
	s2 =	sadd.s32 s2, s4;
	[dreg:$0x0] =	wrdreg $0x0  }
0xa8: {  	s4 =	sshll.u32 s28, $0x1;
	[dreg:$0x2] =	wrdreg s2  }
0xa9: {  	[dreg:$0x3] =	wrdreg s4  }
0xaa: {  	[dreg:$0x4] =	wrdreg $0xC0  }
0xab: {  	_ =	task [dreg:s6], $0x5FFFF  }
0xac: {  	[dreg:$0x1] =	wrdreg $0xFFFFFFFF  }
0xad: {  	[dreg:$0x0] =	wrdreg $0x60  }
0xae: {  	[dreg:$0x2] =	wrdreg s24  }
0xaf: {  	[dreg:$0x3] =	wrdreg $0x9  }
0xb0: {  	_ =	task.clear_ibuf [dreg:s6], $0x4FFFF;
	_ =	strace $0x9000004F  }
0xb1: {  	s29 =	simm.s32 $0x9;
	_ =	strace $0x80000051  }
0xb2: {  	_ =	swait.ge [sflag:s29], $0x1  }
0xb3: {  	[sflag:s29] =	ssyncadd.s32 $0xFFFFFFFF  }
0xb4: {  	_ =	strace $0x90000051  }
0xb5: {  	_ =	sfence  }
0xb6: {  	s30 =	sld [smem:$0x0];
	_ =	sdelay $0x2  }
0xb7: {  	s31 =	sshll.u32 s1, $0xD;
	s1 =	sshrl.u32 s1, $0x2  }
0xb8: {  	s3 =	sand.u32 $0x4000, s31;
	s1 =	sadd.s32 s1, s30  }
0xb9: {  	s0 =	sor.u32 s3, s0;
	s1 =	sshll.u32 s1, $0x11  }
0xba: {  	s0 =	sor.u32 s1, s0  }
0xbb: {  	s0 =	sadd.s32 $0x8F2B, s0  }
0xbc: {  	[sflag:s0] =	ssyncadd.remote.s32 $0x1  }
0xbd: {  	_ =	sfence.sel $0xFFFF  }
0xbe: {  	[dreg:$0x0] =	wrdreg $0xFFFFFFFF;
	(pc) =	sbr.abs _section_cstart, $3  }
0xbf: {  	[dreg:$0x1] =	wrdreg $0xFFFFFFFF  }
0xc0: {  	_ =	task.clear_ibuf [dreg:s6], $0x2FFFF;
	_ =	strace $0x9FFFFFFF  }
0xc1: {  	(tm) =	ssettm $0x7FFFFFFF  }
tec
execute0_lowered:
.L_overlay_start_1:
0x0: {  	(tag) =	ssettag $0x1  }
0x1: {  	s1 =	srdreg.scid  }
0x2: {  	s0 =	stileid.u32;
	s5 =	rddreg [dreg:$0x0]  }
0x3: {  	s2 =	simm.s32 $0x0;
	s11 =	simm.s32 $0x50;
	s12 =	simm.s32 $0x400  }
0x4: {  	s13 =	simm.s32 $0x2C00;
	s15 =	simm.s32 $0x250;
	s14 =	simm.s32 $0x5400  }
0x5: {  	s16 =	simm.s32 $0xA0;
	s17 =	simm.s32 $0x2A0;
	s18 =	simm.s32 $0xF0  }
0x6: {  	s19 =	simm.s32 $0x2F0;
	s20 =	simm.s32 $0x140;
	s21 =	simm.s32 $0x340  }
0x7: {  	s22 =	simm.s32 $0x3;
	s6 =	sand.u32 $0x1, s1;
	s1 =	rddreg [dreg:$0x1]  }
0x8: {  	s23 =	simm.s32 $0x4;
	s24 =	simm.s32 $0x0;
	[smem:$0x7FF] =	sst s2  }
0x9: {  	s7 =	smul.u32 $0x4E20, s0;
	_ =	strace $0x80000050;
	[dreg:$0x4] =	wrdreg s15  }
0xa: {  	s9 =	smul.u32 $0x4E200, s0;
	s3 =	sadd.s32 $0x2C200, s5;
	[dreg:$0x5] =	wrdreg s16  }
0xb: {  	s4 =	sadd.s32 $0x5000, s5;
	s8 =	smul.u32 $0x2710, s6;
	[dreg:$0x6] =	wrdreg s17  }
0xc: {  	s10 =	smul.u32 $0x27100, s6;
	s6 =	ssub.s32 $0x2, s6;
	[dreg:$0x7] =	wrdreg s18  }
0xd: {  	s15 =	simm.s32 $0x7C00;
	s16 =	simm.s32 $0xA400;
	[dreg:$0x8] =	wrdreg s19  }
0xe: {  	s17 =	simm.s32 $0xCC00;
	s18 =	simm.s32 $0xF400;
	[dreg:$0x9] =	wrdreg s20  }
0xf: {  	s19 =	simm.s32 $0x11C00;
	s20 =	simm.s32 $0x14400;
	[dreg:$0xa] =	wrdreg s21  }
0x10: {  	s21 =	simm.s32 $0x16C00;
	s9 =	sadd.s32 s9, s5;
	s31 =	sshrl.u32 s6, $0x1  }
0x11: {  	s7 =	sadd.s32 s8, s7;
	s30 =	sadd.s32 s10, s9;
	s6 =	ssub.s32 s6, s31  }
0x12: {  	s9 =	simm.s32 $0x1;
	s7 =	sshrl.u32 s7, $0x3;
	s10 =	sadd.s32 $0xF0800, s30  }
0x13: {  	s8 =	sadd.s32 $0x5D2800, s30;
	[dreg:$0x2] =	wrdreg s10;
	s7 =	sadd.s32 s7, s5  }
0x14: {  	s5 =	smax.u32 s6, $0x1;
	[dreg:$0x3] =	wrdreg s8;
	s8 =	simm.s32 $0x200  }
0x15: {  	s10 =	simm.s32 $0x2;
	s6 =	sadd.s32 $0xDCC00, s7;
	s7 =	sadd.s32 $0xE6A00, s7  }
.LBB2_1:
0x16: {  	[tilespmem:s2], [sflag:$0x1] =	stream.linear.gather [hbm4b:s7+s2], $0x190, $0x38;
	[tilespmem:$0x19400] =	vst v63  }
0x17: {  	_ = 	snop  }
0x18: {  	[tilespmem:s8], [sflag:$0x2] =	stream.linear.gather [hbm4b:s6+s2], $0x190, $0x38;
	[tilespmem:$0x19400] =	vst v63  }
0x19: {  	_ =	swait.ge [sflag:s9], $0x190  }
0x1a: {  	[sflag:s9] =	ssyncset.done $0x0  }
0x1b: {  	[sflag:s9] =	ssyncadd.s32 $0xFFFFFE70  }
0x1c: {  	_ =	swait.ge [sflag:s10], $0x190  }
0x1d: {  	[sflag:s10] =	ssyncset.done $0x0  }
0x1e: {  	[sflag:s10] =	ssyncadd.s32 $0xFFFFFE70  }
0x1f: {  	[tilespmem:s12], [sflag:$0x3] =	stream.indirect.gather [hbm4b:s3+s11], $0x80, s2, s11, $0xb8;
	[tilespmem:$0x19400] =	vst v63  }
0x20: {  	_ = 	snop  }
0x21: {  	[tilespmem:s13], [sflag:$0x3] =	stream.indirect.gather [hbm4b:s4+s11], $0x80, s8, s11, $0xb8;
	[tilespmem:$0x19400] =	vst v63  }
0x22: {  	_ = 	snop  }
0x23: {  	[tilespmem:s14], [sflag:$0x3] =	stream.indirect.gather [hbm4b:s3+s11], $0x80, s11, s11, $0xb8;
	[tilespmem:$0x19400] =	vst v63  }
0x24: {  	s25 =	rddreg [dreg:$0x4]  }
0x25: {  	[tilespmem:s15], [sflag:$0x3] =	stream.indirect.gather [hbm4b:s4+s11], $0x80, s25, s11, $0xb8;
	[tilespmem:$0x19400] =	vst v63  }
0x26: {  	s26 =	rddreg [dreg:$0x5]  }
0x27: {  	[tilespmem:s16], [sflag:$0x3] =	stream.indirect.gather [hbm4b:s3+s11], $0x80, s26, s11, $0xb8;
	[tilespmem:$0x19400] =	vst v63  }
0x28: {  	s30 =	rddreg [dreg:$0x6]  }
0x29: {  	[tilespmem:s17], [sflag:$0x3] =	stream.indirect.gather [hbm4b:s4+s11], $0x80, s30, s11, $0xb8;
	[tilespmem:$0x19400] =	vst v63  }
0x2a: {  	s31 =	rddreg [dreg:$0x7]  }
0x2b: {  	[tilespmem:s18], [sflag:$0x3] =	stream.indirect.gather [hbm4b:s3+s11], $0x80, s31, s11, $0xb8;
	[tilespmem:$0x19400] =	vst v63  }
0x2c: {  	s29 =	rddreg [dreg:$0x8]  }
0x2d: {  	[tilespmem:s19], [sflag:$0x3] =	stream.indirect.gather [hbm4b:s4+s11], $0x80, s29, s11, $0xb8;
	[tilespmem:$0x19400] =	vst v63  }
0x2e: {  	s30 =	rddreg [dreg:$0x9]  }
0x2f: {  	[tilespmem:s20], [sflag:$0x3] =	stream.indirect.gather [hbm4b:s3+s11], $0x80, s30, s11, $0xb8;
	[tilespmem:$0x19400] =	vst v63  }
0x30: {  	s31 =	rddreg [dreg:$0xa]  }
0x31: {  	[tilespmem:s21], [sflag:$0x3] =	stream.indirect.gather [hbm4b:s4+s11], $0x80, s31, s11, $0xb8;
	[tilespmem:$0x19400] =	vst v63  }
0x32: {  	_ =	swait.ge [sflag:s22], $0x2800  }
0x33: {  	s29 =	rddreg [dreg:$0x2];
	[sflag:s22] =	ssyncset.done $0x0  }
0x34: {  	[sflag:s22] =	ssyncadd.s32 $0xFFFFD800;
	s25 =	sadd.s32 $0x0, s29  }
0x35: {  	[hbm4b:s25+s2] =	stream.linear.scatter [tilespmem:s12], [sflag:$0x4], $0x2800, $0x38;
	[tilespmem:$0x19400] =	vst v63  }
0x36: {  	_ =	swait.ge [sflag:s22], $0x2800  }
0x37: {  	s30 =	rddreg [dreg:$0x3];
	[sflag:s22] =	ssyncset.done $0x0  }
0x38: {  	[sflag:s22] =	ssyncadd.s32 $0xFFFFD800;
	s26 =	sadd.s32 $0x0, s30  }
0x39: {  	[hbm4b:s26+s2] =	stream.linear.scatter [tilespmem:s13], [sflag:$0x4], $0x2800, $0x38;
	[tilespmem:$0x19400] =	vst v63  }
0x3a: {  	_ =	swait.ge [sflag:s22], $0x2800  }
0x3b: {  	[sflag:s22] =	ssyncset.done $0x0  }
0x3c: {  	s28 =	sadd.s32 $0x500, s25;
	[sflag:s22] =	ssyncadd.s32 $0xFFFFD800  }
0x3d: {  	[hbm4b:s28+s2] =	stream.linear.scatter [tilespmem:s14], [sflag:$0x4], $0x2800, $0x38;
	[tilespmem:$0x19400] =	vst v63  }
0x3e: {  	_ =	swait.ge [sflag:s22], $0x2800  }
0x3f: {  	[sflag:s22] =	ssyncset.done $0x0  }
0x40: {  	s28 =	sadd.s32 $0x500, s26;
	[sflag:s22] =	ssyncadd.s32 $0xFFFFD800  }
0x41: {  	[hbm4b:s28+s2] =	stream.linear.scatter [tilespmem:s15], [sflag:$0x4], $0x2800, $0x38;
	[tilespmem:$0x19400] =	vst v63  }
0x42: {  	_ =	swait.ge [sflag:s22], $0x2800  }
0x43: {  	[sflag:s22] =	ssyncset.done $0x0  }
0x44: {  	s28 =	sadd.s32 $0xA00, s25;
	[sflag:s22] =	ssyncadd.s32 $0xFFFFD800  }
0x45: {  	[hbm4b:s28+s2] =	stream.linear.scatter [tilespmem:s16], [sflag:$0x4], $0x2800, $0x38;
	[tilespmem:$0x19400] =	vst v63  }
0x46: {  	_ =	swait.ge [sflag:s22], $0x2800  }
0x47: {  	[sflag:s22] =	ssyncset.done $0x0  }
0x48: {  	s28 =	sadd.s32 $0xA00, s26;
	[sflag:s22] =	ssyncadd.s32 $0xFFFFD800  }
0x49: {  	[hbm4b:s28+s2] =	stream.linear.scatter [tilespmem:s17], [sflag:$0x4], $0x2800, $0x38;
	[tilespmem:$0x19400] =	vst v63  }
0x4a: {  	_ =	swait.ge [sflag:s22], $0x2800  }
0x4b: {  	[sflag:s22] =	ssyncset.done $0x0  }
0x4c: {  	s28 =	sadd.s32 $0xF00, s25;
	[sflag:s22] =	ssyncadd.s32 $0xFFFFD800  }
0x4d: {  	[hbm4b:s28+s2] =	stream.linear.scatter [tilespmem:s18], [sflag:$0x4], $0x2800, $0x38;
	[tilespmem:$0x19400] =	vst v63  }
0x4e: {  	_ =	swait.ge [sflag:s22], $0x2800  }
0x4f: {  	[sflag:s22] =	ssyncset.done $0x0  }
0x50: {  	s28 =	sadd.s32 $0xF00, s26;
	[sflag:s22] =	ssyncadd.s32 $0xFFFFD800  }
0x51: {  	[hbm4b:s28+s2] =	stream.linear.scatter [tilespmem:s19], [sflag:$0x4], $0x2800, $0x38;
	[tilespmem:$0x19400] =	vst v63  }
0x52: {  	_ =	swait.ge [sflag:s22], $0x2800  }
0x53: {  	[sflag:s22] =	ssyncset.done $0x0  }
0x54: {  	s25 =	sadd.s32 $0x1400, s25;
	[sflag:s22] =	ssyncadd.s32 $0xFFFFD800  }
0x55: {  	[hbm4b:s25+s2] =	stream.linear.scatter [tilespmem:s20], [sflag:$0x4], $0x2800, $0x38;
	[tilespmem:$0x19400] =	vst v63  }
0x56: {  	_ =	swait.ge [sflag:s22], $0x2800  }
0x57: {  	[sflag:s22] =	ssyncset.done $0x0  }
0x58: {  	s31 =	sadd.s32 $0x1400, s26;
	[sflag:s22] =	ssyncadd.s32 $0xFFFFD800  }
0x59: {  	[hbm4b:s31+s2] =	stream.linear.scatter [tilespmem:s21], [sflag:$0x4], $0x2800, $0x38;
	[tilespmem:$0x19400] =	vst v63  }
0x5a: {  	_ =	swait.ge [sflag:s23], $0x2800  }
0x5b: {  	[sflag:s23] =	ssyncset.done $0x0  }
0x5c: {  	[sflag:s23] =	ssyncadd.s32 $0xFFFFD800  }
0x5d: {  	_ =	swait.ge [sflag:s23], $0x2800  }
0x5e: {  	[sflag:s23] =	ssyncset.done $0x0  }
0x5f: {  	[sflag:s23] =	ssyncadd.s32 $0xFFFFD800  }
0x60: {  	_ =	swait.ge [sflag:s23], $0x2800  }
0x61: {  	[sflag:s23] =	ssyncset.done $0x0  }
0x62: {  	[sflag:s23] =	ssyncadd.s32 $0xFFFFD800  }
0x63: {  	_ =	swait.ge [sflag:s23], $0x2800  }
0x64: {  	[sflag:s23] =	ssyncset.done $0x0  }
0x65: {  	[sflag:s23] =	ssyncadd.s32 $0xFFFFD800  }
0x66: {  	_ =	swait.ge [sflag:s23], $0x2800  }
0x67: {  	[sflag:s23] =	ssyncset.done $0x0  }
0x68: {  	[sflag:s23] =	ssyncadd.s32 $0xFFFFD800  }
0x69: {  	_ =	swait.ge [sflag:s23], $0x2800  }
0x6a: {  	[sflag:s23] =	ssyncset.done $0x0  }
0x6b: {  	[sflag:s23] =	ssyncadd.s32 $0xFFFFD800  }
0x6c: {  	_ =	swait.ge [sflag:s23], $0x2800  }
0x6d: {  	[sflag:s23] =	ssyncset.done $0x0  }
0x6e: {  	[sflag:s23] =	ssyncadd.s32 $0xFFFFD800  }
0x6f: {  	_ =	swait.ge [sflag:s23], $0x2800  }
0x70: {  	[sflag:s23] =	ssyncset.done $0x0  }
0x71: {  	[sflag:s23] =	ssyncadd.s32 $0xFFFFD800  }
0x72: {  	_ =	swait.ge [sflag:s23], $0x2800  }
0x73: {  	[sflag:s23] =	ssyncset.done $0x0  }
0x74: {  	[sflag:s23] =	ssyncadd.s32 $0xFFFFD800  }
0x75: {  	s26 =	smov.u32 s6;
	_ =	swait.ge [sflag:s23], $0x2800  }
0x76: {  	s28 =	smov.u32 s7;
	s25 =	simm.s32 $0x1900;
	[sflag:s23] =	ssyncset.done $0x0  }
.LBB2_2:
0x77: {  	[sflag:s23] =	ssyncadd.s32 $0xFFFFD800;
	s28 =	sadd.s32 $0x32, s28  }
0x78: {  	[tilespmem:s2], [sflag:$0x1] =	stream.linear.gather [hbm4b:s28+s2], $0x190, $0x38;
	[tilespmem:$0x19400] =	vst v63  }
0x79: {  	s26 =	sadd.s32 $0x32, s26  }
0x7a: {  	[tilespmem:s8], [sflag:$0x2] =	stream.linear.gather [hbm4b:s26+s2], $0x190, $0x38;
	[tilespmem:$0x19400] =	vst v63  }
0x7b: {  	_ =	swait.ge [sflag:s9], $0x190  }
0x7c: {  	[sflag:s9] =	ssyncset.done $0x0  }
0x7d: {  	[sflag:s9] =	ssyncadd.s32 $0xFFFFFE70  }
0x7e: {  	_ =	swait.ge [sflag:s10], $0x190  }
0x7f: {  	[sflag:s10] =	ssyncset.done $0x0  }
0x80: {  	[sflag:s10] =	ssyncadd.s32 $0xFFFFFE70  }
0x81: {  	[tilespmem:s12], [sflag:$0x3] =	stream.indirect.gather [hbm4b:s3+s11], $0x80, s2, s11, $0xb8;
	[tilespmem:$0x19400] =	vst v63  }
0x82: {  	_ = 	snop  }
0x83: {  	[tilespmem:s13], [sflag:$0x3] =	stream.indirect.gather [hbm4b:s4+s11], $0x80, s8, s11, $0xb8;
	[tilespmem:$0x19400] =	vst v63  }
0x84: {  	_ = 	snop  }
0x85: {  	[tilespmem:s14], [sflag:$0x3] =	stream.indirect.gather [hbm4b:s3+s11], $0x80, s11, s11, $0xb8;
	[tilespmem:$0x19400] =	vst v63  }
0x86: {  	s29 =	rddreg [dreg:$0x4]  }
0x87: {  	[tilespmem:s15], [sflag:$0x3] =	stream.indirect.gather [hbm4b:s4+s11], $0x80, s29, s11, $0xb8;
	[tilespmem:$0x19400] =	vst v63  }
0x88: {  	s31 =	rddreg [dreg:$0x5]  }
0x89: {  	[tilespmem:s16], [sflag:$0x3] =	stream.indirect.gather [hbm4b:s3+s11], $0x80, s31, s11, $0xb8;
	[tilespmem:$0x19400] =	vst v63  }
0x8a: {  	s29 =	rddreg [dreg:$0x6]  }
0x8b: {  	[tilespmem:s17], [sflag:$0x3] =	stream.indirect.gather [hbm4b:s4+s11], $0x80, s29, s11, $0xb8;
	[tilespmem:$0x19400] =	vst v63  }
0x8c: {  	s31 =	rddreg [dreg:$0x7]  }
0x8d: {  	[tilespmem:s18], [sflag:$0x3] =	stream.indirect.gather [hbm4b:s3+s11], $0x80, s31, s11, $0xb8;
	[tilespmem:$0x19400] =	vst v63  }
0x8e: {  	s29 =	rddreg [dreg:$0x8]  }
0x8f: {  	[tilespmem:s19], [sflag:$0x3] =	stream.indirect.gather [hbm4b:s4+s11], $0x80, s29, s11, $0xb8;
	[tilespmem:$0x19400] =	vst v63  }
0x90: {  	s31 =	rddreg [dreg:$0x9]  }
0x91: {  	[tilespmem:s20], [sflag:$0x3] =	stream.indirect.gather [hbm4b:s3+s11], $0x80, s31, s11, $0xb8;
	[tilespmem:$0x19400] =	vst v63  }
0x92: {  	s29 =	rddreg [dreg:$0xa]  }
0x93: {  	[tilespmem:s21], [sflag:$0x3] =	stream.indirect.gather [hbm4b:s4+s11], $0x80, s29, s11, $0xb8;
	[tilespmem:$0x19400] =	vst v63  }
0x94: {  	_ =	swait.ge [sflag:s22], $0x2800  }
0x95: {  	s30 =	smov.u32 s25;
	s31 =	rddreg [dreg:$0x2];
	[sflag:s22] =	ssyncset.done $0x0  }
0x96: {  	[sflag:s22] =	ssyncadd.s32 $0xFFFFD800;
	s29 =	sadd.s32 s30, s31  }
0x97: {  	[hbm4b:s29+s2] =	stream.linear.scatter [tilespmem:s12], [sflag:$0x4], $0x2800, $0x38;
	[tilespmem:$0x19400] =	vst v63  }
0x98: {  	_ =	swait.ge [sflag:s22], $0x2800  }
0x99: {  	s31 =	rddreg [dreg:$0x3];
	[sflag:s22] =	ssyncset.done $0x0  }
0x9a: {  	[sflag:s22] =	ssyncadd.s32 $0xFFFFD800;
	s30 =	sadd.s32 s30, s31  }
0x9b: {  	[hbm4b:s30+s2] =	stream.linear.scatter [tilespmem:s13], [sflag:$0x4], $0x2800, $0x38;
	[tilespmem:$0x19400] =	vst v63  }
0x9c: {  	_ =	swait.ge [sflag:s22], $0x2800  }
0x9d: {  	[sflag:s22] =	ssyncset.done $0x0  }
0x9e: {  	s31 =	sadd.s32 $0x500, s29;
	[sflag:s22] =	ssyncadd.s32 $0xFFFFD800  }
0x9f: {  	[hbm4b:s31+s2] =	stream.linear.scatter [tilespmem:s14], [sflag:$0x4], $0x2800, $0x38;
	[tilespmem:$0x19400] =	vst v63  }
0xa0: {  	_ =	swait.ge [sflag:s22], $0x2800  }
0xa1: {  	[sflag:s22] =	ssyncset.done $0x0  }
0xa2: {  	s31 =	sadd.s32 $0x500, s30;
	[sflag:s22] =	ssyncadd.s32 $0xFFFFD800  }
0xa3: {  	[hbm4b:s31+s2] =	stream.linear.scatter [tilespmem:s15], [sflag:$0x4], $0x2800, $0x38;
	[tilespmem:$0x19400] =	vst v63  }
0xa4: {  	_ =	swait.ge [sflag:s22], $0x2800  }
0xa5: {  	[sflag:s22] =	ssyncset.done $0x0  }
0xa6: {  	s31 =	sadd.s32 $0xA00, s29;
	[sflag:s22] =	ssyncadd.s32 $0xFFFFD800  }
0xa7: {  	[hbm4b:s31+s2] =	stream.linear.scatter [tilespmem:s16], [sflag:$0x4], $0x2800, $0x38;
	[tilespmem:$0x19400] =	vst v63  }
0xa8: {  	_ =	swait.ge [sflag:s22], $0x2800  }
0xa9: {  	[sflag:s22] =	ssyncset.done $0x0  }
0xaa: {  	s31 =	sadd.s32 $0xA00, s30;
	[sflag:s22] =	ssyncadd.s32 $0xFFFFD800  }
0xab: {  	[hbm4b:s31+s2] =	stream.linear.scatter [tilespmem:s17], [sflag:$0x4], $0x2800, $0x38;
	[tilespmem:$0x19400] =	vst v63  }
0xac: {  	_ =	swait.ge [sflag:s22], $0x2800  }
0xad: {  	[sflag:s22] =	ssyncset.done $0x0  }
0xae: {  	s31 =	sadd.s32 $0xF00, s29;
	[sflag:s22] =	ssyncadd.s32 $0xFFFFD800  }
0xaf: {  	[hbm4b:s31+s2] =	stream.linear.scatter [tilespmem:s18], [sflag:$0x4], $0x2800, $0x38;
	[tilespmem:$0x19400] =	vst v63  }
0xb0: {  	_ =	swait.ge [sflag:s22], $0x2800  }
0xb1: {  	[sflag:s22] =	ssyncset.done $0x0  }
0xb2: {  	s31 =	sadd.s32 $0xF00, s30;
	[sflag:s22] =	ssyncadd.s32 $0xFFFFD800  }
0xb3: {  	[hbm4b:s31+s2] =	stream.linear.scatter [tilespmem:s19], [sflag:$0x4], $0x2800, $0x38;
	[tilespmem:$0x19400] =	vst v63  }
0xb4: {  	_ =	swait.ge [sflag:s22], $0x2800  }
0xb5: {  	[sflag:s22] =	ssyncset.done $0x0  }
0xb6: {  	s29 =	sadd.s32 $0x1400, s29;
	[sflag:s22] =	ssyncadd.s32 $0xFFFFD800  }
0xb7: {  	[hbm4b:s29+s2] =	stream.linear.scatter [tilespmem:s20], [sflag:$0x4], $0x2800, $0x38;
	[tilespmem:$0x19400] =	vst v63  }
0xb8: {  	_ =	swait.ge [sflag:s22], $0x2800  }
0xb9: {  	[sflag:s22] =	ssyncset.done $0x0  }
0xba: {  	s31 =	sadd.s32 $0x1400, s30;
	[sflag:s22] =	ssyncadd.s32 $0xFFFFD800  }
0xbb: {  	[hbm4b:s31+s2] =	stream.linear.scatter [tilespmem:s21], [sflag:$0x4], $0x2800, $0x38;
	[tilespmem:$0x19400] =	vst v63  }
0xbc: {  	_ =	swait.ge [sflag:s23], $0x2800  }
0xbd: {  	[sflag:s23] =	ssyncset.done $0x0  }
0xbe: {  	[sflag:s23] =	ssyncadd.s32 $0xFFFFD800  }
0xbf: {  	_ =	swait.ge [sflag:s23], $0x2800  }
0xc0: {  	[sflag:s23] =	ssyncset.done $0x0  }
0xc1: {  	[sflag:s23] =	ssyncadd.s32 $0xFFFFD800  }
0xc2: {  	_ =	swait.ge [sflag:s23], $0x2800  }
0xc3: {  	[sflag:s23] =	ssyncset.done $0x0  }
0xc4: {  	[sflag:s23] =	ssyncadd.s32 $0xFFFFD800  }
0xc5: {  	_ =	swait.ge [sflag:s23], $0x2800  }
0xc6: {  	[sflag:s23] =	ssyncset.done $0x0  }
0xc7: {  	[sflag:s23] =	ssyncadd.s32 $0xFFFFD800  }
0xc8: {  	_ =	swait.ge [sflag:s23], $0x2800  }
0xc9: {  	[sflag:s23] =	ssyncset.done $0x0  }
0xca: {  	[sflag:s23] =	ssyncadd.s32 $0xFFFFD800  }
0xcb: {  	_ =	swait.ge [sflag:s23], $0x2800  }
0xcc: {  	[sflag:s23] =	ssyncset.done $0x0  }
0xcd: {  	[sflag:s23] =	ssyncadd.s32 $0xFFFFD800  }
0xce: {  	_ =	swait.ge [sflag:s23], $0x2800  }
0xcf: {  	[sflag:s23] =	ssyncset.done $0x0  }
0xd0: {  	[sflag:s23] =	ssyncadd.s32 $0xFFFFD800  }
0xd1: {  	_ =	swait.ge [sflag:s23], $0x2800  }
0xd2: {  	[sflag:s23] =	ssyncset.done $0x0  }
0xd3: {  	p0 =	sne.s32 s25, $0x25800;
	[sflag:s23] =	ssyncadd.s32 $0xFFFFD800  }
.Ltmp0:
0xd4: {  	_ =	swait.ge [sflag:s23], $0x2800;
	(pc) =	sbr.rel @p0 .LBB2_2-.Ltmp0, $4  }
0xd5: {  	[sflag:s23] =	ssyncset.done $0x0  }
0xd6: {  	[sflag:s23] =	ssyncadd.s32 $0xFFFFD800  }
0xd7: {  	_ =	swait.ge [sflag:s23], $0x2800  }
0xd8: {  	s25 =	sadd.s32 $0x1900, s25;
	[sflag:s23] =	ssyncset.done $0x0  }
0xd9: {  	s24 =	sadd.s32 $0x1, s24  }
0xda: {  	p0 =	sne.s32 s24, s5  }
.Ltmp1:
0xdb: {  	_ = 	snop;
	(pc) =	sbr.rel @p0 .LBB2_1-.Ltmp1, $2  }
0xdc: {  	_ =	sdelay $0x2  }
0xdd: {  	[sflag:s23] =	ssyncadd.s32 $0xFFFFD800  }
0xde: {  	_ =	sfence.sel $0x180000  }
0xdf: {  	[bflag:$0x0] =	sbarrier.arrive $0xFFFF  }
0xe0: {  	p0 =	sne.s32 s0, $0x0;
	_ =	strace $0x90000050  }
0xe1: {  	s0 =	sadd.s32 @!p0 $0x100000, s1;
	[bflag:$0x2] =	sbarrier.arrive $0xFFFF  }
0xe2: {  	[sflag:s0] =	ssyncadd.tile.s32 @!p0 $0x1;
	_ =	shalt  }
.Lfunc_end2:
_tile_overlayer_lowered:
.L_overlay_start_2:
0xe3: {  	(tag) =	ssettag $0x2  }
0xe4: {  	s0 =	rddreg [dreg:$0x0];
	s2 =	stileid.u32  }
0xe5: {  	s1 =	rddreg [dreg:$0x1];
	p0 =	sne.s32 s2, $0x0  }
0xe6: {  	s3 =	rddreg [dreg:$0x2];
	[bflag:$0x3] =	sbarrier.arrive $0xFFFF;
	s2 =	simm.s32 @!p0 $0x1C05  }
0xe7: {  	[timem:s3], [sflag:s2] =	dma.local @!p0 [hbm:s0], s1  }
0xe8: {  	s0 =	simm.s32 @!p0 $0x5  }
0xe9: {  	_ =	swait.ge @!p0 [sflag:s0], s1  }
0xea: {  	s1 =	ssub.s32 @!p0 $0x0, s1;
	[sflag:s0] =	ssyncset.done @!p0 $0x0  }
0xeb: {  	[sflag:s0] =	ssyncadd.s32 @!p0 s1  }
0xec: {  	[bflag:$0x3] =	sbarrier.arrive $0xFFFF  }
0xed: {  	_ =	shalt  }

// kernel: kernel.21.cloned.1.call-start
scs
__scs_entry_jumppad:
0x0: {  	(pc) =	sbr.rel $0x88, $3  }
0x1: {  	(tag) =	ssettag $0x0;
	lr =	simm.s32 $0x1  }
0x2: {  	[smem:$0x3F76] =	sst lr;
	_ =	strace $0xD0000000  }
0x3: {  	_ = 	snop  }
0x4: {  	_ = 	snop  }
0x5: {  	_ = 	snop  }
0x6: {  	_ = 	snop  }
0x7: {  	_ = 	snop  }
__scs_overlays_trampoline_lowered:
0x8: {  	[smem:$0x3F85] =	sst s0  }
0x9: {  	[smem:$0x3F86] =	sst s1  }
0xa: {  	[smem:$0x3F87] =	sst s2  }
0xb: {  	[smem:$0x3F88] =	sst s3  }
0xc: {  	[smem:$0x3F89] =	sst s4  }
0xd: {  	[smem:$0x3F8A] =	sst s5  }
0xe: {  	[smem:$0x3F8B] =	sst s6  }
0xf: {  	[smem:$0x3F8C] =	sst s7  }
0x10: {  	[smem:$0x3F8D] =	sst s8  }
0x11: {  	[smem:$0x3F8E] =	sst s9;
	s0 =	simm.s32 @!p0 $0x0  }
0x12: {  	s1 =	sld [smem:$0x3F74];
	s0 =	simm.s32 @p0 $0x1  }
0x13: {  	[smem:$0x3F8F] =	sst s0;
	s0 =	simm.s32 @!p1 $0x0  }
0x14: {  	s2 =	sld [smem:$0x3F73];
	s0 =	simm.s32 @p1 $0x1  }
0x15: {  	[smem:$0x3F90] =	sst s0;
	s0 =	simm.s32 @!p2 $0x0  }
0x16: {  	s3 =	sld [smem:$0x3FDB];
	s0 =	simm.s32 @p2 $0x1  }
0x17: {  	s4 =	simm.s32 $0x1BF5;
	[smem:$0x3F92] =	sst s0  }
0x18: {  	s0 =	sld [smem:$0x3F75];
	_ =	swait.ge [sflag:s4], $0x0  }
0x19: {  	s7 =	sld [smem:$0x3F76]  }
0x1a: {  	s8 =	sadd.s32 $0xFFFFE003, lr  }
0x1b: {  	s9 =	sadd.s32 $0xFFFFFEF7, lr;
	s5 =	simm.s32 $0xFFFFFFFF;
	p2 =	slt.u32 s8, $0xFFFFF086  }
0x1c: {  	p1 =	slt.u32 s9, $0xF7A;
	s5 =	simm.s32 @!p2 $0x0  }
0x1d: {  	s5 =	simm.s32 @p1 $0x1;
	p0 =	seq.s32 s7, s2  }
0x1e: {  	s7 =	smul.u32 @!p0 $0xF7A, s2;
	p2 =	seq.s32 @!p0 s5, $0x0  }
0x1f: {  	s9 =	smul.u32 $0xF7A, s1;
	s8 =	simm.s32 @!p0 $0x1BF5;
	p2 =	por !p2, p0  }
0x20: {  	[sflag:s8] =	ssyncset.s32 @!p0 $0xFFFFF086;
	s6 =	sadd.s32 @!p0 s3, s7;
	s7 =	simm.s32 @!p0 $0x108  }
0x21: {  	s3 =	sadd.s32 s3, s9;
	s6 =	sadd.s32 @!p0 $0x88, s6;
	s7 =	simm.s32 @p2 $0x1082  }
0x22: {  	[simem:s7], [sflag:s8] =	dma.local @!p0 [hbm:s6], $0xF7A  }
0x23: {  	s9 =	sor.u32 $0xD0000000, s2;
	s6 =	simm.s32 $0x108;
	_ =	swait.ge @!p0 [sflag:s8], $0x0  }
0x24: {  	s3 =	sadd.s32 $0x88, s3;
	s6 =	simm.s32 @!p1 $0x1082;
	[sflag:s4] =	ssyncset.s32 $0xFFFFF086  }
0x25: {  	[simem:s6], [sflag:s4] =	dma.local [hbm:s3], $0xF7A  }
0x26: {  	[smem:$0x3F76] =	sst s1;
	(tag) =	ssettag s2;
	_ =	strace s9  }
0x27: {  	s1 =	sld [smem:$0x3F86]  }
0x28: {  	s2 =	sld [smem:$0x3F87]  }
0x29: {  	s4 =	sld [smem:$0x3F89]  }
0x2a: {  	p0 =	seq.s32 s5, $0x0;
	s5 =	sld [smem:$0x3F8A]  }
0x2b: {  	s6 =	sld [smem:$0x3F8B]  }
0x2c: {  	s7 =	sld [smem:$0x3F8C]  }
0x2d: {  	s3 =	simm.s32 $0x108;
	s8 =	sld [smem:$0x3F8D]  }
0x2e: {  	s3 =	simm.s32 @!p0 $0x1082;
	s9 =	sld [smem:$0x3F8E]  }
0x2f: {  	lr =	sadd.s32 s0, s3;
	s0 =	sld [smem:$0x3F85]  }
0x30: {  	s3 =	sld [smem:$0x3F88]  }
0x31: {  	[smem:$0x3F91] =	sst s10  }
0x32: {  	s10 =	sld [smem:$0x3F8F];
	_ =	sdelay $0x3  }
0x33: {  	p0 =	seq.s32 s10, $0x1;
	s10 =	sld [smem:$0x3F91];
	_ =	sdelay $0x3  }
0x34: {  	[smem:$0x3F91] =	sst s10  }
0x35: {  	s10 =	sld [smem:$0x3F90];
	_ =	sdelay $0x3  }
0x36: {  	p1 =	seq.s32 s10, $0x1;
	s10 =	sld [smem:$0x3F91];
	_ =	sdelay $0x3  }
0x37: {  	[smem:$0x3F91] =	sst s10  }
0x38: {  	s10 =	sld [smem:$0x3F92]  }
0x39: {  	_ = 	snop;
	(pc) =	sbr.ind lr, $3  }
0x3a: {  	_ = 	snop  }
0x3b: {  	_ = 	snop  }
0x3c: {  	p2 =	seq.s32 s10, $0x1;
	s10 =	sld [smem:$0x3F91]  }
0x3d: {  	_ =	shalt  }
0x3e: {  	_ =	shalt  }
0x3f: {  	_ =	shalt  }
0x40: {  	_ =	shalt  }
0x41: {  	_ =	shalt  }
0x42: {  	_ =	shalt  }
0x43: {  	_ =	shalt  }
0x44: {  	_ =	shalt  }
0x45: {  	_ =	shalt  }
0x46: {  	_ =	shalt  }
0x47: {  	_ =	shalt  }
0x48: {  	_ =	shalt  }
0x49: {  	_ =	shalt  }
0x4a: {  	_ =	shalt  }
0x4b: {  	_ =	shalt  }
0x4c: {  	_ =	shalt  }
0x4d: {  	_ =	shalt  }
0x4e: {  	_ =	shalt  }
0x4f: {  	_ =	shalt  }
0x50: {  	_ =	shalt  }
0x51: {  	_ =	shalt  }
0x52: {  	_ =	shalt  }
0x53: {  	_ =	shalt  }
0x54: {  	_ =	shalt  }
0x55: {  	_ =	shalt  }
0x56: {  	_ =	shalt  }
0x57: {  	_ =	shalt  }
0x58: {  	_ =	shalt  }
0x59: {  	_ =	shalt  }
0x5a: {  	_ =	shalt  }
0x5b: {  	_ =	shalt  }
0x5c: {  	_ =	shalt  }
0x5d: {  	_ =	shalt  }
0x5e: {  	_ =	shalt  }
0x5f: {  	_ =	shalt  }
0x60: {  	_ =	shalt  }
0x61: {  	_ =	shalt  }
0x62: {  	_ =	shalt  }
0x63: {  	_ =	shalt  }
0x64: {  	_ =	shalt  }
0x65: {  	_ =	shalt  }
0x66: {  	_ =	shalt  }
0x67: {  	_ =	shalt  }
0x68: {  	_ =	shalt  }
0x69: {  	_ =	shalt  }
0x6a: {  	_ =	shalt  }
0x6b: {  	_ =	shalt  }
0x6c: {  	_ =	shalt  }
0x6d: {  	_ =	shalt  }
0x6e: {  	_ =	shalt  }
0x6f: {  	_ =	shalt  }
0x70: {  	_ =	shalt  }
0x71: {  	_ =	shalt  }
0x72: {  	_ =	shalt  }
0x73: {  	_ =	shalt  }
0x74: {  	_ =	shalt  }
0x75: {  	_ =	shalt  }
0x76: {  	_ =	shalt  }
0x77: {  	_ =	shalt  }
0x78: {  	_ =	shalt  }
0x79: {  	_ =	shalt  }
0x7a: {  	_ =	shalt  }
0x7b: {  	_ =	shalt  }
0x7c: {  	_ =	shalt  }
0x7d: {  	_ =	shalt  }
0x7e: {  	_ =	shalt  }
0x7f: {  	_ =	shalt  }
0x80: {  	_ =	shalt  }
0x81: {  	_ =	shalt  }
0x82: {  	_ =	shalt  }
0x83: {  	_ =	shalt  }
0x84: {  	_ =	shalt  }
0x85: {  	_ =	shalt  }
0x86: {  	_ =	shalt  }
0x87: {  	_ =	shalt  }
.Lfunc_end0:
.L_simem_size_0:
called_computation.4_lowered:
.L_overlay_start_0:
0x88: {  	s2 =	sld [smem:$0x3FD9]  }
0x89: {  	s3 =	sld [smem:$0x3FFE];
	_ =	sdelay $0x1  }
0x8a: {  	s1 =	srdreg.scid  }
0x8b: {  	s0 =	sand.u32 $0x1, s1  }
0x8c: {  	s16 =	sshll.u32 s0, $0xA;
	s2 =	sadd.s32 s3, s2  }
0x8d: {  	s2 =	sadd.s32 s2, s16  }
0x8e: {  	[smem:$0x3F9D] =	sst s2  }
0x8f: {  	_ = 	snop  }
0x90: {  	(tm) =	ssettm $0x1  }
0x91: {  	s17 =	sld [smem:$0x3FFB];
	_ =	sdelay $0x3  }
0x92: {  	_ =	strace s17  }
0x93: {  	s2 =	sld [smem:$0x3FFC];
	_ =	sdelay $0x3  }
0x94: {  	_ =	strace s2  }
0x95: {  	s2 =	sld [smem:$0x3FFD];
	_ =	sdelay $0x3  }
0x96: {  	_ =	strace s2  }
0x97: {  	_ =	strace $0x8FFFFFFF  }
0x98: {  	s18 =	sld [smem:$0x3FDB];
	_ =	sdelay $0x1  }
0x99: {  	s19 =	simm.s32 $_scs_section_size  }
0x9a: {  	s4 =	simm.s32 $_size__tile_overlayer_lowered;
	s5 =	simm.s32 $_tile_overlayer_lowered  }
0x9b: {  	s22 =	simm.s32 $0x1BFF;
	s21 =	sshll.u32 s5, $0x1;
	s2 =	sadd.s32 s19, s18  }
0x9c: {  	s6 =	simm.s32 $0x0;
	s20 =	sshll.u32 s4, $0x1;
	s4 =	sadd.s32 s21, s2  }
0x9d: {  	[timem:s6], [sflag:s22] =	dma.local [hbm:s4], s20  }
0x9e: {  	_ =	swait.ge [sflag:s22], s20  }
0x9f: {  	s3 =	ssub.s32 $0x0, s20;
	[sflag:s22] =	ssyncset.done $0x0  }
0xa0: {  	[sflag:s22] =	ssyncadd.s32 s3;
	_ =	sdelay $0x1  }
0xa1: {  	s23 =	simm.s32 $0x1B8B  }
0xa2: {  	_ =	swait.ge [sflag:s23], $0x1  }
0xa3: {  	[sflag:s23] =	ssyncset.done $0x0  }
0xa4: {  	s25 =	simm.s32 $0x1B8E;
	s24 =	sld [smem:$0x3FFE];
	[sflag:s23] =	ssyncadd.s32 $0xFFFFFFFF  }
0xa5: {  	s26 =	simm.s32 $execute0_lowered;
	[smem:$0x3FD2] =	sst s25  }
0xa6: {  	s4 =	sshll.u32 s26, $0x1;
	_ =	strace $0x80000052;
	[dreg:$0x1] =	wrdreg $0xFFFFFFFF  }
0xa7: {  	s28 =	simm.s32 $_size_execute0_lowered;
	s2 =	sadd.s32 s2, s4;
	[dreg:$0x0] =	wrdreg $0x0  }
0xa8: {  	s4 =	sshll.u32 s28, $0x1;
	[dreg:$0x2] =	wrdreg s2  }
0xa9: {  	[dreg:$0x3] =	wrdreg s4  }
0xaa: {  	[dreg:$0x4] =	wrdreg $0xC0  }
0xab: {  	_ =	task [dreg:s6], $0x5FFFF  }
0xac: {  	[dreg:$0x1] =	wrdreg $0xFFFFFFFF  }
0xad: {  	[dreg:$0x0] =	wrdreg $0x60  }
0xae: {  	[dreg:$0x2] =	wrdreg s24  }
0xaf: {  	[dreg:$0x3] =	wrdreg $0x66800  }
0xb0: {  	[dreg:$0x4] =	wrdreg $0x9  }
0xb1: {  	_ =	task.clear_ibuf [dreg:s6], $0x5FFFF;
	_ =	strace $0x90000052  }
0xb2: {  	s29 =	simm.s32 $0x9;
	_ =	strace $0x80000054  }
0xb3: {  	_ =	swait.ge [sflag:s29], $0x1  }
0xb4: {  	[sflag:s29] =	ssyncadd.s32 $0xFFFFFFFF  }
0xb5: {  	_ =	strace $0x90000054  }
0xb6: {  	_ =	sfence  }
0xb7: {  	s30 =	sld [smem:$0x0];
	_ =	sdelay $0x2  }
0xb8: {  	s31 =	sshll.u32 s1, $0xD;
	s1 =	sshrl.u32 s1, $0x2  }
0xb9: {  	s3 =	sand.u32 $0x4000, s31;
	s1 =	sadd.s32 s1, s30  }
0xba: {  	s0 =	sor.u32 s3, s0;
	s1 =	sshll.u32 s1, $0x11  }
0xbb: {  	s0 =	sor.u32 s1, s0  }
0xbc: {  	s0 =	sadd.s32 $0x8F2B, s0  }
0xbd: {  	[sflag:s0] =	ssyncadd.remote.s32 $0x1  }
0xbe: {  	_ =	sfence.sel $0xFFFF  }
0xbf: {  	[dreg:$0x0] =	wrdreg $0xFFFFFFFF;
	(pc) =	sbr.abs _section_cstart, $3  }
0xc0: {  	[dreg:$0x1] =	wrdreg $0xFFFFFFFF  }
0xc1: {  	_ =	task.clear_ibuf [dreg:s6], $0x2FFFF;
	_ =	strace $0x9FFFFFFF  }
0xc2: {  	(tm) =	ssettm $0x7FFFFFFF  }
0xc3: {  	_ =	shalt  }
tec
execute0_lowered:
.L_overlay_start_1:
0x0: {  	(tag) =	ssettag $0x1  }
0x1: {  	s0 =	rddreg [dreg:$0x0]  }
0x2: {  	s2 =	rddreg [dreg:$0x1]  }
0x3: {  	s3 =	simm.s32 $0x0;
	s12 =	stileid.u32;
	s4 =	srdreg.scid  }
0x4: {  	s28 =	simm.s32 $0x28;
	s29 =	simm.s32 $0x3;
	s1 =	smul.u32 $0x4E200, s12  }
0x5: {  	s30 =	simm.s32 $0x0;
	[smem:$0x7FF] =	sst s3;
	s5 =	smul.u32 $0x4E000, s12  }
0x6: {  	s4 =	sand.u32 $0x1, s4;
	s6 =	sadd.s32 $0xE6A00, s0;
	s9 =	smul.u32 $0x2700, s12  }
0x7: {  	s7 =	sadd.s32 $0x8E800, s0;
	s13 =	sadd.s32 $0x124800, s2;
	s17 =	smul.u32 $0x4E20, s12  }
0x8: {  	p0 =	seq.s32 s12, $0xF;
	_ =	strace $0x80000053;
	s15 =	smul.u32 $0x27100, s4  }
0x9: {  	[dreg:$0x4] =	wrdreg s7;
	s8 =	ssub.s32 $0x2, s4;
	s11 =	smul.u32 $0x138800, s4  }
0xa: {  	s4 =	smul.u32 $0x2710, s4;
	s13 =	sshrl.u32 @p0 s13, $0x3;
	s1 =	sadd.s32 s1, s0  }
0xb: {  	s0 =	sadd.s32 $0x5000, s0;
	s10 =	sshrl.u32 s8, $0x1;
	s5 =	sshrl.u32 s5, $0x2  }
0xc: {  	s8 =	ssub.s32 s8, s10;
	s5 =	sadd.s32 s5, s2;
	s9 =	sadd.s32 s9, s15  }
0xd: {  	s16 =	sshrl.u32 s11, $0x3;
	s1 =	sadd.s32 s15, s1;
	s21 =	sadd.s32 s4, s17  }
0xe: {  	s17 =	simm.s32 $0x80;
	s10 =	sadd.s32 s0, s16;
	s0 =	sadd.s32 s0, s9  }
0xf: {  	s19 =	sadd.s32 $0xAB4800, s1;
	s20 =	smax.u32 s8, $0x1;
	s22 =	sshrl.u32 s21, $0x3  }
0x10: {  	s4 =	sadd.s32 $0xA0, s21;
	s23 =	sadd.s32 $0x78, s21;
	[dreg:$0x5] =	wrdreg s0  }
0x11: {  	s31 =	sadd.s32 $0x50, s21;
	s15 =	sshrl.u32 @!p0 s5, $0x3;
	[dreg:$0x7] =	wrdreg s20  }
0x12: {  	s16 =	simm.s32 $0x280;
	s18 =	sadd.s32 $0x24900, s10;
	[dreg:$0x3] =	wrdreg s19  }
0x13: {  	s1 =	sadd.s32 s22, s6;
	s24 =	sshrl.u32 s4, $0x3;
	s25 =	sshrl.u32 s23, $0x3  }
0x14: {  	s0 =	sadd.s32 $0x28, s21;
	s19 =	simm.s32 $0x100;
	s20 =	simm.s32 $0x2A80  }
0x15: {  	s21 =	simm.s32 $0x180;
	s22 =	simm.s32 $0x3E80;
	[dreg:$0x6] =	wrdreg s18  }
0x16: {  	s23 =	simm.s32 $0x200;
	[dreg:$0x8] =	wrdreg s1;
	s9 =	sadd.s32 s24, s6  }
0x17: {  	s26 =	sadd.s32 s25, s6;
	s1 =	sshrl.u32 s31, $0x3;
	s0 =	sshrl.u32 s0, $0x3  }
0x18: {  	s18 =	simm.s32 $0x1680;
	s24 =	simm.s32 $0x5280;
	s25 =	simm.s32 $0x1  }
0x19: {  	[dreg:$0x9] =	wrdreg s26;
	s11 =	sadd.s32 s1, s6;
	s1 =	sshll.u32 @!p0 s12, $0x6  }
0x1a: {  	s12 =	sadd.s32 s0, s6;
	s26 =	simm.s32 $0x2;
	s14 =	sor.u32 @!p0 $0x1C04, s1  }
.LBB2_1:
0x1b: {  	s0 =	simm.s32 @p0 $0x1FC4;
	s1 =	rddreg [dreg:$0x4]  }
0x1c: {  	[spmem:s13], [sflag:s0] =	dma.local @p0 [hbm:s1], $0x2800  }
0x1d: {  	s0 =	simm.s32 @p0 $0x4  }
0x1e: {  	_ =	swait.ge @p0 [sflag:s0], $0x2800  }
0x1f: {  	[sflag:s0] =	ssyncset.done @p0 $0x0  }
0x20: {  	[sflag:s0] =	ssyncadd.s32 @p0 $0xFFFFD800;
	s0 =	simm.s32 @!p0 $0x4  }
0x21: {  	[spmem:s15], [sflag:s14] =	dma.local @!p0 [hbm:s1], $0x2700  }
0x22: {  	_ =	swait.ge @!p0 [sflag:s0], $0x2700  }
0x23: {  	[sflag:s0] =	ssyncset.done @!p0 $0x0  }
0x24: {  	[sflag:s0] =	ssyncadd.s32 @!p0 $0xFFFFD900  }
0x25: {  	[bflag:$0x0] =	sbarrier.arrive $0xFFFF  }
0x26: {  	s4 =	rddreg [dreg:$0x3]  }
0x27: {  	s8 =	rddreg [dreg:$0x8]  }
0x28: {  	[tilespmem:s3], [sflag:$0x1] =	stream.linear.gather [hbm4b:s8+s3], $0x28, $0x38;
	[tilespmem:$0x19F00] =	vst v63  }
0x29: {  	s0 =	sadd.s32 $0x0, s4  }
0x2a: {  	[tilespmem:s16], [sflag:$0x2] =	stream.linear.gather [hbm4b:s0+s3], $0x1400, $0x38;
	[tilespmem:$0x19F00] =	vst v63  }
0x2b: {  	_ = 	snop  }
0x2c: {  	[tilespmem:s17], [sflag:$0x1] =	stream.linear.gather [hbm4b:s12+s3], $0x28, $0x38;
	[tilespmem:$0x19F00] =	vst v63  }
0x2d: {  	s5 =	sadd.s32 $0x280, s0  }
0x2e: {  	[tilespmem:s18], [sflag:$0x2] =	stream.linear.gather [hbm4b:s5+s3], $0x1400, $0x38;
	[tilespmem:$0x19F00] =	vst v63  }
0x2f: {  	_ = 	snop  }
0x30: {  	[tilespmem:s19], [sflag:$0x1] =	stream.linear.gather [hbm4b:s11+s3], $0x28, $0x38;
	[tilespmem:$0x19F00] =	vst v63  }
0x31: {  	s6 =	sadd.s32 $0x500, s0  }
0x32: {  	[tilespmem:s20], [sflag:$0x2] =	stream.linear.gather [hbm4b:s6+s3], $0x1400, $0x38;
	[tilespmem:$0x19F00] =	vst v63  }
0x33: {  	s10 =	rddreg [dreg:$0x9]  }
0x34: {  	[tilespmem:s21], [sflag:$0x1] =	stream.linear.gather [hbm4b:s10+s3], $0x28, $0x38;
	[tilespmem:$0x19F00] =	vst v63  }
0x35: {  	s7 =	sadd.s32 $0x780, s0  }
0x36: {  	[tilespmem:s22], [sflag:$0x2] =	stream.linear.gather [hbm4b:s7+s3], $0x1400, $0x38;
	[tilespmem:$0x19F00] =	vst v63  }
0x37: {  	_ = 	snop  }
0x38: {  	[tilespmem:s23], [sflag:$0x1] =	stream.linear.gather [hbm4b:s9+s3], $0x28, $0x38;
	[tilespmem:$0x19F00] =	vst v63  }
0x39: {  	s0 =	sadd.s32 $0xA00, s0  }
0x3a: {  	[tilespmem:s24], [sflag:$0x2] =	stream.linear.gather [hbm4b:s0+s3], $0x1400, $0x38;
	[tilespmem:$0x19F00] =	vst v63  }
0x3b: {  	_ =	swait.ge [sflag:s25], $0x28  }
0x3c: {  	[sflag:s25] =	ssyncset.done $0x0  }
0x3d: {  	[sflag:s25] =	ssyncadd.s32 $0xFFFFFFD8  }
0x3e: {  	_ =	swait.ge [sflag:s26], $0x1400  }
0x3f: {  	[sflag:s26] =	ssyncset.done $0x0  }
0x40: {  	[sflag:s26] =	ssyncadd.s32 $0xFFFFEC00  }
0x41: {  	[spmem:s2] =	stream.indirect.scatter.add.f32 [tilespmem:s16], [sflag:$0x3], $0x80, s3, s28, $0xb8;
	[tilespmem:$0x19F00] =	vst v63  }
0x42: {  	_ =	swait.ge [sflag:s25], $0x28  }
0x43: {  	[sflag:s25] =	ssyncset.done $0x0  }
0x44: {  	[sflag:s25] =	ssyncadd.s32 $0xFFFFFFD8  }
0x45: {  	_ =	swait.ge [sflag:s26], $0x1400  }
0x46: {  	[sflag:s26] =	ssyncset.done $0x0  }
0x47: {  	[sflag:s26] =	ssyncadd.s32 $0xFFFFEC00  }
0x48: {  	[spmem:s2] =	stream.indirect.scatter.add.f32 [tilespmem:s18], [sflag:$0x3], $0x80, s17, s28, $0xb8;
	[tilespmem:$0x19F00] =	vst v63  }
0x49: {  	_ =	swait.ge [sflag:s25], $0x28  }
0x4a: {  	[sflag:s25] =	ssyncset.done $0x0  }
0x4b: {  	[sflag:s25] =	ssyncadd.s32 $0xFFFFFFD8  }
0x4c: {  	_ =	swait.ge [sflag:s26], $0x1400  }
0x4d: {  	[sflag:s26] =	ssyncset.done $0x0  }
0x4e: {  	[sflag:s26] =	ssyncadd.s32 $0xFFFFEC00  }
0x4f: {  	[spmem:s2] =	stream.indirect.scatter.add.f32 [tilespmem:s20], [sflag:$0x3], $0x80, s19, s28, $0xb8;
	[tilespmem:$0x19F00] =	vst v63  }
0x50: {  	_ =	swait.ge [sflag:s25], $0x28  }
0x51: {  	[sflag:s25] =	ssyncset.done $0x0  }
0x52: {  	[sflag:s25] =	ssyncadd.s32 $0xFFFFFFD8  }
0x53: {  	_ =	swait.ge [sflag:s26], $0x1400  }
0x54: {  	[sflag:s26] =	ssyncset.done $0x0  }
0x55: {  	[sflag:s26] =	ssyncadd.s32 $0xFFFFEC00  }
0x56: {  	[spmem:s2] =	stream.indirect.scatter.add.f32 [tilespmem:s22], [sflag:$0x3], $0x80, s21, s28, $0xb8;
	[tilespmem:$0x19F00] =	vst v63  }
0x57: {  	_ =	swait.ge [sflag:s25], $0x28  }
0x58: {  	[sflag:s25] =	ssyncset.done $0x0  }
0x59: {  	[sflag:s25] =	ssyncadd.s32 $0xFFFFFFD8  }
0x5a: {  	_ =	swait.ge [sflag:s26], $0x1400  }
0x5b: {  	[sflag:s26] =	ssyncset.done $0x0  }
0x5c: {  	[sflag:s26] =	ssyncadd.s32 $0xFFFFEC00  }
0x5d: {  	[spmem:s2] =	stream.indirect.scatter.add.f32 [tilespmem:s24], [sflag:$0x3], $0x80, s23, s28, $0xb8;
	[tilespmem:$0x19F00] =	vst v63  }
0x5e: {  	_ =	swait.ge [sflag:s29], $0x1400  }
0x5f: {  	[sflag:s29] =	ssyncset.done $0x0  }
0x60: {  	[sflag:s29] =	ssyncadd.s32 $0xFFFFEC00  }
0x61: {  	_ =	swait.ge [sflag:s29], $0x1400  }
0x62: {  	[sflag:s29] =	ssyncset.done $0x0  }
0x63: {  	[sflag:s29] =	ssyncadd.s32 $0xFFFFEC00  }
0x64: {  	_ =	swait.ge [sflag:s29], $0x1400  }
0x65: {  	[sflag:s29] =	ssyncset.done $0x0  }
0x66: {  	[sflag:s29] =	ssyncadd.s32 $0xFFFFEC00  }
0x67: {  	_ =	swait.ge [sflag:s29], $0x1400  }
0x68: {  	s31 =	smov.u32 s9;
	[sflag:s29] =	ssyncset.done $0x0  }
0x69: {  	s1 =	sadd.s32 $0x19, s10;
	s5 =	sadd.s32 $0x19, s12;
	[sflag:s29] =	ssyncadd.s32 $0xFFFFEC00  }
0x6a: {  	s6 =	simm.s32 $0xC80;
	s7 =	simm.s32 $0x1900;
	_ =	swait.ge [sflag:s29], $0x1400  }
0x6b: {  	s0 =	sadd.s32 $0x19, s11;
	s4 =	rddreg [dreg:$0x3];
	[sflag:s29] =	ssyncset.done $0x0  }
.LBB2_2:
0x6c: {  	[sflag:s29] =	ssyncadd.s32 $0xFFFFEC00;
	s8 =	sadd.s32 $0x19, s8  }
0x6d: {  	[tilespmem:s3], [sflag:$0x1] =	stream.linear.gather [hbm4b:s8+s3], $0x28, $0x38;
	[tilespmem:$0x19F00] =	vst v63  }
0x6e: {  	s4 =	sadd.s32 s6, s4  }
0x6f: {  	[tilespmem:s16], [sflag:$0x2] =	stream.linear.gather [hbm4b:s4+s3], $0x1400, $0x38;
	[tilespmem:$0x19F00] =	vst v63  }
0x70: {  	s10 =	smov.u32 s7  }
0x71: {  	[tilespmem:s17], [sflag:$0x1] =	stream.linear.gather [hbm4b:s5+s3], $0x28, $0x38;
	[tilespmem:$0x19F00] =	vst v63  }
0x72: {  	s6 =	smov.u32 s10;
	s10 =	sadd.s32 $0x280, s4  }
0x73: {  	[tilespmem:s18], [sflag:$0x2] =	stream.linear.gather [hbm4b:s10+s3], $0x1400, $0x38;
	[tilespmem:$0x19F00] =	vst v63  }
0x74: {  	_ = 	snop  }
0x75: {  	[tilespmem:s19], [sflag:$0x1] =	stream.linear.gather [hbm4b:s0+s3], $0x28, $0x38;
	[tilespmem:$0x19F00] =	vst v63  }
0x76: {  	s10 =	sadd.s32 $0x500, s4  }
0x77: {  	[tilespmem:s20], [sflag:$0x2] =	stream.linear.gather [hbm4b:s10+s3], $0x1400, $0x38;
	[tilespmem:$0x19F00] =	vst v63  }
0x78: {  	_ = 	snop  }
0x79: {  	[tilespmem:s21], [sflag:$0x1] =	stream.linear.gather [hbm4b:s1+s3], $0x28, $0x38;
	[tilespmem:$0x19F00] =	vst v63  }
0x7a: {  	s10 =	sadd.s32 $0x780, s4  }
0x7b: {  	[tilespmem:s22], [sflag:$0x2] =	stream.linear.gather [hbm4b:s10+s3], $0x1400, $0x38;
	[tilespmem:$0x19F00] =	vst v63  }
0x7c: {  	s31 =	sadd.s32 $0x19, s31  }
0x7d: {  	[tilespmem:s23], [sflag:$0x1] =	stream.linear.gather [hbm4b:s31+s3], $0x28, $0x38;
	[tilespmem:$0x19F00] =	vst v63  }
0x7e: {  	s4 =	sadd.s32 $0xA00, s4  }
0x7f: {  	[tilespmem:s24], [sflag:$0x2] =	stream.linear.gather [hbm4b:s4+s3], $0x1400, $0x38;
	[tilespmem:$0x19F00] =	vst v63  }
0x80: {  	_ =	swait.ge [sflag:s25], $0x28  }
0x81: {  	[sflag:s25] =	ssyncset.done $0x0  }
0x82: {  	[sflag:s25] =	ssyncadd.s32 $0xFFFFFFD8  }
0x83: {  	_ =	swait.ge [sflag:s26], $0x1400  }
0x84: {  	[sflag:s26] =	ssyncset.done $0x0  }
0x85: {  	[sflag:s26] =	ssyncadd.s32 $0xFFFFEC00  }
0x86: {  	[spmem:s2] =	stream.indirect.scatter.add.f32 [tilespmem:s16], [sflag:$0x3], $0x80, s3, s28, $0xb8;
	[tilespmem:$0x19F00] =	vst v63  }
0x87: {  	_ =	swait.ge [sflag:s25], $0x28  }
0x88: {  	[sflag:s25] =	ssyncset.done $0x0  }
0x89: {  	[sflag:s25] =	ssyncadd.s32 $0xFFFFFFD8  }
0x8a: {  	_ =	swait.ge [sflag:s26], $0x1400  }
0x8b: {  	[sflag:s26] =	ssyncset.done $0x0  }
0x8c: {  	[sflag:s26] =	ssyncadd.s32 $0xFFFFEC00  }
0x8d: {  	[spmem:s2] =	stream.indirect.scatter.add.f32 [tilespmem:s18], [sflag:$0x3], $0x80, s17, s28, $0xb8;
	[tilespmem:$0x19F00] =	vst v63  }
0x8e: {  	_ =	swait.ge [sflag:s25], $0x28  }
0x8f: {  	[sflag:s25] =	ssyncset.done $0x0  }
0x90: {  	[sflag:s25] =	ssyncadd.s32 $0xFFFFFFD8  }
0x91: {  	_ =	swait.ge [sflag:s26], $0x1400  }
0x92: {  	[sflag:s26] =	ssyncset.done $0x0  }
0x93: {  	[sflag:s26] =	ssyncadd.s32 $0xFFFFEC00  }
0x94: {  	[spmem:s2] =	stream.indirect.scatter.add.f32 [tilespmem:s20], [sflag:$0x3], $0x80, s19, s28, $0xb8;
	[tilespmem:$0x19F00] =	vst v63  }
0x95: {  	_ =	swait.ge [sflag:s25], $0x28  }
0x96: {  	[sflag:s25] =	ssyncset.done $0x0  }
0x97: {  	[sflag:s25] =	ssyncadd.s32 $0xFFFFFFD8  }
0x98: {  	_ =	swait.ge [sflag:s26], $0x1400  }
0x99: {  	[sflag:s26] =	ssyncset.done $0x0  }
0x9a: {  	[sflag:s26] =	ssyncadd.s32 $0xFFFFEC00  }
0x9b: {  	[spmem:s2] =	stream.indirect.scatter.add.f32 [tilespmem:s22], [sflag:$0x3], $0x80, s21, s28, $0xb8;
	[tilespmem:$0x19F00] =	vst v63  }
0x9c: {  	_ =	swait.ge [sflag:s25], $0x28  }
0x9d: {  	[sflag:s25] =	ssyncset.done $0x0  }
0x9e: {  	[sflag:s25] =	ssyncadd.s32 $0xFFFFFFD8  }
0x9f: {  	_ =	swait.ge [sflag:s26], $0x1400  }
0xa0: {  	[sflag:s26] =	ssyncset.done $0x0  }
0xa1: {  	[sflag:s26] =	ssyncadd.s32 $0xFFFFEC00  }
0xa2: {  	[spmem:s2] =	stream.indirect.scatter.add.f32 [tilespmem:s24], [sflag:$0x3], $0x80, s23, s28, $0xb8;
	[tilespmem:$0x19F00] =	vst v63  }
0xa3: {  	_ =	swait.ge [sflag:s29], $0x1400  }
0xa4: {  	[sflag:s29] =	ssyncset.done $0x0  }
0xa5: {  	[sflag:s29] =	ssyncadd.s32 $0xFFFFEC00  }
0xa6: {  	_ =	swait.ge [sflag:s29], $0x1400  }
0xa7: {  	[sflag:s29] =	ssyncset.done $0x0  }
0xa8: {  	[sflag:s29] =	ssyncadd.s32 $0xFFFFEC00  }
0xa9: {  	_ =	swait.ge [sflag:s29], $0x1400  }
0xaa: {  	[sflag:s29] =	ssyncset.done $0x0  }
0xab: {  	p1 =	sne.s32 s7, $0x26480;
	[sflag:s29] =	ssyncadd.s32 $0xFFFFEC00  }
.Ltmp0:
0xac: {  	_ =	swait.ge [sflag:s29], $0x1400;
	(pc) =	sbr.rel @p1 .LBB2_2-.Ltmp0, $4  }
0xad: {  	[sflag:s29] =	ssyncset.done $0x0  }
0xae: {  	s7 =	sadd.s32 $0xC80, s7;
	[sflag:s29] =	ssyncadd.s32 $0xFFFFEC00  }
0xaf: {  	s5 =	sadd.s32 $0x19, s5;
	s0 =	sadd.s32 $0x19, s0;
	_ =	swait.ge [sflag:s29], $0x1400  }
0xb0: {  	s1 =	sadd.s32 $0x19, s1;
	s4 =	rddreg [dreg:$0x3];
	[sflag:s29] =	ssyncset.done $0x0  }
0xb1: {  	[sflag:s29] =	ssyncadd.s32 $0xFFFFEC00;
	s7 =	sadd.s32 $0x19, s8  }
0xb2: {  	[tilespmem:s3], [sflag:$0x1] =	stream.linear.gather [hbm4b:s7+s3], $0x28, $0x38;
	[tilespmem:$0x19F00] =	vst v63  }
0xb3: {  	s4 =	sadd.s32 s6, s4  }
0xb4: {  	[tilespmem:s16], [sflag:$0x2] =	stream.linear.gather [hbm4b:s4+s3], $0x1400, $0x38;
	[tilespmem:$0x19F00] =	vst v63  }
0xb5: {  	_ = 	snop  }
0xb6: {  	[tilespmem:s17], [sflag:$0x1] =	stream.linear.gather [hbm4b:s5+s3], $0x28, $0x38;
	[tilespmem:$0x19F00] =	vst v63  }
0xb7: {  	s10 =	sadd.s32 $0x280, s4  }
0xb8: {  	[tilespmem:s18], [sflag:$0x2] =	stream.linear.gather [hbm4b:s10+s3], $0x1400, $0x38;
	[tilespmem:$0x19F00] =	vst v63  }
0xb9: {  	_ = 	snop  }
0xba: {  	[tilespmem:s19], [sflag:$0x1] =	stream.linear.gather [hbm4b:s0+s3], $0x28, $0x38;
	[tilespmem:$0x19F00] =	vst v63  }
0xbb: {  	s6 =	sadd.s32 $0x500, s4  }
0xbc: {  	[tilespmem:s20], [sflag:$0x2] =	stream.linear.gather [hbm4b:s6+s3], $0x1400, $0x38;
	[tilespmem:$0x19F00] =	vst v63  }
0xbd: {  	_ = 	snop  }
0xbe: {  	[tilespmem:s21], [sflag:$0x1] =	stream.linear.gather [hbm4b:s1+s3], $0x28, $0x38;
	[tilespmem:$0x19F00] =	vst v63  }
0xbf: {  	s7 =	sadd.s32 $0x780, s4  }
0xc0: {  	[tilespmem:s22], [sflag:$0x2] =	stream.linear.gather [hbm4b:s7+s3], $0x1400, $0x38;
	[tilespmem:$0x19F00] =	vst v63  }
0xc1: {  	s8 =	sadd.s32 $0x19, s31  }
0xc2: {  	[tilespmem:s23], [sflag:$0x1] =	stream.linear.gather [hbm4b:s8+s3], $0x28, $0x38;
	[tilespmem:$0x19F00] =	vst v63  }
0xc3: {  	s10 =	sadd.s32 $0xA00, s4  }
0xc4: {  	[tilespmem:s24], [sflag:$0x2] =	stream.linear.gather [hbm4b:s10+s3], $0x1400, $0x38;
	[tilespmem:$0x19F00] =	vst v63  }
0xc5: {  	_ =	swait.ge [sflag:s25], $0x28  }
0xc6: {  	[sflag:s25] =	ssyncset.done $0x0  }
0xc7: {  	[sflag:s25] =	ssyncadd.s32 $0xFFFFFFD8  }
0xc8: {  	_ =	swait.ge [sflag:s26], $0x1400  }
0xc9: {  	[sflag:s26] =	ssyncset.done $0x0  }
0xca: {  	[sflag:s26] =	ssyncadd.s32 $0xFFFFEC00  }
0xcb: {  	[spmem:s2] =	stream.indirect.scatter.add.f32 [tilespmem:s16], [sflag:$0x3], $0x80, s3, s28, $0xb8;
	[tilespmem:$0x19F00] =	vst v63  }
0xcc: {  	_ =	swait.ge [sflag:s25], $0x28  }
0xcd: {  	[sflag:s25] =	ssyncset.done $0x0  }
0xce: {  	[sflag:s25] =	ssyncadd.s32 $0xFFFFFFD8  }
0xcf: {  	_ =	swait.ge [sflag:s26], $0x1400  }
0xd0: {  	[sflag:s26] =	ssyncset.done $0x0  }
0xd1: {  	[sflag:s26] =	ssyncadd.s32 $0xFFFFEC00  }
0xd2: {  	[spmem:s2] =	stream.indirect.scatter.add.f32 [tilespmem:s18], [sflag:$0x3], $0x80, s17, s28, $0xb8;
	[tilespmem:$0x19F00] =	vst v63  }
0xd3: {  	_ =	swait.ge [sflag:s25], $0x28  }
0xd4: {  	[sflag:s25] =	ssyncset.done $0x0  }
0xd5: {  	[sflag:s25] =	ssyncadd.s32 $0xFFFFFFD8  }
0xd6: {  	_ =	swait.ge [sflag:s26], $0x1400  }
0xd7: {  	[sflag:s26] =	ssyncset.done $0x0  }
0xd8: {  	[sflag:s26] =	ssyncadd.s32 $0xFFFFEC00  }
0xd9: {  	[spmem:s2] =	stream.indirect.scatter.add.f32 [tilespmem:s20], [sflag:$0x3], $0x80, s19, s28, $0xb8;
	[tilespmem:$0x19F00] =	vst v63  }
0xda: {  	_ =	swait.ge [sflag:s25], $0x28  }
0xdb: {  	[sflag:s25] =	ssyncset.done $0x0  }
0xdc: {  	[sflag:s25] =	ssyncadd.s32 $0xFFFFFFD8  }
0xdd: {  	_ =	swait.ge [sflag:s26], $0x1400  }
0xde: {  	[sflag:s26] =	ssyncset.done $0x0  }
0xdf: {  	[sflag:s26] =	ssyncadd.s32 $0xFFFFEC00  }
0xe0: {  	[spmem:s2] =	stream.indirect.scatter.add.f32 [tilespmem:s22], [sflag:$0x3], $0x80, s21, s28, $0xb8;
	[tilespmem:$0x19F00] =	vst v63  }
0xe1: {  	_ =	swait.ge [sflag:s25], $0x28  }
0xe2: {  	[sflag:s25] =	ssyncset.done $0x0  }
0xe3: {  	[sflag:s25] =	ssyncadd.s32 $0xFFFFFFD8  }
0xe4: {  	_ =	swait.ge [sflag:s26], $0x1400  }
0xe5: {  	[sflag:s26] =	ssyncset.done $0x0  }
0xe6: {  	[sflag:s26] =	ssyncadd.s32 $0xFFFFEC00  }
0xe7: {  	[spmem:s2] =	stream.indirect.scatter.add.f32 [tilespmem:s24], [sflag:$0x3], $0x80, s23, s28, $0xb8;
	[tilespmem:$0x19F00] =	vst v63  }
0xe8: {  	_ =	swait.ge [sflag:s29], $0x1400  }
0xe9: {  	[sflag:s29] =	ssyncset.done $0x0  }
0xea: {  	[sflag:s29] =	ssyncadd.s32 $0xFFFFEC00  }
0xeb: {  	_ =	swait.ge [sflag:s29], $0x1400  }
0xec: {  	[sflag:s29] =	ssyncset.done $0x0  }
0xed: {  	[sflag:s29] =	ssyncadd.s32 $0xFFFFEC00  }
0xee: {  	_ =	swait.ge [sflag:s29], $0x1400  }
0xef: {  	[sflag:s29] =	ssyncset.done $0x0  }
0xf0: {  	[sflag:s29] =	ssyncadd.s32 $0xFFFFEC00  }
0xf1: {  	_ =	swait.ge [sflag:s29], $0x1400  }
0xf2: {  	[sflag:s29] =	ssyncset.done $0x0  }
0xf3: {  	[sflag:s29] =	ssyncadd.s32 $0xFFFFEC00  }
0xf4: {  	_ =	swait.ge [sflag:s29], $0x1400  }
0xf5: {  	[sflag:s29] =	ssyncset.done $0x0  }
0xf6: {  	[sflag:s29] =	ssyncadd.s32 $0xFFFFEC00  }
0xf7: {  	[bflag:$0x0] =	sbarrier.arrive $0xFFFF  }
0xf8: {  	s0 =	simm.s32 @p0 $0x1FC4;
	s1 =	rddreg [dreg:$0x6]  }
0xf9: {  	[hbm:s1], [sflag:s0] =	dma.local @p0 [spmem:s13], $0x2800  }
0xfa: {  	s0 =	simm.s32 @p0 $0x4  }
0xfb: {  	_ =	swait.ge @p0 [sflag:s0], $0x2800  }
0xfc: {  	[sflag:s0] =	ssyncset.done @p0 $0x0  }
0xfd: {  	[sflag:s0] =	ssyncadd.s32 @p0 $0xFFFFD800;
	s0 =	rddreg [dreg:$0x5]  }
0xfe: {  	[hbm:s0], [sflag:s14] =	dma.local @!p0 [spmem:s15], $0x2700  }
0xff: {  	s0 =	simm.s32 @!p0 $0x4  }
0x100: {  	_ =	swait.ge @!p0 [sflag:s0], $0x2700  }
0x101: {  	s30 =	sadd.s32 $0x1, s30;
	s31 =	rddreg [dreg:$0x7]  }
0x102: {  	p1 =	sne.s32 s30, s31  }
.Ltmp1:
0x103: {  	_ = 	snop;
	(pc) =	sbr.rel @p1 .LBB2_1-.Ltmp1, $3  }
0x104: {  	_ =	sdelay $0x1  }
0x105: {  	[sflag:s0] =	ssyncset.done @!p0 $0x0  }
0x106: {  	[sflag:s0] =	ssyncadd.s32 @!p0 $0xFFFFD900  }
0x107: {  	_ =	sfence.sel $0x180000  }
0x108: {  	[bflag:$0x0] =	sbarrier.arrive $0xFFFF  }
0x109: {  	_ =	strace $0x90000053  }
0x10a: {  	s0 =	stileid.u32;
	[bflag:$0x2] =	sbarrier.arrive $0xFFFF  }
0x10b: {  	p0 =	sne.s32 s0, $0x0;
	s0 =	rddreg [dreg:$0x2]  }
0x10c: {  	s0 =	sadd.s32 @!p0 $0x100000, s0  }
0x10d: {  	[sflag:s0] =	ssyncadd.tile.s32 @!p0 $0x1;
	_ =	shalt  }
.Lfunc_end2:
_tile_overlayer_lowered:
.L_overlay_start_2:
0x10e: {  	(tag) =	ssettag $0x2  }
0x10f: {  	s0 =	rddreg [dreg:$0x0];
	s2 =	stileid.u32  }
0x110: {  	s1 =	rddreg [dreg:$0x1];
	p0 =	sne.s32 s2, $0x0  }
0x111: {  	s3 =	rddreg [dreg:$0x2];
	[bflag:$0x3] =	sbarrier.arrive $0xFFFF;
	s2 =	simm.s32 @!p0 $0x1C04  }
0x112: {  	[timem:s3], [sflag:s2] =	dma.local @!p0 [hbm:s0], s1  }
0x113: {  	s0 =	simm.s32 @!p0 $0x4  }
0x114: {  	_ =	swait.ge @!p0 [sflag:s0], s1  }
0x115: {  	s1 =	ssub.s32 @!p0 $0x0, s1;
	[sflag:s0] =	ssyncset.done @!p0 $0x0  }
0x116: {  	[sflag:s0] =	ssyncadd.s32 @!p0 s1  }
0x117: {  	[bflag:$0x3] =	sbarrier.arrive $0xFFFF  }
0x118: {  	_ =	shalt  }

// kernel: kernel.9.cloned.1.call-start
scs
__scs_entry_jumppad:
0x0: {  	(pc) =	sbr.rel $0x88, $3  }
0x1: {  	(tag) =	ssettag $0x0;
	lr =	simm.s32 $0x1  }
0x2: {  	[smem:$0x3F76] =	sst lr;
	_ =	strace $0xD0000000  }
0x3: {  	_ = 	snop  }
0x4: {  	_ = 	snop  }
0x5: {  	_ = 	snop  }
0x6: {  	_ = 	snop  }
0x7: {  	_ = 	snop  }
__scs_overlays_trampoline_lowered:
0x8: {  	[smem:$0x3F85] =	sst s0  }
0x9: {  	[smem:$0x3F86] =	sst s1  }
0xa: {  	[smem:$0x3F87] =	sst s2  }
0xb: {  	[smem:$0x3F88] =	sst s3  }
0xc: {  	[smem:$0x3F89] =	sst s4  }
0xd: {  	[smem:$0x3F8A] =	sst s5  }
0xe: {  	[smem:$0x3F8B] =	sst s6  }
0xf: {  	[smem:$0x3F8C] =	sst s7  }
0x10: {  	[smem:$0x3F8D] =	sst s8  }
0x11: {  	[smem:$0x3F8E] =	sst s9;
	s0 =	simm.s32 @!p0 $0x0  }
0x12: {  	s1 =	sld [smem:$0x3F74];
	s0 =	simm.s32 @p0 $0x1  }
0x13: {  	[smem:$0x3F8F] =	sst s0;
	s0 =	simm.s32 @!p1 $0x0  }
0x14: {  	s2 =	sld [smem:$0x3F73];
	s0 =	simm.s32 @p1 $0x1  }
0x15: {  	[smem:$0x3F90] =	sst s0;
	s0 =	simm.s32 @!p2 $0x0  }
0x16: {  	s3 =	sld [smem:$0x3FDB];
	s0 =	simm.s32 @p2 $0x1  }
0x17: {  	s4 =	simm.s32 $0x1BF5;
	[smem:$0x3F92] =	sst s0  }
0x18: {  	s0 =	sld [smem:$0x3F75];
	_ =	swait.ge [sflag:s4], $0x0  }
0x19: {  	s7 =	sld [smem:$0x3F76]  }
0x1a: {  	s8 =	sadd.s32 $0xFFFFE003, lr  }
0x1b: {  	s9 =	sadd.s32 $0xFFFFFEF7, lr;
	s5 =	simm.s32 $0xFFFFFFFF;
	p2 =	slt.u32 s8, $0xFFFFF086  }
0x1c: {  	p1 =	slt.u32 s9, $0xF7A;
	s5 =	simm.s32 @!p2 $0x0  }
0x1d: {  	s5 =	simm.s32 @p1 $0x1;
	p0 =	seq.s32 s7, s2  }
0x1e: {  	s7 =	smul.u32 @!p0 $0xF7A, s2;
	p2 =	seq.s32 @!p0 s5, $0x0  }
0x1f: {  	s9 =	smul.u32 $0xF7A, s1;
	s8 =	simm.s32 @!p0 $0x1BF5;
	p2 =	por !p2, p0  }
0x20: {  	[sflag:s8] =	ssyncset.s32 @!p0 $0xFFFFF086;
	s6 =	sadd.s32 @!p0 s3, s7;
	s7 =	simm.s32 @!p0 $0x108  }
0x21: {  	s3 =	sadd.s32 s3, s9;
	s6 =	sadd.s32 @!p0 $0x88, s6;
	s7 =	simm.s32 @p2 $0x1082  }
0x22: {  	[simem:s7], [sflag:s8] =	dma.local @!p0 [hbm:s6], $0xF7A  }
0x23: {  	s9 =	sor.u32 $0xD0000000, s2;
	s6 =	simm.s32 $0x108;
	_ =	swait.ge @!p0 [sflag:s8], $0x0  }
0x24: {  	s3 =	sadd.s32 $0x88, s3;
	s6 =	simm.s32 @!p1 $0x1082;
	[sflag:s4] =	ssyncset.s32 $0xFFFFF086  }
0x25: {  	[simem:s6], [sflag:s4] =	dma.local [hbm:s3], $0xF7A  }
0x26: {  	[smem:$0x3F76] =	sst s1;
	(tag) =	ssettag s2;
	_ =	strace s9  }
0x27: {  	s1 =	sld [smem:$0x3F86]  }
0x28: {  	s2 =	sld [smem:$0x3F87]  }
0x29: {  	s4 =	sld [smem:$0x3F89]  }
0x2a: {  	p0 =	seq.s32 s5, $0x0;
	s5 =	sld [smem:$0x3F8A]  }
0x2b: {  	s6 =	sld [smem:$0x3F8B]  }
0x2c: {  	s7 =	sld [smem:$0x3F8C]  }
0x2d: {  	s3 =	simm.s32 $0x108;
	s8 =	sld [smem:$0x3F8D]  }
0x2e: {  	s3 =	simm.s32 @!p0 $0x1082;
	s9 =	sld [smem:$0x3F8E]  }
0x2f: {  	lr =	sadd.s32 s0, s3;
	s0 =	sld [smem:$0x3F85]  }
0x30: {  	s3 =	sld [smem:$0x3F88]  }
0x31: {  	[smem:$0x3F91] =	sst s10  }
0x32: {  	s10 =	sld [smem:$0x3F8F];
	_ =	sdelay $0x3  }
0x33: {  	p0 =	seq.s32 s10, $0x1;
	s10 =	sld [smem:$0x3F91];
	_ =	sdelay $0x3  }
0x34: {  	[smem:$0x3F91] =	sst s10  }
0x35: {  	s10 =	sld [smem:$0x3F90];
	_ =	sdelay $0x3  }
0x36: {  	p1 =	seq.s32 s10, $0x1;
	s10 =	sld [smem:$0x3F91];
	_ =	sdelay $0x3  }
0x37: {  	[smem:$0x3F91] =	sst s10  }
0x38: {  	s10 =	sld [smem:$0x3F92]  }
0x39: {  	_ = 	snop;
	(pc) =	sbr.ind lr, $3  }
0x3a: {  	_ = 	snop  }
0x3b: {  	_ = 	snop  }
0x3c: {  	p2 =	seq.s32 s10, $0x1;
	s10 =	sld [smem:$0x3F91]  }
0x3d: {  	_ =	shalt  }
0x3e: {  	_ =	shalt  }
0x3f: {  	_ =	shalt  }
0x40: {  	_ =	shalt  }
0x41: {  	_ =	shalt  }
0x42: {  	_ =	shalt  }
0x43: {  	_ =	shalt  }
0x44: {  	_ =	shalt  }
0x45: {  	_ =	shalt  }
0x46: {  	_ =	shalt  }
0x47: {  	_ =	shalt  }
0x48: {  	_ =	shalt  }
0x49: {  	_ =	shalt  }
0x4a: {  	_ =	shalt  }
0x4b: {  	_ =	shalt  }
0x4c: {  	_ =	shalt  }
0x4d: {  	_ =	shalt  }
0x4e: {  	_ =	shalt  }
0x4f: {  	_ =	shalt  }
0x50: {  	_ =	shalt  }
0x51: {  	_ =	shalt  }
0x52: {  	_ =	shalt  }
0x53: {  	_ =	shalt  }
0x54: {  	_ =	shalt  }
0x55: {  	_ =	shalt  }
0x56: {  	_ =	shalt  }
0x57: {  	_ =	shalt  }
0x58: {  	_ =	shalt  }
0x59: {  	_ =	shalt  }
0x5a: {  	_ =	shalt  }
0x5b: {  	_ =	shalt  }
0x5c: {  	_ =	shalt  }
0x5d: {  	_ =	shalt  }
0x5e: {  	_ =	shalt  }
0x5f: {  	_ =	shalt  }
0x60: {  	_ =	shalt  }
0x61: {  	_ =	shalt  }
0x62: {  	_ =	shalt  }
0x63: {  	_ =	shalt  }
0x64: {  	_ =	shalt  }
0x65: {  	_ =	shalt  }
0x66: {  	_ =	shalt  }
0x67: {  	_ =	shalt  }
0x68: {  	_ =	shalt  }
0x69: {  	_ =	shalt  }
0x6a: {  	_ =	shalt  }
0x6b: {  	_ =	shalt  }
0x6c: {  	_ =	shalt  }
0x6d: {  	_ =	shalt  }
0x6e: {  	_ =	shalt  }
0x6f: {  	_ =	shalt  }
0x70: {  	_ =	shalt  }
0x71: {  	_ =	shalt  }
0x72: {  	_ =	shalt  }
0x73: {  	_ =	shalt  }
0x74: {  	_ =	shalt  }
0x75: {  	_ =	shalt  }
0x76: {  	_ =	shalt  }
0x77: {  	_ =	shalt  }
0x78: {  	_ =	shalt  }
0x79: {  	_ =	shalt  }
0x7a: {  	_ =	shalt  }
0x7b: {  	_ =	shalt  }
0x7c: {  	_ =	shalt  }
0x7d: {  	_ =	shalt  }
0x7e: {  	_ =	shalt  }
0x7f: {  	_ =	shalt  }
0x80: {  	_ =	shalt  }
0x81: {  	_ =	shalt  }
0x82: {  	_ =	shalt  }
0x83: {  	_ =	shalt  }
0x84: {  	_ =	shalt  }
0x85: {  	_ =	shalt  }
0x86: {  	_ =	shalt  }
0x87: {  	_ =	shalt  }
.Lfunc_end0:
.L_simem_size_0:
called_computation_lowered:
.L_overlay_start_0:
0x88: {  	s2 =	sld [smem:$0x3FD9]  }
0x89: {  	s3 =	sld [smem:$0x3FFE];
	_ =	sdelay $0x1  }
0x8a: {  	s1 =	srdreg.scid  }
0x8b: {  	s0 =	sand.u32 $0x1, s1  }
0x8c: {  	s16 =	sshll.u32 s0, $0xA;
	s2 =	sadd.s32 s3, s2  }
0x8d: {  	s2 =	sadd.s32 s2, s16  }
0x8e: {  	[smem:$0x3F9D] =	sst s2  }
0x8f: {  	_ = 	snop  }
0x90: {  	(tm) =	ssettm $0x1  }
0x91: {  	s17 =	sld [smem:$0x3FFB];
	_ =	sdelay $0x3  }
0x92: {  	_ =	strace s17  }
0x93: {  	s2 =	sld [smem:$0x3FFC];
	_ =	sdelay $0x3  }
0x94: {  	_ =	strace s2  }
0x95: {  	s2 =	sld [smem:$0x3FFD];
	_ =	sdelay $0x3  }
0x96: {  	_ =	strace s2  }
0x97: {  	_ =	strace $0x8FFFFFFF  }
0x98: {  	s18 =	sld [smem:$0x3FDB];
	_ =	sdelay $0x1  }
0x99: {  	s19 =	simm.s32 $_scs_section_size  }
0x9a: {  	s4 =	simm.s32 $_size__tile_overlayer_lowered;
	s5 =	simm.s32 $_tile_overlayer_lowered  }
0x9b: {  	s22 =	simm.s32 $0x1BFF;
	s21 =	sshll.u32 s5, $0x1;
	s2 =	sadd.s32 s19, s18  }
0x9c: {  	s6 =	simm.s32 $0x0;
	s20 =	sshll.u32 s4, $0x1;
	s4 =	sadd.s32 s21, s2  }
0x9d: {  	[timem:s6], [sflag:s22] =	dma.local [hbm:s4], s20  }
0x9e: {  	_ =	swait.ge [sflag:s22], s20  }
0x9f: {  	s3 =	ssub.s32 $0x0, s20;
	[sflag:s22] =	ssyncset.done $0x0  }
0xa0: {  	[sflag:s22] =	ssyncadd.s32 s3;
	_ =	sdelay $0x1  }
0xa1: {  	s23 =	simm.s32 $0x1B8B  }
0xa2: {  	_ =	swait.ge [sflag:s23], $0x1  }
0xa3: {  	[sflag:s23] =	ssyncset.done $0x0  }
0xa4: {  	s25 =	simm.s32 $0x1B8E;
	s24 =	sld [smem:$0x3FFE];
	[sflag:s23] =	ssyncadd.s32 $0xFFFFFFFF  }
0xa5: {  	s26 =	simm.s32 $execute0_lowered;
	[smem:$0x3FD2] =	sst s25  }
0xa6: {  	s4 =	sshll.u32 s26, $0x1;
	_ =	strace $0x80000046;
	[dreg:$0x1] =	wrdreg $0xFFFFFFFF  }
0xa7: {  	s28 =	simm.s32 $_size_execute0_lowered;
	s2 =	sadd.s32 s2, s4;
	[dreg:$0x0] =	wrdreg $0x0  }
0xa8: {  	s4 =	sshll.u32 s28, $0x1;
	[dreg:$0x2] =	wrdreg s2  }
0xa9: {  	[dreg:$0x3] =	wrdreg s4  }
0xaa: {  	[dreg:$0x4] =	wrdreg $0xC0  }
0xab: {  	_ =	task [dreg:s6], $0x5FFFF  }
0xac: {  	[dreg:$0x1] =	wrdreg $0xFFFFFFFF  }
0xad: {  	[dreg:$0x0] =	wrdreg $0x60  }
0xae: {  	[dreg:$0x2] =	wrdreg s24  }
0xaf: {  	[dreg:$0x3] =	wrdreg $0x9  }
0xb0: {  	_ =	task.clear_ibuf [dreg:s6], $0x4FFFF;
	_ =	strace $0x90000046  }
0xb1: {  	s29 =	simm.s32 $0x9;
	_ =	strace $0x80000048  }
0xb2: {  	_ =	swait.ge [sflag:s29], $0x1  }
0xb3: {  	[sflag:s29] =	ssyncadd.s32 $0xFFFFFFFF  }
0xb4: {  	_ =	strace $0x90000048  }
0xb5: {  	_ =	sfence  }
0xb6: {  	s30 =	sld [smem:$0x0];
	_ =	sdelay $0x2  }
0xb7: {  	s31 =	sshll.u32 s1, $0xD;
	s1 =	sshrl.u32 s1, $0x2  }
0xb8: {  	s3 =	sand.u32 $0x4000, s31;
	s1 =	sadd.s32 s1, s30  }
0xb9: {  	s0 =	sor.u32 s3, s0;
	s1 =	sshll.u32 s1, $0x11  }
0xba: {  	s0 =	sor.u32 s1, s0  }
0xbb: {  	s0 =	sadd.s32 $0x8F2B, s0  }
0xbc: {  	[sflag:s0] =	ssyncadd.remote.s32 $0x1  }
0xbd: {  	_ =	sfence.sel $0xFFFF  }
0xbe: {  	[dreg:$0x0] =	wrdreg $0xFFFFFFFF;
	(pc) =	sbr.abs _section_cstart, $3  }
0xbf: {  	[dreg:$0x1] =	wrdreg $0xFFFFFFFF  }
0xc0: {  	_ =	task.clear_ibuf [dreg:s6], $0x2FFFF;
	_ =	strace $0x9FFFFFFF  }
0xc1: {  	(tm) =	ssettm $0x7FFFFFFF  }
tec
execute0_lowered:
.L_overlay_start_1:
0x0: {  	(tag) =	ssettag $0x1  }
0x1: {  	s1 =	srdreg.scid  }
0x2: {  	s0 =	stileid.u32;
	s5 =	rddreg [dreg:$0x0]  }
0x3: {  	s2 =	simm.s32 $0x0;
	s11 =	simm.s32 $0x50;
	s12 =	simm.s32 $0x400  }
0x4: {  	s13 =	simm.s32 $0x2C00;
	s15 =	simm.s32 $0x250;
	s14 =	simm.s32 $0x5400  }
0x5: {  	s16 =	simm.s32 $0xA0;
	s17 =	simm.s32 $0x2A0;
	s18 =	simm.s32 $0xF0  }
0x6: {  	s19 =	simm.s32 $0x2F0;
	s20 =	simm.s32 $0x140;
	s21 =	simm.s32 $0x340  }
0x7: {  	s22 =	simm.s32 $0x3;
	s6 =	sand.u32 $0x1, s1;
	s1 =	rddreg [dreg:$0x1]  }
0x8: {  	s23 =	simm.s32 $0x4;
	s24 =	simm.s32 $0x0;
	[smem:$0x7FF] =	sst s2  }
0x9: {  	s7 =	smul.u32 $0x4E20, s0;
	_ =	strace $0x80000047;
	[dreg:$0x4] =	wrdreg s15  }
0xa: {  	s9 =	smul.u32 $0x4E200, s0;
	s3 =	sadd.s32 $0xB5A00, s5;
	[dreg:$0x5] =	wrdreg s16  }
0xb: {  	s4 =	sadd.s32 $0x8E800, s5;
	s8 =	smul.u32 $0x2710, s6;
	[dreg:$0x6] =	wrdreg s17  }
0xc: {  	s10 =	smul.u32 $0x27100, s6;
	s6 =	ssub.s32 $0x2, s6;
	[dreg:$0x7] =	wrdreg s18  }
0xd: {  	s15 =	simm.s32 $0x7C00;
	s16 =	simm.s32 $0xA400;
	[dreg:$0x8] =	wrdreg s19  }
0xe: {  	s17 =	simm.s32 $0xCC00;
	s18 =	simm.s32 $0xF400;
	[dreg:$0x9] =	wrdreg s20  }
0xf: {  	s19 =	simm.s32 $0x11C00;
	s20 =	simm.s32 $0x14400;
	[dreg:$0xa] =	wrdreg s21  }
0x10: {  	s21 =	simm.s32 $0x16C00;
	s9 =	sadd.s32 s9, s5;
	s31 =	sshrl.u32 s6, $0x1  }
0x11: {  	s7 =	sadd.s32 s8, s7;
	s30 =	sadd.s32 s10, s9;
	s6 =	ssub.s32 s6, s31  }
0x12: {  	s9 =	simm.s32 $0x1;
	s7 =	sshrl.u32 s7, $0x3;
	s10 =	sadd.s32 $0xF0800, s30  }
0x13: {  	s8 =	sadd.s32 $0x5D2800, s30;
	[dreg:$0x2] =	wrdreg s10;
	s7 =	sadd.s32 s7, s5  }
0x14: {  	s5 =	smax.u32 s6, $0x1;
	[dreg:$0x3] =	wrdreg s8;
	s8 =	simm.s32 $0x200  }
0x15: {  	s10 =	simm.s32 $0x2;
	s6 =	sadd.s32 $0xDCC00, s7;
	s7 =	sadd.s32 $0xE6A00, s7  }
.LBB2_1:
0x16: {  	[tilespmem:s2], [sflag:$0x1] =	stream.linear.gather [hbm4b:s7+s2], $0x190, $0x38;
	[tilespmem:$0x19400] =	vst v63  }
0x17: {  	_ = 	snop  }
0x18: {  	[tilespmem:s8], [sflag:$0x2] =	stream.linear.gather [hbm4b:s6+s2], $0x190, $0x38;
	[tilespmem:$0x19400] =	vst v63  }
0x19: {  	_ =	swait.ge [sflag:s9], $0x190  }
0x1a: {  	[sflag:s9] =	ssyncset.done $0x0  }
0x1b: {  	[sflag:s9] =	ssyncadd.s32 $0xFFFFFE70  }
0x1c: {  	_ =	swait.ge [sflag:s10], $0x190  }
0x1d: {  	[sflag:s10] =	ssyncset.done $0x0  }
0x1e: {  	[sflag:s10] =	ssyncadd.s32 $0xFFFFFE70  }
0x1f: {  	[tilespmem:s12], [sflag:$0x3] =	stream.indirect.gather [hbm4b:s3+s11], $0x80, s2, s11, $0xb8;
	[tilespmem:$0x19400] =	vst v63  }
0x20: {  	_ = 	snop  }
0x21: {  	[tilespmem:s13], [sflag:$0x3] =	stream.indirect.gather [hbm4b:s4+s11], $0x80, s8, s11, $0xb8;
	[tilespmem:$0x19400] =	vst v63  }
0x22: {  	_ = 	snop  }
0x23: {  	[tilespmem:s14], [sflag:$0x3] =	stream.indirect.gather [hbm4b:s3+s11], $0x80, s11, s11, $0xb8;
	[tilespmem:$0x19400] =	vst v63  }
0x24: {  	s25 =	rddreg [dreg:$0x4]  }
0x25: {  	[tilespmem:s15], [sflag:$0x3] =	stream.indirect.gather [hbm4b:s4+s11], $0x80, s25, s11, $0xb8;
	[tilespmem:$0x19400] =	vst v63  }
0x26: {  	s26 =	rddreg [dreg:$0x5]  }
0x27: {  	[tilespmem:s16], [sflag:$0x3] =	stream.indirect.gather [hbm4b:s3+s11], $0x80, s26, s11, $0xb8;
	[tilespmem:$0x19400] =	vst v63  }
0x28: {  	s30 =	rddreg [dreg:$0x6]  }
0x29: {  	[tilespmem:s17], [sflag:$0x3] =	stream.indirect.gather [hbm4b:s4+s11], $0x80, s30, s11, $0xb8;
	[tilespmem:$0x19400] =	vst v63  }
0x2a: {  	s31 =	rddreg [dreg:$0x7]  }
0x2b: {  	[tilespmem:s18], [sflag:$0x3] =	stream.indirect.gather [hbm4b:s3+s11], $0x80, s31, s11, $0xb8;
	[tilespmem:$0x19400] =	vst v63  }
0x2c: {  	s29 =	rddreg [dreg:$0x8]  }
0x2d: {  	[tilespmem:s19], [sflag:$0x3] =	stream.indirect.gather [hbm4b:s4+s11], $0x80, s29, s11, $0xb8;
	[tilespmem:$0x19400] =	vst v63  }
0x2e: {  	s30 =	rddreg [dreg:$0x9]  }
0x2f: {  	[tilespmem:s20], [sflag:$0x3] =	stream.indirect.gather [hbm4b:s3+s11], $0x80, s30, s11, $0xb8;
	[tilespmem:$0x19400] =	vst v63  }
0x30: {  	s31 =	rddreg [dreg:$0xa]  }
0x31: {  	[tilespmem:s21], [sflag:$0x3] =	stream.indirect.gather [hbm4b:s4+s11], $0x80, s31, s11, $0xb8;
	[tilespmem:$0x19400] =	vst v63  }
0x32: {  	_ =	swait.ge [sflag:s22], $0x2800  }
0x33: {  	s29 =	rddreg [dreg:$0x2];
	[sflag:s22] =	ssyncset.done $0x0  }
0x34: {  	[sflag:s22] =	ssyncadd.s32 $0xFFFFD800;
	s25 =	sadd.s32 $0x0, s29  }
0x35: {  	[hbm4b:s25+s2] =	stream.linear.scatter [tilespmem:s12], [sflag:$0x4], $0x2800, $0x38;
	[tilespmem:$0x19400] =	vst v63  }
0x36: {  	_ =	swait.ge [sflag:s22], $0x2800  }
0x37: {  	s30 =	rddreg [dreg:$0x3];
	[sflag:s22] =	ssyncset.done $0x0  }
0x38: {  	[sflag:s22] =	ssyncadd.s32 $0xFFFFD800;
	s26 =	sadd.s32 $0x0, s30  }
0x39: {  	[hbm4b:s26+s2] =	stream.linear.scatter [tilespmem:s13], [sflag:$0x4], $0x2800, $0x38;
	[tilespmem:$0x19400] =	vst v63  }
0x3a: {  	_ =	swait.ge [sflag:s22], $0x2800  }
0x3b: {  	[sflag:s22] =	ssyncset.done $0x0  }
0x3c: {  	s28 =	sadd.s32 $0x500, s25;
	[sflag:s22] =	ssyncadd.s32 $0xFFFFD800  }
0x3d: {  	[hbm4b:s28+s2] =	stream.linear.scatter [tilespmem:s14], [sflag:$0x4], $0x2800, $0x38;
	[tilespmem:$0x19400] =	vst v63  }
0x3e: {  	_ =	swait.ge [sflag:s22], $0x2800  }
0x3f: {  	[sflag:s22] =	ssyncset.done $0x0  }
0x40: {  	s28 =	sadd.s32 $0x500, s26;
	[sflag:s22] =	ssyncadd.s32 $0xFFFFD800  }
0x41: {  	[hbm4b:s28+s2] =	stream.linear.scatter [tilespmem:s15], [sflag:$0x4], $0x2800, $0x38;
	[tilespmem:$0x19400] =	vst v63  }
0x42: {  	_ =	swait.ge [sflag:s22], $0x2800  }
0x43: {  	[sflag:s22] =	ssyncset.done $0x0  }
0x44: {  	s28 =	sadd.s32 $0xA00, s25;
	[sflag:s22] =	ssyncadd.s32 $0xFFFFD800  }
0x45: {  	[hbm4b:s28+s2] =	stream.linear.scatter [tilespmem:s16], [sflag:$0x4], $0x2800, $0x38;
	[tilespmem:$0x19400] =	vst v63  }
0x46: {  	_ =	swait.ge [sflag:s22], $0x2800  }
0x47: {  	[sflag:s22] =	ssyncset.done $0x0  }
0x48: {  	s28 =	sadd.s32 $0xA00, s26;
	[sflag:s22] =	ssyncadd.s32 $0xFFFFD800  }
0x49: {  	[hbm4b:s28+s2] =	stream.linear.scatter [tilespmem:s17], [sflag:$0x4], $0x2800, $0x38;
	[tilespmem:$0x19400] =	vst v63  }
0x4a: {  	_ =	swait.ge [sflag:s22], $0x2800  }
0x4b: {  	[sflag:s22] =	ssyncset.done $0x0  }
0x4c: {  	s28 =	sadd.s32 $0xF00, s25;
	[sflag:s22] =	ssyncadd.s32 $0xFFFFD800  }
0x4d: {  	[hbm4b:s28+s2] =	stream.linear.scatter [tilespmem:s18], [sflag:$0x4], $0x2800, $0x38;
	[tilespmem:$0x19400] =	vst v63  }
0x4e: {  	_ =	swait.ge [sflag:s22], $0x2800  }
0x4f: {  	[sflag:s22] =	ssyncset.done $0x0  }
0x50: {  	s28 =	sadd.s32 $0xF00, s26;
	[sflag:s22] =	ssyncadd.s32 $0xFFFFD800  }
0x51: {  	[hbm4b:s28+s2] =	stream.linear.scatter [tilespmem:s19], [sflag:$0x4], $0x2800, $0x38;
	[tilespmem:$0x19400] =	vst v63  }
0x52: {  	_ =	swait.ge [sflag:s22], $0x2800  }
0x53: {  	[sflag:s22] =	ssyncset.done $0x0  }
0x54: {  	s25 =	sadd.s32 $0x1400, s25;
	[sflag:s22] =	ssyncadd.s32 $0xFFFFD800  }
0x55: {  	[hbm4b:s25+s2] =	stream.linear.scatter [tilespmem:s20], [sflag:$0x4], $0x2800, $0x38;
	[tilespmem:$0x19400] =	vst v63  }
0x56: {  	_ =	swait.ge [sflag:s22], $0x2800  }
0x57: {  	[sflag:s22] =	ssyncset.done $0x0  }
0x58: {  	s31 =	sadd.s32 $0x1400, s26;
	[sflag:s22] =	ssyncadd.s32 $0xFFFFD800  }
0x59: {  	[hbm4b:s31+s2] =	stream.linear.scatter [tilespmem:s21], [sflag:$0x4], $0x2800, $0x38;
	[tilespmem:$0x19400] =	vst v63  }
0x5a: {  	_ =	swait.ge [sflag:s23], $0x2800  }
0x5b: {  	[sflag:s23] =	ssyncset.done $0x0  }
0x5c: {  	[sflag:s23] =	ssyncadd.s32 $0xFFFFD800  }
0x5d: {  	_ =	swait.ge [sflag:s23], $0x2800  }
0x5e: {  	[sflag:s23] =	ssyncset.done $0x0  }
0x5f: {  	[sflag:s23] =	ssyncadd.s32 $0xFFFFD800  }
0x60: {  	_ =	swait.ge [sflag:s23], $0x2800  }
0x61: {  	[sflag:s23] =	ssyncset.done $0x0  }
0x62: {  	[sflag:s23] =	ssyncadd.s32 $0xFFFFD800  }
0x63: {  	_ =	swait.ge [sflag:s23], $0x2800  }
0x64: {  	[sflag:s23] =	ssyncset.done $0x0  }
0x65: {  	[sflag:s23] =	ssyncadd.s32 $0xFFFFD800  }
0x66: {  	_ =	swait.ge [sflag:s23], $0x2800  }
0x67: {  	[sflag:s23] =	ssyncset.done $0x0  }
0x68: {  	[sflag:s23] =	ssyncadd.s32 $0xFFFFD800  }
0x69: {  	_ =	swait.ge [sflag:s23], $0x2800  }
0x6a: {  	[sflag:s23] =	ssyncset.done $0x0  }
0x6b: {  	[sflag:s23] =	ssyncadd.s32 $0xFFFFD800  }
0x6c: {  	_ =	swait.ge [sflag:s23], $0x2800  }
0x6d: {  	[sflag:s23] =	ssyncset.done $0x0  }
0x6e: {  	[sflag:s23] =	ssyncadd.s32 $0xFFFFD800  }
0x6f: {  	_ =	swait.ge [sflag:s23], $0x2800  }
0x70: {  	[sflag:s23] =	ssyncset.done $0x0  }
0x71: {  	[sflag:s23] =	ssyncadd.s32 $0xFFFFD800  }
0x72: {  	_ =	swait.ge [sflag:s23], $0x2800  }
0x73: {  	[sflag:s23] =	ssyncset.done $0x0  }
0x74: {  	[sflag:s23] =	ssyncadd.s32 $0xFFFFD800  }
0x75: {  	s26 =	smov.u32 s6;
	_ =	swait.ge [sflag:s23], $0x2800  }
0x76: {  	s28 =	smov.u32 s7;
	s25 =	simm.s32 $0x1900;
	[sflag:s23] =	ssyncset.done $0x0  }
.LBB2_2:
0x77: {  	[sflag:s23] =	ssyncadd.s32 $0xFFFFD800;
	s28 =	sadd.s32 $0x32, s28  }
0x78: {  	[tilespmem:s2], [sflag:$0x1] =	stream.linear.gather [hbm4b:s28+s2], $0x190, $0x38;
	[tilespmem:$0x19400] =	vst v63  }
0x79: {  	s26 =	sadd.s32 $0x32, s26  }
0x7a: {  	[tilespmem:s8], [sflag:$0x2] =	stream.linear.gather [hbm4b:s26+s2], $0x190, $0x38;
	[tilespmem:$0x19400] =	vst v63  }
0x7b: {  	_ =	swait.ge [sflag:s9], $0x190  }
0x7c: {  	[sflag:s9] =	ssyncset.done $0x0  }
0x7d: {  	[sflag:s9] =	ssyncadd.s32 $0xFFFFFE70  }
0x7e: {  	_ =	swait.ge [sflag:s10], $0x190  }
0x7f: {  	[sflag:s10] =	ssyncset.done $0x0  }
0x80: {  	[sflag:s10] =	ssyncadd.s32 $0xFFFFFE70  }
0x81: {  	[tilespmem:s12], [sflag:$0x3] =	stream.indirect.gather [hbm4b:s3+s11], $0x80, s2, s11, $0xb8;
	[tilespmem:$0x19400] =	vst v63  }
0x82: {  	_ = 	snop  }
0x83: {  	[tilespmem:s13], [sflag:$0x3] =	stream.indirect.gather [hbm4b:s4+s11], $0x80, s8, s11, $0xb8;
	[tilespmem:$0x19400] =	vst v63  }
0x84: {  	_ = 	snop  }
0x85: {  	[tilespmem:s14], [sflag:$0x3] =	stream.indirect.gather [hbm4b:s3+s11], $0x80, s11, s11, $0xb8;
	[tilespmem:$0x19400] =	vst v63  }
0x86: {  	s29 =	rddreg [dreg:$0x4]  }
0x87: {  	[tilespmem:s15], [sflag:$0x3] =	stream.indirect.gather [hbm4b:s4+s11], $0x80, s29, s11, $0xb8;
	[tilespmem:$0x19400] =	vst v63  }
0x88: {  	s31 =	rddreg [dreg:$0x5]  }
0x89: {  	[tilespmem:s16], [sflag:$0x3] =	stream.indirect.gather [hbm4b:s3+s11], $0x80, s31, s11, $0xb8;
	[tilespmem:$0x19400] =	vst v63  }
0x8a: {  	s29 =	rddreg [dreg:$0x6]  }
0x8b: {  	[tilespmem:s17], [sflag:$0x3] =	stream.indirect.gather [hbm4b:s4+s11], $0x80, s29, s11, $0xb8;
	[tilespmem:$0x19400] =	vst v63  }
0x8c: {  	s31 =	rddreg [dreg:$0x7]  }
0x8d: {  	[tilespmem:s18], [sflag:$0x3] =	stream.indirect.gather [hbm4b:s3+s11], $0x80, s31, s11, $0xb8;
	[tilespmem:$0x19400] =	vst v63  }
0x8e: {  	s29 =	rddreg [dreg:$0x8]  }
0x8f: {  	[tilespmem:s19], [sflag:$0x3] =	stream.indirect.gather [hbm4b:s4+s11], $0x80, s29, s11, $0xb8;
	[tilespmem:$0x19400] =	vst v63  }
0x90: {  	s31 =	rddreg [dreg:$0x9]  }
0x91: {  	[tilespmem:s20], [sflag:$0x3] =	stream.indirect.gather [hbm4b:s3+s11], $0x80, s31, s11, $0xb8;
	[tilespmem:$0x19400] =	vst v63  }
0x92: {  	s29 =	rddreg [dreg:$0xa]  }
0x93: {  	[tilespmem:s21], [sflag:$0x3] =	stream.indirect.gather [hbm4b:s4+s11], $0x80, s29, s11, $0xb8;
	[tilespmem:$0x19400] =	vst v63  }
0x94: {  	_ =	swait.ge [sflag:s22], $0x2800  }
0x95: {  	s30 =	smov.u32 s25;
	s31 =	rddreg [dreg:$0x2];
	[sflag:s22] =	ssyncset.done $0x0  }
0x96: {  	[sflag:s22] =	ssyncadd.s32 $0xFFFFD800;
	s29 =	sadd.s32 s30, s31  }
0x97: {  	[hbm4b:s29+s2] =	stream.linear.scatter [tilespmem:s12], [sflag:$0x4], $0x2800, $0x38;
	[tilespmem:$0x19400] =	vst v63  }
0x98: {  	_ =	swait.ge [sflag:s22], $0x2800  }
0x99: {  	s31 =	rddreg [dreg:$0x3];
	[sflag:s22] =	ssyncset.done $0x0  }
0x9a: {  	[sflag:s22] =	ssyncadd.s32 $0xFFFFD800;
	s30 =	sadd.s32 s30, s31  }
0x9b: {  	[hbm4b:s30+s2] =	stream.linear.scatter [tilespmem:s13], [sflag:$0x4], $0x2800, $0x38;
	[tilespmem:$0x19400] =	vst v63  }
0x9c: {  	_ =	swait.ge [sflag:s22], $0x2800  }
0x9d: {  	[sflag:s22] =	ssyncset.done $0x0  }
0x9e: {  	s31 =	sadd.s32 $0x500, s29;
	[sflag:s22] =	ssyncadd.s32 $0xFFFFD800  }
0x9f: {  	[hbm4b:s31+s2] =	stream.linear.scatter [tilespmem:s14], [sflag:$0x4], $0x2800, $0x38;
	[tilespmem:$0x19400] =	vst v63  }
0xa0: {  	_ =	swait.ge [sflag:s22], $0x2800  }
0xa1: {  	[sflag:s22] =	ssyncset.done $0x0  }
0xa2: {  	s31 =	sadd.s32 $0x500, s30;
	[sflag:s22] =	ssyncadd.s32 $0xFFFFD800  }
0xa3: {  	[hbm4b:s31+s2] =	stream.linear.scatter [tilespmem:s15], [sflag:$0x4], $0x2800, $0x38;
	[tilespmem:$0x19400] =	vst v63  }
0xa4: {  	_ =	swait.ge [sflag:s22], $0x2800  }
0xa5: {  	[sflag:s22] =	ssyncset.done $0x0  }
0xa6: {  	s31 =	sadd.s32 $0xA00, s29;
	[sflag:s22] =	ssyncadd.s32 $0xFFFFD800  }
0xa7: {  	[hbm4b:s31+s2] =	stream.linear.scatter [tilespmem:s16], [sflag:$0x4], $0x2800, $0x38;
	[tilespmem:$0x19400] =	vst v63  }
0xa8: {  	_ =	swait.ge [sflag:s22], $0x2800  }
0xa9: {  	[sflag:s22] =	ssyncset.done $0x0  }
0xaa: {  	s31 =	sadd.s32 $0xA00, s30;
	[sflag:s22] =	ssyncadd.s32 $0xFFFFD800  }
0xab: {  	[hbm4b:s31+s2] =	stream.linear.scatter [tilespmem:s17], [sflag:$0x4], $0x2800, $0x38;
	[tilespmem:$0x19400] =	vst v63  }
0xac: {  	_ =	swait.ge [sflag:s22], $0x2800  }
0xad: {  	[sflag:s22] =	ssyncset.done $0x0  }
0xae: {  	s31 =	sadd.s32 $0xF00, s29;
	[sflag:s22] =	ssyncadd.s32 $0xFFFFD800  }
0xaf: {  	[hbm4b:s31+s2] =	stream.linear.scatter [tilespmem:s18], [sflag:$0x4], $0x2800, $0x38;
	[tilespmem:$0x19400] =	vst v63  }
0xb0: {  	_ =	swait.ge [sflag:s22], $0x2800  }
0xb1: {  	[sflag:s22] =	ssyncset.done $0x0  }
0xb2: {  	s31 =	sadd.s32 $0xF00, s30;
	[sflag:s22] =	ssyncadd.s32 $0xFFFFD800  }
0xb3: {  	[hbm4b:s31+s2] =	stream.linear.scatter [tilespmem:s19], [sflag:$0x4], $0x2800, $0x38;
	[tilespmem:$0x19400] =	vst v63  }
0xb4: {  	_ =	swait.ge [sflag:s22], $0x2800  }
0xb5: {  	[sflag:s22] =	ssyncset.done $0x0  }
0xb6: {  	s29 =	sadd.s32 $0x1400, s29;
	[sflag:s22] =	ssyncadd.s32 $0xFFFFD800  }
0xb7: {  	[hbm4b:s29+s2] =	stream.linear.scatter [tilespmem:s20], [sflag:$0x4], $0x2800, $0x38;
	[tilespmem:$0x19400] =	vst v63  }
0xb8: {  	_ =	swait.ge [sflag:s22], $0x2800  }
0xb9: {  	[sflag:s22] =	ssyncset.done $0x0  }
0xba: {  	s31 =	sadd.s32 $0x1400, s30;
	[sflag:s22] =	ssyncadd.s32 $0xFFFFD800  }
0xbb: {  	[hbm4b:s31+s2] =	stream.linear.scatter [tilespmem:s21], [sflag:$0x4], $0x2800, $0x38;
	[tilespmem:$0x19400] =	vst v63  }
0xbc: {  	_ =	swait.ge [sflag:s23], $0x2800  }
0xbd: {  	[sflag:s23] =	ssyncset.done $0x0  }
0xbe: {  	[sflag:s23] =	ssyncadd.s32 $0xFFFFD800  }
0xbf: {  	_ =	swait.ge [sflag:s23], $0x2800  }
0xc0: {  	[sflag:s23] =	ssyncset.done $0x0  }
0xc1: {  	[sflag:s23] =	ssyncadd.s32 $0xFFFFD800  }
0xc2: {  	_ =	swait.ge [sflag:s23], $0x2800  }
0xc3: {  	[sflag:s23] =	ssyncset.done $0x0  }
0xc4: {  	[sflag:s23] =	ssyncadd.s32 $0xFFFFD800  }
0xc5: {  	_ =	swait.ge [sflag:s23], $0x2800  }
0xc6: {  	[sflag:s23] =	ssyncset.done $0x0  }
0xc7: {  	[sflag:s23] =	ssyncadd.s32 $0xFFFFD800  }
0xc8: {  	_ =	swait.ge [sflag:s23], $0x2800  }
0xc9: {  	[sflag:s23] =	ssyncset.done $0x0  }
0xca: {  	[sflag:s23] =	ssyncadd.s32 $0xFFFFD800  }
0xcb: {  	_ =	swait.ge [sflag:s23], $0x2800  }
0xcc: {  	[sflag:s23] =	ssyncset.done $0x0  }
0xcd: {  	[sflag:s23] =	ssyncadd.s32 $0xFFFFD800  }
0xce: {  	_ =	swait.ge [sflag:s23], $0x2800  }
0xcf: {  	[sflag:s23] =	ssyncset.done $0x0  }
0xd0: {  	[sflag:s23] =	ssyncadd.s32 $0xFFFFD800  }
0xd1: {  	_ =	swait.ge [sflag:s23], $0x2800  }
0xd2: {  	[sflag:s23] =	ssyncset.done $0x0  }
0xd3: {  	p0 =	sne.s32 s25, $0x25800;
	[sflag:s23] =	ssyncadd.s32 $0xFFFFD800  }
.Ltmp0:
0xd4: {  	_ =	swait.ge [sflag:s23], $0x2800;
	(pc) =	sbr.rel @p0 .LBB2_2-.Ltmp0, $4  }
0xd5: {  	[sflag:s23] =	ssyncset.done $0x0  }
0xd6: {  	[sflag:s23] =	ssyncadd.s32 $0xFFFFD800  }
0xd7: {  	_ =	swait.ge [sflag:s23], $0x2800  }
0xd8: {  	s25 =	sadd.s32 $0x1900, s25;
	[sflag:s23] =	ssyncset.done $0x0  }
0xd9: {  	s24 =	sadd.s32 $0x1, s24  }
0xda: {  	p0 =	sne.s32 s24, s5  }
.Ltmp1:
0xdb: {  	_ = 	snop;
	(pc) =	sbr.rel @p0 .LBB2_1-.Ltmp1, $2  }
0xdc: {  	_ =	sdelay $0x2  }
0xdd: {  	[sflag:s23] =	ssyncadd.s32 $0xFFFFD800  }
0xde: {  	_ =	sfence.sel $0x180000  }
0xdf: {  	[bflag:$0x0] =	sbarrier.arrive $0xFFFF  }
0xe0: {  	p0 =	sne.s32 s0, $0x0;
	_ =	strace $0x90000047  }
0xe1: {  	s0 =	sadd.s32 @!p0 $0x100000, s1;
	[bflag:$0x2] =	sbarrier.arrive $0xFFFF  }
0xe2: {  	[sflag:s0] =	ssyncadd.tile.s32 @!p0 $0x1;
	_ =	shalt  }
.Lfunc_end2:
_tile_overlayer_lowered:
.L_overlay_start_2:
0xe3: {  	(tag) =	ssettag $0x2  }
0xe4: {  	s0 =	rddreg [dreg:$0x0];
	s2 =	stileid.u32  }
0xe5: {  	s1 =	rddreg [dreg:$0x1];
	p0 =	sne.s32 s2, $0x0  }
0xe6: {  	s3 =	rddreg [dreg:$0x2];
	[bflag:$0x3] =	sbarrier.arrive $0xFFFF;
	s2 =	simm.s32 @!p0 $0x1C05  }
0xe7: {  	[timem:s3], [sflag:s2] =	dma.local @!p0 [hbm:s0], s1  }
0xe8: {  	s0 =	simm.s32 @!p0 $0x5  }
0xe9: {  	_ =	swait.ge @!p0 [sflag:s0], s1  }
0xea: {  	s1 =	ssub.s32 @!p0 $0x0, s1;
	[sflag:s0] =	ssyncset.done @!p0 $0x0  }
0xeb: {  	[sflag:s0] =	ssyncadd.s32 @!p0 s1  }
0xec: {  	[bflag:$0x3] =	sbarrier.arrive $0xFFFF  }
0xed: {  	_ =	shalt  }

</sc_bundles>
